<compile_context>
chip_gen: v7x
topology: tpu7x:2x2x1
jax: 0.10.2.dev20260603
libtpu: 0.0.44.dev20260713+nightly
codegen_flags: <defaults>
</compile_context>

<pallas_src>
import functools

import jax
import jax.numpy as jnp
from jax import lax
from jax.experimental import pallas as pl
from jax.experimental.pallas import tpu as pltpu
from jax.experimental.pallas import tpu_sc as plsc

N_NODES = 10000
D_FEAT = 256
DH = 128
N_EDGES = 160000
NSUB = 16
B = 80
EPW = N_EDGES // NSUB
CHUNKS = EPW // B
RPW = 624
TAIL = N_NODES - RPW * NSUB
TAIL0 = RPW * NSUB
LANES = 16


HB = B // 2


def _gine_sc(feat, src, dst, efeat, out,
             sidx, didxa, didxb, gatha, gathb, ebuf, acc,
             sem_ga0, sem_ga1, sem_gb0, sem_gb1, sem_e0, sem_e1,
             sem_da0, sem_da1, sem_db0, sem_db1,
             sem_sa0, sem_sa1, sem_sb0, sem_sb1, sem_i0, sem_i1):
    cid = lax.axis_index("c")
    sid = lax.axis_index("s")
    e0 = sid * EPW
    coff = pl.multiple_of(cid * DH, DH)

    sem_ga = (sem_ga0, sem_ga1)
    sem_gb = (sem_gb0, sem_gb1)
    sem_e = (sem_e0, sem_e1)
    sem_da = (sem_da0, sem_da1)
    sem_db = (sem_db0, sem_db1)
    sem_sa = (sem_sa0, sem_sa1)
    sem_sb = (sem_sb0, sem_sb1)
    sem_i = (sem_i0, sem_i1)

    def start(g, b, first=False):
        base = pl.multiple_of(e0 + g * B, B)
        if first:
            pltpu.sync_copy(src.at[pl.ds(base, B)], sidx[b])
        else:
            pltpu.make_async_copy(src.at[pl.ds(0, B)], sidx[b],
                                  sem_i[b]).wait()
        pltpu.async_copy(efeat.at[pl.ds(base, B), pl.ds(coff, DH)],
                         ebuf[b], sem_e[b])
        if not first:
            pltpu.make_async_copy(gatha[b], acc.at[didxa[b]],
                                  sem_sa[b]).wait()
            pltpu.make_async_copy(gathb[b], acc.at[didxb[b]],
                                  sem_sb[b]).wait()
        pltpu.async_copy(dst.at[pl.ds(base, HB)], didxa[b], sem_da[b])
        pltpu.async_copy(dst.at[pl.ds(base + HB, HB)], didxb[b], sem_db[b])
        pltpu.async_copy(feat.at[sidx[b].at[pl.ds(0, HB)], pl.ds(coff, DH)],
                         gatha[b], sem_ga[b])
        pltpu.async_copy(feat.at[sidx[b].at[pl.ds(HB, HB)], pl.ds(coff, DH)],
                         gathb[b], sem_gb[b])

    def finish(g, b, load_next=True):
        pltpu.make_async_copy(feat.at[didxa[b], pl.ds(coff, DH)], gatha[b],
                              sem_ga[b]).wait()
        pltpu.make_async_copy(feat.at[didxa[b], pl.ds(coff, DH)], gathb[b],
                              sem_gb[b]).wait()
        if load_next:
            nbase = pl.multiple_of(e0 + (g + 2) * B, B)
            pltpu.async_copy(src.at[pl.ds(nbase, B)], sidx[b], sem_i[b])
        pltpu.make_async_copy(efeat.at[pl.ds(0, B), pl.ds(coff, DH)],
                              ebuf[b], sem_e[b]).wait()

        def crow_a(r, c2):
            for j in range(DH // LANES):
                s_ = pl.ds(j * LANES, LANES)
                gatha[b][r, s_] = jnp.maximum(
                    gatha[b][r, s_] + ebuf[b][r, s_], 0.0)
            return c2

        def crow_b(r, c2):
            for j in range(DH // LANES):
                s_ = pl.ds(j * LANES, LANES)
                gathb[b][r, s_] = jnp.maximum(
                    gathb[b][r, s_] + ebuf[b][r + HB, s_], 0.0)
            return c2

        lax.fori_loop(0, HB, crow_a, 0, unroll=False)
        pltpu.make_async_copy(dst.at[pl.ds(0, HB)], didxa[b],
                              sem_da[b]).wait()
        pltpu.async_copy(gatha[b], acc.at[didxa[b]], sem_sa[b], add=True)
        lax.fori_loop(0, HB, crow_b, 0, unroll=False)
        pltpu.make_async_copy(dst.at[pl.ds(0, HB)], didxb[b],
                              sem_db[b]).wait()
        pltpu.async_copy(gathb[b], acc.at[didxb[b]], sem_sb[b], add=True)

    start(0, 0, first=True)
    start(1, 1, first=True)

    r0 = sid * RPW
    pltpu.sync_copy(feat.at[pl.ds(r0, RPW), pl.ds(coff, DH)],
                    acc.at[pl.ds(r0, RPW)])

    @pl.when(sid == NSUB - 1)
    def _():
        pltpu.sync_copy(feat.at[pl.ds(TAIL0, TAIL), pl.ds(coff, DH)],
                        acc.at[pl.ds(TAIL0, TAIL)])

    plsc.subcore_barrier()

    def pair(k, carry):
        g = k * 2
        finish(g, 0)
        start(g + 2, 0)
        finish(g + 1, 1)
        start(g + 3, 1)
        return carry

    lax.fori_loop(0, (CHUNKS - 3) // 2, pair, 0, unroll=False)
    finish(CHUNKS - 3, 0)
    start(CHUNKS - 1, 0)
    finish(CHUNKS - 2, 1, load_next=False)
    finish(CHUNKS - 1, 0, load_next=False)

    for b in (0, 1):
        pltpu.make_async_copy(gatha[b], acc.at[didxa[b]], sem_sa[b]).wait()
        pltpu.make_async_copy(gathb[b], acc.at[didxb[b]], sem_sb[b]).wait()

    plsc.subcore_barrier()

    pltpu.sync_copy(acc.at[pl.ds(r0, RPW)],
                    out.at[pl.ds(r0, RPW), pl.ds(coff, DH)])

    @pl.when(sid == NSUB - 1)
    def _():
        pltpu.sync_copy(acc.at[pl.ds(TAIL0, TAIL)],
                        out.at[pl.ds(TAIL0, TAIL), pl.ds(coff, DH)])


_mesh = plsc.VectorSubcoreMesh(core_axis_name="c", subcore_axis_name="s")

_gine_call = functools.partial(
    pl.kernel,
    out_type=jax.ShapeDtypeStruct((N_NODES, D_FEAT), jnp.float32),
    mesh=_mesh,
    scratch_types=[
        [pltpu.VMEM((B,), jnp.int32)] * 2,
        [pltpu.VMEM((HB,), jnp.int32)] * 2,
        [pltpu.VMEM((HB,), jnp.int32)] * 2,
        [pltpu.VMEM((HB, DH), jnp.float32)] * 2,
        [pltpu.VMEM((HB, DH), jnp.float32)] * 2,
        [pltpu.VMEM((B, DH), jnp.float32)] * 2,
        pltpu.VMEM_SHARED((N_NODES, DH), jnp.float32),
    ] + [pltpu.SemaphoreType.DMA] * 16,
)(_gine_sc)


@jax.jit
def kernel(feat, edge_index, efeat):
    src = edge_index[0].astype(jnp.int32)
    dst = edge_index[1].astype(jnp.int32)
    return _gine_call(feat, src, dst, efeat)

# --- scband reference (transcript-rebuilt; emitter-appended) ---
"""Pipeline reference for scband-gineconv-8650064134615 (READ-ONLY COPY).

The authoritative reference and input builder live on the scoring server;
editing this copy changes nothing except your own understanding.
"""

import jax, jax.numpy as jnp
import numpy as np

N_NODES = 10000
N_EDGES = 160000
D_FEAT = 256
INIT_EPS = 0.0


def setup_inputs(seed: int = 0) -> dict:
    key = jax.random.key(seed)
    k1, k2, k3 = jax.random.split(key, 3)
    feat = jax.random.normal(k1, (N_NODES, D_FEAT), dtype=jnp.float32)
    edge_index = jax.random.randint(k2, (2, N_EDGES), 0, N_NODES, dtype=jnp.int64)
    efeat = jax.random.normal(k3, (N_EDGES, D_FEAT), dtype=jnp.float32)
    return {"feat": feat, "edge_index": edge_index, "efeat": efeat}


def reference(feat, edge_index, efeat):
    # GINEConv with aggregator_type='sum', apply_func=None, eps=0 (buffer, not learned)
    src = edge_index[0]
    dst = edge_index[1]
    # message: m = relu(h_src + e_uv)  (edge-wise)
    m = jax.nn.relu(jnp.take(feat, src, axis=0) + efeat)
    # reduce: sum messages into destination nodes
    neigh = jax.ops.segment_sum(m, dst, num_segments=feat.shape[0])
    # rst = (1 + eps) * h_dst + neigh
    rst = (1.0 + INIT_EPS) * feat + neigh
    return rst

if __name__ == "__main__":
    import jax
    _d = setup_inputs()
    print(jax.jit(kernel)(*tuple(_d.values())))

</pallas_src>

<mosaic_0001>
#map = affine_map<(d0, d1) -> (0, 0)>
#map1 = affine_map<(d0, d1) -> (0)>
module attributes {stable_mosaic.version = 14 : i64} {
  func.func @_gine_sc(%arg0: i32, %arg1: i32, %arg2: memref<10000x256xf32, #tpu.memory_space<hbm>>, %arg3: memref<160000xi32, #tpu.memory_space<hbm>>, %arg4: memref<160000xi32, #tpu.memory_space<hbm>>, %arg5: memref<160000x256xf32, #tpu.memory_space<hbm>>, %arg6: memref<10000x256xf32, #tpu.memory_space<hbm>>, %arg7: memref<80xi32, #tpu.memory_space<vmem>>, %arg8: memref<80xi32, #tpu.memory_space<vmem>>, %arg9: memref<40xi32, #tpu.memory_space<vmem>>, %arg10: memref<40xi32, #tpu.memory_space<vmem>>, %arg11: memref<40xi32, #tpu.memory_space<vmem>>, %arg12: memref<40xi32, #tpu.memory_space<vmem>>, %arg13: memref<40x128xf32, #tpu.memory_space<vmem>>, %arg14: memref<40x128xf32, #tpu.memory_space<vmem>>, %arg15: memref<40x128xf32, #tpu.memory_space<vmem>>, %arg16: memref<40x128xf32, #tpu.memory_space<vmem>>, %arg17: memref<80x128xf32, #tpu.memory_space<vmem>>, %arg18: memref<80x128xf32, #tpu.memory_space<vmem>>, %arg19: memref<10000x128xf32, #tpu.memory_space<vmem_shared>>, %arg20: memref<!tpu.dma_semaphore, #tpu.memory_space<semaphore_mem>>, %arg21: memref<!tpu.dma_semaphore, #tpu.memory_space<semaphore_mem>>, %arg22: memref<!tpu.dma_semaphore, #tpu.memory_space<semaphore_mem>>, %arg23: memref<!tpu.dma_semaphore, #tpu.memory_space<semaphore_mem>>, %arg24: memref<!tpu.dma_semaphore, #tpu.memory_space<semaphore_mem>>, %arg25: memref<!tpu.dma_semaphore, #tpu.memory_space<semaphore_mem>>, %arg26: memref<!tpu.dma_semaphore, #tpu.memory_space<semaphore_mem>>, %arg27: memref<!tpu.dma_semaphore, #tpu.memory_space<semaphore_mem>>, %arg28: memref<!tpu.dma_semaphore, #tpu.memory_space<semaphore_mem>>, %arg29: memref<!tpu.dma_semaphore, #tpu.memory_space<semaphore_mem>>, %arg30: memref<!tpu.dma_semaphore, #tpu.memory_space<semaphore_mem>>, %arg31: memref<!tpu.dma_semaphore, #tpu.memory_space<semaphore_mem>>, %arg32: memref<!tpu.dma_semaphore, #tpu.memory_space<semaphore_mem>>, %arg33: memref<!tpu.dma_semaphore, #tpu.memory_space<semaphore_mem>>, %arg34: memref<!tpu.dma_semaphore, #tpu.memory_space<semaphore_mem>>, %arg35: memref<!tpu.dma_semaphore, #tpu.memory_space<semaphore_mem>>) attributes {dimension_semantics = [#tpu.dimension_semantics<core_parallel>, #tpu.dimension_semantics<subcore_parallel>], iteration_bounds = array<i64: 2, 16>, scalar_prefetch = 0 : i64, scratch_operands = 29 : i64, tpu.core_type = #tpu.core_type<sc_vector_subcore>, window_params = [{transform_indices = #map}, {transform_indices = #map1}, {transform_indices = #map1}, {transform_indices = #map}, {transform_indices = #map}]} {
    %mul3A = arith.constant 10000 : i32
    %mul3A_0 = arith.muli %arg1, %mul3A : i32
    %mul3A_1 = arith.constant 128 : i32
    %mul3A_2 = arith.muli %arg0, %mul3A_1 : i32
    %multiple_of3A = tpu.assume_multiple %mul3A_2, 128 : i32
    %add3A = arith.constant 0 : i32
    %add3A_3 = arith.addi %mul3A_0, %add3A : i32
    %multiple_of3A_4 = tpu.assume_multiple %add3A_3, 80 : i32
    "tpu.region"() ({
      %run_scoped3A = tpu.sem_alloc : memref<!tpu.dma_semaphore, #tpu.memory_space<semaphore_mem>>
      %dma_start3A_201 = tpu.memref_slice %arg3[%multiple_of3A_4] : memref<160000xi32, #tpu.memory_space<hbm>> -> memref<80xi32, #tpu.memory_space<hbm>>
      %dma_start3A_202 = tpu.memref_slice %arg3[%multiple_of3A_4] : memref<160000xi32, #tpu.memory_space<hbm>> -> memref<80xi32, #tpu.memory_space<hbm>>
      tpu.enqueue_dma source(%dma_start3A_202 : memref<80xi32, #tpu.memory_space<hbm>>) target(%arg7 : memref<80xi32, #tpu.memory_space<vmem>>) target_semaphore(%run_scoped3A : memref<!tpu.dma_semaphore, #tpu.memory_space<semaphore_mem>>)
      %dma_wait3A_203 = tpu.memref_slice %arg3[%multiple_of3A_4] : memref<160000xi32, #tpu.memory_space<hbm>> -> memref<80xi32, #tpu.memory_space<hbm>>
      %dma_wait3A_204 = tpu.memref_slice %arg3[%multiple_of3A_4] : memref<160000xi32, #tpu.memory_space<hbm>> -> memref<80xi32, #tpu.memory_space<hbm>>
      tpu.wait_dma2 semaphore(%run_scoped3A : memref<!tpu.dma_semaphore, #tpu.memory_space<semaphore_mem>>) src(%dma_wait3A_204 : memref<80xi32, #tpu.memory_space<hbm>>) dst(%arg7 : memref<80xi32, #tpu.memory_space<vmem>>)
      tpu.yield
    }) : () -> ()
    %dma_start3A = tpu.memref_slice %arg5[%multiple_of3A_4, %multiple_of3A] : memref<160000x256xf32, #tpu.memory_space<hbm>> -> memref<80x128xf32, #tpu.memory_space<hbm>>
    %dma_start3A_5 = tpu.memref_slice %arg5[%multiple_of3A_4, %multiple_of3A] : memref<160000x256xf32, #tpu.memory_space<hbm>> -> memref<80x128xf32, #tpu.memory_space<hbm>>
    tpu.enqueue_dma source(%dma_start3A_5 : memref<80x128xf32, #tpu.memory_space<hbm>>) target(%arg17 : memref<80x128xf32, #tpu.memory_space<vmem>>) target_semaphore(%arg24 : memref<!tpu.dma_semaphore, #tpu.memory_space<semaphore_mem>>)
    %dma_start3A_6 = tpu.memref_slice %arg4[%multiple_of3A_4] : memref<160000xi32, #tpu.memory_space<hbm>> -> memref<40xi32, #tpu.memory_space<hbm>>
    %dma_start3A_7 = tpu.memref_slice %arg4[%multiple_of3A_4] : memref<160000xi32, #tpu.memory_space<hbm>> -> memref<40xi32, #tpu.memory_space<hbm>>
    tpu.enqueue_dma source(%dma_start3A_7 : memref<40xi32, #tpu.memory_space<hbm>>) target(%arg9 : memref<40xi32, #tpu.memory_space<vmem>>) target_semaphore(%arg26 : memref<!tpu.dma_semaphore, #tpu.memory_space<semaphore_mem>>)
    %add3A_8 = arith.constant 40 : i32
    %add3A_9 = arith.addi %multiple_of3A_4, %add3A_8 : i32
    %dma_start3A_10 = tpu.memref_slice %arg4[%add3A_9] : memref<160000xi32, #tpu.memory_space<hbm>> -> memref<40xi32, #tpu.memory_space<hbm>>
    %dma_start3A_11 = tpu.memref_slice %arg4[%add3A_9] : memref<160000xi32, #tpu.memory_space<hbm>> -> memref<40xi32, #tpu.memory_space<hbm>>
    tpu.enqueue_dma source(%dma_start3A_11 : memref<40xi32, #tpu.memory_space<hbm>>) target(%arg11 : memref<40xi32, #tpu.memory_space<vmem>>) target_semaphore(%arg28 : memref<!tpu.dma_semaphore, #tpu.memory_space<semaphore_mem>>)
    %dma_start3A_12 = arith.constant 0 : i32
    %dma_start3A_13 = tpu.memref_slice %arg7[%dma_start3A_12] : memref<80xi32, #tpu.memory_space<vmem>> -> memref<40xi32, #tpu.memory_space<vmem>>
    %dma_start3A_14 = arith.constant 0 : i32
    %dma_start3A_15 = tpu.memref_slice %arg2[%dma_start3A_14, %multiple_of3A] : memref<10000x256xf32, #tpu.memory_space<hbm>> -> memref<10000x128xf32, #tpu.memory_space<hbm>>
    tpu.enqueue_indirect_dma source(%dma_start3A_15 : memref<10000x128xf32, #tpu.memory_space<hbm>>) target(%arg13 : memref<40x128xf32, #tpu.memory_space<vmem>>) offsets(%dma_start3A_13 : memref<40xi32, #tpu.memory_space<vmem>>) semaphore(%arg20 : memref<!tpu.dma_semaphore, #tpu.memory_space<semaphore_mem>>)
    %dma_start3A_16 = arith.constant 40 : i32
    %dma_start3A_17 = tpu.memref_slice %arg7[%dma_start3A_16] : memref<80xi32, #tpu.memory_space<vmem>> -> memref<40xi32, #tpu.memory_space<vmem>>
    %dma_start3A_18 = arith.constant 0 : i32
    %dma_start3A_19 = tpu.memref_slice %arg2[%dma_start3A_18, %multiple_of3A] : memref<10000x256xf32, #tpu.memory_space<hbm>> -> memref<10000x128xf32, #tpu.memory_space<hbm>>
    tpu.enqueue_indirect_dma source(%dma_start3A_19 : memref<10000x128xf32, #tpu.memory_space<hbm>>) target(%arg15 : memref<40x128xf32, #tpu.memory_space<vmem>>) offsets(%dma_start3A_17 : memref<40xi32, #tpu.memory_space<vmem>>) semaphore(%arg22 : memref<!tpu.dma_semaphore, #tpu.memory_space<semaphore_mem>>)
    %add3A_20 = arith.constant 80 : i32
    %add3A_21 = arith.addi %mul3A_0, %add3A_20 : i32
    %multiple_of3A_22 = tpu.assume_multiple %add3A_21, 80 : i32
    "tpu.region"() ({
      %run_scoped3A = tpu.sem_alloc : memref<!tpu.dma_semaphore, #tpu.memory_space<semaphore_mem>>
      %dma_start3A_201 = tpu.memref_slice %arg3[%multiple_of3A_22] : memref<160000xi32, #tpu.memory_space<hbm>> -> memref<80xi32, #tpu.memory_space<hbm>>
      %dma_start3A_202 = tpu.memref_slice %arg3[%multiple_of3A_22] : memref<160000xi32, #tpu.memory_space<hbm>> -> memref<80xi32, #tpu.memory_space<hbm>>
      tpu.enqueue_dma source(%dma_start3A_202 : memref<80xi32, #tpu.memory_space<hbm>>) target(%arg8 : memref<80xi32, #tpu.memory_space<vmem>>) target_semaphore(%run_scoped3A : memref<!tpu.dma_semaphore, #tpu.memory_space<semaphore_mem>>)
      %dma_wait3A_203 = tpu.memref_slice %arg3[%multiple_of3A_22] : memref<160000xi32, #tpu.memory_space<hbm>> -> memref<80xi32, #tpu.memory_space<hbm>>
      %dma_wait3A_204 = tpu.memref_slice %arg3[%multiple_of3A_22] : memref<160000xi32, #tpu.memory_space<hbm>> -> memref<80xi32, #tpu.memory_space<hbm>>
      tpu.wait_dma2 semaphore(%run_scoped3A : memref<!tpu.dma_semaphore, #tpu.memory_space<semaphore_mem>>) src(%dma_wait3A_204 : memref<80xi32, #tpu.memory_space<hbm>>) dst(%arg8 : memref<80xi32, #tpu.memory_space<vmem>>)
      tpu.yield
    }) : () -> ()
    %dma_start3A_23 = tpu.memref_slice %arg5[%multiple_of3A_22, %multiple_of3A] : memref<160000x256xf32, #tpu.memory_space<hbm>> -> memref<80x128xf32, #tpu.memory_space<hbm>>
    %dma_start3A_24 = tpu.memref_slice %arg5[%multiple_of3A_22, %multiple_of3A] : memref<160000x256xf32, #tpu.memory_space<hbm>> -> memref<80x128xf32, #tpu.memory_space<hbm>>
    tpu.enqueue_dma source(%dma_start3A_24 : memref<80x128xf32, #tpu.memory_space<hbm>>) target(%arg18 : memref<80x128xf32, #tpu.memory_space<vmem>>) target_semaphore(%arg25 : memref<!tpu.dma_semaphore, #tpu.memory_space<semaphore_mem>>)
    %dma_start3A_25 = tpu.memref_slice %arg4[%multiple_of3A_22] : memref<160000xi32, #tpu.memory_space<hbm>> -> memref<40xi32, #tpu.memory_space<hbm>>
    %dma_start3A_26 = tpu.memref_slice %arg4[%multiple_of3A_22] : memref<160000xi32, #tpu.memory_space<hbm>> -> memref<40xi32, #tpu.memory_space<hbm>>
    tpu.enqueue_dma source(%dma_start3A_26 : memref<40xi32, #tpu.memory_space<hbm>>) target(%arg10 : memref<40xi32, #tpu.memory_space<vmem>>) target_semaphore(%arg27 : memref<!tpu.dma_semaphore, #tpu.memory_space<semaphore_mem>>)
    %add3A_27 = arith.constant 40 : i32
    %add3A_28 = arith.addi %multiple_of3A_22, %add3A_27 : i32
    %dma_start3A_29 = tpu.memref_slice %arg4[%add3A_28] : memref<160000xi32, #tpu.memory_space<hbm>> -> memref<40xi32, #tpu.memory_space<hbm>>
    %dma_start3A_30 = tpu.memref_slice %arg4[%add3A_28] : memref<160000xi32, #tpu.memory_space<hbm>> -> memref<40xi32, #tpu.memory_space<hbm>>
    tpu.enqueue_dma source(%dma_start3A_30 : memref<40xi32, #tpu.memory_space<hbm>>) target(%arg12 : memref<40xi32, #tpu.memory_space<vmem>>) target_semaphore(%arg29 : memref<!tpu.dma_semaphore, #tpu.memory_space<semaphore_mem>>)
    %dma_start3A_31 = arith.constant 0 : i32
    %dma_start3A_32 = tpu.memref_slice %arg8[%dma_start3A_31] : memref<80xi32, #tpu.memory_space<vmem>> -> memref<40xi32, #tpu.memory_space<vmem>>
    %dma_start3A_33 = arith.constant 0 : i32
    %dma_start3A_34 = tpu.memref_slice %arg2[%dma_start3A_33, %multiple_of3A] : memref<10000x256xf32, #tpu.memory_space<hbm>> -> memref<10000x128xf32, #tpu.memory_space<hbm>>
    tpu.enqueue_indirect_dma source(%dma_start3A_34 : memref<10000x128xf32, #tpu.memory_space<hbm>>) target(%arg14 : memref<40x128xf32, #tpu.memory_space<vmem>>) offsets(%dma_start3A_32 : memref<40xi32, #tpu.memory_space<vmem>>) semaphore(%arg21 : memref<!tpu.dma_semaphore, #tpu.memory_space<semaphore_mem>>)
    %dma_start3A_35 = arith.constant 40 : i32
    %dma_start3A_36 = tpu.memref_slice %arg8[%dma_start3A_35] : memref<80xi32, #tpu.memory_space<vmem>> -> memref<40xi32, #tpu.memory_space<vmem>>
    %dma_start3A_37 = arith.constant 0 : i32
    %dma_start3A_38 = tpu.memref_slice %arg2[%dma_start3A_37, %multiple_of3A] : memref<10000x256xf32, #tpu.memory_space<hbm>> -> memref<10000x128xf32, #tpu.memory_space<hbm>>
    tpu.enqueue_indirect_dma source(%dma_start3A_38 : memref<10000x128xf32, #tpu.memory_space<hbm>>) target(%arg16 : memref<40x128xf32, #tpu.memory_space<vmem>>) offsets(%dma_start3A_36 : memref<40xi32, #tpu.memory_space<vmem>>) semaphore(%arg23 : memref<!tpu.dma_semaphore, #tpu.memory_space<semaphore_mem>>)
    %mul3A_39 = arith.constant 624 : i32
    %mul3A_40 = arith.muli %arg1, %mul3A_39 : i32
    "tpu.region"() ({
      %run_scoped3A = tpu.sem_alloc : memref<!tpu.dma_semaphore, #tpu.memory_space<semaphore_mem>>
      %dma_start3A_201 = arith.constant 0 : i32
      %dma_start3A_202 = tpu.memref_slice %arg19[%mul3A_40, %dma_start3A_201] : memref<10000x128xf32, #tpu.memory_space<vmem_shared>> -> memref<624x128xf32, #tpu.memory_space<vmem_shared>>
      %dma_start3A_203 = tpu.memref_slice %arg2[%mul3A_40, %multiple_of3A] : memref<10000x256xf32, #tpu.memory_space<hbm>> -> memref<624x128xf32, #tpu.memory_space<hbm>>
      tpu.enqueue_dma source(%dma_start3A_203 : memref<624x128xf32, #tpu.memory_space<hbm>>) target(%dma_start3A_202 : memref<624x128xf32, #tpu.memory_space<vmem_shared>>) target_semaphore(%run_scoped3A : memref<!tpu.dma_semaphore, #tpu.memory_space<semaphore_mem>>)
      %dma_wait3A_204 = arith.constant 0 : i32
      %dma_wait3A_205 = tpu.memref_slice %arg19[%mul3A_40, %dma_wait3A_204] : memref<10000x128xf32, #tpu.memory_space<vmem_shared>> -> memref<624x128xf32, #tpu.memory_space<vmem_shared>>
      %dma_wait3A_206 = tpu.memref_slice %arg2[%mul3A_40, %multiple_of3A] : memref<10000x256xf32, #tpu.memory_space<hbm>> -> memref<624x128xf32, #tpu.memory_space<hbm>>
      tpu.wait_dma2 semaphore(%run_scoped3A : memref<!tpu.dma_semaphore, #tpu.memory_space<semaphore_mem>>) src(%dma_wait3A_206 : memref<624x128xf32, #tpu.memory_space<hbm>>) dst(%dma_wait3A_205 : memref<624x128xf32, #tpu.memory_space<vmem_shared>>)
      tpu.yield
    }) : () -> ()
    %eq3A = arith.constant 15 : i32
    %eq3A_41 = arith.cmpi eq, %arg1, %eq3A : i32
    %convert_element_type3A = arith.extui %eq3A_41 : i1 to i32
    %cond3A = arith.constant 0 : i32
    %cond3A_42 = arith.cmpi ne, %convert_element_type3A, %cond3A : i32
    scf.if %cond3A_42 {
      "tpu.region"() ({
        %run_scoped3A = tpu.sem_alloc : memref<!tpu.dma_semaphore, #tpu.memory_space<semaphore_mem>>
        %dma_start3A_201 = arith.constant 9984 : i32
        %dma_start3A_202 = arith.constant 0 : i32
        %dma_start3A_203 = tpu.memref_slice %arg19[%dma_start3A_201, %dma_start3A_202] : memref<10000x128xf32, #tpu.memory_space<vmem_shared>> -> memref<16x128xf32, #tpu.memory_space<vmem_shared>>
        %dma_start3A_204 = arith.constant 9984 : i32
        %dma_start3A_205 = tpu.memref_slice %arg2[%dma_start3A_204, %multiple_of3A] : memref<10000x256xf32, #tpu.memory_space<hbm>> -> memref<16x128xf32, #tpu.memory_space<hbm>>
        tpu.enqueue_dma source(%dma_start3A_205 : memref<16x128xf32, #tpu.memory_space<hbm>>) target(%dma_start3A_203 : memref<16x128xf32, #tpu.memory_space<vmem_shared>>) target_semaphore(%run_scoped3A : memref<!tpu.dma_semaphore, #tpu.memory_space<semaphore_mem>>)
        %dma_wait3A_206 = arith.constant 9984 : i32
        %dma_wait3A_207 = arith.constant 0 : i32
        %dma_wait3A_208 = tpu.memref_slice %arg19[%dma_wait3A_206, %dma_wait3A_207] : memref<10000x128xf32, #tpu.memory_space<vmem_shared>> -> memref<16x128xf32, #tpu.memory_space<vmem_shared>>
        %dma_wait3A_209 = arith.constant 9984 : i32
        %dma_wait3A_210 = tpu.memref_slice %arg2[%dma_wait3A_209, %multiple_of3A] : memref<10000x256xf32, #tpu.memory_space<hbm>> -> memref<16x128xf32, #tpu.memory_space<hbm>>
        tpu.wait_dma2 semaphore(%run_scoped3A : memref<!tpu.dma_semaphore, #tpu.memory_space<semaphore_mem>>) src(%dma_wait3A_210 : memref<16x128xf32, #tpu.memory_space<hbm>>) dst(%dma_wait3A_208 : memref<16x128xf32, #tpu.memory_space<vmem_shared>>)
        tpu.yield
      }) : () -> ()
    } else {
    }
    %barrier3A = arith.constant 0 : index
    tpu.barrier barrier_id(%barrier3A)
    %scan3A = arith.constant 0 : i32
    %scan3A_43 = arith.constant 0 : i32
    %scan3A_44 = arith.constant 61 : i32
    %scan3A_45 = arith.addi %scan3A_43, %scan3A_44 : i32
    %scan3A_46 = arith.constant 1 : i32
    scf.for %scan3A_201 = %scan3A_43 to %scan3A_45 step %scan3A_46  : i32 {
      %mul3A_202 = arith.constant 2 : i32
      %mul3A_203 = arith.muli %scan3A_201, %mul3A_202 : i32
      %dma_wait3A_204 = arith.constant 0 : i32
      %dma_wait3A_205 = tpu.memref_slice %arg2[%dma_wait3A_204, %multiple_of3A] : memref<10000x256xf32, #tpu.memory_space<hbm>> -> memref<10000x128xf32, #tpu.memory_space<hbm>>
      tpu.wait_indirect_dma semaphore(%arg20 : memref<!tpu.dma_semaphore, #tpu.memory_space<semaphore_mem>>) src(%dma_wait3A_205 : memref<10000x128xf32, #tpu.memory_space<hbm>>) dst(%arg13 : memref<40x128xf32, #tpu.memory_space<vmem>>)
      %dma_wait3A_206 = arith.constant 0 : i32
      %dma_wait3A_207 = tpu.memref_slice %arg2[%dma_wait3A_206, %multiple_of3A] : memref<10000x256xf32, #tpu.memory_space<hbm>> -> memref<10000x128xf32, #tpu.memory_space<hbm>>
      tpu.wait_indirect_dma semaphore(%arg22 : memref<!tpu.dma_semaphore, #tpu.memory_space<semaphore_mem>>) src(%dma_wait3A_207 : memref<10000x128xf32, #tpu.memory_space<hbm>>) dst(%arg15 : memref<40x128xf32, #tpu.memory_space<vmem>>)
      %add3A_208 = arith.constant 2 : i32
      %add3A_209 = arith.addi %mul3A_203, %add3A_208 : i32
      %mul3A_210 = arith.constant 80 : i32
      %mul3A_211 = arith.muli %add3A_209, %mul3A_210 : i32
      %add3A_212 = arith.addi %mul3A_0, %mul3A_211 : i32
      %multiple_of3A_213 = tpu.assume_multiple %add3A_212, 80 : i32
      %dma_start3A_214 = tpu.memref_slice %arg3[%multiple_of3A_213] : memref<160000xi32, #tpu.memory_space<hbm>> -> memref<80xi32, #tpu.memory_space<hbm>>
      %dma_start3A_215 = tpu.memref_slice %arg3[%multiple_of3A_213] : memref<160000xi32, #tpu.memory_space<hbm>> -> memref<80xi32, #tpu.memory_space<hbm>>
      tpu.enqueue_dma source(%dma_start3A_215 : memref<80xi32, #tpu.memory_space<hbm>>) target(%arg7 : memref<80xi32, #tpu.memory_space<vmem>>) target_semaphore(%arg34 : memref<!tpu.dma_semaphore, #tpu.memory_space<semaphore_mem>>)
      %dma_wait3A_216 = arith.constant 0 : i32
      %dma_wait3A_217 = tpu.memref_slice %arg5[%dma_wait3A_216, %multiple_of3A] : memref<160000x256xf32, #tpu.memory_space<hbm>> -> memref<80x128xf32, #tpu.memory_space<hbm>>
      %dma_wait3A_218 = arith.constant 0 : i32
      %dma_wait3A_219 = tpu.memref_slice %arg5[%dma_wait3A_218, %multiple_of3A] : memref<160000x256xf32, #tpu.memory_space<hbm>> -> memref<80x128xf32, #tpu.memory_space<hbm>>
      tpu.wait_dma2 semaphore(%arg24 : memref<!tpu.dma_semaphore, #tpu.memory_space<semaphore_mem>>) src(%dma_wait3A_219 : memref<80x128xf32, #tpu.memory_space<hbm>>) dst(%arg17 : memref<80x128xf32, #tpu.memory_space<vmem>>)
      %scan3A_220 = arith.constant 0 : i32
      %scan3A_221 = arith.constant 0 : i32
      %scan3A_222 = arith.constant 40 : i32
      %scan3A_223 = arith.addi %scan3A_221, %scan3A_222 : i32
      %scan3A_224 = arith.constant 1 : i32
      scf.for %scan3A_354 = %scan3A_221 to %scan3A_223 step %scan3A_224  : i32 {
        %get3A = arith.index_cast %scan3A_354 : i32 to index
        %get3A_355 = arith.constant 0 : index
        %get3A_356 = tpu.vector_load %arg13[%get3A, %get3A_355] {strides = array<i32>} : memref<40x128xf32, #tpu.memory_space<vmem>>, vector<1x16xf32>,
        %get3A_357 = vector.shape_cast %get3A_356 : vector<1x16xf32> to vector<16xf32>
        %get3A_358 = arith.index_cast %scan3A_354 : i32 to index
        %get3A_359 = arith.constant 0 : index
        %get3A_360 = tpu.vector_load %arg17[%get3A_358, %get3A_359] {strides = array<i32>} : memref<80x128xf32, #tpu.memory_space<vmem>>, vector<1x16xf32>,
        %get3A_361 = vector.shape_cast %get3A_360 : vector<1x16xf32> to vector<16xf32>
        %add3A_362 = arith.addf %get3A_357, %get3A_361 : vector<16xf32>
        %max3A = arith.constant 0.000000e+00 : f32
        %max3A_363 = vector.broadcast %max3A : f32 to vector<16xf32>
        %max3A_364 = arith.maximumf %add3A_362, %max3A_363 : vector<16xf32>
        %swap3A = arith.index_cast %scan3A_354 : i32 to index
        %swap3A_365 = arith.constant 0 : index
        %swap3A_366 = tpu.vector_load %arg13[%swap3A, %swap3A_365] {strides = array<i32>} : memref<40x128xf32, #tpu.memory_space<vmem>>, vector<1x16xf32>,
        %swap3A_367 = vector.shape_cast %swap3A_366 : vector<1x16xf32> to vector<16xf32>
        %swap3A_368 = vector.shape_cast %max3A_364 : vector<16xf32> to vector<1x16xf32>
        tpu.vector_store %arg13[%swap3A, %swap3A_365], %swap3A_368 {strides = array<i32>} : memref<40x128xf32, #tpu.memory_space<vmem>>, vector<1x16xf32>,
        %get3A_369 = arith.index_cast %scan3A_354 : i32 to index
        %get3A_370 = arith.constant 16 : index
        %get3A_371 = tpu.vector_load %arg13[%get3A_369, %get3A_370] {strides = array<i32>} : memref<40x128xf32, #tpu.memory_space<vmem>>, vector<1x16xf32>,
        %get3A_372 = vector.shape_cast %get3A_371 : vector<1x16xf32> to vector<16xf32>
        %get3A_373 = arith.index_cast %scan3A_354 : i32 to index
        %get3A_374 = arith.constant 16 : index
        %get3A_375 = tpu.vector_load %arg17[%get3A_373, %get3A_374] {strides = array<i32>} : memref<80x128xf32, #tpu.memory_space<vmem>>, vector<1x16xf32>,
        %get3A_376 = vector.shape_cast %get3A_375 : vector<1x16xf32> to vector<16xf32>
        %add3A_377 = arith.addf %get3A_372, %get3A_376 : vector<16xf32>
        %max3A_378 = arith.constant 0.000000e+00 : f32
        %max3A_379 = vector.broadcast %max3A_378 : f32 to vector<16xf32>
        %max3A_380 = arith.maximumf %add3A_377, %max3A_379 : vector<16xf32>
        %swap3A_381 = arith.index_cast %scan3A_354 : i32 to index
        %swap3A_382 = arith.constant 16 : index
        %swap3A_383 = tpu.vector_load %arg13[%swap3A_381, %swap3A_382] {strides = array<i32>} : memref<40x128xf32, #tpu.memory_space<vmem>>, vector<1x16xf32>,
        %swap3A_384 = vector.shape_cast %swap3A_383 : vector<1x16xf32> to vector<16xf32>
        %swap3A_385 = vector.shape_cast %max3A_380 : vector<16xf32> to vector<1x16xf32>
        tpu.vector_store %arg13[%swap3A_381, %swap3A_382], %swap3A_385 {strides = array<i32>} : memref<40x128xf32, #tpu.memory_space<vmem>>, vector<1x16xf32>,
        %get3A_386 = arith.index_cast %scan3A_354 : i32 to index
        %get3A_387 = arith.constant 32 : index
        %get3A_388 = tpu.vector_load %arg13[%get3A_386, %get3A_387] {strides = array<i32>} : memref<40x128xf32, #tpu.memory_space<vmem>>, vector<1x16xf32>,
        %get3A_389 = vector.shape_cast %get3A_388 : vector<1x16xf32> to vector<16xf32>
        %get3A_390 = arith.index_cast %scan3A_354 : i32 to index
        %get3A_391 = arith.constant 32 : index
        %get3A_392 = tpu.vector_load %arg17[%get3A_390, %get3A_391] {strides = array<i32>} : memref<80x128xf32, #tpu.memory_space<vmem>>, vector<1x16xf32>,
        %get3A_393 = vector.shape_cast %get3A_392 : vector<1x16xf32> to vector<16xf32>
        %add3A_394 = arith.addf %get3A_389, %get3A_393 : vector<16xf32>
        %max3A_395 = arith.constant 0.000000e+00 : f32
        %max3A_396 = vector.broadcast %max3A_395 : f32 to vector<16xf32>
        %max3A_397 = arith.maximumf %add3A_394, %max3A_396 : vector<16xf32>
        %swap3A_398 = arith.index_cast %scan3A_354 : i32 to index
        %swap3A_399 = arith.constant 32 : index
        %swap3A_400 = tpu.vector_load %arg13[%swap3A_398, %swap3A_399] {strides = array<i32>} : memref<40x128xf32, #tpu.memory_space<vmem>>, vector<1x16xf32>,
        %swap3A_401 = vector.shape_cast %swap3A_400 : vector<1x16xf32> to vector<16xf32>
        %swap3A_402 = vector.shape_cast %max3A_397 : vector<16xf32> to vector<1x16xf32>
        tpu.vector_store %arg13[%swap3A_398, %swap3A_399], %swap3A_402 {strides = array<i32>} : memref<40x128xf32, #tpu.memory_space<vmem>>, vector<1x16xf32>,
        %get3A_403 = arith.index_cast %scan3A_354 : i32 to index
        %get3A_404 = arith.constant 48 : index
        %get3A_405 = tpu.vector_load %arg13[%get3A_403, %get3A_404] {strides = array<i32>} : memref<40x128xf32, #tpu.memory_space<vmem>>, vector<1x16xf32>,
        %get3A_406 = vector.shape_cast %get3A_405 : vector<1x16xf32> to vector<16xf32>
        %get3A_407 = arith.index_cast %scan3A_354 : i32 to index
        %get3A_408 = arith.constant 48 : index
        %get3A_409 = tpu.vector_load %arg17[%get3A_407, %get3A_408] {strides = array<i32>} : memref<80x128xf32, #tpu.memory_space<vmem>>, vector<1x16xf32>,
        %get3A_410 = vector.shape_cast %get3A_409 : vector<1x16xf32> to vector<16xf32>
        %add3A_411 = arith.addf %get3A_406, %get3A_410 : vector<16xf32>
        %max3A_412 = arith.constant 0.000000e+00 : f32
        %max3A_413 = vector.broadcast %max3A_412 : f32 to vector<16xf32>
        %max3A_414 = arith.maximumf %add3A_411, %max3A_413 : vector<16xf32>
        %swap3A_415 = arith.index_cast %scan3A_354 : i32 to index
        %swap3A_416 = arith.constant 48 : index
        %swap3A_417 = tpu.vector_load %arg13[%swap3A_415, %swap3A_416] {strides = array<i32>} : memref<40x128xf32, #tpu.memory_space<vmem>>, vector<1x16xf32>,
        %swap3A_418 = vector.shape_cast %swap3A_417 : vector<1x16xf32> to vector<16xf32>
        %swap3A_419 = vector.shape_cast %max3A_414 : vector<16xf32> to vector<1x16xf32>
        tpu.vector_store %arg13[%swap3A_415, %swap3A_416], %swap3A_419 {strides = array<i32>} : memref<40x128xf32, #tpu.memory_space<vmem>>, vector<1x16xf32>,
        %get3A_420 = arith.index_cast %scan3A_354 : i32 to index
        %get3A_421 = arith.constant 64 : index
        %get3A_422 = tpu.vector_load %arg13[%get3A_420, %get3A_421] {strides = array<i32>} : memref<40x128xf32, #tpu.memory_space<vmem>>, vector<1x16xf32>,
        %get3A_423 = vector.shape_cast %get3A_422 : vector<1x16xf32> to vector<16xf32>
        %get3A_424 = arith.index_cast %scan3A_354 : i32 to index
        %get3A_425 = arith.constant 64 : index
        %get3A_426 = tpu.vector_load %arg17[%get3A_424, %get3A_425] {strides = array<i32>} : memref<80x128xf32, #tpu.memory_space<vmem>>, vector<1x16xf32>,
        %get3A_427 = vector.shape_cast %get3A_426 : vector<1x16xf32> to vector<16xf32>
        %add3A_428 = arith.addf %get3A_423, %get3A_427 : vector<16xf32>
        %max3A_429 = arith.constant 0.000000e+00 : f32
        %max3A_430 = vector.broadcast %max3A_429 : f32 to vector<16xf32>
        %max3A_431 = arith.maximumf %add3A_428, %max3A_430 : vector<16xf32>
        %swap3A_432 = arith.index_cast %scan3A_354 : i32 to index
        %swap3A_433 = arith.constant 64 : index
        %swap3A_434 = tpu.vector_load %arg13[%swap3A_432, %swap3A_433] {strides = array<i32>} : memref<40x128xf32, #tpu.memory_space<vmem>>, vector<1x16xf32>,
        %swap3A_435 = vector.shape_cast %swap3A_434 : vector<1x16xf32> to vector<16xf32>
        %swap3A_436 = vector.shape_cast %max3A_431 : vector<16xf32> to vector<1x16xf32>
        tpu.vector_store %arg13[%swap3A_432, %swap3A_433], %swap3A_436 {strides = array<i32>} : memref<40x128xf32, #tpu.memory_space<vmem>>, vector<1x16xf32>,
        %get3A_437 = arith.index_cast %scan3A_354 : i32 to index
        %get3A_438 = arith.constant 80 : index
        %get3A_439 = tpu.vector_load %arg13[%get3A_437, %get3A_438] {strides = array<i32>} : memref<40x128xf32, #tpu.memory_space<vmem>>, vector<1x16xf32>,
        %get3A_440 = vector.shape_cast %get3A_439 : vector<1x16xf32> to vector<16xf32>
        %get3A_441 = arith.index_cast %scan3A_354 : i32 to index
        %get3A_442 = arith.constant 80 : index
        %get3A_443 = tpu.vector_load %arg17[%get3A_441, %get3A_442] {strides = array<i32>} : memref<80x128xf32, #tpu.memory_space<vmem>>, vector<1x16xf32>,
        %get3A_444 = vector.shape_cast %get3A_443 : vector<1x16xf32> to vector<16xf32>
        %add3A_445 = arith.addf %get3A_440, %get3A_444 : vector<16xf32>
        %max3A_446 = arith.constant 0.000000e+00 : f32
        %max3A_447 = vector.broadcast %max3A_446 : f32 to vector<16xf32>
        %max3A_448 = arith.maximumf %add3A_445, %max3A_447 : vector<16xf32>
        %swap3A_449 = arith.index_cast %scan3A_354 : i32 to index
        %swap3A_450 = arith.constant 80 : index
        %swap3A_451 = tpu.vector_load %arg13[%swap3A_449, %swap3A_450] {strides = array<i32>} : memref<40x128xf32, #tpu.memory_space<vmem>>, vector<1x16xf32>,
        %swap3A_452 = vector.shape_cast %swap3A_451 : vector<1x16xf32> to vector<16xf32>
        %swap3A_453 = vector.shape_cast %max3A_448 : vector<16xf32> to vector<1x16xf32>
        tpu.vector_store %arg13[%swap3A_449, %swap3A_450], %swap3A_453 {strides = array<i32>} : memref<40x128xf32, #tpu.memory_space<vmem>>, vector<1x16xf32>,
        %get3A_454 = arith.index_cast %scan3A_354 : i32 to index
        %get3A_455 = arith.constant 96 : index
        %get3A_456 = tpu.vector_load %arg13[%get3A_454, %get3A_455] {strides = array<i32>} : memref<40x128xf32, #tpu.memory_space<vmem>>, vector<1x16xf32>,
        %get3A_457 = vector.shape_cast %get3A_456 : vector<1x16xf32> to vector<16xf32>
        %get3A_458 = arith.index_cast %scan3A_354 : i32 to index
        %get3A_459 = arith.constant 96 : index
        %get3A_460 = tpu.vector_load %arg17[%get3A_458, %get3A_459] {strides = array<i32>} : memref<80x128xf32, #tpu.memory_space<vmem>>, vector<1x16xf32>,
        %get3A_461 = vector.shape_cast %get3A_460 : vector<1x16xf32> to vector<16xf32>
        %add3A_462 = arith.addf %get3A_457, %get3A_461 : vector<16xf32>
        %max3A_463 = arith.constant 0.000000e+00 : f32
        %max3A_464 = vector.broadcast %max3A_463 : f32 to vector<16xf32>
        %max3A_465 = arith.maximumf %add3A_462, %max3A_464 : vector<16xf32>
        %swap3A_466 = arith.index_cast %scan3A_354 : i32 to index
        %swap3A_467 = arith.constant 96 : index
        %swap3A_468 = tpu.vector_load %arg13[%swap3A_466, %swap3A_467] {strides = array<i32>} : memref<40x128xf32, #tpu.memory_space<vmem>>, vector<1x16xf32>,
        %swap3A_469 = vector.shape_cast %swap3A_468 : vector<1x16xf32> to vector<16xf32>
        %swap3A_470 = vector.shape_cast %max3A_465 : vector<16xf32> to vector<1x16xf32>
        tpu.vector_store %arg13[%swap3A_466, %swap3A_467], %swap3A_470 {strides = array<i32>} : memref<40x128xf32, #tpu.memory_space<vmem>>, vector<1x16xf32>,
        %get3A_471 = arith.index_cast %scan3A_354 : i32 to index
        %get3A_472 = arith.constant 112 : index
        %get3A_473 = tpu.vector_load %arg13[%get3A_471, %get3A_472] {strides = array<i32>} : memref<40x128xf32, #tpu.memory_space<vmem>>, vector<1x16xf32>,
        %get3A_474 = vector.shape_cast %get3A_473 : vector<1x16xf32> to vector<16xf32>
        %get3A_475 = arith.index_cast %scan3A_354 : i32 to index
        %get3A_476 = arith.constant 112 : index
        %get3A_477 = tpu.vector_load %arg17[%get3A_475, %get3A_476] {strides = array<i32>} : memref<80x128xf32, #tpu.memory_space<vmem>>, vector<1x16xf32>,
        %get3A_478 = vector.shape_cast %get3A_477 : vector<1x16xf32> to vector<16xf32>
        %add3A_479 = arith.addf %get3A_474, %get3A_478 : vector<16xf32>
        %max3A_480 = arith.constant 0.000000e+00 : f32
        %max3A_481 = vector.broadcast %max3A_480 : f32 to vector<16xf32>
        %max3A_482 = arith.maximumf %add3A_479, %max3A_481 : vector<16xf32>
        %swap3A_483 = arith.index_cast %scan3A_354 : i32 to index
        %swap3A_484 = arith.constant 112 : index
        %swap3A_485 = tpu.vector_load %arg13[%swap3A_483, %swap3A_484] {strides = array<i32>} : memref<40x128xf32, #tpu.memory_space<vmem>>, vector<1x16xf32>,
        %swap3A_486 = vector.shape_cast %swap3A_485 : vector<1x16xf32> to vector<16xf32>
        %swap3A_487 = vector.shape_cast %max3A_482 : vector<16xf32> to vector<1x16xf32>
        tpu.vector_store %arg13[%swap3A_483, %swap3A_484], %swap3A_487 {strides = array<i32>} : memref<40x128xf32, #tpu.memory_space<vmem>>, vector<1x16xf32>,
      }
      %scan3A_225 = arith.constant 40 : i32
      %dma_wait3A_226 = arith.constant 0 : i32
      %dma_wait3A_227 = tpu.memref_slice %arg4[%dma_wait3A_226] : memref<160000xi32, #tpu.memory_space<hbm>> -> memref<40xi32, #tpu.memory_space<hbm>>
      %dma_wait3A_228 = arith.constant 0 : i32
      %dma_wait3A_229 = tpu.memref_slice %arg4[%dma_wait3A_228] : memref<160000xi32, #tpu.memory_space<hbm>> -> memref<40xi32, #tpu.memory_space<hbm>>
      tpu.wait_dma2 semaphore(%arg26 : memref<!tpu.dma_semaphore, #tpu.memory_space<semaphore_mem>>) src(%dma_wait3A_229 : memref<40xi32, #tpu.memory_space<hbm>>) dst(%arg9 : memref<40xi32, #tpu.memory_space<vmem>>)
      %dma_start3A_230 = arith.constant 0 : i32
      %dma_start3A_231 = arith.constant 0 : i32
      %dma_start3A_232 = tpu.memref_slice %arg19[%dma_start3A_230, %dma_start3A_231] : memref<10000x128xf32, #tpu.memory_space<vmem_shared>> -> memref<10000x128xf32, #tpu.memory_space<vmem_shared>>
      tpu.enqueue_indirect_dma source(%arg13 : memref<40x128xf32, #tpu.memory_space<vmem>>) target(%dma_start3A_232 : memref<10000x128xf32, #tpu.memory_space<vmem_shared>>) offsets(%arg9 : memref<40xi32, #tpu.memory_space<vmem>>) semaphore(%arg30 : memref<!tpu.dma_semaphore, #tpu.memory_space<semaphore_mem>>) {add = true}
      %scan3A_233 = arith.constant 0 : i32
      %scan3A_234 = arith.constant 0 : i32
      %scan3A_235 = arith.constant 40 : i32
      %scan3A_236 = arith.addi %scan3A_234, %scan3A_235 : i32
      %scan3A_237 = arith.constant 1 : i32
      scf.for %scan3A_354 = %scan3A_234 to %scan3A_236 step %scan3A_237  : i32 {
        %get3A = arith.index_cast %scan3A_354 : i32 to index
        %get3A_355 = arith.constant 0 : index
        %get3A_356 = tpu.vector_load %arg15[%get3A, %get3A_355] {strides = array<i32>} : memref<40x128xf32, #tpu.memory_space<vmem>>, vector<1x16xf32>,
        %get3A_357 = vector.shape_cast %get3A_356 : vector<1x16xf32> to vector<16xf32>
        %add3A_358 = arith.constant 40 : i32
        %add3A_359 = arith.addi %scan3A_354, %add3A_358 : i32
        %get3A_360 = arith.index_cast %add3A_359 : i32 to index
        %get3A_361 = arith.constant 0 : index
        %get3A_362 = tpu.vector_load %arg17[%get3A_360, %get3A_361] {strides = array<i32>} : memref<80x128xf32, #tpu.memory_space<vmem>>, vector<1x16xf32>,
        %get3A_363 = vector.shape_cast %get3A_362 : vector<1x16xf32> to vector<16xf32>
        %add3A_364 = arith.addf %get3A_357, %get3A_363 : vector<16xf32>
        %max3A = arith.constant 0.000000e+00 : f32
        %max3A_365 = vector.broadcast %max3A : f32 to vector<16xf32>
        %max3A_366 = arith.maximumf %add3A_364, %max3A_365 : vector<16xf32>
        %swap3A = arith.index_cast %scan3A_354 : i32 to index
        %swap3A_367 = arith.constant 0 : index
        %swap3A_368 = tpu.vector_load %arg15[%swap3A, %swap3A_367] {strides = array<i32>} : memref<40x128xf32, #tpu.memory_space<vmem>>, vector<1x16xf32>,
        %swap3A_369 = vector.shape_cast %swap3A_368 : vector<1x16xf32> to vector<16xf32>
        %swap3A_370 = vector.shape_cast %max3A_366 : vector<16xf32> to vector<1x16xf32>
        tpu.vector_store %arg15[%swap3A, %swap3A_367], %swap3A_370 {strides = array<i32>} : memref<40x128xf32, #tpu.memory_space<vmem>>, vector<1x16xf32>,
        %get3A_371 = arith.index_cast %scan3A_354 : i32 to index
        %get3A_372 = arith.constant 16 : index
        %get3A_373 = tpu.vector_load %arg15[%get3A_371, %get3A_372] {strides = array<i32>} : memref<40x128xf32, #tpu.memory_space<vmem>>, vector<1x16xf32>,
        %get3A_374 = vector.shape_cast %get3A_373 : vector<1x16xf32> to vector<16xf32>
        %add3A_375 = arith.constant 40 : i32
        %add3A_376 = arith.addi %scan3A_354, %add3A_375 : i32
        %get3A_377 = arith.index_cast %add3A_376 : i32 to index
        %get3A_378 = arith.constant 16 : index
        %get3A_379 = tpu.vector_load %arg17[%get3A_377, %get3A_378] {strides = array<i32>} : memref<80x128xf32, #tpu.memory_space<vmem>>, vector<1x16xf32>,
        %get3A_380 = vector.shape_cast %get3A_379 : vector<1x16xf32> to vector<16xf32>
        %add3A_381 = arith.addf %get3A_374, %get3A_380 : vector<16xf32>
        %max3A_382 = arith.constant 0.000000e+00 : f32
        %max3A_383 = vector.broadcast %max3A_382 : f32 to vector<16xf32>
        %max3A_384 = arith.maximumf %add3A_381, %max3A_383 : vector<16xf32>
        %swap3A_385 = arith.index_cast %scan3A_354 : i32 to index
        %swap3A_386 = arith.constant 16 : index
        %swap3A_387 = tpu.vector_load %arg15[%swap3A_385, %swap3A_386] {strides = array<i32>} : memref<40x128xf32, #tpu.memory_space<vmem>>, vector<1x16xf32>,
        %swap3A_388 = vector.shape_cast %swap3A_387 : vector<1x16xf32> to vector<16xf32>
        %swap3A_389 = vector.shape_cast %max3A_384 : vector<16xf32> to vector<1x16xf32>
        tpu.vector_store %arg15[%swap3A_385, %swap3A_386], %swap3A_389 {strides = array<i32>} : memref<40x128xf32, #tpu.memory_space<vmem>>, vector<1x16xf32>,
        %get3A_390 = arith.index_cast %scan3A_354 : i32 to index
        %get3A_391 = arith.constant 32 : index
        %get3A_392 = tpu.vector_load %arg15[%get3A_390, %get3A_391] {strides = array<i32>} : memref<40x128xf32, #tpu.memory_space<vmem>>, vector<1x16xf32>,
        %get3A_393 = vector.shape_cast %get3A_392 : vector<1x16xf32> to vector<16xf32>
        %add3A_394 = arith.constant 40 : i32
        %add3A_395 = arith.addi %scan3A_354, %add3A_394 : i32
        %get3A_396 = arith.index_cast %add3A_395 : i32 to index
        %get3A_397 = arith.constant 32 : index
        %get3A_398 = tpu.vector_load %arg17[%get3A_396, %get3A_397] {strides = array<i32>} : memref<80x128xf32, #tpu.memory_space<vmem>>, vector<1x16xf32>,
        %get3A_399 = vector.shape_cast %get3A_398 : vector<1x16xf32> to vector<16xf32>
        %add3A_400 = arith.addf %get3A_393, %get3A_399 : vector<16xf32>
        %max3A_401 = arith.constant 0.000000e+00 : f32
        %max3A_402 = vector.broadcast %max3A_401 : f32 to vector<16xf32>
        %max3A_403 = arith.maximumf %add3A_400, %max3A_402 : vector<16xf32>
        %swap3A_404 = arith.index_cast %scan3A_354 : i32 to index
        %swap3A_405 = arith.constant 32 : index
        %swap3A_406 = tpu.vector_load %arg15[%swap3A_404, %swap3A_405] {strides = array<i32>} : memref<40x128xf32, #tpu.memory_space<vmem>>, vector<1x16xf32>,
        %swap3A_407 = vector.shape_cast %swap3A_406 : vector<1x16xf32> to vector<16xf32>
        %swap3A_408 = vector.shape_cast %max3A_403 : vector<16xf32> to vector<1x16xf32>
        tpu.vector_store %arg15[%swap3A_404, %swap3A_405], %swap3A_408 {strides = array<i32>} : memref<40x128xf32, #tpu.memory_space<vmem>>, vector<1x16xf32>,
        %get3A_409 = arith.index_cast %scan3A_354 : i32 to index
        %get3A_410 = arith.constant 48 : index
        %get3A_411 = tpu.vector_load %arg15[%get3A_409, %get3A_410] {strides = array<i32>} : memref<40x128xf32, #tpu.memory_space<vmem>>, vector<1x16xf32>,
        %get3A_412 = vector.shape_cast %get3A_411 : vector<1x16xf32> to vector<16xf32>
        %add3A_413 = arith.constant 40 : i32
        %add3A_414 = arith.addi %scan3A_354, %add3A_413 : i32
        %get3A_415 = arith.index_cast %add3A_414 : i32 to index
        %get3A_416 = arith.constant 48 : index
        %get3A_417 = tpu.vector_load %arg17[%get3A_415, %get3A_416] {strides = array<i32>} : memref<80x128xf32, #tpu.memory_space<vmem>>, vector<1x16xf32>,
        %get3A_418 = vector.shape_cast %get3A_417 : vector<1x16xf32> to vector<16xf32>
        %add3A_419 = arith.addf %get3A_412, %get3A_418 : vector<16xf32>
        %max3A_420 = arith.constant 0.000000e+00 : f32
        %max3A_421 = vector.broadcast %max3A_420 : f32 to vector<16xf32>
        %max3A_422 = arith.maximumf %add3A_419, %max3A_421 : vector<16xf32>
        %swap3A_423 = arith.index_cast %scan3A_354 : i32 to index
        %swap3A_424 = arith.constant 48 : index
        %swap3A_425 = tpu.vector_load %arg15[%swap3A_423, %swap3A_424] {strides = array<i32>} : memref<40x128xf32, #tpu.memory_space<vmem>>, vector<1x16xf32>,
        %swap3A_426 = vector.shape_cast %swap3A_425 : vector<1x16xf32> to vector<16xf32>
        %swap3A_427 = vector.shape_cast %max3A_422 : vector<16xf32> to vector<1x16xf32>
        tpu.vector_store %arg15[%swap3A_423, %swap3A_424], %swap3A_427 {strides = array<i32>} : memref<40x128xf32, #tpu.memory_space<vmem>>, vector<1x16xf32>,
        %get3A_428 = arith.index_cast %scan3A_354 : i32 to index
        %get3A_429 = arith.constant 64 : index
        %get3A_430 = tpu.vector_load %arg15[%get3A_428, %get3A_429] {strides = array<i32>} : memref<40x128xf32, #tpu.memory_space<vmem>>, vector<1x16xf32>,
        %get3A_431 = vector.shape_cast %get3A_430 : vector<1x16xf32> to vector<16xf32>
        %add3A_432 = arith.constant 40 : i32
        %add3A_433 = arith.addi %scan3A_354, %add3A_432 : i32
        %get3A_434 = arith.index_cast %add3A_433 : i32 to index
        %get3A_435 = arith.constant 64 : index
        %get3A_436 = tpu.vector_load %arg17[%get3A_434, %get3A_435] {strides = array<i32>} : memref<80x128xf32, #tpu.memory_space<vmem>>, vector<1x16xf32>,
        %get3A_437 = vector.shape_cast %get3A_436 : vector<1x16xf32> to vector<16xf32>
        %add3A_438 = arith.addf %get3A_431, %get3A_437 : vector<16xf32>
        %max3A_439 = arith.constant 0.000000e+00 : f32
        %max3A_440 = vector.broadcast %max3A_439 : f32 to vector<16xf32>
        %max3A_441 = arith.maximumf %add3A_438, %max3A_440 : vector<16xf32>
        %swap3A_442 = arith.index_cast %scan3A_354 : i32 to index
        %swap3A_443 = arith.constant 64 : index
        %swap3A_444 = tpu.vector_load %arg15[%swap3A_442, %swap3A_443] {strides = array<i32>} : memref<40x128xf32, #tpu.memory_space<vmem>>, vector<1x16xf32>,
        %swap3A_445 = vector.shape_cast %swap3A_444 : vector<1x16xf32> to vector<16xf32>
        %swap3A_446 = vector.shape_cast %max3A_441 : vector<16xf32> to vector<1x16xf32>
        tpu.vector_store %arg15[%swap3A_442, %swap3A_443], %swap3A_446 {strides = array<i32>} : memref<40x128xf32, #tpu.memory_space<vmem>>, vector<1x16xf32>,
        %get3A_447 = arith.index_cast %scan3A_354 : i32 to index
        %get3A_448 = arith.constant 80 : index
        %get3A_449 = tpu.vector_load %arg15[%get3A_447, %get3A_448] {strides = array<i32>} : memref<40x128xf32, #tpu.memory_space<vmem>>, vector<1x16xf32>,
        %get3A_450 = vector.shape_cast %get3A_449 : vector<1x16xf32> to vector<16xf32>
        %add3A_451 = arith.constant 40 : i32
        %add3A_452 = arith.addi %scan3A_354, %add3A_451 : i32
        %get3A_453 = arith.index_cast %add3A_452 : i32 to index
        %get3A_454 = arith.constant 80 : index
        %get3A_455 = tpu.vector_load %arg17[%get3A_453, %get3A_454] {strides = array<i32>} : memref<80x128xf32, #tpu.memory_space<vmem>>, vector<1x16xf32>,
        %get3A_456 = vector.shape_cast %get3A_455 : vector<1x16xf32> to vector<16xf32>
        %add3A_457 = arith.addf %get3A_450, %get3A_456 : vector<16xf32>
        %max3A_458 = arith.constant 0.000000e+00 : f32
        %max3A_459 = vector.broadcast %max3A_458 : f32 to vector<16xf32>
        %max3A_460 = arith.maximumf %add3A_457, %max3A_459 : vector<16xf32>
        %swap3A_461 = arith.index_cast %scan3A_354 : i32 to index
        %swap3A_462 = arith.constant 80 : index
        %swap3A_463 = tpu.vector_load %arg15[%swap3A_461, %swap3A_462] {strides = array<i32>} : memref<40x128xf32, #tpu.memory_space<vmem>>, vector<1x16xf32>,
        %swap3A_464 = vector.shape_cast %swap3A_463 : vector<1x16xf32> to vector<16xf32>
        %swap3A_465 = vector.shape_cast %max3A_460 : vector<16xf32> to vector<1x16xf32>
        tpu.vector_store %arg15[%swap3A_461, %swap3A_462], %swap3A_465 {strides = array<i32>} : memref<40x128xf32, #tpu.memory_space<vmem>>, vector<1x16xf32>,
        %get3A_466 = arith.index_cast %scan3A_354 : i32 to index
        %get3A_467 = arith.constant 96 : index
        %get3A_468 = tpu.vector_load %arg15[%get3A_466, %get3A_467] {strides = array<i32>} : memref<40x128xf32, #tpu.memory_space<vmem>>, vector<1x16xf32>,
        %get3A_469 = vector.shape_cast %get3A_468 : vector<1x16xf32> to vector<16xf32>
        %add3A_470 = arith.constant 40 : i32
        %add3A_471 = arith.addi %scan3A_354, %add3A_470 : i32
        %get3A_472 = arith.index_cast %add3A_471 : i32 to index
        %get3A_473 = arith.constant 96 : index
        %get3A_474 = tpu.vector_load %arg17[%get3A_472, %get3A_473] {strides = array<i32>} : memref<80x128xf32, #tpu.memory_space<vmem>>, vector<1x16xf32>,
        %get3A_475 = vector.shape_cast %get3A_474 : vector<1x16xf32> to vector<16xf32>
        %add3A_476 = arith.addf %get3A_469, %get3A_475 : vector<16xf32>
        %max3A_477 = arith.constant 0.000000e+00 : f32
        %max3A_478 = vector.broadcast %max3A_477 : f32 to vector<16xf32>
        %max3A_479 = arith.maximumf %add3A_476, %max3A_478 : vector<16xf32>
        %swap3A_480 = arith.index_cast %scan3A_354 : i32 to index
        %swap3A_481 = arith.constant 96 : index
        %swap3A_482 = tpu.vector_load %arg15[%swap3A_480, %swap3A_481] {strides = array<i32>} : memref<40x128xf32, #tpu.memory_space<vmem>>, vector<1x16xf32>,
        %swap3A_483 = vector.shape_cast %swap3A_482 : vector<1x16xf32> to vector<16xf32>
        %swap3A_484 = vector.shape_cast %max3A_479 : vector<16xf32> to vector<1x16xf32>
        tpu.vector_store %arg15[%swap3A_480, %swap3A_481], %swap3A_484 {strides = array<i32>} : memref<40x128xf32, #tpu.memory_space<vmem>>, vector<1x16xf32>,
        %get3A_485 = arith.index_cast %scan3A_354 : i32 to index
        %get3A_486 = arith.constant 112 : index
        %get3A_487 = tpu.vector_load %arg15[%get3A_485, %get3A_486] {strides = array<i32>} : memref<40x128xf32, #tpu.memory_space<vmem>>, vector<1x16xf32>,
        %get3A_488 = vector.shape_cast %get3A_487 : vector<1x16xf32> to vector<16xf32>
        %add3A_489 = arith.constant 40 : i32
        %add3A_490 = arith.addi %scan3A_354, %add3A_489 : i32
        %get3A_491 = arith.index_cast %add3A_490 : i32 to index
        %get3A_492 = arith.constant 112 : index
        %get3A_493 = tpu.vector_load %arg17[%get3A_491, %get3A_492] {strides = array<i32>} : memref<80x128xf32, #tpu.memory_space<vmem>>, vector<1x16xf32>,
        %get3A_494 = vector.shape_cast %get3A_493 : vector<1x16xf32> to vector<16xf32>
        %add3A_495 = arith.addf %get3A_488, %get3A_494 : vector<16xf32>
        %max3A_496 = arith.constant 0.000000e+00 : f32
        %max3A_497 = vector.broadcast %max3A_496 : f32 to vector<16xf32>
        %max3A_498 = arith.maximumf %add3A_495, %max3A_497 : vector<16xf32>
        %swap3A_499 = arith.index_cast %scan3A_354 : i32 to index
        %swap3A_500 = arith.constant 112 : index
        %swap3A_501 = tpu.vector_load %arg15[%swap3A_499, %swap3A_500] {strides = array<i32>} : memref<40x128xf32, #tpu.memory_space<vmem>>, vector<1x16xf32>,
        %swap3A_502 = vector.shape_cast %swap3A_501 : vector<1x16xf32> to vector<16xf32>
        %swap3A_503 = vector.shape_cast %max3A_498 : vector<16xf32> to vector<1x16xf32>
        tpu.vector_store %arg15[%swap3A_499, %swap3A_500], %swap3A_503 {strides = array<i32>} : memref<40x128xf32, #tpu.memory_space<vmem>>, vector<1x16xf32>,
      }
      %scan3A_238 = arith.constant 40 : i32
      %dma_wait3A_239 = arith.constant 0 : i32
      %dma_wait3A_240 = tpu.memref_slice %arg4[%dma_wait3A_239] : memref<160000xi32, #tpu.memory_space<hbm>> -> memref<40xi32, #tpu.memory_space<hbm>>
      %dma_wait3A_241 = arith.constant 0 : i32
      %dma_wait3A_242 = tpu.memref_slice %arg4[%dma_wait3A_241] : memref<160000xi32, #tpu.memory_space<hbm>> -> memref<40xi32, #tpu.memory_space<hbm>>
      tpu.wait_dma2 semaphore(%arg28 : memref<!tpu.dma_semaphore, #tpu.memory_space<semaphore_mem>>) src(%dma_wait3A_242 : memref<40xi32, #tpu.memory_space<hbm>>) dst(%arg11 : memref<40xi32, #tpu.memory_space<vmem>>)
      %dma_start3A_243 = arith.constant 0 : i32
      %dma_start3A_244 = arith.constant 0 : i32
      %dma_start3A_245 = tpu.memref_slice %arg19[%dma_start3A_243, %dma_start3A_244] : memref<10000x128xf32, #tpu.memory_space<vmem_shared>> -> memref<10000x128xf32, #tpu.memory_space<vmem_shared>>
      tpu.enqueue_indirect_dma source(%arg15 : memref<40x128xf32, #tpu.memory_space<vmem>>) target(%dma_start3A_245 : memref<10000x128xf32, #tpu.memory_space<vmem_shared>>) offsets(%arg11 : memref<40xi32, #tpu.memory_space<vmem>>) semaphore(%arg32 : memref<!tpu.dma_semaphore, #tpu.memory_space<semaphore_mem>>) {add = true}
      %add3A_246 = arith.constant 2 : i32
      %add3A_247 = arith.addi %mul3A_203, %add3A_246 : i32
      %mul3A_248 = arith.constant 80 : i32
      %mul3A_249 = arith.muli %add3A_247, %mul3A_248 : i32
      %add3A_250 = arith.addi %mul3A_0, %mul3A_249 : i32
      %multiple_of3A_251 = tpu.assume_multiple %add3A_250, 80 : i32
      %dma_wait3A_252 = arith.constant 0 : i32
      %dma_wait3A_253 = tpu.memref_slice %arg3[%dma_wait3A_252] : memref<160000xi32, #tpu.memory_space<hbm>> -> memref<80xi32, #tpu.memory_space<hbm>>
      %dma_wait3A_254 = arith.constant 0 : i32
      %dma_wait3A_255 = tpu.memref_slice %arg3[%dma_wait3A_254] : memref<160000xi32, #tpu.memory_space<hbm>> -> memref<80xi32, #tpu.memory_space<hbm>>
      tpu.wait_dma2 semaphore(%arg34 : memref<!tpu.dma_semaphore, #tpu.memory_space<semaphore_mem>>) src(%dma_wait3A_255 : memref<80xi32, #tpu.memory_space<hbm>>) dst(%arg7 : memref<80xi32, #tpu.memory_space<vmem>>)
      %dma_start3A_256 = tpu.memref_slice %arg5[%multiple_of3A_251, %multiple_of3A] : memref<160000x256xf32, #tpu.memory_space<hbm>> -> memref<80x128xf32, #tpu.memory_space<hbm>>
      %dma_start3A_257 = tpu.memref_slice %arg5[%multiple_of3A_251, %multiple_of3A] : memref<160000x256xf32, #tpu.memory_space<hbm>> -> memref<80x128xf32, #tpu.memory_space<hbm>>
      tpu.enqueue_dma source(%dma_start3A_257 : memref<80x128xf32, #tpu.memory_space<hbm>>) target(%arg17 : memref<80x128xf32, #tpu.memory_space<vmem>>) target_semaphore(%arg24 : memref<!tpu.dma_semaphore, #tpu.memory_space<semaphore_mem>>)
      %dma_wait3A_258 = arith.constant 0 : i32
      %dma_wait3A_259 = arith.constant 0 : i32
      %dma_wait3A_260 = tpu.memref_slice %arg19[%dma_wait3A_258, %dma_wait3A_259] : memref<10000x128xf32, #tpu.memory_space<vmem_shared>> -> memref<10000x128xf32, #tpu.memory_space<vmem_shared>>
      tpu.wait_indirect_dma semaphore(%arg30 : memref<!tpu.dma_semaphore, #tpu.memory_space<semaphore_mem>>) src(%arg13 : memref<40x128xf32, #tpu.memory_space<vmem>>) dst(%dma_wait3A_260 : memref<10000x128xf32, #tpu.memory_space<vmem_shared>>)
      %dma_wait3A_261 = arith.constant 0 : i32
      %dma_wait3A_262 = arith.constant 0 : i32
      %dma_wait3A_263 = tpu.memref_slice %arg19[%dma_wait3A_261, %dma_wait3A_262] : memref<10000x128xf32, #tpu.memory_space<vmem_shared>> -> memref<10000x128xf32, #tpu.memory_space<vmem_shared>>
      tpu.wait_indirect_dma semaphore(%arg32 : memref<!tpu.dma_semaphore, #tpu.memory_space<semaphore_mem>>) src(%arg15 : memref<40x128xf32, #tpu.memory_space<vmem>>) dst(%dma_wait3A_263 : memref<10000x128xf32, #tpu.memory_space<vmem_shared>>)
      %dma_start3A_264 = tpu.memref_slice %arg4[%multiple_of3A_251] : memref<160000xi32, #tpu.memory_space<hbm>> -> memref<40xi32, #tpu.memory_space<hbm>>
      %dma_start3A_265 = tpu.memref_slice %arg4[%multiple_of3A_251] : memref<160000xi32, #tpu.memory_space<hbm>> -> memref<40xi32, #tpu.memory_space<hbm>>
      tpu.enqueue_dma source(%dma_start3A_265 : memref<40xi32, #tpu.memory_space<hbm>>) target(%arg9 : memref<40xi32, #tpu.memory_space<vmem>>) target_semaphore(%arg26 : memref<!tpu.dma_semaphore, #tpu.memory_space<semaphore_mem>>)
      %add3A_266 = arith.constant 40 : i32
      %add3A_267 = arith.addi %multiple_of3A_251, %add3A_266 : i32
      %dma_start3A_268 = tpu.memref_slice %arg4[%add3A_267] : memref<160000xi32, #tpu.memory_space<hbm>> -> memref<40xi32, #tpu.memory_space<hbm>>
      %dma_start3A_269 = tpu.memref_slice %arg4[%add3A_267] : memref<160000xi32, #tpu.memory_space<hbm>> -> memref<40xi32, #tpu.memory_space<hbm>>
      tpu.enqueue_dma source(%dma_start3A_269 : memref<40xi32, #tpu.memory_space<hbm>>) target(%arg11 : memref<40xi32, #tpu.memory_space<vmem>>) target_semaphore(%arg28 : memref<!tpu.dma_semaphore, #tpu.memory_space<semaphore_mem>>)
      %dma_start3A_270 = arith.constant 0 : i32
      %dma_start3A_271 = tpu.memref_slice %arg7[%dma_start3A_270] : memref<80xi32, #tpu.memory_space<vmem>> -> memref<40xi32, #tpu.memory_space<vmem>>
      %dma_start3A_272 = arith.constant 0 : i32
      %dma_start3A_273 = tpu.memref_slice %arg2[%dma_start3A_272, %multiple_of3A] : memref<10000x256xf32, #tpu.memory_space<hbm>> -> memref<10000x128xf32, #tpu.memory_space<hbm>>
      tpu.enqueue_indirect_dma source(%dma_start3A_273 : memref<10000x128xf32, #tpu.memory_space<hbm>>) target(%arg13 : memref<40x128xf32, #tpu.memory_space<vmem>>) offsets(%dma_start3A_271 : memref<40xi32, #tpu.memory_space<vmem>>) semaphore(%arg20 : memref<!tpu.dma_semaphore, #tpu.memory_space<semaphore_mem>>)
      %dma_start3A_274 = arith.constant 40 : i32
      %dma_start3A_275 = tpu.memref_slice %arg7[%dma_start3A_274] : memref<80xi32, #tpu.memory_space<vmem>> -> memref<40xi32, #tpu.memory_space<vmem>>
      %dma_start3A_276 = arith.constant 0 : i32
      %dma_start3A_277 = tpu.memref_slice %arg2[%dma_start3A_276, %multiple_of3A] : memref<10000x256xf32, #tpu.memory_space<hbm>> -> memref<10000x128xf32, #tpu.memory_space<hbm>>
      tpu.enqueue_indirect_dma source(%dma_start3A_277 : memref<10000x128xf32, #tpu.memory_space<hbm>>) target(%arg15 : memref<40x128xf32, #tpu.memory_space<vmem>>) offsets(%dma_start3A_275 : memref<40xi32, #tpu.memory_space<vmem>>) semaphore(%arg22 : memref<!tpu.dma_semaphore, #tpu.memory_space<semaphore_mem>>)
      %add3A_278 = arith.constant 1 : i32
      %add3A_279 = arith.addi %mul3A_203, %add3A_278 : i32
      %dma_wait3A_280 = arith.constant 0 : i32
      %dma_wait3A_281 = tpu.memref_slice %arg2[%dma_wait3A_280, %multiple_of3A] : memref<10000x256xf32, #tpu.memory_space<hbm>> -> memref<10000x128xf32, #tpu.memory_space<hbm>>
      tpu.wait_indirect_dma semaphore(%arg21 : memref<!tpu.dma_semaphore, #tpu.memory_space<semaphore_mem>>) src(%dma_wait3A_281 : memref<10000x128xf32, #tpu.memory_space<hbm>>) dst(%arg14 : memref<40x128xf32, #tpu.memory_space<vmem>>)
      %dma_wait3A_282 = arith.constant 0 : i32
      %dma_wait3A_283 = tpu.memref_slice %arg2[%dma_wait3A_282, %multiple_of3A] : memref<10000x256xf32, #tpu.memory_space<hbm>> -> memref<10000x128xf32, #tpu.memory_space<hbm>>
      tpu.wait_indirect_dma semaphore(%arg23 : memref<!tpu.dma_semaphore, #tpu.memory_space<semaphore_mem>>) src(%dma_wait3A_283 : memref<10000x128xf32, #tpu.memory_space<hbm>>) dst(%arg16 : memref<40x128xf32, #tpu.memory_space<vmem>>)
      %add3A_284 = arith.constant 2 : i32
      %add3A_285 = arith.addi %add3A_279, %add3A_284 : i32
      %mul3A_286 = arith.constant 80 : i32
      %mul3A_287 = arith.muli %add3A_285, %mul3A_286 : i32
      %add3A_288 = arith.addi %mul3A_0, %mul3A_287 : i32
      %multiple_of3A_289 = tpu.assume_multiple %add3A_288, 80 : i32
      %dma_start3A_290 = tpu.memref_slice %arg3[%multiple_of3A_289] : memref<160000xi32, #tpu.memory_space<hbm>> -> memref<80xi32, #tpu.memory_space<hbm>>
      %dma_start3A_291 = tpu.memref_slice %arg3[%multiple_of3A_289] : memref<160000xi32, #tpu.memory_space<hbm>> -> memref<80xi32, #tpu.memory_space<hbm>>
      tpu.enqueue_dma source(%dma_start3A_291 : memref<80xi32, #tpu.memory_space<hbm>>) target(%arg8 : memref<80xi32, #tpu.memory_space<vmem>>) target_semaphore(%arg35 : memref<!tpu.dma_semaphore, #tpu.memory_space<semaphore_mem>>)
      %dma_wait3A_292 = arith.constant 0 : i32
      %dma_wait3A_293 = tpu.memref_slice %arg5[%dma_wait3A_292, %multiple_of3A] : memref<160000x256xf32, #tpu.memory_space<hbm>> -> memref<80x128xf32, #tpu.memory_space<hbm>>
      %dma_wait3A_294 = arith.constant 0 : i32
      %dma_wait3A_295 = tpu.memref_slice %arg5[%dma_wait3A_294, %multiple_of3A] : memref<160000x256xf32, #tpu.memory_space<hbm>> -> memref<80x128xf32, #tpu.memory_space<hbm>>
      tpu.wait_dma2 semaphore(%arg25 : memref<!tpu.dma_semaphore, #tpu.memory_space<semaphore_mem>>) src(%dma_wait3A_295 : memref<80x128xf32, #tpu.memory_space<hbm>>) dst(%arg18 : memref<80x128xf32, #tpu.memory_space<vmem>>)
      %scan3A_296 = arith.constant 0 : i32
      %scan3A_297 = arith.constant 0 : i32
      %scan3A_298 = arith.constant 40 : i32
      %scan3A_299 = arith.addi %scan3A_297, %scan3A_298 : i32
      %scan3A_300 = arith.constant 1 : i32
      scf.for %scan3A_354 = %scan3A_297 to %scan3A_299 step %scan3A_300  : i32 {
        %get3A = arith.index_cast %scan3A_354 : i32 to index
        %get3A_355 = arith.constant 0 : index
        %get3A_356 = tpu.vector_load %arg14[%get3A, %get3A_355] {strides = array<i32>} : memref<40x128xf32, #tpu.memory_space<vmem>>, vector<1x16xf32>,
        %get3A_357 = vector.shape_cast %get3A_356 : vector<1x16xf32> to vector<16xf32>
        %get3A_358 = arith.index_cast %scan3A_354 : i32 to index
        %get3A_359 = arith.constant 0 : index
        %get3A_360 = tpu.vector_load %arg18[%get3A_358, %get3A_359] {strides = array<i32>} : memref<80x128xf32, #tpu.memory_space<vmem>>, vector<1x16xf32>,
        %get3A_361 = vector.shape_cast %get3A_360 : vector<1x16xf32> to vector<16xf32>
        %add3A_362 = arith.addf %get3A_357, %get3A_361 : vector<16xf32>
        %max3A = arith.constant 0.000000e+00 : f32
        %max3A_363 = vector.broadcast %max3A : f32 to vector<16xf32>
        %max3A_364 = arith.maximumf %add3A_362, %max3A_363 : vector<16xf32>
        %swap3A = arith.index_cast %scan3A_354 : i32 to index
        %swap3A_365 = arith.constant 0 : index
        %swap3A_366 = tpu.vector_load %arg14[%swap3A, %swap3A_365] {strides = array<i32>} : memref<40x128xf32, #tpu.memory_space<vmem>>, vector<1x16xf32>,
        %swap3A_367 = vector.shape_cast %swap3A_366 : vector<1x16xf32> to vector<16xf32>
        %swap3A_368 = vector.shape_cast %max3A_364 : vector<16xf32> to vector<1x16xf32>
        tpu.vector_store %arg14[%swap3A, %swap3A_365], %swap3A_368 {strides = array<i32>} : memref<40x128xf32, #tpu.memory_space<vmem>>, vector<1x16xf32>,
        %get3A_369 = arith.index_cast %scan3A_354 : i32 to index
        %get3A_370 = arith.constant 16 : index
        %get3A_371 = tpu.vector_load %arg14[%get3A_369, %get3A_370] {strides = array<i32>} : memref<40x128xf32, #tpu.memory_space<vmem>>, vector<1x16xf32>,
        %get3A_372 = vector.shape_cast %get3A_371 : vector<1x16xf32> to vector<16xf32>
        %get3A_373 = arith.index_cast %scan3A_354 : i32 to index
        %get3A_374 = arith.constant 16 : index
        %get3A_375 = tpu.vector_load %arg18[%get3A_373, %get3A_374] {strides = array<i32>} : memref<80x128xf32, #tpu.memory_space<vmem>>, vector<1x16xf32>,
        %get3A_376 = vector.shape_cast %get3A_375 : vector<1x16xf32> to vector<16xf32>
        %add3A_377 = arith.addf %get3A_372, %get3A_376 : vector<16xf32>
        %max3A_378 = arith.constant 0.000000e+00 : f32
        %max3A_379 = vector.broadcast %max3A_378 : f32 to vector<16xf32>
        %max3A_380 = arith.maximumf %add3A_377, %max3A_379 : vector<16xf32>
        %swap3A_381 = arith.index_cast %scan3A_354 : i32 to index
        %swap3A_382 = arith.constant 16 : index
        %swap3A_383 = tpu.vector_load %arg14[%swap3A_381, %swap3A_382] {strides = array<i32>} : memref<40x128xf32, #tpu.memory_space<vmem>>, vector<1x16xf32>,
        %swap3A_384 = vector.shape_cast %swap3A_383 : vector<1x16xf32> to vector<16xf32>
        %swap3A_385 = vector.shape_cast %max3A_380 : vector<16xf32> to vector<1x16xf32>
        tpu.vector_store %arg14[%swap3A_381, %swap3A_382], %swap3A_385 {strides = array<i32>} : memref<40x128xf32, #tpu.memory_space<vmem>>, vector<1x16xf32>,
        %get3A_386 = arith.index_cast %scan3A_354 : i32 to index
        %get3A_387 = arith.constant 32 : index
        %get3A_388 = tpu.vector_load %arg14[%get3A_386, %get3A_387] {strides = array<i32>} : memref<40x128xf32, #tpu.memory_space<vmem>>, vector<1x16xf32>,
        %get3A_389 = vector.shape_cast %get3A_388 : vector<1x16xf32> to vector<16xf32>
        %get3A_390 = arith.index_cast %scan3A_354 : i32 to index
        %get3A_391 = arith.constant 32 : index
        %get3A_392 = tpu.vector_load %arg18[%get3A_390, %get3A_391] {strides = array<i32>} : memref<80x128xf32, #tpu.memory_space<vmem>>, vector<1x16xf32>,
        %get3A_393 = vector.shape_cast %get3A_392 : vector<1x16xf32> to vector<16xf32>
        %add3A_394 = arith.addf %get3A_389, %get3A_393 : vector<16xf32>
        %max3A_395 = arith.constant 0.000000e+00 : f32
        %max3A_396 = vector.broadcast %max3A_395 : f32 to vector<16xf32>
        %max3A_397 = arith.maximumf %add3A_394, %max3A_396 : vector<16xf32>
        %swap3A_398 = arith.index_cast %scan3A_354 : i32 to index
        %swap3A_399 = arith.constant 32 : index
        %swap3A_400 = tpu.vector_load %arg14[%swap3A_398, %swap3A_399] {strides = array<i32>} : memref<40x128xf32, #tpu.memory_space<vmem>>, vector<1x16xf32>,
        %swap3A_401 = vector.shape_cast %swap3A_400 : vector<1x16xf32> to vector<16xf32>
        %swap3A_402 = vector.shape_cast %max3A_397 : vector<16xf32> to vector<1x16xf32>
        tpu.vector_store %arg14[%swap3A_398, %swap3A_399], %swap3A_402 {strides = array<i32>} : memref<40x128xf32, #tpu.memory_space<vmem>>, vector<1x16xf32>,
        %get3A_403 = arith.index_cast %scan3A_354 : i32 to index
        %get3A_404 = arith.constant 48 : index
        %get3A_405 = tpu.vector_load %arg14[%get3A_403, %get3A_404] {strides = array<i32>} : memref<40x128xf32, #tpu.memory_space<vmem>>, vector<1x16xf32>,
        %get3A_406 = vector.shape_cast %get3A_405 : vector<1x16xf32> to vector<16xf32>
        %get3A_407 = arith.index_cast %scan3A_354 : i32 to index
        %get3A_408 = arith.constant 48 : index
        %get3A_409 = tpu.vector_load %arg18[%get3A_407, %get3A_408] {strides = array<i32>} : memref<80x128xf32, #tpu.memory_space<vmem>>, vector<1x16xf32>,
        %get3A_410 = vector.shape_cast %get3A_409 : vector<1x16xf32> to vector<16xf32>
        %add3A_411 = arith.addf %get3A_406, %get3A_410 : vector<16xf32>
        %max3A_412 = arith.constant 0.000000e+00 : f32
        %max3A_413 = vector.broadcast %max3A_412 : f32 to vector<16xf32>
        %max3A_414 = arith.maximumf %add3A_411, %max3A_413 : vector<16xf32>
        %swap3A_415 = arith.index_cast %scan3A_354 : i32 to index
        %swap3A_416 = arith.constant 48 : index
        %swap3A_417 = tpu.vector_load %arg14[%swap3A_415, %swap3A_416] {strides = array<i32>} : memref<40x128xf32, #tpu.memory_space<vmem>>, vector<1x16xf32>,
        %swap3A_418 = vector.shape_cast %swap3A_417 : vector<1x16xf32> to vector<16xf32>
        %swap3A_419 = vector.shape_cast %max3A_414 : vector<16xf32> to vector<1x16xf32>
        tpu.vector_store %arg14[%swap3A_415, %swap3A_416], %swap3A_419 {strides = array<i32>} : memref<40x128xf32, #tpu.memory_space<vmem>>, vector<1x16xf32>,
        %get3A_420 = arith.index_cast %scan3A_354 : i32 to index
        %get3A_421 = arith.constant 64 : index
        %get3A_422 = tpu.vector_load %arg14[%get3A_420, %get3A_421] {strides = array<i32>} : memref<40x128xf32, #tpu.memory_space<vmem>>, vector<1x16xf32>,
        %get3A_423 = vector.shape_cast %get3A_422 : vector<1x16xf32> to vector<16xf32>
        %get3A_424 = arith.index_cast %scan3A_354 : i32 to index
        %get3A_425 = arith.constant 64 : index
        %get3A_426 = tpu.vector_load %arg18[%get3A_424, %get3A_425] {strides = array<i32>} : memref<80x128xf32, #tpu.memory_space<vmem>>, vector<1x16xf32>,
        %get3A_427 = vector.shape_cast %get3A_426 : vector<1x16xf32> to vector<16xf32>
        %add3A_428 = arith.addf %get3A_423, %get3A_427 : vector<16xf32>
        %max3A_429 = arith.constant 0.000000e+00 : f32
        %max3A_430 = vector.broadcast %max3A_429 : f32 to vector<16xf32>
        %max3A_431 = arith.maximumf %add3A_428, %max3A_430 : vector<16xf32>
        %swap3A_432 = arith.index_cast %scan3A_354 : i32 to index
        %swap3A_433 = arith.constant 64 : index
        %swap3A_434 = tpu.vector_load %arg14[%swap3A_432, %swap3A_433] {strides = array<i32>} : memref<40x128xf32, #tpu.memory_space<vmem>>, vector<1x16xf32>,
        %swap3A_435 = vector.shape_cast %swap3A_434 : vector<1x16xf32> to vector<16xf32>
        %swap3A_436 = vector.shape_cast %max3A_431 : vector<16xf32> to vector<1x16xf32>
        tpu.vector_store %arg14[%swap3A_432, %swap3A_433], %swap3A_436 {strides = array<i32>} : memref<40x128xf32, #tpu.memory_space<vmem>>, vector<1x16xf32>,
        %get3A_437 = arith.index_cast %scan3A_354 : i32 to index
        %get3A_438 = arith.constant 80 : index
        %get3A_439 = tpu.vector_load %arg14[%get3A_437, %get3A_438] {strides = array<i32>} : memref<40x128xf32, #tpu.memory_space<vmem>>, vector<1x16xf32>,
        %get3A_440 = vector.shape_cast %get3A_439 : vector<1x16xf32> to vector<16xf32>
        %get3A_441 = arith.index_cast %scan3A_354 : i32 to index
        %get3A_442 = arith.constant 80 : index
        %get3A_443 = tpu.vector_load %arg18[%get3A_441, %get3A_442] {strides = array<i32>} : memref<80x128xf32, #tpu.memory_space<vmem>>, vector<1x16xf32>,
        %get3A_444 = vector.shape_cast %get3A_443 : vector<1x16xf32> to vector<16xf32>
        %add3A_445 = arith.addf %get3A_440, %get3A_444 : vector<16xf32>
        %max3A_446 = arith.constant 0.000000e+00 : f32
        %max3A_447 = vector.broadcast %max3A_446 : f32 to vector<16xf32>
        %max3A_448 = arith.maximumf %add3A_445, %max3A_447 : vector<16xf32>
        %swap3A_449 = arith.index_cast %scan3A_354 : i32 to index
        %swap3A_450 = arith.constant 80 : index
        %swap3A_451 = tpu.vector_load %arg14[%swap3A_449, %swap3A_450] {strides = array<i32>} : memref<40x128xf32, #tpu.memory_space<vmem>>, vector<1x16xf32>,
        %swap3A_452 = vector.shape_cast %swap3A_451 : vector<1x16xf32> to vector<16xf32>
        %swap3A_453 = vector.shape_cast %max3A_448 : vector<16xf32> to vector<1x16xf32>
        tpu.vector_store %arg14[%swap3A_449, %swap3A_450], %swap3A_453 {strides = array<i32>} : memref<40x128xf32, #tpu.memory_space<vmem>>, vector<1x16xf32>,
        %get3A_454 = arith.index_cast %scan3A_354 : i32 to index
        %get3A_455 = arith.constant 96 : index
        %get3A_456 = tpu.vector_load %arg14[%get3A_454, %get3A_455] {strides = array<i32>} : memref<40x128xf32, #tpu.memory_space<vmem>>, vector<1x16xf32>,
        %get3A_457 = vector.shape_cast %get3A_456 : vector<1x16xf32> to vector<16xf32>
        %get3A_458 = arith.index_cast %scan3A_354 : i32 to index
        %get3A_459 = arith.constant 96 : index
        %get3A_460 = tpu.vector_load %arg18[%get3A_458, %get3A_459] {strides = array<i32>} : memref<80x128xf32, #tpu.memory_space<vmem>>, vector<1x16xf32>,
        %get3A_461 = vector.shape_cast %get3A_460 : vector<1x16xf32> to vector<16xf32>
        %add3A_462 = arith.addf %get3A_457, %get3A_461 : vector<16xf32>
        %max3A_463 = arith.constant 0.000000e+00 : f32
        %max3A_464 = vector.broadcast %max3A_463 : f32 to vector<16xf32>
        %max3A_465 = arith.maximumf %add3A_462, %max3A_464 : vector<16xf32>
        %swap3A_466 = arith.index_cast %scan3A_354 : i32 to index
        %swap3A_467 = arith.constant 96 : index
        %swap3A_468 = tpu.vector_load %arg14[%swap3A_466, %swap3A_467] {strides = array<i32>} : memref<40x128xf32, #tpu.memory_space<vmem>>, vector<1x16xf32>,
        %swap3A_469 = vector.shape_cast %swap3A_468 : vector<1x16xf32> to vector<16xf32>
        %swap3A_470 = vector.shape_cast %max3A_465 : vector<16xf32> to vector<1x16xf32>
        tpu.vector_store %arg14[%swap3A_466, %swap3A_467], %swap3A_470 {strides = array<i32>} : memref<40x128xf32, #tpu.memory_space<vmem>>, vector<1x16xf32>,
        %get3A_471 = arith.index_cast %scan3A_354 : i32 to index
        %get3A_472 = arith.constant 112 : index
        %get3A_473 = tpu.vector_load %arg14[%get3A_471, %get3A_472] {strides = array<i32>} : memref<40x128xf32, #tpu.memory_space<vmem>>, vector<1x16xf32>,
        %get3A_474 = vector.shape_cast %get3A_473 : vector<1x16xf32> to vector<16xf32>
        %get3A_475 = arith.index_cast %scan3A_354 : i32 to index
        %get3A_476 = arith.constant 112 : index
        %get3A_477 = tpu.vector_load %arg18[%get3A_475, %get3A_476] {strides = array<i32>} : memref<80x128xf32, #tpu.memory_space<vmem>>, vector<1x16xf32>,
        %get3A_478 = vector.shape_cast %get3A_477 : vector<1x16xf32> to vector<16xf32>
        %add3A_479 = arith.addf %get3A_474, %get3A_478 : vector<16xf32>
        %max3A_480 = arith.constant 0.000000e+00 : f32
        %max3A_481 = vector.broadcast %max3A_480 : f32 to vector<16xf32>
        %max3A_482 = arith.maximumf %add3A_479, %max3A_481 : vector<16xf32>
        %swap3A_483 = arith.index_cast %scan3A_354 : i32 to index
        %swap3A_484 = arith.constant 112 : index
        %swap3A_485 = tpu.vector_load %arg14[%swap3A_483, %swap3A_484] {strides = array<i32>} : memref<40x128xf32, #tpu.memory_space<vmem>>, vector<1x16xf32>,
        %swap3A_486 = vector.shape_cast %swap3A_485 : vector<1x16xf32> to vector<16xf32>
        %swap3A_487 = vector.shape_cast %max3A_482 : vector<16xf32> to vector<1x16xf32>
        tpu.vector_store %arg14[%swap3A_483, %swap3A_484], %swap3A_487 {strides = array<i32>} : memref<40x128xf32, #tpu.memory_space<vmem>>, vector<1x16xf32>,
      }
      %scan3A_301 = arith.constant 40 : i32
      %dma_wait3A_302 = arith.constant 0 : i32
      %dma_wait3A_303 = tpu.memref_slice %arg4[%dma_wait3A_302] : memref<160000xi32, #tpu.memory_space<hbm>> -> memref<40xi32, #tpu.memory_space<hbm>>
      %dma_wait3A_304 = arith.constant 0 : i32
      %dma_wait3A_305 = tpu.memref_slice %arg4[%dma_wait3A_304] : memref<160000xi32, #tpu.memory_space<hbm>> -> memref<40xi32, #tpu.memory_space<hbm>>
      tpu.wait_dma2 semaphore(%arg27 : memref<!tpu.dma_semaphore, #tpu.memory_space<semaphore_mem>>) src(%dma_wait3A_305 : memref<40xi32, #tpu.memory_space<hbm>>) dst(%arg10 : memref<40xi32, #tpu.memory_space<vmem>>)
      %dma_start3A_306 = arith.constant 0 : i32
      %dma_start3A_307 = arith.constant 0 : i32
      %dma_start3A_308 = tpu.memref_slice %arg19[%dma_start3A_306, %dma_start3A_307] : memref<10000x128xf32, #tpu.memory_space<vmem_shared>> -> memref<10000x128xf32, #tpu.memory_space<vmem_shared>>
      tpu.enqueue_indirect_dma source(%arg14 : memref<40x128xf32, #tpu.memory_space<vmem>>) target(%dma_start3A_308 : memref<10000x128xf32, #tpu.memory_space<vmem_shared>>) offsets(%arg10 : memref<40xi32, #tpu.memory_space<vmem>>) semaphore(%arg31 : memref<!tpu.dma_semaphore, #tpu.memory_space<semaphore_mem>>) {add = true}
      %scan3A_309 = arith.constant 0 : i32
      %scan3A_310 = arith.constant 0 : i32
      %scan3A_311 = arith.constant 40 : i32
      %scan3A_312 = arith.addi %scan3A_310, %scan3A_311 : i32
      %scan3A_313 = arith.constant 1 : i32
      scf.for %scan3A_354 = %scan3A_310 to %scan3A_312 step %scan3A_313  : i32 {
        %get3A = arith.index_cast %scan3A_354 : i32 to index
        %get3A_355 = arith.constant 0 : index
        %get3A_356 = tpu.vector_load %arg16[%get3A, %get3A_355] {strides = array<i32>} : memref<40x128xf32, #tpu.memory_space<vmem>>, vector<1x16xf32>,
        %get3A_357 = vector.shape_cast %get3A_356 : vector<1x16xf32> to vector<16xf32>
        %add3A_358 = arith.constant 40 : i32
        %add3A_359 = arith.addi %scan3A_354, %add3A_358 : i32
        %get3A_360 = arith.index_cast %add3A_359 : i32 to index
        %get3A_361 = arith.constant 0 : index
        %get3A_362 = tpu.vector_load %arg18[%get3A_360, %get3A_361] {strides = array<i32>} : memref<80x128xf32, #tpu.memory_space<vmem>>, vector<1x16xf32>,
        %get3A_363 = vector.shape_cast %get3A_362 : vector<1x16xf32> to vector<16xf32>
        %add3A_364 = arith.addf %get3A_357, %get3A_363 : vector<16xf32>
        %max3A = arith.constant 0.000000e+00 : f32
        %max3A_365 = vector.broadcast %max3A : f32 to vector<16xf32>
        %max3A_366 = arith.maximumf %add3A_364, %max3A_365 : vector<16xf32>
        %swap3A = arith.index_cast %scan3A_354 : i32 to index
        %swap3A_367 = arith.constant 0 : index
        %swap3A_368 = tpu.vector_load %arg16[%swap3A, %swap3A_367] {strides = array<i32>} : memref<40x128xf32, #tpu.memory_space<vmem>>, vector<1x16xf32>,
        %swap3A_369 = vector.shape_cast %swap3A_368 : vector<1x16xf32> to vector<16xf32>
        %swap3A_370 = vector.shape_cast %max3A_366 : vector<16xf32> to vector<1x16xf32>
        tpu.vector_store %arg16[%swap3A, %swap3A_367], %swap3A_370 {strides = array<i32>} : memref<40x128xf32, #tpu.memory_space<vmem>>, vector<1x16xf32>,
        %get3A_371 = arith.index_cast %scan3A_354 : i32 to index
        %get3A_372 = arith.constant 16 : index
        %get3A_373 = tpu.vector_load %arg16[%get3A_371, %get3A_372] {strides = array<i32>} : memref<40x128xf32, #tpu.memory_space<vmem>>, vector<1x16xf32>,
        %get3A_374 = vector.shape_cast %get3A_373 : vector<1x16xf32> to vector<16xf32>
        %add3A_375 = arith.constant 40 : i32
        %add3A_376 = arith.addi %scan3A_354, %add3A_375 : i32
        %get3A_377 = arith.index_cast %add3A_376 : i32 to index
        %get3A_378 = arith.constant 16 : index
        %get3A_379 = tpu.vector_load %arg18[%get3A_377, %get3A_378] {strides = array<i32>} : memref<80x128xf32, #tpu.memory_space<vmem>>, vector<1x16xf32>,
        %get3A_380 = vector.shape_cast %get3A_379 : vector<1x16xf32> to vector<16xf32>
        %add3A_381 = arith.addf %get3A_374, %get3A_380 : vector<16xf32>
        %max3A_382 = arith.constant 0.000000e+00 : f32
        %max3A_383 = vector.broadcast %max3A_382 : f32 to vector<16xf32>
        %max3A_384 = arith.maximumf %add3A_381, %max3A_383 : vector<16xf32>
        %swap3A_385 = arith.index_cast %scan3A_354 : i32 to index
        %swap3A_386 = arith.constant 16 : index
        %swap3A_387 = tpu.vector_load %arg16[%swap3A_385, %swap3A_386] {strides = array<i32>} : memref<40x128xf32, #tpu.memory_space<vmem>>, vector<1x16xf32>,
        %swap3A_388 = vector.shape_cast %swap3A_387 : vector<1x16xf32> to vector<16xf32>
        %swap3A_389 = vector.shape_cast %max3A_384 : vector<16xf32> to vector<1x16xf32>
        tpu.vector_store %arg16[%swap3A_385, %swap3A_386], %swap3A_389 {strides = array<i32>} : memref<40x128xf32, #tpu.memory_space<vmem>>, vector<1x16xf32>,
        %get3A_390 = arith.index_cast %scan3A_354 : i32 to index
        %get3A_391 = arith.constant 32 : index
        %get3A_392 = tpu.vector_load %arg16[%get3A_390, %get3A_391] {strides = array<i32>} : memref<40x128xf32, #tpu.memory_space<vmem>>, vector<1x16xf32>,
        %get3A_393 = vector.shape_cast %get3A_392 : vector<1x16xf32> to vector<16xf32>
        %add3A_394 = arith.constant 40 : i32
        %add3A_395 = arith.addi %scan3A_354, %add3A_394 : i32
        %get3A_396 = arith.index_cast %add3A_395 : i32 to index
        %get3A_397 = arith.constant 32 : index
        %get3A_398 = tpu.vector_load %arg18[%get3A_396, %get3A_397] {strides = array<i32>} : memref<80x128xf32, #tpu.memory_space<vmem>>, vector<1x16xf32>,
        %get3A_399 = vector.shape_cast %get3A_398 : vector<1x16xf32> to vector<16xf32>
        %add3A_400 = arith.addf %get3A_393, %get3A_399 : vector<16xf32>
        %max3A_401 = arith.constant 0.000000e+00 : f32
        %max3A_402 = vector.broadcast %max3A_401 : f32 to vector<16xf32>
        %max3A_403 = arith.maximumf %add3A_400, %max3A_402 : vector<16xf32>
        %swap3A_404 = arith.index_cast %scan3A_354 : i32 to index
        %swap3A_405 = arith.constant 32 : index
        %swap3A_406 = tpu.vector_load %arg16[%swap3A_404, %swap3A_405] {strides = array<i32>} : memref<40x128xf32, #tpu.memory_space<vmem>>, vector<1x16xf32>,
        %swap3A_407 = vector.shape_cast %swap3A_406 : vector<1x16xf32> to vector<16xf32>
        %swap3A_408 = vector.shape_cast %max3A_403 : vector<16xf32> to vector<1x16xf32>
        tpu.vector_store %arg16[%swap3A_404, %swap3A_405], %swap3A_408 {strides = array<i32>} : memref<40x128xf32, #tpu.memory_space<vmem>>, vector<1x16xf32>,
        %get3A_409 = arith.index_cast %scan3A_354 : i32 to index
        %get3A_410 = arith.constant 48 : index
        %get3A_411 = tpu.vector_load %arg16[%get3A_409, %get3A_410] {strides = array<i32>} : memref<40x128xf32, #tpu.memory_space<vmem>>, vector<1x16xf32>,
        %get3A_412 = vector.shape_cast %get3A_411 : vector<1x16xf32> to vector<16xf32>
        %add3A_413 = arith.constant 40 : i32
        %add3A_414 = arith.addi %scan3A_354, %add3A_413 : i32
        %get3A_415 = arith.index_cast %add3A_414 : i32 to index
        %get3A_416 = arith.constant 48 : index
        %get3A_417 = tpu.vector_load %arg18[%get3A_415, %get3A_416] {strides = array<i32>} : memref<80x128xf32, #tpu.memory_space<vmem>>, vector<1x16xf32>,
        %get3A_418 = vector.shape_cast %get3A_417 : vector<1x16xf32> to vector<16xf32>
        %add3A_419 = arith.addf %get3A_412, %get3A_418 : vector<16xf32>
        %max3A_420 = arith.constant 0.000000e+00 : f32
        %max3A_421 = vector.broadcast %max3A_420 : f32 to vector<16xf32>
        %max3A_422 = arith.maximumf %add3A_419, %max3A_421 : vector<16xf32>
        %swap3A_423 = arith.index_cast %scan3A_354 : i32 to index
        %swap3A_424 = arith.constant 48 : index
        %swap3A_425 = tpu.vector_load %arg16[%swap3A_423, %swap3A_424] {strides = array<i32>} : memref<40x128xf32, #tpu.memory_space<vmem>>, vector<1x16xf32>,
        %swap3A_426 = vector.shape_cast %swap3A_425 : vector<1x16xf32> to vector<16xf32>
        %swap3A_427 = vector.shape_cast %max3A_422 : vector<16xf32> to vector<1x16xf32>
        tpu.vector_store %arg16[%swap3A_423, %swap3A_424], %swap3A_427 {strides = array<i32>} : memref<40x128xf32, #tpu.memory_space<vmem>>, vector<1x16xf32>,
        %get3A_428 = arith.index_cast %scan3A_354 : i32 to index
        %get3A_429 = arith.constant 64 : index
        %get3A_430 = tpu.vector_load %arg16[%get3A_428, %get3A_429] {strides = array<i32>} : memref<40x128xf32, #tpu.memory_space<vmem>>, vector<1x16xf32>,
        %get3A_431 = vector.shape_cast %get3A_430 : vector<1x16xf32> to vector<16xf32>
        %add3A_432 = arith.constant 40 : i32
        %add3A_433 = arith.addi %scan3A_354, %add3A_432 : i32
        %get3A_434 = arith.index_cast %add3A_433 : i32 to index
        %get3A_435 = arith.constant 64 : index
        %get3A_436 = tpu.vector_load %arg18[%get3A_434, %get3A_435] {strides = array<i32>} : memref<80x128xf32, #tpu.memory_space<vmem>>, vector<1x16xf32>,
        %get3A_437 = vector.shape_cast %get3A_436 : vector<1x16xf32> to vector<16xf32>
        %add3A_438 = arith.addf %get3A_431, %get3A_437 : vector<16xf32>
        %max3A_439 = arith.constant 0.000000e+00 : f32
        %max3A_440 = vector.broadcast %max3A_439 : f32 to vector<16xf32>
        %max3A_441 = arith.maximumf %add3A_438, %max3A_440 : vector<16xf32>
        %swap3A_442 = arith.index_cast %scan3A_354 : i32 to index
        %swap3A_443 = arith.constant 64 : index
        %swap3A_444 = tpu.vector_load %arg16[%swap3A_442, %swap3A_443] {strides = array<i32>} : memref<40x128xf32, #tpu.memory_space<vmem>>, vector<1x16xf32>,
        %swap3A_445 = vector.shape_cast %swap3A_444 : vector<1x16xf32> to vector<16xf32>
        %swap3A_446 = vector.shape_cast %max3A_441 : vector<16xf32> to vector<1x16xf32>
        tpu.vector_store %arg16[%swap3A_442, %swap3A_443], %swap3A_446 {strides = array<i32>} : memref<40x128xf32, #tpu.memory_space<vmem>>, vector<1x16xf32>,
        %get3A_447 = arith.index_cast %scan3A_354 : i32 to index
        %get3A_448 = arith.constant 80 : index
        %get3A_449 = tpu.vector_load %arg16[%get3A_447, %get3A_448] {strides = array<i32>} : memref<40x128xf32, #tpu.memory_space<vmem>>, vector<1x16xf32>,
        %get3A_450 = vector.shape_cast %get3A_449 : vector<1x16xf32> to vector<16xf32>
        %add3A_451 = arith.constant 40 : i32
        %add3A_452 = arith.addi %scan3A_354, %add3A_451 : i32
        %get3A_453 = arith.index_cast %add3A_452 : i32 to index
        %get3A_454 = arith.constant 80 : index
        %get3A_455 = tpu.vector_load %arg18[%get3A_453, %get3A_454] {strides = array<i32>} : memref<80x128xf32, #tpu.memory_space<vmem>>, vector<1x16xf32>,
        %get3A_456 = vector.shape_cast %get3A_455 : vector<1x16xf32> to vector<16xf32>
        %add3A_457 = arith.addf %get3A_450, %get3A_456 : vector<16xf32>
        %max3A_458 = arith.constant 0.000000e+00 : f32
        %max3A_459 = vector.broadcast %max3A_458 : f32 to vector<16xf32>
        %max3A_460 = arith.maximumf %add3A_457, %max3A_459 : vector<16xf32>
        %swap3A_461 = arith.index_cast %scan3A_354 : i32 to index
        %swap3A_462 = arith.constant 80 : index
        %swap3A_463 = tpu.vector_load %arg16[%swap3A_461, %swap3A_462] {strides = array<i32>} : memref<40x128xf32, #tpu.memory_space<vmem>>, vector<1x16xf32>,
        %swap3A_464 = vector.shape_cast %swap3A_463 : vector<1x16xf32> to vector<16xf32>
        %swap3A_465 = vector.shape_cast %max3A_460 : vector<16xf32> to vector<1x16xf32>
        tpu.vector_store %arg16[%swap3A_461, %swap3A_462], %swap3A_465 {strides = array<i32>} : memref<40x128xf32, #tpu.memory_space<vmem>>, vector<1x16xf32>,
        %get3A_466 = arith.index_cast %scan3A_354 : i32 to index
        %get3A_467 = arith.constant 96 : index
        %get3A_468 = tpu.vector_load %arg16[%get3A_466, %get3A_467] {strides = array<i32>} : memref<40x128xf32, #tpu.memory_space<vmem>>, vector<1x16xf32>,
        %get3A_469 = vector.shape_cast %get3A_468 : vector<1x16xf32> to vector<16xf32>
        %add3A_470 = arith.constant 40 : i32
        %add3A_471 = arith.addi %scan3A_354, %add3A_470 : i32
        %get3A_472 = arith.index_cast %add3A_471 : i32 to index
        %get3A_473 = arith.constant 96 : index
        %get3A_474 = tpu.vector_load %arg18[%get3A_472, %get3A_473] {strides = array<i32>} : memref<80x128xf32, #tpu.memory_space<vmem>>, vector<1x16xf32>,
        %get3A_475 = vector.shape_cast %get3A_474 : vector<1x16xf32> to vector<16xf32>
        %add3A_476 = arith.addf %get3A_469, %get3A_475 : vector<16xf32>
        %max3A_477 = arith.constant 0.000000e+00 : f32
        %max3A_478 = vector.broadcast %max3A_477 : f32 to vector<16xf32>
        %max3A_479 = arith.maximumf %add3A_476, %max3A_478 : vector<16xf32>
        %swap3A_480 = arith.index_cast %scan3A_354 : i32 to index
        %swap3A_481 = arith.constant 96 : index
        %swap3A_482 = tpu.vector_load %arg16[%swap3A_480, %swap3A_481] {strides = array<i32>} : memref<40x128xf32, #tpu.memory_space<vmem>>, vector<1x16xf32>,
        %swap3A_483 = vector.shape_cast %swap3A_482 : vector<1x16xf32> to vector<16xf32>
        %swap3A_484 = vector.shape_cast %max3A_479 : vector<16xf32> to vector<1x16xf32>
        tpu.vector_store %arg16[%swap3A_480, %swap3A_481], %swap3A_484 {strides = array<i32>} : memref<40x128xf32, #tpu.memory_space<vmem>>, vector<1x16xf32>,
        %get3A_485 = arith.index_cast %scan3A_354 : i32 to index
        %get3A_486 = arith.constant 112 : index
        %get3A_487 = tpu.vector_load %arg16[%get3A_485, %get3A_486] {strides = array<i32>} : memref<40x128xf32, #tpu.memory_space<vmem>>, vector<1x16xf32>,
        %get3A_488 = vector.shape_cast %get3A_487 : vector<1x16xf32> to vector<16xf32>
        %add3A_489 = arith.constant 40 : i32
        %add3A_490 = arith.addi %scan3A_354, %add3A_489 : i32
        %get3A_491 = arith.index_cast %add3A_490 : i32 to index
        %get3A_492 = arith.constant 112 : index
        %get3A_493 = tpu.vector_load %arg18[%get3A_491, %get3A_492] {strides = array<i32>} : memref<80x128xf32, #tpu.memory_space<vmem>>, vector<1x16xf32>,
        %get3A_494 = vector.shape_cast %get3A_493 : vector<1x16xf32> to vector<16xf32>
        %add3A_495 = arith.addf %get3A_488, %get3A_494 : vector<16xf32>
        %max3A_496 = arith.constant 0.000000e+00 : f32
        %max3A_497 = vector.broadcast %max3A_496 : f32 to vector<16xf32>
        %max3A_498 = arith.maximumf %add3A_495, %max3A_497 : vector<16xf32>
        %swap3A_499 = arith.index_cast %scan3A_354 : i32 to index
        %swap3A_500 = arith.constant 112 : index
        %swap3A_501 = tpu.vector_load %arg16[%swap3A_499, %swap3A_500] {strides = array<i32>} : memref<40x128xf32, #tpu.memory_space<vmem>>, vector<1x16xf32>,
        %swap3A_502 = vector.shape_cast %swap3A_501 : vector<1x16xf32> to vector<16xf32>
        %swap3A_503 = vector.shape_cast %max3A_498 : vector<16xf32> to vector<1x16xf32>
        tpu.vector_store %arg16[%swap3A_499, %swap3A_500], %swap3A_503 {strides = array<i32>} : memref<40x128xf32, #tpu.memory_space<vmem>>, vector<1x16xf32>,
      }
      %scan3A_314 = arith.constant 40 : i32
      %dma_wait3A_315 = arith.constant 0 : i32
      %dma_wait3A_316 = tpu.memref_slice %arg4[%dma_wait3A_315] : memref<160000xi32, #tpu.memory_space<hbm>> -> memref<40xi32, #tpu.memory_space<hbm>>
      %dma_wait3A_317 = arith.constant 0 : i32
      %dma_wait3A_318 = tpu.memref_slice %arg4[%dma_wait3A_317] : memref<160000xi32, #tpu.memory_space<hbm>> -> memref<40xi32, #tpu.memory_space<hbm>>
      tpu.wait_dma2 semaphore(%arg29 : memref<!tpu.dma_semaphore, #tpu.memory_space<semaphore_mem>>) src(%dma_wait3A_318 : memref<40xi32, #tpu.memory_space<hbm>>) dst(%arg12 : memref<40xi32, #tpu.memory_space<vmem>>)
      %dma_start3A_319 = arith.constant 0 : i32
      %dma_start3A_320 = arith.constant 0 : i32
      %dma_start3A_321 = tpu.memref_slice %arg19[%dma_start3A_319, %dma_start3A_320] : memref<10000x128xf32, #tpu.memory_space<vmem_shared>> -> memref<10000x128xf32, #tpu.memory_space<vmem_shared>>
      tpu.enqueue_indirect_dma source(%arg16 : memref<40x128xf32, #tpu.memory_space<vmem>>) target(%dma_start3A_321 : memref<10000x128xf32, #tpu.memory_space<vmem_shared>>) offsets(%arg12 : memref<40xi32, #tpu.memory_space<vmem>>) semaphore(%arg33 : memref<!tpu.dma_semaphore, #tpu.memory_space<semaphore_mem>>) {add = true}
      %add3A_322 = arith.constant 3 : i32
      %add3A_323 = arith.addi %mul3A_203, %add3A_322 : i32
      %mul3A_324 = arith.constant 80 : i32
      %mul3A_325 = arith.muli %add3A_323, %mul3A_324 : i32
      %add3A_326 = arith.addi %mul3A_0, %mul3A_325 : i32
      %multiple_of3A_327 = tpu.assume_multiple %add3A_326, 80 : i32
      %dma_wait3A_328 = arith.constant 0 : i32
      %dma_wait3A_329 = tpu.memref_slice %arg3[%dma_wait3A_328] : memref<160000xi32, #tpu.memory_space<hbm>> -> memref<80xi32, #tpu.memory_space<hbm>>
      %dma_wait3A_330 = arith.constant 0 : i32
      %dma_wait3A_331 = tpu.memref_slice %arg3[%dma_wait3A_330] : memref<160000xi32, #tpu.memory_space<hbm>> -> memref<80xi32, #tpu.memory_space<hbm>>
      tpu.wait_dma2 semaphore(%arg35 : memref<!tpu.dma_semaphore, #tpu.memory_space<semaphore_mem>>) src(%dma_wait3A_331 : memref<80xi32, #tpu.memory_space<hbm>>) dst(%arg8 : memref<80xi32, #tpu.memory_space<vmem>>)
      %dma_start3A_332 = tpu.memref_slice %arg5[%multiple_of3A_327, %multiple_of3A] : memref<160000x256xf32, #tpu.memory_space<hbm>> -> memref<80x128xf32, #tpu.memory_space<hbm>>
      %dma_start3A_333 = tpu.memref_slice %arg5[%multiple_of3A_327, %multiple_of3A] : memref<160000x256xf32, #tpu.memory_space<hbm>> -> memref<80x128xf32, #tpu.memory_space<hbm>>
      tpu.enqueue_dma source(%dma_start3A_333 : memref<80x128xf32, #tpu.memory_space<hbm>>) target(%arg18 : memref<80x128xf32, #tpu.memory_space<vmem>>) target_semaphore(%arg25 : memref<!tpu.dma_semaphore, #tpu.memory_space<semaphore_mem>>)
      %dma_wait3A_334 = arith.constant 0 : i32
      %dma_wait3A_335 = arith.constant 0 : i32
      %dma_wait3A_336 = tpu.memref_slice %arg19[%dma_wait3A_334, %dma_wait3A_335] : memref<10000x128xf32, #tpu.memory_space<vmem_shared>> -> memref<10000x128xf32, #tpu.memory_space<vmem_shared>>
      tpu.wait_indirect_dma semaphore(%arg31 : memref<!tpu.dma_semaphore, #tpu.memory_space<semaphore_mem>>) src(%arg14 : memref<40x128xf32, #tpu.memory_space<vmem>>) dst(%dma_wait3A_336 : memref<10000x128xf32, #tpu.memory_space<vmem_shared>>)
      %dma_wait3A_337 = arith.constant 0 : i32
      %dma_wait3A_338 = arith.constant 0 : i32
      %dma_wait3A_339 = tpu.memref_slice %arg19[%dma_wait3A_337, %dma_wait3A_338] : memref<10000x128xf32, #tpu.memory_space<vmem_shared>> -> memref<10000x128xf32, #tpu.memory_space<vmem_shared>>
      tpu.wait_indirect_dma semaphore(%arg33 : memref<!tpu.dma_semaphore, #tpu.memory_space<semaphore_mem>>) src(%arg16 : memref<40x128xf32, #tpu.memory_space<vmem>>) dst(%dma_wait3A_339 : memref<10000x128xf32, #tpu.memory_space<vmem_shared>>)
      %dma_start3A_340 = tpu.memref_slice %arg4[%multiple_of3A_327] : memref<160000xi32, #tpu.memory_space<hbm>> -> memref<40xi32, #tpu.memory_space<hbm>>
      %dma_start3A_341 = tpu.memref_slice %arg4[%multiple_of3A_327] : memref<160000xi32, #tpu.memory_space<hbm>> -> memref<40xi32, #tpu.memory_space<hbm>>
      tpu.enqueue_dma source(%dma_start3A_341 : memref<40xi32, #tpu.memory_space<hbm>>) target(%arg10 : memref<40xi32, #tpu.memory_space<vmem>>) target_semaphore(%arg27 : memref<!tpu.dma_semaphore, #tpu.memory_space<semaphore_mem>>)
      %add3A_342 = arith.constant 40 : i32
      %add3A_343 = arith.addi %multiple_of3A_327, %add3A_342 : i32
      %dma_start3A_344 = tpu.memref_slice %arg4[%add3A_343] : memref<160000xi32, #tpu.memory_space<hbm>> -> memref<40xi32, #tpu.memory_space<hbm>>
      %dma_start3A_345 = tpu.memref_slice %arg4[%add3A_343] : memref<160000xi32, #tpu.memory_space<hbm>> -> memref<40xi32, #tpu.memory_space<hbm>>
      tpu.enqueue_dma source(%dma_start3A_345 : memref<40xi32, #tpu.memory_space<hbm>>) target(%arg12 : memref<40xi32, #tpu.memory_space<vmem>>) target_semaphore(%arg29 : memref<!tpu.dma_semaphore, #tpu.memory_space<semaphore_mem>>)
      %dma_start3A_346 = arith.constant 0 : i32
      %dma_start3A_347 = tpu.memref_slice %arg8[%dma_start3A_346] : memref<80xi32, #tpu.memory_space<vmem>> -> memref<40xi32, #tpu.memory_space<vmem>>
      %dma_start3A_348 = arith.constant 0 : i32
      %dma_start3A_349 = tpu.memref_slice %arg2[%dma_start3A_348, %multiple_of3A] : memref<10000x256xf32, #tpu.memory_space<hbm>> -> memref<10000x128xf32, #tpu.memory_space<hbm>>
      tpu.enqueue_indirect_dma source(%dma_start3A_349 : memref<10000x128xf32, #tpu.memory_space<hbm>>) target(%arg14 : memref<40x128xf32, #tpu.memory_space<vmem>>) offsets(%dma_start3A_347 : memref<40xi32, #tpu.memory_space<vmem>>) semaphore(%arg21 : memref<!tpu.dma_semaphore, #tpu.memory_space<semaphore_mem>>)
      %dma_start3A_350 = arith.constant 40 : i32
      %dma_start3A_351 = tpu.memref_slice %arg8[%dma_start3A_350] : memref<80xi32, #tpu.memory_space<vmem>> -> memref<40xi32, #tpu.memory_space<vmem>>
      %dma_start3A_352 = arith.constant 0 : i32
      %dma_start3A_353 = tpu.memref_slice %arg2[%dma_start3A_352, %multiple_of3A] : memref<10000x256xf32, #tpu.memory_space<hbm>> -> memref<10000x128xf32, #tpu.memory_space<hbm>>
      tpu.enqueue_indirect_dma source(%dma_start3A_353 : memref<10000x128xf32, #tpu.memory_space<hbm>>) target(%arg16 : memref<40x128xf32, #tpu.memory_space<vmem>>) offsets(%dma_start3A_351 : memref<40xi32, #tpu.memory_space<vmem>>) semaphore(%arg23 : memref<!tpu.dma_semaphore, #tpu.memory_space<semaphore_mem>>)
    }
    %scan3A_47 = arith.constant 61 : i32
    %dma_wait3A = arith.constant 0 : i32
    %dma_wait3A_48 = tpu.memref_slice %arg2[%dma_wait3A, %multiple_of3A] : memref<10000x256xf32, #tpu.memory_space<hbm>> -> memref<10000x128xf32, #tpu.memory_space<hbm>>
    tpu.wait_indirect_dma semaphore(%arg20 : memref<!tpu.dma_semaphore, #tpu.memory_space<semaphore_mem>>) src(%dma_wait3A_48 : memref<10000x128xf32, #tpu.memory_space<hbm>>) dst(%arg13 : memref<40x128xf32, #tpu.memory_space<vmem>>)
    %dma_wait3A_49 = arith.constant 0 : i32
    %dma_wait3A_50 = tpu.memref_slice %arg2[%dma_wait3A_49, %multiple_of3A] : memref<10000x256xf32, #tpu.memory_space<hbm>> -> memref<10000x128xf32, #tpu.memory_space<hbm>>
    tpu.wait_indirect_dma semaphore(%arg22 : memref<!tpu.dma_semaphore, #tpu.memory_space<semaphore_mem>>) src(%dma_wait3A_50 : memref<10000x128xf32, #tpu.memory_space<hbm>>) dst(%arg15 : memref<40x128xf32, #tpu.memory_space<vmem>>)
    %add3A_51 = arith.constant 9920 : i32
    %add3A_52 = arith.addi %mul3A_0, %add3A_51 : i32
    %multiple_of3A_53 = tpu.assume_multiple %add3A_52, 80 : i32
    %dma_start3A_54 = tpu.memref_slice %arg3[%multiple_of3A_53] : memref<160000xi32, #tpu.memory_space<hbm>> -> memref<80xi32, #tpu.memory_space<hbm>>
    %dma_start3A_55 = tpu.memref_slice %arg3[%multiple_of3A_53] : memref<160000xi32, #tpu.memory_space<hbm>> -> memref<80xi32, #tpu.memory_space<hbm>>
    tpu.enqueue_dma source(%dma_start3A_55 : memref<80xi32, #tpu.memory_space<hbm>>) target(%arg7 : memref<80xi32, #tpu.memory_space<vmem>>) target_semaphore(%arg34 : memref<!tpu.dma_semaphore, #tpu.memory_space<semaphore_mem>>)
    %dma_wait3A_56 = arith.constant 0 : i32
    %dma_wait3A_57 = tpu.memref_slice %arg5[%dma_wait3A_56, %multiple_of3A] : memref<160000x256xf32, #tpu.memory_space<hbm>> -> memref<80x128xf32, #tpu.memory_space<hbm>>
    %dma_wait3A_58 = arith.constant 0 : i32
    %dma_wait3A_59 = tpu.memref_slice %arg5[%dma_wait3A_58, %multiple_of3A] : memref<160000x256xf32, #tpu.memory_space<hbm>> -> memref<80x128xf32, #tpu.memory_space<hbm>>
    tpu.wait_dma2 semaphore(%arg24 : memref<!tpu.dma_semaphore, #tpu.memory_space<semaphore_mem>>) src(%dma_wait3A_59 : memref<80x128xf32, #tpu.memory_space<hbm>>) dst(%arg17 : memref<80x128xf32, #tpu.memory_space<vmem>>)
    %scan3A_60 = arith.constant 0 : i32
    %scan3A_61 = arith.constant 0 : i32
    %scan3A_62 = arith.constant 40 : i32
    %scan3A_63 = arith.addi %scan3A_61, %scan3A_62 : i32
    %scan3A_64 = arith.constant 1 : i32
    scf.for %scan3A_201 = %scan3A_61 to %scan3A_63 step %scan3A_64  : i32 {
      %get3A = arith.index_cast %scan3A_201 : i32 to index
      %get3A_202 = arith.constant 0 : index
      %get3A_203 = tpu.vector_load %arg13[%get3A, %get3A_202] {strides = array<i32>} : memref<40x128xf32, #tpu.memory_space<vmem>>, vector<1x16xf32>,
      %get3A_204 = vector.shape_cast %get3A_203 : vector<1x16xf32> to vector<16xf32>
      %get3A_205 = arith.index_cast %scan3A_201 : i32 to index
      %get3A_206 = arith.constant 0 : index
      %get3A_207 = tpu.vector_load %arg17[%get3A_205, %get3A_206] {strides = array<i32>} : memref<80x128xf32, #tpu.memory_space<vmem>>, vector<1x16xf32>,
      %get3A_208 = vector.shape_cast %get3A_207 : vector<1x16xf32> to vector<16xf32>
      %add3A_209 = arith.addf %get3A_204, %get3A_208 : vector<16xf32>
      %max3A = arith.constant 0.000000e+00 : f32
      %max3A_210 = vector.broadcast %max3A : f32 to vector<16xf32>
      %max3A_211 = arith.maximumf %add3A_209, %max3A_210 : vector<16xf32>
      %swap3A = arith.index_cast %scan3A_201 : i32 to index
      %swap3A_212 = arith.constant 0 : index
      %swap3A_213 = tpu.vector_load %arg13[%swap3A, %swap3A_212] {strides = array<i32>} : memref<40x128xf32, #tpu.memory_space<vmem>>, vector<1x16xf32>,
      %swap3A_214 = vector.shape_cast %swap3A_213 : vector<1x16xf32> to vector<16xf32>
      %swap3A_215 = vector.shape_cast %max3A_211 : vector<16xf32> to vector<1x16xf32>
      tpu.vector_store %arg13[%swap3A, %swap3A_212], %swap3A_215 {strides = array<i32>} : memref<40x128xf32, #tpu.memory_space<vmem>>, vector<1x16xf32>,
      %get3A_216 = arith.index_cast %scan3A_201 : i32 to index
      %get3A_217 = arith.constant 16 : index
      %get3A_218 = tpu.vector_load %arg13[%get3A_216, %get3A_217] {strides = array<i32>} : memref<40x128xf32, #tpu.memory_space<vmem>>, vector<1x16xf32>,
      %get3A_219 = vector.shape_cast %get3A_218 : vector<1x16xf32> to vector<16xf32>
      %get3A_220 = arith.index_cast %scan3A_201 : i32 to index
      %get3A_221 = arith.constant 16 : index
      %get3A_222 = tpu.vector_load %arg17[%get3A_220, %get3A_221] {strides = array<i32>} : memref<80x128xf32, #tpu.memory_space<vmem>>, vector<1x16xf32>,
      %get3A_223 = vector.shape_cast %get3A_222 : vector<1x16xf32> to vector<16xf32>
      %add3A_224 = arith.addf %get3A_219, %get3A_223 : vector<16xf32>
      %max3A_225 = arith.constant 0.000000e+00 : f32
      %max3A_226 = vector.broadcast %max3A_225 : f32 to vector<16xf32>
      %max3A_227 = arith.maximumf %add3A_224, %max3A_226 : vector<16xf32>
      %swap3A_228 = arith.index_cast %scan3A_201 : i32 to index
      %swap3A_229 = arith.constant 16 : index
      %swap3A_230 = tpu.vector_load %arg13[%swap3A_228, %swap3A_229] {strides = array<i32>} : memref<40x128xf32, #tpu.memory_space<vmem>>, vector<1x16xf32>,
      %swap3A_231 = vector.shape_cast %swap3A_230 : vector<1x16xf32> to vector<16xf32>
      %swap3A_232 = vector.shape_cast %max3A_227 : vector<16xf32> to vector<1x16xf32>
      tpu.vector_store %arg13[%swap3A_228, %swap3A_229], %swap3A_232 {strides = array<i32>} : memref<40x128xf32, #tpu.memory_space<vmem>>, vector<1x16xf32>,
      %get3A_233 = arith.index_cast %scan3A_201 : i32 to index
      %get3A_234 = arith.constant 32 : index
      %get3A_235 = tpu.vector_load %arg13[%get3A_233, %get3A_234] {strides = array<i32>} : memref<40x128xf32, #tpu.memory_space<vmem>>, vector<1x16xf32>,
      %get3A_236 = vector.shape_cast %get3A_235 : vector<1x16xf32> to vector<16xf32>
      %get3A_237 = arith.index_cast %scan3A_201 : i32 to index
      %get3A_238 = arith.constant 32 : index
      %get3A_239 = tpu.vector_load %arg17[%get3A_237, %get3A_238] {strides = array<i32>} : memref<80x128xf32, #tpu.memory_space<vmem>>, vector<1x16xf32>,
      %get3A_240 = vector.shape_cast %get3A_239 : vector<1x16xf32> to vector<16xf32>
      %add3A_241 = arith.addf %get3A_236, %get3A_240 : vector<16xf32>
      %max3A_242 = arith.constant 0.000000e+00 : f32
      %max3A_243 = vector.broadcast %max3A_242 : f32 to vector<16xf32>
      %max3A_244 = arith.maximumf %add3A_241, %max3A_243 : vector<16xf32>
      %swap3A_245 = arith.index_cast %scan3A_201 : i32 to index
      %swap3A_246 = arith.constant 32 : index
      %swap3A_247 = tpu.vector_load %arg13[%swap3A_245, %swap3A_246] {strides = array<i32>} : memref<40x128xf32, #tpu.memory_space<vmem>>, vector<1x16xf32>,
      %swap3A_248 = vector.shape_cast %swap3A_247 : vector<1x16xf32> to vector<16xf32>
      %swap3A_249 = vector.shape_cast %max3A_244 : vector<16xf32> to vector<1x16xf32>
      tpu.vector_store %arg13[%swap3A_245, %swap3A_246], %swap3A_249 {strides = array<i32>} : memref<40x128xf32, #tpu.memory_space<vmem>>, vector<1x16xf32>,
      %get3A_250 = arith.index_cast %scan3A_201 : i32 to index
      %get3A_251 = arith.constant 48 : index
      %get3A_252 = tpu.vector_load %arg13[%get3A_250, %get3A_251] {strides = array<i32>} : memref<40x128xf32, #tpu.memory_space<vmem>>, vector<1x16xf32>,
      %get3A_253 = vector.shape_cast %get3A_252 : vector<1x16xf32> to vector<16xf32>
      %get3A_254 = arith.index_cast %scan3A_201 : i32 to index
      %get3A_255 = arith.constant 48 : index
      %get3A_256 = tpu.vector_load %arg17[%get3A_254, %get3A_255] {strides = array<i32>} : memref<80x128xf32, #tpu.memory_space<vmem>>, vector<1x16xf32>,
      %get3A_257 = vector.shape_cast %get3A_256 : vector<1x16xf32> to vector<16xf32>
      %add3A_258 = arith.addf %get3A_253, %get3A_257 : vector<16xf32>
      %max3A_259 = arith.constant 0.000000e+00 : f32
      %max3A_260 = vector.broadcast %max3A_259 : f32 to vector<16xf32>
      %max3A_261 = arith.maximumf %add3A_258, %max3A_260 : vector<16xf32>
      %swap3A_262 = arith.index_cast %scan3A_201 : i32 to index
      %swap3A_263 = arith.constant 48 : index
      %swap3A_264 = tpu.vector_load %arg13[%swap3A_262, %swap3A_263] {strides = array<i32>} : memref<40x128xf32, #tpu.memory_space<vmem>>, vector<1x16xf32>,
      %swap3A_265 = vector.shape_cast %swap3A_264 : vector<1x16xf32> to vector<16xf32>
      %swap3A_266 = vector.shape_cast %max3A_261 : vector<16xf32> to vector<1x16xf32>
      tpu.vector_store %arg13[%swap3A_262, %swap3A_263], %swap3A_266 {strides = array<i32>} : memref<40x128xf32, #tpu.memory_space<vmem>>, vector<1x16xf32>,
      %get3A_267 = arith.index_cast %scan3A_201 : i32 to index
      %get3A_268 = arith.constant 64 : index
      %get3A_269 = tpu.vector_load %arg13[%get3A_267, %get3A_268] {strides = array<i32>} : memref<40x128xf32, #tpu.memory_space<vmem>>, vector<1x16xf32>,
      %get3A_270 = vector.shape_cast %get3A_269 : vector<1x16xf32> to vector<16xf32>
      %get3A_271 = arith.index_cast %scan3A_201 : i32 to index
      %get3A_272 = arith.constant 64 : index
      %get3A_273 = tpu.vector_load %arg17[%get3A_271, %get3A_272] {strides = array<i32>} : memref<80x128xf32, #tpu.memory_space<vmem>>, vector<1x16xf32>,
      %get3A_274 = vector.shape_cast %get3A_273 : vector<1x16xf32> to vector<16xf32>
      %add3A_275 = arith.addf %get3A_270, %get3A_274 : vector<16xf32>
      %max3A_276 = arith.constant 0.000000e+00 : f32
      %max3A_277 = vector.broadcast %max3A_276 : f32 to vector<16xf32>
      %max3A_278 = arith.maximumf %add3A_275, %max3A_277 : vector<16xf32>
      %swap3A_279 = arith.index_cast %scan3A_201 : i32 to index
      %swap3A_280 = arith.constant 64 : index
      %swap3A_281 = tpu.vector_load %arg13[%swap3A_279, %swap3A_280] {strides = array<i32>} : memref<40x128xf32, #tpu.memory_space<vmem>>, vector<1x16xf32>,
      %swap3A_282 = vector.shape_cast %swap3A_281 : vector<1x16xf32> to vector<16xf32>
      %swap3A_283 = vector.shape_cast %max3A_278 : vector<16xf32> to vector<1x16xf32>
      tpu.vector_store %arg13[%swap3A_279, %swap3A_280], %swap3A_283 {strides = array<i32>} : memref<40x128xf32, #tpu.memory_space<vmem>>, vector<1x16xf32>,
      %get3A_284 = arith.index_cast %scan3A_201 : i32 to index
      %get3A_285 = arith.constant 80 : index
      %get3A_286 = tpu.vector_load %arg13[%get3A_284, %get3A_285] {strides = array<i32>} : memref<40x128xf32, #tpu.memory_space<vmem>>, vector<1x16xf32>,
      %get3A_287 = vector.shape_cast %get3A_286 : vector<1x16xf32> to vector<16xf32>
      %get3A_288 = arith.index_cast %scan3A_201 : i32 to index
      %get3A_289 = arith.constant 80 : index
      %get3A_290 = tpu.vector_load %arg17[%get3A_288, %get3A_289] {strides = array<i32>} : memref<80x128xf32, #tpu.memory_space<vmem>>, vector<1x16xf32>,
      %get3A_291 = vector.shape_cast %get3A_290 : vector<1x16xf32> to vector<16xf32>
      %add3A_292 = arith.addf %get3A_287, %get3A_291 : vector<16xf32>
      %max3A_293 = arith.constant 0.000000e+00 : f32
      %max3A_294 = vector.broadcast %max3A_293 : f32 to vector<16xf32>
      %max3A_295 = arith.maximumf %add3A_292, %max3A_294 : vector<16xf32>
      %swap3A_296 = arith.index_cast %scan3A_201 : i32 to index
      %swap3A_297 = arith.constant 80 : index
      %swap3A_298 = tpu.vector_load %arg13[%swap3A_296, %swap3A_297] {strides = array<i32>} : memref<40x128xf32, #tpu.memory_space<vmem>>, vector<1x16xf32>,
      %swap3A_299 = vector.shape_cast %swap3A_298 : vector<1x16xf32> to vector<16xf32>
      %swap3A_300 = vector.shape_cast %max3A_295 : vector<16xf32> to vector<1x16xf32>
      tpu.vector_store %arg13[%swap3A_296, %swap3A_297], %swap3A_300 {strides = array<i32>} : memref<40x128xf32, #tpu.memory_space<vmem>>, vector<1x16xf32>,
      %get3A_301 = arith.index_cast %scan3A_201 : i32 to index
      %get3A_302 = arith.constant 96 : index
      %get3A_303 = tpu.vector_load %arg13[%get3A_301, %get3A_302] {strides = array<i32>} : memref<40x128xf32, #tpu.memory_space<vmem>>, vector<1x16xf32>,
      %get3A_304 = vector.shape_cast %get3A_303 : vector<1x16xf32> to vector<16xf32>
      %get3A_305 = arith.index_cast %scan3A_201 : i32 to index
      %get3A_306 = arith.constant 96 : index
      %get3A_307 = tpu.vector_load %arg17[%get3A_305, %get3A_306] {strides = array<i32>} : memref<80x128xf32, #tpu.memory_space<vmem>>, vector<1x16xf32>,
      %get3A_308 = vector.shape_cast %get3A_307 : vector<1x16xf32> to vector<16xf32>
      %add3A_309 = arith.addf %get3A_304, %get3A_308 : vector<16xf32>
      %max3A_310 = arith.constant 0.000000e+00 : f32
      %max3A_311 = vector.broadcast %max3A_310 : f32 to vector<16xf32>
      %max3A_312 = arith.maximumf %add3A_309, %max3A_311 : vector<16xf32>
      %swap3A_313 = arith.index_cast %scan3A_201 : i32 to index
      %swap3A_314 = arith.constant 96 : index
      %swap3A_315 = tpu.vector_load %arg13[%swap3A_313, %swap3A_314] {strides = array<i32>} : memref<40x128xf32, #tpu.memory_space<vmem>>, vector<1x16xf32>,
      %swap3A_316 = vector.shape_cast %swap3A_315 : vector<1x16xf32> to vector<16xf32>
      %swap3A_317 = vector.shape_cast %max3A_312 : vector<16xf32> to vector<1x16xf32>
      tpu.vector_store %arg13[%swap3A_313, %swap3A_314], %swap3A_317 {strides = array<i32>} : memref<40x128xf32, #tpu.memory_space<vmem>>, vector<1x16xf32>,
      %get3A_318 = arith.index_cast %scan3A_201 : i32 to index
      %get3A_319 = arith.constant 112 : index
      %get3A_320 = tpu.vector_load %arg13[%get3A_318, %get3A_319] {strides = array<i32>} : memref<40x128xf32, #tpu.memory_space<vmem>>, vector<1x16xf32>,
      %get3A_321 = vector.shape_cast %get3A_320 : vector<1x16xf32> to vector<16xf32>
      %get3A_322 = arith.index_cast %scan3A_201 : i32 to index
      %get3A_323 = arith.constant 112 : index
      %get3A_324 = tpu.vector_load %arg17[%get3A_322, %get3A_323] {strides = array<i32>} : memref<80x128xf32, #tpu.memory_space<vmem>>, vector<1x16xf32>,
      %get3A_325 = vector.shape_cast %get3A_324 : vector<1x16xf32> to vector<16xf32>
      %add3A_326 = arith.addf %get3A_321, %get3A_325 : vector<16xf32>
      %max3A_327 = arith.constant 0.000000e+00 : f32
      %max3A_328 = vector.broadcast %max3A_327 : f32 to vector<16xf32>
      %max3A_329 = arith.maximumf %add3A_326, %max3A_328 : vector<16xf32>
      %swap3A_330 = arith.index_cast %scan3A_201 : i32 to index
      %swap3A_331 = arith.constant 112 : index
      %swap3A_332 = tpu.vector_load %arg13[%swap3A_330, %swap3A_331] {strides = array<i32>} : memref<40x128xf32, #tpu.memory_space<vmem>>, vector<1x16xf32>,
      %swap3A_333 = vector.shape_cast %swap3A_332 : vector<1x16xf32> to vector<16xf32>
      %swap3A_334 = vector.shape_cast %max3A_329 : vector<16xf32> to vector<1x16xf32>
      tpu.vector_store %arg13[%swap3A_330, %swap3A_331], %swap3A_334 {strides = array<i32>} : memref<40x128xf32, #tpu.memory_space<vmem>>, vector<1x16xf32>,
    }
    %scan3A_65 = arith.constant 40 : i32
    %dma_wait3A_66 = arith.constant 0 : i32
    %dma_wait3A_67 = tpu.memref_slice %arg4[%dma_wait3A_66] : memref<160000xi32, #tpu.memory_space<hbm>> -> memref<40xi32, #tpu.memory_space<hbm>>
    %dma_wait3A_68 = arith.constant 0 : i32
    %dma_wait3A_69 = tpu.memref_slice %arg4[%dma_wait3A_68] : memref<160000xi32, #tpu.memory_space<hbm>> -> memref<40xi32, #tpu.memory_space<hbm>>
    tpu.wait_dma2 semaphore(%arg26 : memref<!tpu.dma_semaphore, #tpu.memory_space<semaphore_mem>>) src(%dma_wait3A_69 : memref<40xi32, #tpu.memory_space<hbm>>) dst(%arg9 : memref<40xi32, #tpu.memory_space<vmem>>)
    %dma_start3A_70 = arith.constant 0 : i32
    %dma_start3A_71 = arith.constant 0 : i32
    %dma_start3A_72 = tpu.memref_slice %arg19[%dma_start3A_70, %dma_start3A_71] : memref<10000x128xf32, #tpu.memory_space<vmem_shared>> -> memref<10000x128xf32, #tpu.memory_space<vmem_shared>>
    tpu.enqueue_indirect_dma source(%arg13 : memref<40x128xf32, #tpu.memory_space<vmem>>) target(%dma_start3A_72 : memref<10000x128xf32, #tpu.memory_space<vmem_shared>>) offsets(%arg9 : memref<40xi32, #tpu.memory_space<vmem>>) semaphore(%arg30 : memref<!tpu.dma_semaphore, #tpu.memory_space<semaphore_mem>>) {add = true}
    %scan3A_73 = arith.constant 0 : i32
    %scan3A_74 = arith.constant 0 : i32
    %scan3A_75 = arith.constant 40 : i32
    %scan3A_76 = arith.addi %scan3A_74, %scan3A_75 : i32
    %scan3A_77 = arith.constant 1 : i32
    scf.for %scan3A_201 = %scan3A_74 to %scan3A_76 step %scan3A_77  : i32 {
      %get3A = arith.index_cast %scan3A_201 : i32 to index
      %get3A_202 = arith.constant 0 : index
      %get3A_203 = tpu.vector_load %arg15[%get3A, %get3A_202] {strides = array<i32>} : memref<40x128xf32, #tpu.memory_space<vmem>>, vector<1x16xf32>,
      %get3A_204 = vector.shape_cast %get3A_203 : vector<1x16xf32> to vector<16xf32>
      %add3A_205 = arith.constant 40 : i32
      %add3A_206 = arith.addi %scan3A_201, %add3A_205 : i32
      %get3A_207 = arith.index_cast %add3A_206 : i32 to index
      %get3A_208 = arith.constant 0 : index
      %get3A_209 = tpu.vector_load %arg17[%get3A_207, %get3A_208] {strides = array<i32>} : memref<80x128xf32, #tpu.memory_space<vmem>>, vector<1x16xf32>,
      %get3A_210 = vector.shape_cast %get3A_209 : vector<1x16xf32> to vector<16xf32>
      %add3A_211 = arith.addf %get3A_204, %get3A_210 : vector<16xf32>
      %max3A = arith.constant 0.000000e+00 : f32
      %max3A_212 = vector.broadcast %max3A : f32 to vector<16xf32>
      %max3A_213 = arith.maximumf %add3A_211, %max3A_212 : vector<16xf32>
      %swap3A = arith.index_cast %scan3A_201 : i32 to index
      %swap3A_214 = arith.constant 0 : index
      %swap3A_215 = tpu.vector_load %arg15[%swap3A, %swap3A_214] {strides = array<i32>} : memref<40x128xf32, #tpu.memory_space<vmem>>, vector<1x16xf32>,
      %swap3A_216 = vector.shape_cast %swap3A_215 : vector<1x16xf32> to vector<16xf32>
      %swap3A_217 = vector.shape_cast %max3A_213 : vector<16xf32> to vector<1x16xf32>
      tpu.vector_store %arg15[%swap3A, %swap3A_214], %swap3A_217 {strides = array<i32>} : memref<40x128xf32, #tpu.memory_space<vmem>>, vector<1x16xf32>,
      %get3A_218 = arith.index_cast %scan3A_201 : i32 to index
      %get3A_219 = arith.constant 16 : index
      %get3A_220 = tpu.vector_load %arg15[%get3A_218, %get3A_219] {strides = array<i32>} : memref<40x128xf32, #tpu.memory_space<vmem>>, vector<1x16xf32>,
      %get3A_221 = vector.shape_cast %get3A_220 : vector<1x16xf32> to vector<16xf32>
      %add3A_222 = arith.constant 40 : i32
      %add3A_223 = arith.addi %scan3A_201, %add3A_222 : i32
      %get3A_224 = arith.index_cast %add3A_223 : i32 to index
      %get3A_225 = arith.constant 16 : index
      %get3A_226 = tpu.vector_load %arg17[%get3A_224, %get3A_225] {strides = array<i32>} : memref<80x128xf32, #tpu.memory_space<vmem>>, vector<1x16xf32>,
      %get3A_227 = vector.shape_cast %get3A_226 : vector<1x16xf32> to vector<16xf32>
      %add3A_228 = arith.addf %get3A_221, %get3A_227 : vector<16xf32>
      %max3A_229 = arith.constant 0.000000e+00 : f32
      %max3A_230 = vector.broadcast %max3A_229 : f32 to vector<16xf32>
      %max3A_231 = arith.maximumf %add3A_228, %max3A_230 : vector<16xf32>
      %swap3A_232 = arith.index_cast %scan3A_201 : i32 to index
      %swap3A_233 = arith.constant 16 : index
      %swap3A_234 = tpu.vector_load %arg15[%swap3A_232, %swap3A_233] {strides = array<i32>} : memref<40x128xf32, #tpu.memory_space<vmem>>, vector<1x16xf32>,
      %swap3A_235 = vector.shape_cast %swap3A_234 : vector<1x16xf32> to vector<16xf32>
      %swap3A_236 = vector.shape_cast %max3A_231 : vector<16xf32> to vector<1x16xf32>
      tpu.vector_store %arg15[%swap3A_232, %swap3A_233], %swap3A_236 {strides = array<i32>} : memref<40x128xf32, #tpu.memory_space<vmem>>, vector<1x16xf32>,
      %get3A_237 = arith.index_cast %scan3A_201 : i32 to index
      %get3A_238 = arith.constant 32 : index
      %get3A_239 = tpu.vector_load %arg15[%get3A_237, %get3A_238] {strides = array<i32>} : memref<40x128xf32, #tpu.memory_space<vmem>>, vector<1x16xf32>,
      %get3A_240 = vector.shape_cast %get3A_239 : vector<1x16xf32> to vector<16xf32>
      %add3A_241 = arith.constant 40 : i32
      %add3A_242 = arith.addi %scan3A_201, %add3A_241 : i32
      %get3A_243 = arith.index_cast %add3A_242 : i32 to index
      %get3A_244 = arith.constant 32 : index
      %get3A_245 = tpu.vector_load %arg17[%get3A_243, %get3A_244] {strides = array<i32>} : memref<80x128xf32, #tpu.memory_space<vmem>>, vector<1x16xf32>,
      %get3A_246 = vector.shape_cast %get3A_245 : vector<1x16xf32> to vector<16xf32>
      %add3A_247 = arith.addf %get3A_240, %get3A_246 : vector<16xf32>
      %max3A_248 = arith.constant 0.000000e+00 : f32
      %max3A_249 = vector.broadcast %max3A_248 : f32 to vector<16xf32>
      %max3A_250 = arith.maximumf %add3A_247, %max3A_249 : vector<16xf32>
      %swap3A_251 = arith.index_cast %scan3A_201 : i32 to index
      %swap3A_252 = arith.constant 32 : index
      %swap3A_253 = tpu.vector_load %arg15[%swap3A_251, %swap3A_252] {strides = array<i32>} : memref<40x128xf32, #tpu.memory_space<vmem>>, vector<1x16xf32>,
      %swap3A_254 = vector.shape_cast %swap3A_253 : vector<1x16xf32> to vector<16xf32>
      %swap3A_255 = vector.shape_cast %max3A_250 : vector<16xf32> to vector<1x16xf32>
      tpu.vector_store %arg15[%swap3A_251, %swap3A_252], %swap3A_255 {strides = array<i32>} : memref<40x128xf32, #tpu.memory_space<vmem>>, vector<1x16xf32>,
      %get3A_256 = arith.index_cast %scan3A_201 : i32 to index
      %get3A_257 = arith.constant 48 : index
      %get3A_258 = tpu.vector_load %arg15[%get3A_256, %get3A_257] {strides = array<i32>} : memref<40x128xf32, #tpu.memory_space<vmem>>, vector<1x16xf32>,
      %get3A_259 = vector.shape_cast %get3A_258 : vector<1x16xf32> to vector<16xf32>
      %add3A_260 = arith.constant 40 : i32
      %add3A_261 = arith.addi %scan3A_201, %add3A_260 : i32
      %get3A_262 = arith.index_cast %add3A_261 : i32 to index
      %get3A_263 = arith.constant 48 : index
      %get3A_264 = tpu.vector_load %arg17[%get3A_262, %get3A_263] {strides = array<i32>} : memref<80x128xf32, #tpu.memory_space<vmem>>, vector<1x16xf32>,
      %get3A_265 = vector.shape_cast %get3A_264 : vector<1x16xf32> to vector<16xf32>
      %add3A_266 = arith.addf %get3A_259, %get3A_265 : vector<16xf32>
      %max3A_267 = arith.constant 0.000000e+00 : f32
      %max3A_268 = vector.broadcast %max3A_267 : f32 to vector<16xf32>
      %max3A_269 = arith.maximumf %add3A_266, %max3A_268 : vector<16xf32>
      %swap3A_270 = arith.index_cast %scan3A_201 : i32 to index
      %swap3A_271 = arith.constant 48 : index
      %swap3A_272 = tpu.vector_load %arg15[%swap3A_270, %swap3A_271] {strides = array<i32>} : memref<40x128xf32, #tpu.memory_space<vmem>>, vector<1x16xf32>,
      %swap3A_273 = vector.shape_cast %swap3A_272 : vector<1x16xf32> to vector<16xf32>
      %swap3A_274 = vector.shape_cast %max3A_269 : vector<16xf32> to vector<1x16xf32>
      tpu.vector_store %arg15[%swap3A_270, %swap3A_271], %swap3A_274 {strides = array<i32>} : memref<40x128xf32, #tpu.memory_space<vmem>>, vector<1x16xf32>,
      %get3A_275 = arith.index_cast %scan3A_201 : i32 to index
      %get3A_276 = arith.constant 64 : index
      %get3A_277 = tpu.vector_load %arg15[%get3A_275, %get3A_276] {strides = array<i32>} : memref<40x128xf32, #tpu.memory_space<vmem>>, vector<1x16xf32>,
      %get3A_278 = vector.shape_cast %get3A_277 : vector<1x16xf32> to vector<16xf32>
      %add3A_279 = arith.constant 40 : i32
      %add3A_280 = arith.addi %scan3A_201, %add3A_279 : i32
      %get3A_281 = arith.index_cast %add3A_280 : i32 to index
      %get3A_282 = arith.constant 64 : index
      %get3A_283 = tpu.vector_load %arg17[%get3A_281, %get3A_282] {strides = array<i32>} : memref<80x128xf32, #tpu.memory_space<vmem>>, vector<1x16xf32>,
      %get3A_284 = vector.shape_cast %get3A_283 : vector<1x16xf32> to vector<16xf32>
      %add3A_285 = arith.addf %get3A_278, %get3A_284 : vector<16xf32>
      %max3A_286 = arith.constant 0.000000e+00 : f32
      %max3A_287 = vector.broadcast %max3A_286 : f32 to vector<16xf32>
      %max3A_288 = arith.maximumf %add3A_285, %max3A_287 : vector<16xf32>
      %swap3A_289 = arith.index_cast %scan3A_201 : i32 to index
      %swap3A_290 = arith.constant 64 : index
      %swap3A_291 = tpu.vector_load %arg15[%swap3A_289, %swap3A_290] {strides = array<i32>} : memref<40x128xf32, #tpu.memory_space<vmem>>, vector<1x16xf32>,
      %swap3A_292 = vector.shape_cast %swap3A_291 : vector<1x16xf32> to vector<16xf32>
      %swap3A_293 = vector.shape_cast %max3A_288 : vector<16xf32> to vector<1x16xf32>
      tpu.vector_store %arg15[%swap3A_289, %swap3A_290], %swap3A_293 {strides = array<i32>} : memref<40x128xf32, #tpu.memory_space<vmem>>, vector<1x16xf32>,
      %get3A_294 = arith.index_cast %scan3A_201 : i32 to index
      %get3A_295 = arith.constant 80 : index
      %get3A_296 = tpu.vector_load %arg15[%get3A_294, %get3A_295] {strides = array<i32>} : memref<40x128xf32, #tpu.memory_space<vmem>>, vector<1x16xf32>,
      %get3A_297 = vector.shape_cast %get3A_296 : vector<1x16xf32> to vector<16xf32>
      %add3A_298 = arith.constant 40 : i32
      %add3A_299 = arith.addi %scan3A_201, %add3A_298 : i32
      %get3A_300 = arith.index_cast %add3A_299 : i32 to index
      %get3A_301 = arith.constant 80 : index
      %get3A_302 = tpu.vector_load %arg17[%get3A_300, %get3A_301] {strides = array<i32>} : memref<80x128xf32, #tpu.memory_space<vmem>>, vector<1x16xf32>,
      %get3A_303 = vector.shape_cast %get3A_302 : vector<1x16xf32> to vector<16xf32>
      %add3A_304 = arith.addf %get3A_297, %get3A_303 : vector<16xf32>
      %max3A_305 = arith.constant 0.000000e+00 : f32
      %max3A_306 = vector.broadcast %max3A_305 : f32 to vector<16xf32>
      %max3A_307 = arith.maximumf %add3A_304, %max3A_306 : vector<16xf32>
      %swap3A_308 = arith.index_cast %scan3A_201 : i32 to index
      %swap3A_309 = arith.constant 80 : index
      %swap3A_310 = tpu.vector_load %arg15[%swap3A_308, %swap3A_309] {strides = array<i32>} : memref<40x128xf32, #tpu.memory_space<vmem>>, vector<1x16xf32>,
      %swap3A_311 = vector.shape_cast %swap3A_310 : vector<1x16xf32> to vector<16xf32>
      %swap3A_312 = vector.shape_cast %max3A_307 : vector<16xf32> to vector<1x16xf32>
      tpu.vector_store %arg15[%swap3A_308, %swap3A_309], %swap3A_312 {strides = array<i32>} : memref<40x128xf32, #tpu.memory_space<vmem>>, vector<1x16xf32>,
      %get3A_313 = arith.index_cast %scan3A_201 : i32 to index
      %get3A_314 = arith.constant 96 : index
      %get3A_315 = tpu.vector_load %arg15[%get3A_313, %get3A_314] {strides = array<i32>} : memref<40x128xf32, #tpu.memory_space<vmem>>, vector<1x16xf32>,
      %get3A_316 = vector.shape_cast %get3A_315 : vector<1x16xf32> to vector<16xf32>
      %add3A_317 = arith.constant 40 : i32
      %add3A_318 = arith.addi %scan3A_201, %add3A_317 : i32
      %get3A_319 = arith.index_cast %add3A_318 : i32 to index
      %get3A_320 = arith.constant 96 : index
      %get3A_321 = tpu.vector_load %arg17[%get3A_319, %get3A_320] {strides = array<i32>} : memref<80x128xf32, #tpu.memory_space<vmem>>, vector<1x16xf32>,
      %get3A_322 = vector.shape_cast %get3A_321 : vector<1x16xf32> to vector<16xf32>
      %add3A_323 = arith.addf %get3A_316, %get3A_322 : vector<16xf32>
      %max3A_324 = arith.constant 0.000000e+00 : f32
      %max3A_325 = vector.broadcast %max3A_324 : f32 to vector<16xf32>
      %max3A_326 = arith.maximumf %add3A_323, %max3A_325 : vector<16xf32>
      %swap3A_327 = arith.index_cast %scan3A_201 : i32 to index
      %swap3A_328 = arith.constant 96 : index
      %swap3A_329 = tpu.vector_load %arg15[%swap3A_327, %swap3A_328] {strides = array<i32>} : memref<40x128xf32, #tpu.memory_space<vmem>>, vector<1x16xf32>,
      %swap3A_330 = vector.shape_cast %swap3A_329 : vector<1x16xf32> to vector<16xf32>
      %swap3A_331 = vector.shape_cast %max3A_326 : vector<16xf32> to vector<1x16xf32>
      tpu.vector_store %arg15[%swap3A_327, %swap3A_328], %swap3A_331 {strides = array<i32>} : memref<40x128xf32, #tpu.memory_space<vmem>>, vector<1x16xf32>,
      %get3A_332 = arith.index_cast %scan3A_201 : i32 to index
      %get3A_333 = arith.constant 112 : index
      %get3A_334 = tpu.vector_load %arg15[%get3A_332, %get3A_333] {strides = array<i32>} : memref<40x128xf32, #tpu.memory_space<vmem>>, vector<1x16xf32>,
      %get3A_335 = vector.shape_cast %get3A_334 : vector<1x16xf32> to vector<16xf32>
      %add3A_336 = arith.constant 40 : i32
      %add3A_337 = arith.addi %scan3A_201, %add3A_336 : i32
      %get3A_338 = arith.index_cast %add3A_337 : i32 to index
      %get3A_339 = arith.constant 112 : index
      %get3A_340 = tpu.vector_load %arg17[%get3A_338, %get3A_339] {strides = array<i32>} : memref<80x128xf32, #tpu.memory_space<vmem>>, vector<1x16xf32>,
      %get3A_341 = vector.shape_cast %get3A_340 : vector<1x16xf32> to vector<16xf32>
      %add3A_342 = arith.addf %get3A_335, %get3A_341 : vector<16xf32>
      %max3A_343 = arith.constant 0.000000e+00 : f32
      %max3A_344 = vector.broadcast %max3A_343 : f32 to vector<16xf32>
      %max3A_345 = arith.maximumf %add3A_342, %max3A_344 : vector<16xf32>
      %swap3A_346 = arith.index_cast %scan3A_201 : i32 to index
      %swap3A_347 = arith.constant 112 : index
      %swap3A_348 = tpu.vector_load %arg15[%swap3A_346, %swap3A_347] {strides = array<i32>} : memref<40x128xf32, #tpu.memory_space<vmem>>, vector<1x16xf32>,
      %swap3A_349 = vector.shape_cast %swap3A_348 : vector<1x16xf32> to vector<16xf32>
      %swap3A_350 = vector.shape_cast %max3A_345 : vector<16xf32> to vector<1x16xf32>
      tpu.vector_store %arg15[%swap3A_346, %swap3A_347], %swap3A_350 {strides = array<i32>} : memref<40x128xf32, #tpu.memory_space<vmem>>, vector<1x16xf32>,
    }
    %scan3A_78 = arith.constant 40 : i32
    %dma_wait3A_79 = arith.constant 0 : i32
    %dma_wait3A_80 = tpu.memref_slice %arg4[%dma_wait3A_79] : memref<160000xi32, #tpu.memory_space<hbm>> -> memref<40xi32, #tpu.memory_space<hbm>>
    %dma_wait3A_81 = arith.constant 0 : i32
    %dma_wait3A_82 = tpu.memref_slice %arg4[%dma_wait3A_81] : memref<160000xi32, #tpu.memory_space<hbm>> -> memref<40xi32, #tpu.memory_space<hbm>>
    tpu.wait_dma2 semaphore(%arg28 : memref<!tpu.dma_semaphore, #tpu.memory_space<semaphore_mem>>) src(%dma_wait3A_82 : memref<40xi32, #tpu.memory_space<hbm>>) dst(%arg11 : memref<40xi32, #tpu.memory_space<vmem>>)
    %dma_start3A_83 = arith.constant 0 : i32
    %dma_start3A_84 = arith.constant 0 : i32
    %dma_start3A_85 = tpu.memref_slice %arg19[%dma_start3A_83, %dma_start3A_84] : memref<10000x128xf32, #tpu.memory_space<vmem_shared>> -> memref<10000x128xf32, #tpu.memory_space<vmem_shared>>
    tpu.enqueue_indirect_dma source(%arg15 : memref<40x128xf32, #tpu.memory_space<vmem>>) target(%dma_start3A_85 : memref<10000x128xf32, #tpu.memory_space<vmem_shared>>) offsets(%arg11 : memref<40xi32, #tpu.memory_space<vmem>>) semaphore(%arg32 : memref<!tpu.dma_semaphore, #tpu.memory_space<semaphore_mem>>) {add = true}
    %add3A_86 = arith.constant 9920 : i32
    %add3A_87 = arith.addi %mul3A_0, %add3A_86 : i32
    %multiple_of3A_88 = tpu.assume_multiple %add3A_87, 80 : i32
    %dma_wait3A_89 = arith.constant 0 : i32
    %dma_wait3A_90 = tpu.memref_slice %arg3[%dma_wait3A_89] : memref<160000xi32, #tpu.memory_space<hbm>> -> memref<80xi32, #tpu.memory_space<hbm>>
    %dma_wait3A_91 = arith.constant 0 : i32
    %dma_wait3A_92 = tpu.memref_slice %arg3[%dma_wait3A_91] : memref<160000xi32, #tpu.memory_space<hbm>> -> memref<80xi32, #tpu.memory_space<hbm>>
    tpu.wait_dma2 semaphore(%arg34 : memref<!tpu.dma_semaphore, #tpu.memory_space<semaphore_mem>>) src(%dma_wait3A_92 : memref<80xi32, #tpu.memory_space<hbm>>) dst(%arg7 : memref<80xi32, #tpu.memory_space<vmem>>)
    %dma_start3A_93 = tpu.memref_slice %arg5[%multiple_of3A_88, %multiple_of3A] : memref<160000x256xf32, #tpu.memory_space<hbm>> -> memref<80x128xf32, #tpu.memory_space<hbm>>
    %dma_start3A_94 = tpu.memref_slice %arg5[%multiple_of3A_88, %multiple_of3A] : memref<160000x256xf32, #tpu.memory_space<hbm>> -> memref<80x128xf32, #tpu.memory_space<hbm>>
    tpu.enqueue_dma source(%dma_start3A_94 : memref<80x128xf32, #tpu.memory_space<hbm>>) target(%arg17 : memref<80x128xf32, #tpu.memory_space<vmem>>) target_semaphore(%arg24 : memref<!tpu.dma_semaphore, #tpu.memory_space<semaphore_mem>>)
    %dma_wait3A_95 = arith.constant 0 : i32
    %dma_wait3A_96 = arith.constant 0 : i32
    %dma_wait3A_97 = tpu.memref_slice %arg19[%dma_wait3A_95, %dma_wait3A_96] : memref<10000x128xf32, #tpu.memory_space<vmem_shared>> -> memref<10000x128xf32, #tpu.memory_space<vmem_shared>>
    tpu.wait_indirect_dma semaphore(%arg30 : memref<!tpu.dma_semaphore, #tpu.memory_space<semaphore_mem>>) src(%arg13 : memref<40x128xf32, #tpu.memory_space<vmem>>) dst(%dma_wait3A_97 : memref<10000x128xf32, #tpu.memory_space<vmem_shared>>)
    %dma_wait3A_98 = arith.constant 0 : i32
    %dma_wait3A_99 = arith.constant 0 : i32
    %dma_wait3A_100 = tpu.memref_slice %arg19[%dma_wait3A_98, %dma_wait3A_99] : memref<10000x128xf32, #tpu.memory_space<vmem_shared>> -> memref<10000x128xf32, #tpu.memory_space<vmem_shared>>
    tpu.wait_indirect_dma semaphore(%arg32 : memref<!tpu.dma_semaphore, #tpu.memory_space<semaphore_mem>>) src(%arg15 : memref<40x128xf32, #tpu.memory_space<vmem>>) dst(%dma_wait3A_100 : memref<10000x128xf32, #tpu.memory_space<vmem_shared>>)
    %dma_start3A_101 = tpu.memref_slice %arg4[%multiple_of3A_88] : memref<160000xi32, #tpu.memory_space<hbm>> -> memref<40xi32, #tpu.memory_space<hbm>>
    %dma_start3A_102 = tpu.memref_slice %arg4[%multiple_of3A_88] : memref<160000xi32, #tpu.memory_space<hbm>> -> memref<40xi32, #tpu.memory_space<hbm>>
    tpu.enqueue_dma source(%dma_start3A_102 : memref<40xi32, #tpu.memory_space<hbm>>) target(%arg9 : memref<40xi32, #tpu.memory_space<vmem>>) target_semaphore(%arg26 : memref<!tpu.dma_semaphore, #tpu.memory_space<semaphore_mem>>)
    %add3A_103 = arith.constant 40 : i32
    %add3A_104 = arith.addi %multiple_of3A_88, %add3A_103 : i32
    %dma_start3A_105 = tpu.memref_slice %arg4[%add3A_104] : memref<160000xi32, #tpu.memory_space<hbm>> -> memref<40xi32, #tpu.memory_space<hbm>>
    %dma_start3A_106 = tpu.memref_slice %arg4[%add3A_104] : memref<160000xi32, #tpu.memory_space<hbm>> -> memref<40xi32, #tpu.memory_space<hbm>>
    tpu.enqueue_dma source(%dma_start3A_106 : memref<40xi32, #tpu.memory_space<hbm>>) target(%arg11 : memref<40xi32, #tpu.memory_space<vmem>>) target_semaphore(%arg28 : memref<!tpu.dma_semaphore, #tpu.memory_space<semaphore_mem>>)
    %dma_start3A_107 = arith.constant 0 : i32
    %dma_start3A_108 = tpu.memref_slice %arg7[%dma_start3A_107] : memref<80xi32, #tpu.memory_space<vmem>> -> memref<40xi32, #tpu.memory_space<vmem>>
    %dma_start3A_109 = arith.constant 0 : i32
    %dma_start3A_110 = tpu.memref_slice %arg2[%dma_start3A_109, %multiple_of3A] : memref<10000x256xf32, #tpu.memory_space<hbm>> -> memref<10000x128xf32, #tpu.memory_space<hbm>>
    tpu.enqueue_indirect_dma source(%dma_start3A_110 : memref<10000x128xf32, #tpu.memory_space<hbm>>) target(%arg13 : memref<40x128xf32, #tpu.memory_space<vmem>>) offsets(%dma_start3A_108 : memref<40xi32, #tpu.memory_space<vmem>>) semaphore(%arg20 : memref<!tpu.dma_semaphore, #tpu.memory_space<semaphore_mem>>)
    %dma_start3A_111 = arith.constant 40 : i32
    %dma_start3A_112 = tpu.memref_slice %arg7[%dma_start3A_111] : memref<80xi32, #tpu.memory_space<vmem>> -> memref<40xi32, #tpu.memory_space<vmem>>
    %dma_start3A_113 = arith.constant 0 : i32
    %dma_start3A_114 = tpu.memref_slice %arg2[%dma_start3A_113, %multiple_of3A] : memref<10000x256xf32, #tpu.memory_space<hbm>> -> memref<10000x128xf32, #tpu.memory_space<hbm>>
    tpu.enqueue_indirect_dma source(%dma_start3A_114 : memref<10000x128xf32, #tpu.memory_space<hbm>>) target(%arg15 : memref<40x128xf32, #tpu.memory_space<vmem>>) offsets(%dma_start3A_112 : memref<40xi32, #tpu.memory_space<vmem>>) semaphore(%arg22 : memref<!tpu.dma_semaphore, #tpu.memory_space<semaphore_mem>>)
    %dma_wait3A_115 = arith.constant 0 : i32
    %dma_wait3A_116 = tpu.memref_slice %arg2[%dma_wait3A_115, %multiple_of3A] : memref<10000x256xf32, #tpu.memory_space<hbm>> -> memref<10000x128xf32, #tpu.memory_space<hbm>>
    tpu.wait_indirect_dma semaphore(%arg21 : memref<!tpu.dma_semaphore, #tpu.memory_space<semaphore_mem>>) src(%dma_wait3A_116 : memref<10000x128xf32, #tpu.memory_space<hbm>>) dst(%arg14 : memref<40x128xf32, #tpu.memory_space<vmem>>)
    %dma_wait3A_117 = arith.constant 0 : i32
    %dma_wait3A_118 = tpu.memref_slice %arg2[%dma_wait3A_117, %multiple_of3A] : memref<10000x256xf32, #tpu.memory_space<hbm>> -> memref<10000x128xf32, #tpu.memory_space<hbm>>
    tpu.wait_indirect_dma semaphore(%arg23 : memref<!tpu.dma_semaphore, #tpu.memory_space<semaphore_mem>>) src(%dma_wait3A_118 : memref<10000x128xf32, #tpu.memory_space<hbm>>) dst(%arg16 : memref<40x128xf32, #tpu.memory_space<vmem>>)
    %dma_wait3A_119 = arith.constant 0 : i32
    %dma_wait3A_120 = tpu.memref_slice %arg5[%dma_wait3A_119, %multiple_of3A] : memref<160000x256xf32, #tpu.memory_space<hbm>> -> memref<80x128xf32, #tpu.memory_space<hbm>>
    %dma_wait3A_121 = arith.constant 0 : i32
    %dma_wait3A_122 = tpu.memref_slice %arg5[%dma_wait3A_121, %multiple_of3A] : memref<160000x256xf32, #tpu.memory_space<hbm>> -> memref<80x128xf32, #tpu.memory_space<hbm>>
    tpu.wait_dma2 semaphore(%arg25 : memref<!tpu.dma_semaphore, #tpu.memory_space<semaphore_mem>>) src(%dma_wait3A_122 : memref<80x128xf32, #tpu.memory_space<hbm>>) dst(%arg18 : memref<80x128xf32, #tpu.memory_space<vmem>>)
    %scan3A_123 = arith.constant 0 : i32
    %scan3A_124 = arith.constant 0 : i32
    %scan3A_125 = arith.constant 40 : i32
    %scan3A_126 = arith.addi %scan3A_124, %scan3A_125 : i32
    %scan3A_127 = arith.constant 1 : i32
    scf.for %scan3A_201 = %scan3A_124 to %scan3A_126 step %scan3A_127  : i32 {
      %get3A = arith.index_cast %scan3A_201 : i32 to index
      %get3A_202 = arith.constant 0 : index
      %get3A_203 = tpu.vector_load %arg14[%get3A, %get3A_202] {strides = array<i32>} : memref<40x128xf32, #tpu.memory_space<vmem>>, vector<1x16xf32>,
      %get3A_204 = vector.shape_cast %get3A_203 : vector<1x16xf32> to vector<16xf32>
      %get3A_205 = arith.index_cast %scan3A_201 : i32 to index
      %get3A_206 = arith.constant 0 : index
      %get3A_207 = tpu.vector_load %arg18[%get3A_205, %get3A_206] {strides = array<i32>} : memref<80x128xf32, #tpu.memory_space<vmem>>, vector<1x16xf32>,
      %get3A_208 = vector.shape_cast %get3A_207 : vector<1x16xf32> to vector<16xf32>
      %add3A_209 = arith.addf %get3A_204, %get3A_208 : vector<16xf32>
      %max3A = arith.constant 0.000000e+00 : f32
      %max3A_210 = vector.broadcast %max3A : f32 to vector<16xf32>
      %max3A_211 = arith.maximumf %add3A_209, %max3A_210 : vector<16xf32>
      %swap3A = arith.index_cast %scan3A_201 : i32 to index
      %swap3A_212 = arith.constant 0 : index
      %swap3A_213 = tpu.vector_load %arg14[%swap3A, %swap3A_212] {strides = array<i32>} : memref<40x128xf32, #tpu.memory_space<vmem>>, vector<1x16xf32>,
      %swap3A_214 = vector.shape_cast %swap3A_213 : vector<1x16xf32> to vector<16xf32>
      %swap3A_215 = vector.shape_cast %max3A_211 : vector<16xf32> to vector<1x16xf32>
      tpu.vector_store %arg14[%swap3A, %swap3A_212], %swap3A_215 {strides = array<i32>} : memref<40x128xf32, #tpu.memory_space<vmem>>, vector<1x16xf32>,
      %get3A_216 = arith.index_cast %scan3A_201 : i32 to index
      %get3A_217 = arith.constant 16 : index
      %get3A_218 = tpu.vector_load %arg14[%get3A_216, %get3A_217] {strides = array<i32>} : memref<40x128xf32, #tpu.memory_space<vmem>>, vector<1x16xf32>,
      %get3A_219 = vector.shape_cast %get3A_218 : vector<1x16xf32> to vector<16xf32>
      %get3A_220 = arith.index_cast %scan3A_201 : i32 to index
      %get3A_221 = arith.constant 16 : index
      %get3A_222 = tpu.vector_load %arg18[%get3A_220, %get3A_221] {strides = array<i32>} : memref<80x128xf32, #tpu.memory_space<vmem>>, vector<1x16xf32>,
      %get3A_223 = vector.shape_cast %get3A_222 : vector<1x16xf32> to vector<16xf32>
      %add3A_224 = arith.addf %get3A_219, %get3A_223 : vector<16xf32>
      %max3A_225 = arith.constant 0.000000e+00 : f32
      %max3A_226 = vector.broadcast %max3A_225 : f32 to vector<16xf32>
      %max3A_227 = arith.maximumf %add3A_224, %max3A_226 : vector<16xf32>
      %swap3A_228 = arith.index_cast %scan3A_201 : i32 to index
      %swap3A_229 = arith.constant 16 : index
      %swap3A_230 = tpu.vector_load %arg14[%swap3A_228, %swap3A_229] {strides = array<i32>} : memref<40x128xf32, #tpu.memory_space<vmem>>, vector<1x16xf32>,
      %swap3A_231 = vector.shape_cast %swap3A_230 : vector<1x16xf32> to vector<16xf32>
      %swap3A_232 = vector.shape_cast %max3A_227 : vector<16xf32> to vector<1x16xf32>
      tpu.vector_store %arg14[%swap3A_228, %swap3A_229], %swap3A_232 {strides = array<i32>} : memref<40x128xf32, #tpu.memory_space<vmem>>, vector<1x16xf32>,
      %get3A_233 = arith.index_cast %scan3A_201 : i32 to index
      %get3A_234 = arith.constant 32 : index
      %get3A_235 = tpu.vector_load %arg14[%get3A_233, %get3A_234] {strides = array<i32>} : memref<40x128xf32, #tpu.memory_space<vmem>>, vector<1x16xf32>,
      %get3A_236 = vector.shape_cast %get3A_235 : vector<1x16xf32> to vector<16xf32>
      %get3A_237 = arith.index_cast %scan3A_201 : i32 to index
      %get3A_238 = arith.constant 32 : index
      %get3A_239 = tpu.vector_load %arg18[%get3A_237, %get3A_238] {strides = array<i32>} : memref<80x128xf32, #tpu.memory_space<vmem>>, vector<1x16xf32>,
      %get3A_240 = vector.shape_cast %get3A_239 : vector<1x16xf32> to vector<16xf32>
      %add3A_241 = arith.addf %get3A_236, %get3A_240 : vector<16xf32>
      %max3A_242 = arith.constant 0.000000e+00 : f32
      %max3A_243 = vector.broadcast %max3A_242 : f32 to vector<16xf32>
      %max3A_244 = arith.maximumf %add3A_241, %max3A_243 : vector<16xf32>
      %swap3A_245 = arith.index_cast %scan3A_201 : i32 to index
      %swap3A_246 = arith.constant 32 : index
      %swap3A_247 = tpu.vector_load %arg14[%swap3A_245, %swap3A_246] {strides = array<i32>} : memref<40x128xf32, #tpu.memory_space<vmem>>, vector<1x16xf32>,
      %swap3A_248 = vector.shape_cast %swap3A_247 : vector<1x16xf32> to vector<16xf32>
      %swap3A_249 = vector.shape_cast %max3A_244 : vector<16xf32> to vector<1x16xf32>
      tpu.vector_store %arg14[%swap3A_245, %swap3A_246], %swap3A_249 {strides = array<i32>} : memref<40x128xf32, #tpu.memory_space<vmem>>, vector<1x16xf32>,
      %get3A_250 = arith.index_cast %scan3A_201 : i32 to index
      %get3A_251 = arith.constant 48 : index
      %get3A_252 = tpu.vector_load %arg14[%get3A_250, %get3A_251] {strides = array<i32>} : memref<40x128xf32, #tpu.memory_space<vmem>>, vector<1x16xf32>,
      %get3A_253 = vector.shape_cast %get3A_252 : vector<1x16xf32> to vector<16xf32>
      %get3A_254 = arith.index_cast %scan3A_201 : i32 to index
      %get3A_255 = arith.constant 48 : index
      %get3A_256 = tpu.vector_load %arg18[%get3A_254, %get3A_255] {strides = array<i32>} : memref<80x128xf32, #tpu.memory_space<vmem>>, vector<1x16xf32>,
      %get3A_257 = vector.shape_cast %get3A_256 : vector<1x16xf32> to vector<16xf32>
      %add3A_258 = arith.addf %get3A_253, %get3A_257 : vector<16xf32>
      %max3A_259 = arith.constant 0.000000e+00 : f32
      %max3A_260 = vector.broadcast %max3A_259 : f32 to vector<16xf32>
      %max3A_261 = arith.maximumf %add3A_258, %max3A_260 : vector<16xf32>
      %swap3A_262 = arith.index_cast %scan3A_201 : i32 to index
      %swap3A_263 = arith.constant 48 : index
      %swap3A_264 = tpu.vector_load %arg14[%swap3A_262, %swap3A_263] {strides = array<i32>} : memref<40x128xf32, #tpu.memory_space<vmem>>, vector<1x16xf32>,
      %swap3A_265 = vector.shape_cast %swap3A_264 : vector<1x16xf32> to vector<16xf32>
      %swap3A_266 = vector.shape_cast %max3A_261 : vector<16xf32> to vector<1x16xf32>
      tpu.vector_store %arg14[%swap3A_262, %swap3A_263], %swap3A_266 {strides = array<i32>} : memref<40x128xf32, #tpu.memory_space<vmem>>, vector<1x16xf32>,
      %get3A_267 = arith.index_cast %scan3A_201 : i32 to index
      %get3A_268 = arith.constant 64 : index
      %get3A_269 = tpu.vector_load %arg14[%get3A_267, %get3A_268] {strides = array<i32>} : memref<40x128xf32, #tpu.memory_space<vmem>>, vector<1x16xf32>,
      %get3A_270 = vector.shape_cast %get3A_269 : vector<1x16xf32> to vector<16xf32>
      %get3A_271 = arith.index_cast %scan3A_201 : i32 to index
      %get3A_272 = arith.constant 64 : index
      %get3A_273 = tpu.vector_load %arg18[%get3A_271, %get3A_272] {strides = array<i32>} : memref<80x128xf32, #tpu.memory_space<vmem>>, vector<1x16xf32>,
      %get3A_274 = vector.shape_cast %get3A_273 : vector<1x16xf32> to vector<16xf32>
      %add3A_275 = arith.addf %get3A_270, %get3A_274 : vector<16xf32>
      %max3A_276 = arith.constant 0.000000e+00 : f32
      %max3A_277 = vector.broadcast %max3A_276 : f32 to vector<16xf32>
      %max3A_278 = arith.maximumf %add3A_275, %max3A_277 : vector<16xf32>
      %swap3A_279 = arith.index_cast %scan3A_201 : i32 to index
      %swap3A_280 = arith.constant 64 : index
      %swap3A_281 = tpu.vector_load %arg14[%swap3A_279, %swap3A_280] {strides = array<i32>} : memref<40x128xf32, #tpu.memory_space<vmem>>, vector<1x16xf32>,
      %swap3A_282 = vector.shape_cast %swap3A_281 : vector<1x16xf32> to vector<16xf32>
      %swap3A_283 = vector.shape_cast %max3A_278 : vector<16xf32> to vector<1x16xf32>
      tpu.vector_store %arg14[%swap3A_279, %swap3A_280], %swap3A_283 {strides = array<i32>} : memref<40x128xf32, #tpu.memory_space<vmem>>, vector<1x16xf32>,
      %get3A_284 = arith.index_cast %scan3A_201 : i32 to index
      %get3A_285 = arith.constant 80 : index
      %get3A_286 = tpu.vector_load %arg14[%get3A_284, %get3A_285] {strides = array<i32>} : memref<40x128xf32, #tpu.memory_space<vmem>>, vector<1x16xf32>,
      %get3A_287 = vector.shape_cast %get3A_286 : vector<1x16xf32> to vector<16xf32>
      %get3A_288 = arith.index_cast %scan3A_201 : i32 to index
      %get3A_289 = arith.constant 80 : index
      %get3A_290 = tpu.vector_load %arg18[%get3A_288, %get3A_289] {strides = array<i32>} : memref<80x128xf32, #tpu.memory_space<vmem>>, vector<1x16xf32>,
      %get3A_291 = vector.shape_cast %get3A_290 : vector<1x16xf32> to vector<16xf32>
      %add3A_292 = arith.addf %get3A_287, %get3A_291 : vector<16xf32>
      %max3A_293 = arith.constant 0.000000e+00 : f32
      %max3A_294 = vector.broadcast %max3A_293 : f32 to vector<16xf32>
      %max3A_295 = arith.maximumf %add3A_292, %max3A_294 : vector<16xf32>
      %swap3A_296 = arith.index_cast %scan3A_201 : i32 to index
      %swap3A_297 = arith.constant 80 : index
      %swap3A_298 = tpu.vector_load %arg14[%swap3A_296, %swap3A_297] {strides = array<i32>} : memref<40x128xf32, #tpu.memory_space<vmem>>, vector<1x16xf32>,
      %swap3A_299 = vector.shape_cast %swap3A_298 : vector<1x16xf32> to vector<16xf32>
      %swap3A_300 = vector.shape_cast %max3A_295 : vector<16xf32> to vector<1x16xf32>
      tpu.vector_store %arg14[%swap3A_296, %swap3A_297], %swap3A_300 {strides = array<i32>} : memref<40x128xf32, #tpu.memory_space<vmem>>, vector<1x16xf32>,
      %get3A_301 = arith.index_cast %scan3A_201 : i32 to index
      %get3A_302 = arith.constant 96 : index
      %get3A_303 = tpu.vector_load %arg14[%get3A_301, %get3A_302] {strides = array<i32>} : memref<40x128xf32, #tpu.memory_space<vmem>>, vector<1x16xf32>,
      %get3A_304 = vector.shape_cast %get3A_303 : vector<1x16xf32> to vector<16xf32>
      %get3A_305 = arith.index_cast %scan3A_201 : i32 to index
      %get3A_306 = arith.constant 96 : index
      %get3A_307 = tpu.vector_load %arg18[%get3A_305, %get3A_306] {strides = array<i32>} : memref<80x128xf32, #tpu.memory_space<vmem>>, vector<1x16xf32>,
      %get3A_308 = vector.shape_cast %get3A_307 : vector<1x16xf32> to vector<16xf32>
      %add3A_309 = arith.addf %get3A_304, %get3A_308 : vector<16xf32>
      %max3A_310 = arith.constant 0.000000e+00 : f32
      %max3A_311 = vector.broadcast %max3A_310 : f32 to vector<16xf32>
      %max3A_312 = arith.maximumf %add3A_309, %max3A_311 : vector<16xf32>
      %swap3A_313 = arith.index_cast %scan3A_201 : i32 to index
      %swap3A_314 = arith.constant 96 : index
      %swap3A_315 = tpu.vector_load %arg14[%swap3A_313, %swap3A_314] {strides = array<i32>} : memref<40x128xf32, #tpu.memory_space<vmem>>, vector<1x16xf32>,
      %swap3A_316 = vector.shape_cast %swap3A_315 : vector<1x16xf32> to vector<16xf32>
      %swap3A_317 = vector.shape_cast %max3A_312 : vector<16xf32> to vector<1x16xf32>
      tpu.vector_store %arg14[%swap3A_313, %swap3A_314], %swap3A_317 {strides = array<i32>} : memref<40x128xf32, #tpu.memory_space<vmem>>, vector<1x16xf32>,
      %get3A_318 = arith.index_cast %scan3A_201 : i32 to index
      %get3A_319 = arith.constant 112 : index
      %get3A_320 = tpu.vector_load %arg14[%get3A_318, %get3A_319] {strides = array<i32>} : memref<40x128xf32, #tpu.memory_space<vmem>>, vector<1x16xf32>,
      %get3A_321 = vector.shape_cast %get3A_320 : vector<1x16xf32> to vector<16xf32>
      %get3A_322 = arith.index_cast %scan3A_201 : i32 to index
      %get3A_323 = arith.constant 112 : index
      %get3A_324 = tpu.vector_load %arg18[%get3A_322, %get3A_323] {strides = array<i32>} : memref<80x128xf32, #tpu.memory_space<vmem>>, vector<1x16xf32>,
      %get3A_325 = vector.shape_cast %get3A_324 : vector<1x16xf32> to vector<16xf32>
      %add3A_326 = arith.addf %get3A_321, %get3A_325 : vector<16xf32>
      %max3A_327 = arith.constant 0.000000e+00 : f32
      %max3A_328 = vector.broadcast %max3A_327 : f32 to vector<16xf32>
      %max3A_329 = arith.maximumf %add3A_326, %max3A_328 : vector<16xf32>
      %swap3A_330 = arith.index_cast %scan3A_201 : i32 to index
      %swap3A_331 = arith.constant 112 : index
      %swap3A_332 = tpu.vector_load %arg14[%swap3A_330, %swap3A_331] {strides = array<i32>} : memref<40x128xf32, #tpu.memory_space<vmem>>, vector<1x16xf32>,
      %swap3A_333 = vector.shape_cast %swap3A_332 : vector<1x16xf32> to vector<16xf32>
      %swap3A_334 = vector.shape_cast %max3A_329 : vector<16xf32> to vector<1x16xf32>
      tpu.vector_store %arg14[%swap3A_330, %swap3A_331], %swap3A_334 {strides = array<i32>} : memref<40x128xf32, #tpu.memory_space<vmem>>, vector<1x16xf32>,
    }
    %scan3A_128 = arith.constant 40 : i32
    %dma_wait3A_129 = arith.constant 0 : i32
    %dma_wait3A_130 = tpu.memref_slice %arg4[%dma_wait3A_129] : memref<160000xi32, #tpu.memory_space<hbm>> -> memref<40xi32, #tpu.memory_space<hbm>>
    %dma_wait3A_131 = arith.constant 0 : i32
    %dma_wait3A_132 = tpu.memref_slice %arg4[%dma_wait3A_131] : memref<160000xi32, #tpu.memory_space<hbm>> -> memref<40xi32, #tpu.memory_space<hbm>>
    tpu.wait_dma2 semaphore(%arg27 : memref<!tpu.dma_semaphore, #tpu.memory_space<semaphore_mem>>) src(%dma_wait3A_132 : memref<40xi32, #tpu.memory_space<hbm>>) dst(%arg10 : memref<40xi32, #tpu.memory_space<vmem>>)
    %dma_start3A_133 = arith.constant 0 : i32
    %dma_start3A_134 = arith.constant 0 : i32
    %dma_start3A_135 = tpu.memref_slice %arg19[%dma_start3A_133, %dma_start3A_134] : memref<10000x128xf32, #tpu.memory_space<vmem_shared>> -> memref<10000x128xf32, #tpu.memory_space<vmem_shared>>
    tpu.enqueue_indirect_dma source(%arg14 : memref<40x128xf32, #tpu.memory_space<vmem>>) target(%dma_start3A_135 : memref<10000x128xf32, #tpu.memory_space<vmem_shared>>) offsets(%arg10 : memref<40xi32, #tpu.memory_space<vmem>>) semaphore(%arg31 : memref<!tpu.dma_semaphore, #tpu.memory_space<semaphore_mem>>) {add = true}
    %scan3A_136 = arith.constant 0 : i32
    %scan3A_137 = arith.constant 0 : i32
    %scan3A_138 = arith.constant 40 : i32
    %scan3A_139 = arith.addi %scan3A_137, %scan3A_138 : i32
    %scan3A_140 = arith.constant 1 : i32
    scf.for %scan3A_201 = %scan3A_137 to %scan3A_139 step %scan3A_140  : i32 {
      %get3A = arith.index_cast %scan3A_201 : i32 to index
      %get3A_202 = arith.constant 0 : index
      %get3A_203 = tpu.vector_load %arg16[%get3A, %get3A_202] {strides = array<i32>} : memref<40x128xf32, #tpu.memory_space<vmem>>, vector<1x16xf32>,
      %get3A_204 = vector.shape_cast %get3A_203 : vector<1x16xf32> to vector<16xf32>
      %add3A_205 = arith.constant 40 : i32
      %add3A_206 = arith.addi %scan3A_201, %add3A_205 : i32
      %get3A_207 = arith.index_cast %add3A_206 : i32 to index
      %get3A_208 = arith.constant 0 : index
      %get3A_209 = tpu.vector_load %arg18[%get3A_207, %get3A_208] {strides = array<i32>} : memref<80x128xf32, #tpu.memory_space<vmem>>, vector<1x16xf32>,
      %get3A_210 = vector.shape_cast %get3A_209 : vector<1x16xf32> to vector<16xf32>
      %add3A_211 = arith.addf %get3A_204, %get3A_210 : vector<16xf32>
      %max3A = arith.constant 0.000000e+00 : f32
      %max3A_212 = vector.broadcast %max3A : f32 to vector<16xf32>
      %max3A_213 = arith.maximumf %add3A_211, %max3A_212 : vector<16xf32>
      %swap3A = arith.index_cast %scan3A_201 : i32 to index
      %swap3A_214 = arith.constant 0 : index
      %swap3A_215 = tpu.vector_load %arg16[%swap3A, %swap3A_214] {strides = array<i32>} : memref<40x128xf32, #tpu.memory_space<vmem>>, vector<1x16xf32>,
      %swap3A_216 = vector.shape_cast %swap3A_215 : vector<1x16xf32> to vector<16xf32>
      %swap3A_217 = vector.shape_cast %max3A_213 : vector<16xf32> to vector<1x16xf32>
      tpu.vector_store %arg16[%swap3A, %swap3A_214], %swap3A_217 {strides = array<i32>} : memref<40x128xf32, #tpu.memory_space<vmem>>, vector<1x16xf32>,
      %get3A_218 = arith.index_cast %scan3A_201 : i32 to index
      %get3A_219 = arith.constant 16 : index
      %get3A_220 = tpu.vector_load %arg16[%get3A_218, %get3A_219] {strides = array<i32>} : memref<40x128xf32, #tpu.memory_space<vmem>>, vector<1x16xf32>,
      %get3A_221 = vector.shape_cast %get3A_220 : vector<1x16xf32> to vector<16xf32>
      %add3A_222 = arith.constant 40 : i32
      %add3A_223 = arith.addi %scan3A_201, %add3A_222 : i32
      %get3A_224 = arith.index_cast %add3A_223 : i32 to index
      %get3A_225 = arith.constant 16 : index
      %get3A_226 = tpu.vector_load %arg18[%get3A_224, %get3A_225] {strides = array<i32>} : memref<80x128xf32, #tpu.memory_space<vmem>>, vector<1x16xf32>,
      %get3A_227 = vector.shape_cast %get3A_226 : vector<1x16xf32> to vector<16xf32>
      %add3A_228 = arith.addf %get3A_221, %get3A_227 : vector<16xf32>
      %max3A_229 = arith.constant 0.000000e+00 : f32
      %max3A_230 = vector.broadcast %max3A_229 : f32 to vector<16xf32>
      %max3A_231 = arith.maximumf %add3A_228, %max3A_230 : vector<16xf32>
      %swap3A_232 = arith.index_cast %scan3A_201 : i32 to index
      %swap3A_233 = arith.constant 16 : index
      %swap3A_234 = tpu.vector_load %arg16[%swap3A_232, %swap3A_233] {strides = array<i32>} : memref<40x128xf32, #tpu.memory_space<vmem>>, vector<1x16xf32>,
      %swap3A_235 = vector.shape_cast %swap3A_234 : vector<1x16xf32> to vector<16xf32>
      %swap3A_236 = vector.shape_cast %max3A_231 : vector<16xf32> to vector<1x16xf32>
      tpu.vector_store %arg16[%swap3A_232, %swap3A_233], %swap3A_236 {strides = array<i32>} : memref<40x128xf32, #tpu.memory_space<vmem>>, vector<1x16xf32>,
      %get3A_237 = arith.index_cast %scan3A_201 : i32 to index
      %get3A_238 = arith.constant 32 : index
      %get3A_239 = tpu.vector_load %arg16[%get3A_237, %get3A_238] {strides = array<i32>} : memref<40x128xf32, #tpu.memory_space<vmem>>, vector<1x16xf32>,
      %get3A_240 = vector.shape_cast %get3A_239 : vector<1x16xf32> to vector<16xf32>
      %add3A_241 = arith.constant 40 : i32
      %add3A_242 = arith.addi %scan3A_201, %add3A_241 : i32
      %get3A_243 = arith.index_cast %add3A_242 : i32 to index
      %get3A_244 = arith.constant 32 : index
      %get3A_245 = tpu.vector_load %arg18[%get3A_243, %get3A_244] {strides = array<i32>} : memref<80x128xf32, #tpu.memory_space<vmem>>, vector<1x16xf32>,
      %get3A_246 = vector.shape_cast %get3A_245 : vector<1x16xf32> to vector<16xf32>
      %add3A_247 = arith.addf %get3A_240, %get3A_246 : vector<16xf32>
      %max3A_248 = arith.constant 0.000000e+00 : f32
      %max3A_249 = vector.broadcast %max3A_248 : f32 to vector<16xf32>
      %max3A_250 = arith.maximumf %add3A_247, %max3A_249 : vector<16xf32>
      %swap3A_251 = arith.index_cast %scan3A_201 : i32 to index
      %swap3A_252 = arith.constant 32 : index
      %swap3A_253 = tpu.vector_load %arg16[%swap3A_251, %swap3A_252] {strides = array<i32>} : memref<40x128xf32, #tpu.memory_space<vmem>>, vector<1x16xf32>,
      %swap3A_254 = vector.shape_cast %swap3A_253 : vector<1x16xf32> to vector<16xf32>
      %swap3A_255 = vector.shape_cast %max3A_250 : vector<16xf32> to vector<1x16xf32>
      tpu.vector_store %arg16[%swap3A_251, %swap3A_252], %swap3A_255 {strides = array<i32>} : memref<40x128xf32, #tpu.memory_space<vmem>>, vector<1x16xf32>,
      %get3A_256 = arith.index_cast %scan3A_201 : i32 to index
      %get3A_257 = arith.constant 48 : index
      %get3A_258 = tpu.vector_load %arg16[%get3A_256, %get3A_257] {strides = array<i32>} : memref<40x128xf32, #tpu.memory_space<vmem>>, vector<1x16xf32>,
      %get3A_259 = vector.shape_cast %get3A_258 : vector<1x16xf32> to vector<16xf32>
      %add3A_260 = arith.constant 40 : i32
      %add3A_261 = arith.addi %scan3A_201, %add3A_260 : i32
      %get3A_262 = arith.index_cast %add3A_261 : i32 to index
      %get3A_263 = arith.constant 48 : index
      %get3A_264 = tpu.vector_load %arg18[%get3A_262, %get3A_263] {strides = array<i32>} : memref<80x128xf32, #tpu.memory_space<vmem>>, vector<1x16xf32>,
      %get3A_265 = vector.shape_cast %get3A_264 : vector<1x16xf32> to vector<16xf32>
      %add3A_266 = arith.addf %get3A_259, %get3A_265 : vector<16xf32>
      %max3A_267 = arith.constant 0.000000e+00 : f32
      %max3A_268 = vector.broadcast %max3A_267 : f32 to vector<16xf32>
      %max3A_269 = arith.maximumf %add3A_266, %max3A_268 : vector<16xf32>
      %swap3A_270 = arith.index_cast %scan3A_201 : i32 to index
      %swap3A_271 = arith.constant 48 : index
      %swap3A_272 = tpu.vector_load %arg16[%swap3A_270, %swap3A_271] {strides = array<i32>} : memref<40x128xf32, #tpu.memory_space<vmem>>, vector<1x16xf32>,
      %swap3A_273 = vector.shape_cast %swap3A_272 : vector<1x16xf32> to vector<16xf32>
      %swap3A_274 = vector.shape_cast %max3A_269 : vector<16xf32> to vector<1x16xf32>
      tpu.vector_store %arg16[%swap3A_270, %swap3A_271], %swap3A_274 {strides = array<i32>} : memref<40x128xf32, #tpu.memory_space<vmem>>, vector<1x16xf32>,
      %get3A_275 = arith.index_cast %scan3A_201 : i32 to index
      %get3A_276 = arith.constant 64 : index
      %get3A_277 = tpu.vector_load %arg16[%get3A_275, %get3A_276] {strides = array<i32>} : memref<40x128xf32, #tpu.memory_space<vmem>>, vector<1x16xf32>,
      %get3A_278 = vector.shape_cast %get3A_277 : vector<1x16xf32> to vector<16xf32>
      %add3A_279 = arith.constant 40 : i32
      %add3A_280 = arith.addi %scan3A_201, %add3A_279 : i32
      %get3A_281 = arith.index_cast %add3A_280 : i32 to index
      %get3A_282 = arith.constant 64 : index
      %get3A_283 = tpu.vector_load %arg18[%get3A_281, %get3A_282] {strides = array<i32>} : memref<80x128xf32, #tpu.memory_space<vmem>>, vector<1x16xf32>,
      %get3A_284 = vector.shape_cast %get3A_283 : vector<1x16xf32> to vector<16xf32>
      %add3A_285 = arith.addf %get3A_278, %get3A_284 : vector<16xf32>
      %max3A_286 = arith.constant 0.000000e+00 : f32
      %max3A_287 = vector.broadcast %max3A_286 : f32 to vector<16xf32>
      %max3A_288 = arith.maximumf %add3A_285, %max3A_287 : vector<16xf32>
      %swap3A_289 = arith.index_cast %scan3A_201 : i32 to index
      %swap3A_290 = arith.constant 64 : index
      %swap3A_291 = tpu.vector_load %arg16[%swap3A_289, %swap3A_290] {strides = array<i32>} : memref<40x128xf32, #tpu.memory_space<vmem>>, vector<1x16xf32>,
      %swap3A_292 = vector.shape_cast %swap3A_291 : vector<1x16xf32> to vector<16xf32>
      %swap3A_293 = vector.shape_cast %max3A_288 : vector<16xf32> to vector<1x16xf32>
      tpu.vector_store %arg16[%swap3A_289, %swap3A_290], %swap3A_293 {strides = array<i32>} : memref<40x128xf32, #tpu.memory_space<vmem>>, vector<1x16xf32>,
      %get3A_294 = arith.index_cast %scan3A_201 : i32 to index
      %get3A_295 = arith.constant 80 : index
      %get3A_296 = tpu.vector_load %arg16[%get3A_294, %get3A_295] {strides = array<i32>} : memref<40x128xf32, #tpu.memory_space<vmem>>, vector<1x16xf32>,
      %get3A_297 = vector.shape_cast %get3A_296 : vector<1x16xf32> to vector<16xf32>
      %add3A_298 = arith.constant 40 : i32
      %add3A_299 = arith.addi %scan3A_201, %add3A_298 : i32
      %get3A_300 = arith.index_cast %add3A_299 : i32 to index
      %get3A_301 = arith.constant 80 : index
      %get3A_302 = tpu.vector_load %arg18[%get3A_300, %get3A_301] {strides = array<i32>} : memref<80x128xf32, #tpu.memory_space<vmem>>, vector<1x16xf32>,
      %get3A_303 = vector.shape_cast %get3A_302 : vector<1x16xf32> to vector<16xf32>
      %add3A_304 = arith.addf %get3A_297, %get3A_303 : vector<16xf32>
      %max3A_305 = arith.constant 0.000000e+00 : f32
      %max3A_306 = vector.broadcast %max3A_305 : f32 to vector<16xf32>
      %max3A_307 = arith.maximumf %add3A_304, %max3A_306 : vector<16xf32>
      %swap3A_308 = arith.index_cast %scan3A_201 : i32 to index
      %swap3A_309 = arith.constant 80 : index
      %swap3A_310 = tpu.vector_load %arg16[%swap3A_308, %swap3A_309] {strides = array<i32>} : memref<40x128xf32, #tpu.memory_space<vmem>>, vector<1x16xf32>,
      %swap3A_311 = vector.shape_cast %swap3A_310 : vector<1x16xf32> to vector<16xf32>
      %swap3A_312 = vector.shape_cast %max3A_307 : vector<16xf32> to vector<1x16xf32>
      tpu.vector_store %arg16[%swap3A_308, %swap3A_309], %swap3A_312 {strides = array<i32>} : memref<40x128xf32, #tpu.memory_space<vmem>>, vector<1x16xf32>,
      %get3A_313 = arith.index_cast %scan3A_201 : i32 to index
      %get3A_314 = arith.constant 96 : index
      %get3A_315 = tpu.vector_load %arg16[%get3A_313, %get3A_314] {strides = array<i32>} : memref<40x128xf32, #tpu.memory_space<vmem>>, vector<1x16xf32>,
      %get3A_316 = vector.shape_cast %get3A_315 : vector<1x16xf32> to vector<16xf32>
      %add3A_317 = arith.constant 40 : i32
      %add3A_318 = arith.addi %scan3A_201, %add3A_317 : i32
      %get3A_319 = arith.index_cast %add3A_318 : i32 to index
      %get3A_320 = arith.constant 96 : index
      %get3A_321 = tpu.vector_load %arg18[%get3A_319, %get3A_320] {strides = array<i32>} : memref<80x128xf32, #tpu.memory_space<vmem>>, vector<1x16xf32>,
      %get3A_322 = vector.shape_cast %get3A_321 : vector<1x16xf32> to vector<16xf32>
      %add3A_323 = arith.addf %get3A_316, %get3A_322 : vector<16xf32>
      %max3A_324 = arith.constant 0.000000e+00 : f32
      %max3A_325 = vector.broadcast %max3A_324 : f32 to vector<16xf32>
      %max3A_326 = arith.maximumf %add3A_323, %max3A_325 : vector<16xf32>
      %swap3A_327 = arith.index_cast %scan3A_201 : i32 to index
      %swap3A_328 = arith.constant 96 : index
      %swap3A_329 = tpu.vector_load %arg16[%swap3A_327, %swap3A_328] {strides = array<i32>} : memref<40x128xf32, #tpu.memory_space<vmem>>, vector<1x16xf32>,
      %swap3A_330 = vector.shape_cast %swap3A_329 : vector<1x16xf32> to vector<16xf32>
      %swap3A_331 = vector.shape_cast %max3A_326 : vector<16xf32> to vector<1x16xf32>
      tpu.vector_store %arg16[%swap3A_327, %swap3A_328], %swap3A_331 {strides = array<i32>} : memref<40x128xf32, #tpu.memory_space<vmem>>, vector<1x16xf32>,
      %get3A_332 = arith.index_cast %scan3A_201 : i32 to index
      %get3A_333 = arith.constant 112 : index
      %get3A_334 = tpu.vector_load %arg16[%get3A_332, %get3A_333] {strides = array<i32>} : memref<40x128xf32, #tpu.memory_space<vmem>>, vector<1x16xf32>,
      %get3A_335 = vector.shape_cast %get3A_334 : vector<1x16xf32> to vector<16xf32>
      %add3A_336 = arith.constant 40 : i32
      %add3A_337 = arith.addi %scan3A_201, %add3A_336 : i32
      %get3A_338 = arith.index_cast %add3A_337 : i32 to index
      %get3A_339 = arith.constant 112 : index
      %get3A_340 = tpu.vector_load %arg18[%get3A_338, %get3A_339] {strides = array<i32>} : memref<80x128xf32, #tpu.memory_space<vmem>>, vector<1x16xf32>,
      %get3A_341 = vector.shape_cast %get3A_340 : vector<1x16xf32> to vector<16xf32>
      %add3A_342 = arith.addf %get3A_335, %get3A_341 : vector<16xf32>
      %max3A_343 = arith.constant 0.000000e+00 : f32
      %max3A_344 = vector.broadcast %max3A_343 : f32 to vector<16xf32>
      %max3A_345 = arith.maximumf %add3A_342, %max3A_344 : vector<16xf32>
      %swap3A_346 = arith.index_cast %scan3A_201 : i32 to index
      %swap3A_347 = arith.constant 112 : index
      %swap3A_348 = tpu.vector_load %arg16[%swap3A_346, %swap3A_347] {strides = array<i32>} : memref<40x128xf32, #tpu.memory_space<vmem>>, vector<1x16xf32>,
      %swap3A_349 = vector.shape_cast %swap3A_348 : vector<1x16xf32> to vector<16xf32>
      %swap3A_350 = vector.shape_cast %max3A_345 : vector<16xf32> to vector<1x16xf32>
      tpu.vector_store %arg16[%swap3A_346, %swap3A_347], %swap3A_350 {strides = array<i32>} : memref<40x128xf32, #tpu.memory_space<vmem>>, vector<1x16xf32>,
    }
    %scan3A_141 = arith.constant 40 : i32
    %dma_wait3A_142 = arith.constant 0 : i32
    %dma_wait3A_143 = tpu.memref_slice %arg4[%dma_wait3A_142] : memref<160000xi32, #tpu.memory_space<hbm>> -> memref<40xi32, #tpu.memory_space<hbm>>
    %dma_wait3A_144 = arith.constant 0 : i32
    %dma_wait3A_145 = tpu.memref_slice %arg4[%dma_wait3A_144] : memref<160000xi32, #tpu.memory_space<hbm>> -> memref<40xi32, #tpu.memory_space<hbm>>
    tpu.wait_dma2 semaphore(%arg29 : memref<!tpu.dma_semaphore, #tpu.memory_space<semaphore_mem>>) src(%dma_wait3A_145 : memref<40xi32, #tpu.memory_space<hbm>>) dst(%arg12 : memref<40xi32, #tpu.memory_space<vmem>>)
    %dma_start3A_146 = arith.constant 0 : i32
    %dma_start3A_147 = arith.constant 0 : i32
    %dma_start3A_148 = tpu.memref_slice %arg19[%dma_start3A_146, %dma_start3A_147] : memref<10000x128xf32, #tpu.memory_space<vmem_shared>> -> memref<10000x128xf32, #tpu.memory_space<vmem_shared>>
    tpu.enqueue_indirect_dma source(%arg16 : memref<40x128xf32, #tpu.memory_space<vmem>>) target(%dma_start3A_148 : memref<10000x128xf32, #tpu.memory_space<vmem_shared>>) offsets(%arg12 : memref<40xi32, #tpu.memory_space<vmem>>) semaphore(%arg33 : memref<!tpu.dma_semaphore, #tpu.memory_space<semaphore_mem>>) {add = true}
    %dma_wait3A_149 = arith.constant 0 : i32
    %dma_wait3A_150 = tpu.memref_slice %arg2[%dma_wait3A_149, %multiple_of3A] : memref<10000x256xf32, #tpu.memory_space<hbm>> -> memref<10000x128xf32, #tpu.memory_space<hbm>>
    tpu.wait_indirect_dma semaphore(%arg20 : memref<!tpu.dma_semaphore, #tpu.memory_space<semaphore_mem>>) src(%dma_wait3A_150 : memref<10000x128xf32, #tpu.memory_space<hbm>>) dst(%arg13 : memref<40x128xf32, #tpu.memory_space<vmem>>)
    %dma_wait3A_151 = arith.constant 0 : i32
    %dma_wait3A_152 = tpu.memref_slice %arg2[%dma_wait3A_151, %multiple_of3A] : memref<10000x256xf32, #tpu.memory_space<hbm>> -> memref<10000x128xf32, #tpu.memory_space<hbm>>
    tpu.wait_indirect_dma semaphore(%arg22 : memref<!tpu.dma_semaphore, #tpu.memory_space<semaphore_mem>>) src(%dma_wait3A_152 : memref<10000x128xf32, #tpu.memory_space<hbm>>) dst(%arg15 : memref<40x128xf32, #tpu.memory_space<vmem>>)
    %dma_wait3A_153 = arith.constant 0 : i32
    %dma_wait3A_154 = tpu.memref_slice %arg5[%dma_wait3A_153, %multiple_of3A] : memref<160000x256xf32, #tpu.memory_space<hbm>> -> memref<80x128xf32, #tpu.memory_space<hbm>>
    %dma_wait3A_155 = arith.constant 0 : i32
    %dma_wait3A_156 = tpu.memref_slice %arg5[%dma_wait3A_155, %multiple_of3A] : memref<160000x256xf32, #tpu.memory_space<hbm>> -> memref<80x128xf32, #tpu.memory_space<hbm>>
    tpu.wait_dma2 semaphore(%arg24 : memref<!tpu.dma_semaphore, #tpu.memory_space<semaphore_mem>>) src(%dma_wait3A_156 : memref<80x128xf32, #tpu.memory_space<hbm>>) dst(%arg17 : memref<80x128xf32, #tpu.memory_space<vmem>>)
    %scan3A_157 = arith.constant 0 : i32
    %scan3A_158 = arith.constant 0 : i32
    %scan3A_159 = arith.constant 40 : i32
    %scan3A_160 = arith.addi %scan3A_158, %scan3A_159 : i32
    %scan3A_161 = arith.constant 1 : i32
    scf.for %scan3A_201 = %scan3A_158 to %scan3A_160 step %scan3A_161  : i32 {
      %get3A = arith.index_cast %scan3A_201 : i32 to index
      %get3A_202 = arith.constant 0 : index
      %get3A_203 = tpu.vector_load %arg13[%get3A, %get3A_202] {strides = array<i32>} : memref<40x128xf32, #tpu.memory_space<vmem>>, vector<1x16xf32>,
      %get3A_204 = vector.shape_cast %get3A_203 : vector<1x16xf32> to vector<16xf32>
      %get3A_205 = arith.index_cast %scan3A_201 : i32 to index
      %get3A_206 = arith.constant 0 : index
      %get3A_207 = tpu.vector_load %arg17[%get3A_205, %get3A_206] {strides = array<i32>} : memref<80x128xf32, #tpu.memory_space<vmem>>, vector<1x16xf32>,
      %get3A_208 = vector.shape_cast %get3A_207 : vector<1x16xf32> to vector<16xf32>
      %add3A_209 = arith.addf %get3A_204, %get3A_208 : vector<16xf32>
      %max3A = arith.constant 0.000000e+00 : f32
      %max3A_210 = vector.broadcast %max3A : f32 to vector<16xf32>
      %max3A_211 = arith.maximumf %add3A_209, %max3A_210 : vector<16xf32>
      %swap3A = arith.index_cast %scan3A_201 : i32 to index
      %swap3A_212 = arith.constant 0 : index
      %swap3A_213 = tpu.vector_load %arg13[%swap3A, %swap3A_212] {strides = array<i32>} : memref<40x128xf32, #tpu.memory_space<vmem>>, vector<1x16xf32>,
      %swap3A_214 = vector.shape_cast %swap3A_213 : vector<1x16xf32> to vector<16xf32>
      %swap3A_215 = vector.shape_cast %max3A_211 : vector<16xf32> to vector<1x16xf32>
      tpu.vector_store %arg13[%swap3A, %swap3A_212], %swap3A_215 {strides = array<i32>} : memref<40x128xf32, #tpu.memory_space<vmem>>, vector<1x16xf32>,
      %get3A_216 = arith.index_cast %scan3A_201 : i32 to index
      %get3A_217 = arith.constant 16 : index
      %get3A_218 = tpu.vector_load %arg13[%get3A_216, %get3A_217] {strides = array<i32>} : memref<40x128xf32, #tpu.memory_space<vmem>>, vector<1x16xf32>,
      %get3A_219 = vector.shape_cast %get3A_218 : vector<1x16xf32> to vector<16xf32>
      %get3A_220 = arith.index_cast %scan3A_201 : i32 to index
      %get3A_221 = arith.constant 16 : index
      %get3A_222 = tpu.vector_load %arg17[%get3A_220, %get3A_221] {strides = array<i32>} : memref<80x128xf32, #tpu.memory_space<vmem>>, vector<1x16xf32>,
      %get3A_223 = vector.shape_cast %get3A_222 : vector<1x16xf32> to vector<16xf32>
      %add3A_224 = arith.addf %get3A_219, %get3A_223 : vector<16xf32>
      %max3A_225 = arith.constant 0.000000e+00 : f32
      %max3A_226 = vector.broadcast %max3A_225 : f32 to vector<16xf32>
      %max3A_227 = arith.maximumf %add3A_224, %max3A_226 : vector<16xf32>
      %swap3A_228 = arith.index_cast %scan3A_201 : i32 to index
      %swap3A_229 = arith.constant 16 : index
      %swap3A_230 = tpu.vector_load %arg13[%swap3A_228, %swap3A_229] {strides = array<i32>} : memref<40x128xf32, #tpu.memory_space<vmem>>, vector<1x16xf32>,
      %swap3A_231 = vector.shape_cast %swap3A_230 : vector<1x16xf32> to vector<16xf32>
      %swap3A_232 = vector.shape_cast %max3A_227 : vector<16xf32> to vector<1x16xf32>
      tpu.vector_store %arg13[%swap3A_228, %swap3A_229], %swap3A_232 {strides = array<i32>} : memref<40x128xf32, #tpu.memory_space<vmem>>, vector<1x16xf32>,
      %get3A_233 = arith.index_cast %scan3A_201 : i32 to index
      %get3A_234 = arith.constant 32 : index
      %get3A_235 = tpu.vector_load %arg13[%get3A_233, %get3A_234] {strides = array<i32>} : memref<40x128xf32, #tpu.memory_space<vmem>>, vector<1x16xf32>,
      %get3A_236 = vector.shape_cast %get3A_235 : vector<1x16xf32> to vector<16xf32>
      %get3A_237 = arith.index_cast %scan3A_201 : i32 to index
      %get3A_238 = arith.constant 32 : index
      %get3A_239 = tpu.vector_load %arg17[%get3A_237, %get3A_238] {strides = array<i32>} : memref<80x128xf32, #tpu.memory_space<vmem>>, vector<1x16xf32>,
      %get3A_240 = vector.shape_cast %get3A_239 : vector<1x16xf32> to vector<16xf32>
      %add3A_241 = arith.addf %get3A_236, %get3A_240 : vector<16xf32>
      %max3A_242 = arith.constant 0.000000e+00 : f32
      %max3A_243 = vector.broadcast %max3A_242 : f32 to vector<16xf32>
      %max3A_244 = arith.maximumf %add3A_241, %max3A_243 : vector<16xf32>
      %swap3A_245 = arith.index_cast %scan3A_201 : i32 to index
      %swap3A_246 = arith.constant 32 : index
      %swap3A_247 = tpu.vector_load %arg13[%swap3A_245, %swap3A_246] {strides = array<i32>} : memref<40x128xf32, #tpu.memory_space<vmem>>, vector<1x16xf32>,
      %swap3A_248 = vector.shape_cast %swap3A_247 : vector<1x16xf32> to vector<16xf32>
      %swap3A_249 = vector.shape_cast %max3A_244 : vector<16xf32> to vector<1x16xf32>
      tpu.vector_store %arg13[%swap3A_245, %swap3A_246], %swap3A_249 {strides = array<i32>} : memref<40x128xf32, #tpu.memory_space<vmem>>, vector<1x16xf32>,
      %get3A_250 = arith.index_cast %scan3A_201 : i32 to index
      %get3A_251 = arith.constant 48 : index
      %get3A_252 = tpu.vector_load %arg13[%get3A_250, %get3A_251] {strides = array<i32>} : memref<40x128xf32, #tpu.memory_space<vmem>>, vector<1x16xf32>,
      %get3A_253 = vector.shape_cast %get3A_252 : vector<1x16xf32> to vector<16xf32>
      %get3A_254 = arith.index_cast %scan3A_201 : i32 to index
      %get3A_255 = arith.constant 48 : index
      %get3A_256 = tpu.vector_load %arg17[%get3A_254, %get3A_255] {strides = array<i32>} : memref<80x128xf32, #tpu.memory_space<vmem>>, vector<1x16xf32>,
      %get3A_257 = vector.shape_cast %get3A_256 : vector<1x16xf32> to vector<16xf32>
      %add3A_258 = arith.addf %get3A_253, %get3A_257 : vector<16xf32>
      %max3A_259 = arith.constant 0.000000e+00 : f32
      %max3A_260 = vector.broadcast %max3A_259 : f32 to vector<16xf32>
      %max3A_261 = arith.maximumf %add3A_258, %max3A_260 : vector<16xf32>
      %swap3A_262 = arith.index_cast %scan3A_201 : i32 to index
      %swap3A_263 = arith.constant 48 : index
      %swap3A_264 = tpu.vector_load %arg13[%swap3A_262, %swap3A_263] {strides = array<i32>} : memref<40x128xf32, #tpu.memory_space<vmem>>, vector<1x16xf32>,
      %swap3A_265 = vector.shape_cast %swap3A_264 : vector<1x16xf32> to vector<16xf32>
      %swap3A_266 = vector.shape_cast %max3A_261 : vector<16xf32> to vector<1x16xf32>
      tpu.vector_store %arg13[%swap3A_262, %swap3A_263], %swap3A_266 {strides = array<i32>} : memref<40x128xf32, #tpu.memory_space<vmem>>, vector<1x16xf32>,
      %get3A_267 = arith.index_cast %scan3A_201 : i32 to index
      %get3A_268 = arith.constant 64 : index
      %get3A_269 = tpu.vector_load %arg13[%get3A_267, %get3A_268] {strides = array<i32>} : memref<40x128xf32, #tpu.memory_space<vmem>>, vector<1x16xf32>,
      %get3A_270 = vector.shape_cast %get3A_269 : vector<1x16xf32> to vector<16xf32>
      %get3A_271 = arith.index_cast %scan3A_201 : i32 to index
      %get3A_272 = arith.constant 64 : index
      %get3A_273 = tpu.vector_load %arg17[%get3A_271, %get3A_272] {strides = array<i32>} : memref<80x128xf32, #tpu.memory_space<vmem>>, vector<1x16xf32>,
      %get3A_274 = vector.shape_cast %get3A_273 : vector<1x16xf32> to vector<16xf32>
      %add3A_275 = arith.addf %get3A_270, %get3A_274 : vector<16xf32>
      %max3A_276 = arith.constant 0.000000e+00 : f32
      %max3A_277 = vector.broadcast %max3A_276 : f32 to vector<16xf32>
      %max3A_278 = arith.maximumf %add3A_275, %max3A_277 : vector<16xf32>
      %swap3A_279 = arith.index_cast %scan3A_201 : i32 to index
      %swap3A_280 = arith.constant 64 : index
      %swap3A_281 = tpu.vector_load %arg13[%swap3A_279, %swap3A_280] {strides = array<i32>} : memref<40x128xf32, #tpu.memory_space<vmem>>, vector<1x16xf32>,
      %swap3A_282 = vector.shape_cast %swap3A_281 : vector<1x16xf32> to vector<16xf32>
      %swap3A_283 = vector.shape_cast %max3A_278 : vector<16xf32> to vector<1x16xf32>
      tpu.vector_store %arg13[%swap3A_279, %swap3A_280], %swap3A_283 {strides = array<i32>} : memref<40x128xf32, #tpu.memory_space<vmem>>, vector<1x16xf32>,
      %get3A_284 = arith.index_cast %scan3A_201 : i32 to index
      %get3A_285 = arith.constant 80 : index
      %get3A_286 = tpu.vector_load %arg13[%get3A_284, %get3A_285] {strides = array<i32>} : memref<40x128xf32, #tpu.memory_space<vmem>>, vector<1x16xf32>,
      %get3A_287 = vector.shape_cast %get3A_286 : vector<1x16xf32> to vector<16xf32>
      %get3A_288 = arith.index_cast %scan3A_201 : i32 to index
      %get3A_289 = arith.constant 80 : index
      %get3A_290 = tpu.vector_load %arg17[%get3A_288, %get3A_289] {strides = array<i32>} : memref<80x128xf32, #tpu.memory_space<vmem>>, vector<1x16xf32>,
      %get3A_291 = vector.shape_cast %get3A_290 : vector<1x16xf32> to vector<16xf32>
      %add3A_292 = arith.addf %get3A_287, %get3A_291 : vector<16xf32>
      %max3A_293 = arith.constant 0.000000e+00 : f32
      %max3A_294 = vector.broadcast %max3A_293 : f32 to vector<16xf32>
      %max3A_295 = arith.maximumf %add3A_292, %max3A_294 : vector<16xf32>
      %swap3A_296 = arith.index_cast %scan3A_201 : i32 to index
      %swap3A_297 = arith.constant 80 : index
      %swap3A_298 = tpu.vector_load %arg13[%swap3A_296, %swap3A_297] {strides = array<i32>} : memref<40x128xf32, #tpu.memory_space<vmem>>, vector<1x16xf32>,
      %swap3A_299 = vector.shape_cast %swap3A_298 : vector<1x16xf32> to vector<16xf32>
      %swap3A_300 = vector.shape_cast %max3A_295 : vector<16xf32> to vector<1x16xf32>
      tpu.vector_store %arg13[%swap3A_296, %swap3A_297], %swap3A_300 {strides = array<i32>} : memref<40x128xf32, #tpu.memory_space<vmem>>, vector<1x16xf32>,
      %get3A_301 = arith.index_cast %scan3A_201 : i32 to index
      %get3A_302 = arith.constant 96 : index
      %get3A_303 = tpu.vector_load %arg13[%get3A_301, %get3A_302] {strides = array<i32>} : memref<40x128xf32, #tpu.memory_space<vmem>>, vector<1x16xf32>,
      %get3A_304 = vector.shape_cast %get3A_303 : vector<1x16xf32> to vector<16xf32>
      %get3A_305 = arith.index_cast %scan3A_201 : i32 to index
      %get3A_306 = arith.constant 96 : index
      %get3A_307 = tpu.vector_load %arg17[%get3A_305, %get3A_306] {strides = array<i32>} : memref<80x128xf32, #tpu.memory_space<vmem>>, vector<1x16xf32>,
      %get3A_308 = vector.shape_cast %get3A_307 : vector<1x16xf32> to vector<16xf32>
      %add3A_309 = arith.addf %get3A_304, %get3A_308 : vector<16xf32>
      %max3A_310 = arith.constant 0.000000e+00 : f32
      %max3A_311 = vector.broadcast %max3A_310 : f32 to vector<16xf32>
      %max3A_312 = arith.maximumf %add3A_309, %max3A_311 : vector<16xf32>
      %swap3A_313 = arith.index_cast %scan3A_201 : i32 to index
      %swap3A_314 = arith.constant 96 : index
      %swap3A_315 = tpu.vector_load %arg13[%swap3A_313, %swap3A_314] {strides = array<i32>} : memref<40x128xf32, #tpu.memory_space<vmem>>, vector<1x16xf32>,
      %swap3A_316 = vector.shape_cast %swap3A_315 : vector<1x16xf32> to vector<16xf32>
      %swap3A_317 = vector.shape_cast %max3A_312 : vector<16xf32> to vector<1x16xf32>
      tpu.vector_store %arg13[%swap3A_313, %swap3A_314], %swap3A_317 {strides = array<i32>} : memref<40x128xf32, #tpu.memory_space<vmem>>, vector<1x16xf32>,
      %get3A_318 = arith.index_cast %scan3A_201 : i32 to index
      %get3A_319 = arith.constant 112 : index
      %get3A_320 = tpu.vector_load %arg13[%get3A_318, %get3A_319] {strides = array<i32>} : memref<40x128xf32, #tpu.memory_space<vmem>>, vector<1x16xf32>,
      %get3A_321 = vector.shape_cast %get3A_320 : vector<1x16xf32> to vector<16xf32>
      %get3A_322 = arith.index_cast %scan3A_201 : i32 to index
      %get3A_323 = arith.constant 112 : index
      %get3A_324 = tpu.vector_load %arg17[%get3A_322, %get3A_323] {strides = array<i32>} : memref<80x128xf32, #tpu.memory_space<vmem>>, vector<1x16xf32>,
      %get3A_325 = vector.shape_cast %get3A_324 : vector<1x16xf32> to vector<16xf32>
      %add3A_326 = arith.addf %get3A_321, %get3A_325 : vector<16xf32>
      %max3A_327 = arith.constant 0.000000e+00 : f32
      %max3A_328 = vector.broadcast %max3A_327 : f32 to vector<16xf32>
      %max3A_329 = arith.maximumf %add3A_326, %max3A_328 : vector<16xf32>
      %swap3A_330 = arith.index_cast %scan3A_201 : i32 to index
      %swap3A_331 = arith.constant 112 : index
      %swap3A_332 = tpu.vector_load %arg13[%swap3A_330, %swap3A_331] {strides = array<i32>} : memref<40x128xf32, #tpu.memory_space<vmem>>, vector<1x16xf32>,
      %swap3A_333 = vector.shape_cast %swap3A_332 : vector<1x16xf32> to vector<16xf32>
      %swap3A_334 = vector.shape_cast %max3A_329 : vector<16xf32> to vector<1x16xf32>
      tpu.vector_store %arg13[%swap3A_330, %swap3A_331], %swap3A_334 {strides = array<i32>} : memref<40x128xf32, #tpu.memory_space<vmem>>, vector<1x16xf32>,
    }
    %scan3A_162 = arith.constant 40 : i32
    %dma_wait3A_163 = arith.constant 0 : i32
    %dma_wait3A_164 = tpu.memref_slice %arg4[%dma_wait3A_163] : memref<160000xi32, #tpu.memory_space<hbm>> -> memref<40xi32, #tpu.memory_space<hbm>>
    %dma_wait3A_165 = arith.constant 0 : i32
    %dma_wait3A_166 = tpu.memref_slice %arg4[%dma_wait3A_165] : memref<160000xi32, #tpu.memory_space<hbm>> -> memref<40xi32, #tpu.memory_space<hbm>>
    tpu.wait_dma2 semaphore(%arg26 : memref<!tpu.dma_semaphore, #tpu.memory_space<semaphore_mem>>) src(%dma_wait3A_166 : memref<40xi32, #tpu.memory_space<hbm>>) dst(%arg9 : memref<40xi32, #tpu.memory_space<vmem>>)
    %dma_start3A_167 = arith.constant 0 : i32
    %dma_start3A_168 = arith.constant 0 : i32
    %dma_start3A_169 = tpu.memref_slice %arg19[%dma_start3A_167, %dma_start3A_168] : memref<10000x128xf32, #tpu.memory_space<vmem_shared>> -> memref<10000x128xf32, #tpu.memory_space<vmem_shared>>
    tpu.enqueue_indirect_dma source(%arg13 : memref<40x128xf32, #tpu.memory_space<vmem>>) target(%dma_start3A_169 : memref<10000x128xf32, #tpu.memory_space<vmem_shared>>) offsets(%arg9 : memref<40xi32, #tpu.memory_space<vmem>>) semaphore(%arg30 : memref<!tpu.dma_semaphore, #tpu.memory_space<semaphore_mem>>) {add = true}
    %scan3A_170 = arith.constant 0 : i32
    %scan3A_171 = arith.constant 0 : i32
    %scan3A_172 = arith.constant 40 : i32
    %scan3A_173 = arith.addi %scan3A_171, %scan3A_172 : i32
    %scan3A_174 = arith.constant 1 : i32
    scf.for %scan3A_201 = %scan3A_171 to %scan3A_173 step %scan3A_174  : i32 {
      %get3A = arith.index_cast %scan3A_201 : i32 to index
      %get3A_202 = arith.constant 0 : index
      %get3A_203 = tpu.vector_load %arg15[%get3A, %get3A_202] {strides = array<i32>} : memref<40x128xf32, #tpu.memory_space<vmem>>, vector<1x16xf32>,
      %get3A_204 = vector.shape_cast %get3A_203 : vector<1x16xf32> to vector<16xf32>
      %add3A_205 = arith.constant 40 : i32
      %add3A_206 = arith.addi %scan3A_201, %add3A_205 : i32
      %get3A_207 = arith.index_cast %add3A_206 : i32 to index
      %get3A_208 = arith.constant 0 : index
      %get3A_209 = tpu.vector_load %arg17[%get3A_207, %get3A_208] {strides = array<i32>} : memref<80x128xf32, #tpu.memory_space<vmem>>, vector<1x16xf32>,
      %get3A_210 = vector.shape_cast %get3A_209 : vector<1x16xf32> to vector<16xf32>
      %add3A_211 = arith.addf %get3A_204, %get3A_210 : vector<16xf32>
      %max3A = arith.constant 0.000000e+00 : f32
      %max3A_212 = vector.broadcast %max3A : f32 to vector<16xf32>
      %max3A_213 = arith.maximumf %add3A_211, %max3A_212 : vector<16xf32>
      %swap3A = arith.index_cast %scan3A_201 : i32 to index
      %swap3A_214 = arith.constant 0 : index
      %swap3A_215 = tpu.vector_load %arg15[%swap3A, %swap3A_214] {strides = array<i32>} : memref<40x128xf32, #tpu.memory_space<vmem>>, vector<1x16xf32>,
      %swap3A_216 = vector.shape_cast %swap3A_215 : vector<1x16xf32> to vector<16xf32>
      %swap3A_217 = vector.shape_cast %max3A_213 : vector<16xf32> to vector<1x16xf32>
      tpu.vector_store %arg15[%swap3A, %swap3A_214], %swap3A_217 {strides = array<i32>} : memref<40x128xf32, #tpu.memory_space<vmem>>, vector<1x16xf32>,
      %get3A_218 = arith.index_cast %scan3A_201 : i32 to index
      %get3A_219 = arith.constant 16 : index
      %get3A_220 = tpu.vector_load %arg15[%get3A_218, %get3A_219] {strides = array<i32>} : memref<40x128xf32, #tpu.memory_space<vmem>>, vector<1x16xf32>,
      %get3A_221 = vector.shape_cast %get3A_220 : vector<1x16xf32> to vector<16xf32>
      %add3A_222 = arith.constant 40 : i32
      %add3A_223 = arith.addi %scan3A_201, %add3A_222 : i32
      %get3A_224 = arith.index_cast %add3A_223 : i32 to index
      %get3A_225 = arith.constant 16 : index
      %get3A_226 = tpu.vector_load %arg17[%get3A_224, %get3A_225] {strides = array<i32>} : memref<80x128xf32, #tpu.memory_space<vmem>>, vector<1x16xf32>,
      %get3A_227 = vector.shape_cast %get3A_226 : vector<1x16xf32> to vector<16xf32>
      %add3A_228 = arith.addf %get3A_221, %get3A_227 : vector<16xf32>
      %max3A_229 = arith.constant 0.000000e+00 : f32
      %max3A_230 = vector.broadcast %max3A_229 : f32 to vector<16xf32>
      %max3A_231 = arith.maximumf %add3A_228, %max3A_230 : vector<16xf32>
      %swap3A_232 = arith.index_cast %scan3A_201 : i32 to index
      %swap3A_233 = arith.constant 16 : index
      %swap3A_234 = tpu.vector_load %arg15[%swap3A_232, %swap3A_233] {strides = array<i32>} : memref<40x128xf32, #tpu.memory_space<vmem>>, vector<1x16xf32>,
      %swap3A_235 = vector.shape_cast %swap3A_234 : vector<1x16xf32> to vector<16xf32>
      %swap3A_236 = vector.shape_cast %max3A_231 : vector<16xf32> to vector<1x16xf32>
      tpu.vector_store %arg15[%swap3A_232, %swap3A_233], %swap3A_236 {strides = array<i32>} : memref<40x128xf32, #tpu.memory_space<vmem>>, vector<1x16xf32>,
      %get3A_237 = arith.index_cast %scan3A_201 : i32 to index
      %get3A_238 = arith.constant 32 : index
      %get3A_239 = tpu.vector_load %arg15[%get3A_237, %get3A_238] {strides = array<i32>} : memref<40x128xf32, #tpu.memory_space<vmem>>, vector<1x16xf32>,
      %get3A_240 = vector.shape_cast %get3A_239 : vector<1x16xf32> to vector<16xf32>
      %add3A_241 = arith.constant 40 : i32
      %add3A_242 = arith.addi %scan3A_201, %add3A_241 : i32
      %get3A_243 = arith.index_cast %add3A_242 : i32 to index
      %get3A_244 = arith.constant 32 : index
      %get3A_245 = tpu.vector_load %arg17[%get3A_243, %get3A_244] {strides = array<i32>} : memref<80x128xf32, #tpu.memory_space<vmem>>, vector<1x16xf32>,
      %get3A_246 = vector.shape_cast %get3A_245 : vector<1x16xf32> to vector<16xf32>
      %add3A_247 = arith.addf %get3A_240, %get3A_246 : vector<16xf32>
      %max3A_248 = arith.constant 0.000000e+00 : f32
      %max3A_249 = vector.broadcast %max3A_248 : f32 to vector<16xf32>
      %max3A_250 = arith.maximumf %add3A_247, %max3A_249 : vector<16xf32>
      %swap3A_251 = arith.index_cast %scan3A_201 : i32 to index
      %swap3A_252 = arith.constant 32 : index
      %swap3A_253 = tpu.vector_load %arg15[%swap3A_251, %swap3A_252] {strides = array<i32>} : memref<40x128xf32, #tpu.memory_space<vmem>>, vector<1x16xf32>,
      %swap3A_254 = vector.shape_cast %swap3A_253 : vector<1x16xf32> to vector<16xf32>
      %swap3A_255 = vector.shape_cast %max3A_250 : vector<16xf32> to vector<1x16xf32>
      tpu.vector_store %arg15[%swap3A_251, %swap3A_252], %swap3A_255 {strides = array<i32>} : memref<40x128xf32, #tpu.memory_space<vmem>>, vector<1x16xf32>,
      %get3A_256 = arith.index_cast %scan3A_201 : i32 to index
      %get3A_257 = arith.constant 48 : index
      %get3A_258 = tpu.vector_load %arg15[%get3A_256, %get3A_257] {strides = array<i32>} : memref<40x128xf32, #tpu.memory_space<vmem>>, vector<1x16xf32>,
      %get3A_259 = vector.shape_cast %get3A_258 : vector<1x16xf32> to vector<16xf32>
      %add3A_260 = arith.constant 40 : i32
      %add3A_261 = arith.addi %scan3A_201, %add3A_260 : i32
      %get3A_262 = arith.index_cast %add3A_261 : i32 to index
      %get3A_263 = arith.constant 48 : index
      %get3A_264 = tpu.vector_load %arg17[%get3A_262, %get3A_263] {strides = array<i32>} : memref<80x128xf32, #tpu.memory_space<vmem>>, vector<1x16xf32>,
      %get3A_265 = vector.shape_cast %get3A_264 : vector<1x16xf32> to vector<16xf32>
      %add3A_266 = arith.addf %get3A_259, %get3A_265 : vector<16xf32>
      %max3A_267 = arith.constant 0.000000e+00 : f32
      %max3A_268 = vector.broadcast %max3A_267 : f32 to vector<16xf32>
      %max3A_269 = arith.maximumf %add3A_266, %max3A_268 : vector<16xf32>
      %swap3A_270 = arith.index_cast %scan3A_201 : i32 to index
      %swap3A_271 = arith.constant 48 : index
      %swap3A_272 = tpu.vector_load %arg15[%swap3A_270, %swap3A_271] {strides = array<i32>} : memref<40x128xf32, #tpu.memory_space<vmem>>, vector<1x16xf32>,
      %swap3A_273 = vector.shape_cast %swap3A_272 : vector<1x16xf32> to vector<16xf32>
      %swap3A_274 = vector.shape_cast %max3A_269 : vector<16xf32> to vector<1x16xf32>
      tpu.vector_store %arg15[%swap3A_270, %swap3A_271], %swap3A_274 {strides = array<i32>} : memref<40x128xf32, #tpu.memory_space<vmem>>, vector<1x16xf32>,
      %get3A_275 = arith.index_cast %scan3A_201 : i32 to index
      %get3A_276 = arith.constant 64 : index
      %get3A_277 = tpu.vector_load %arg15[%get3A_275, %get3A_276] {strides = array<i32>} : memref<40x128xf32, #tpu.memory_space<vmem>>, vector<1x16xf32>,
      %get3A_278 = vector.shape_cast %get3A_277 : vector<1x16xf32> to vector<16xf32>
      %add3A_279 = arith.constant 40 : i32
      %add3A_280 = arith.addi %scan3A_201, %add3A_279 : i32
      %get3A_281 = arith.index_cast %add3A_280 : i32 to index
      %get3A_282 = arith.constant 64 : index
      %get3A_283 = tpu.vector_load %arg17[%get3A_281, %get3A_282] {strides = array<i32>} : memref<80x128xf32, #tpu.memory_space<vmem>>, vector<1x16xf32>,
      %get3A_284 = vector.shape_cast %get3A_283 : vector<1x16xf32> to vector<16xf32>
      %add3A_285 = arith.addf %get3A_278, %get3A_284 : vector<16xf32>
      %max3A_286 = arith.constant 0.000000e+00 : f32
      %max3A_287 = vector.broadcast %max3A_286 : f32 to vector<16xf32>
      %max3A_288 = arith.maximumf %add3A_285, %max3A_287 : vector<16xf32>
      %swap3A_289 = arith.index_cast %scan3A_201 : i32 to index
      %swap3A_290 = arith.constant 64 : index
      %swap3A_291 = tpu.vector_load %arg15[%swap3A_289, %swap3A_290] {strides = array<i32>} : memref<40x128xf32, #tpu.memory_space<vmem>>, vector<1x16xf32>,
      %swap3A_292 = vector.shape_cast %swap3A_291 : vector<1x16xf32> to vector<16xf32>
      %swap3A_293 = vector.shape_cast %max3A_288 : vector<16xf32> to vector<1x16xf32>
      tpu.vector_store %arg15[%swap3A_289, %swap3A_290], %swap3A_293 {strides = array<i32>} : memref<40x128xf32, #tpu.memory_space<vmem>>, vector<1x16xf32>,
      %get3A_294 = arith.index_cast %scan3A_201 : i32 to index
      %get3A_295 = arith.constant 80 : index
      %get3A_296 = tpu.vector_load %arg15[%get3A_294, %get3A_295] {strides = array<i32>} : memref<40x128xf32, #tpu.memory_space<vmem>>, vector<1x16xf32>,
      %get3A_297 = vector.shape_cast %get3A_296 : vector<1x16xf32> to vector<16xf32>
      %add3A_298 = arith.constant 40 : i32
      %add3A_299 = arith.addi %scan3A_201, %add3A_298 : i32
      %get3A_300 = arith.index_cast %add3A_299 : i32 to index
      %get3A_301 = arith.constant 80 : index
      %get3A_302 = tpu.vector_load %arg17[%get3A_300, %get3A_301] {strides = array<i32>} : memref<80x128xf32, #tpu.memory_space<vmem>>, vector<1x16xf32>,
      %get3A_303 = vector.shape_cast %get3A_302 : vector<1x16xf32> to vector<16xf32>
      %add3A_304 = arith.addf %get3A_297, %get3A_303 : vector<16xf32>
      %max3A_305 = arith.constant 0.000000e+00 : f32
      %max3A_306 = vector.broadcast %max3A_305 : f32 to vector<16xf32>
      %max3A_307 = arith.maximumf %add3A_304, %max3A_306 : vector<16xf32>
      %swap3A_308 = arith.index_cast %scan3A_201 : i32 to index
      %swap3A_309 = arith.constant 80 : index
      %swap3A_310 = tpu.vector_load %arg15[%swap3A_308, %swap3A_309] {strides = array<i32>} : memref<40x128xf32, #tpu.memory_space<vmem>>, vector<1x16xf32>,
      %swap3A_311 = vector.shape_cast %swap3A_310 : vector<1x16xf32> to vector<16xf32>
      %swap3A_312 = vector.shape_cast %max3A_307 : vector<16xf32> to vector<1x16xf32>
      tpu.vector_store %arg15[%swap3A_308, %swap3A_309], %swap3A_312 {strides = array<i32>} : memref<40x128xf32, #tpu.memory_space<vmem>>, vector<1x16xf32>,
      %get3A_313 = arith.index_cast %scan3A_201 : i32 to index
      %get3A_314 = arith.constant 96 : index
      %get3A_315 = tpu.vector_load %arg15[%get3A_313, %get3A_314] {strides = array<i32>} : memref<40x128xf32, #tpu.memory_space<vmem>>, vector<1x16xf32>,
      %get3A_316 = vector.shape_cast %get3A_315 : vector<1x16xf32> to vector<16xf32>
      %add3A_317 = arith.constant 40 : i32
      %add3A_318 = arith.addi %scan3A_201, %add3A_317 : i32
      %get3A_319 = arith.index_cast %add3A_318 : i32 to index
      %get3A_320 = arith.constant 96 : index
      %get3A_321 = tpu.vector_load %arg17[%get3A_319, %get3A_320] {strides = array<i32>} : memref<80x128xf32, #tpu.memory_space<vmem>>, vector<1x16xf32>,
      %get3A_322 = vector.shape_cast %get3A_321 : vector<1x16xf32> to vector<16xf32>
      %add3A_323 = arith.addf %get3A_316, %get3A_322 : vector<16xf32>
      %max3A_324 = arith.constant 0.000000e+00 : f32
      %max3A_325 = vector.broadcast %max3A_324 : f32 to vector<16xf32>
      %max3A_326 = arith.maximumf %add3A_323, %max3A_325 : vector<16xf32>
      %swap3A_327 = arith.index_cast %scan3A_201 : i32 to index
      %swap3A_328 = arith.constant 96 : index
      %swap3A_329 = tpu.vector_load %arg15[%swap3A_327, %swap3A_328] {strides = array<i32>} : memref<40x128xf32, #tpu.memory_space<vmem>>, vector<1x16xf32>,
      %swap3A_330 = vector.shape_cast %swap3A_329 : vector<1x16xf32> to vector<16xf32>
      %swap3A_331 = vector.shape_cast %max3A_326 : vector<16xf32> to vector<1x16xf32>
      tpu.vector_store %arg15[%swap3A_327, %swap3A_328], %swap3A_331 {strides = array<i32>} : memref<40x128xf32, #tpu.memory_space<vmem>>, vector<1x16xf32>,
      %get3A_332 = arith.index_cast %scan3A_201 : i32 to index
      %get3A_333 = arith.constant 112 : index
      %get3A_334 = tpu.vector_load %arg15[%get3A_332, %get3A_333] {strides = array<i32>} : memref<40x128xf32, #tpu.memory_space<vmem>>, vector<1x16xf32>,
      %get3A_335 = vector.shape_cast %get3A_334 : vector<1x16xf32> to vector<16xf32>
      %add3A_336 = arith.constant 40 : i32
      %add3A_337 = arith.addi %scan3A_201, %add3A_336 : i32
      %get3A_338 = arith.index_cast %add3A_337 : i32 to index
      %get3A_339 = arith.constant 112 : index
      %get3A_340 = tpu.vector_load %arg17[%get3A_338, %get3A_339] {strides = array<i32>} : memref<80x128xf32, #tpu.memory_space<vmem>>, vector<1x16xf32>,
      %get3A_341 = vector.shape_cast %get3A_340 : vector<1x16xf32> to vector<16xf32>
      %add3A_342 = arith.addf %get3A_335, %get3A_341 : vector<16xf32>
      %max3A_343 = arith.constant 0.000000e+00 : f32
      %max3A_344 = vector.broadcast %max3A_343 : f32 to vector<16xf32>
      %max3A_345 = arith.maximumf %add3A_342, %max3A_344 : vector<16xf32>
      %swap3A_346 = arith.index_cast %scan3A_201 : i32 to index
      %swap3A_347 = arith.constant 112 : index
      %swap3A_348 = tpu.vector_load %arg15[%swap3A_346, %swap3A_347] {strides = array<i32>} : memref<40x128xf32, #tpu.memory_space<vmem>>, vector<1x16xf32>,
      %swap3A_349 = vector.shape_cast %swap3A_348 : vector<1x16xf32> to vector<16xf32>
      %swap3A_350 = vector.shape_cast %max3A_345 : vector<16xf32> to vector<1x16xf32>
      tpu.vector_store %arg15[%swap3A_346, %swap3A_347], %swap3A_350 {strides = array<i32>} : memref<40x128xf32, #tpu.memory_space<vmem>>, vector<1x16xf32>,
    }
    %scan3A_175 = arith.constant 40 : i32
    %dma_wait3A_176 = arith.constant 0 : i32
    %dma_wait3A_177 = tpu.memref_slice %arg4[%dma_wait3A_176] : memref<160000xi32, #tpu.memory_space<hbm>> -> memref<40xi32, #tpu.memory_space<hbm>>
    %dma_wait3A_178 = arith.constant 0 : i32
    %dma_wait3A_179 = tpu.memref_slice %arg4[%dma_wait3A_178] : memref<160000xi32, #tpu.memory_space<hbm>> -> memref<40xi32, #tpu.memory_space<hbm>>
    tpu.wait_dma2 semaphore(%arg28 : memref<!tpu.dma_semaphore, #tpu.memory_space<semaphore_mem>>) src(%dma_wait3A_179 : memref<40xi32, #tpu.memory_space<hbm>>) dst(%arg11 : memref<40xi32, #tpu.memory_space<vmem>>)
    %dma_start3A_180 = arith.constant 0 : i32
    %dma_start3A_181 = arith.constant 0 : i32
    %dma_start3A_182 = tpu.memref_slice %arg19[%dma_start3A_180, %dma_start3A_181] : memref<10000x128xf32, #tpu.memory_space<vmem_shared>> -> memref<10000x128xf32, #tpu.memory_space<vmem_shared>>
    tpu.enqueue_indirect_dma source(%arg15 : memref<40x128xf32, #tpu.memory_space<vmem>>) target(%dma_start3A_182 : memref<10000x128xf32, #tpu.memory_space<vmem_shared>>) offsets(%arg11 : memref<40xi32, #tpu.memory_space<vmem>>) semaphore(%arg32 : memref<!tpu.dma_semaphore, #tpu.memory_space<semaphore_mem>>) {add = true}
    %dma_wait3A_183 = arith.constant 0 : i32
    %dma_wait3A_184 = arith.constant 0 : i32
    %dma_wait3A_185 = tpu.memref_slice %arg19[%dma_wait3A_183, %dma_wait3A_184] : memref<10000x128xf32, #tpu.memory_space<vmem_shared>> -> memref<10000x128xf32, #tpu.memory_space<vmem_shared>>
    tpu.wait_indirect_dma semaphore(%arg30 : memref<!tpu.dma_semaphore, #tpu.memory_space<semaphore_mem>>) src(%arg13 : memref<40x128xf32, #tpu.memory_space<vmem>>) dst(%dma_wait3A_185 : memref<10000x128xf32, #tpu.memory_space<vmem_shared>>)
    %dma_wait3A_186 = arith.constant 0 : i32
    %dma_wait3A_187 = arith.constant 0 : i32
    %dma_wait3A_188 = tpu.memref_slice %arg19[%dma_wait3A_186, %dma_wait3A_187] : memref<10000x128xf32, #tpu.memory_space<vmem_shared>> -> memref<10000x128xf32, #tpu.memory_space<vmem_shared>>
    tpu.wait_indirect_dma semaphore(%arg32 : memref<!tpu.dma_semaphore, #tpu.memory_space<semaphore_mem>>) src(%arg15 : memref<40x128xf32, #tpu.memory_space<vmem>>) dst(%dma_wait3A_188 : memref<10000x128xf32, #tpu.memory_space<vmem_shared>>)
    %dma_wait3A_189 = arith.constant 0 : i32
    %dma_wait3A_190 = arith.constant 0 : i32
    %dma_wait3A_191 = tpu.memref_slice %arg19[%dma_wait3A_189, %dma_wait3A_190] : memref<10000x128xf32, #tpu.memory_space<vmem_shared>> -> memref<10000x128xf32, #tpu.memory_space<vmem_shared>>
    tpu.wait_indirect_dma semaphore(%arg31 : memref<!tpu.dma_semaphore, #tpu.memory_space<semaphore_mem>>) src(%arg14 : memref<40x128xf32, #tpu.memory_space<vmem>>) dst(%dma_wait3A_191 : memref<10000x128xf32, #tpu.memory_space<vmem_shared>>)
    %dma_wait3A_192 = arith.constant 0 : i32
    %dma_wait3A_193 = arith.constant 0 : i32
    %dma_wait3A_194 = tpu.memref_slice %arg19[%dma_wait3A_192, %dma_wait3A_193] : memref<10000x128xf32, #tpu.memory_space<vmem_shared>> -> memref<10000x128xf32, #tpu.memory_space<vmem_shared>>
    tpu.wait_indirect_dma semaphore(%arg33 : memref<!tpu.dma_semaphore, #tpu.memory_space<semaphore_mem>>) src(%arg16 : memref<40x128xf32, #tpu.memory_space<vmem>>) dst(%dma_wait3A_194 : memref<10000x128xf32, #tpu.memory_space<vmem_shared>>)
    %barrier3A_195 = arith.constant 0 : index
    tpu.barrier barrier_id(%barrier3A_195)
    "tpu.region"() ({
      %run_scoped3A = tpu.sem_alloc : memref<!tpu.dma_semaphore, #tpu.memory_space<semaphore_mem>>
      %dma_start3A_201 = tpu.memref_slice %arg6[%mul3A_40, %multiple_of3A] : memref<10000x256xf32, #tpu.memory_space<hbm>> -> memref<624x128xf32, #tpu.memory_space<hbm>>
      %dma_start3A_202 = arith.constant 0 : i32
      %dma_start3A_203 = tpu.memref_slice %arg19[%mul3A_40, %dma_start3A_202] : memref<10000x128xf32, #tpu.memory_space<vmem_shared>> -> memref<624x128xf32, #tpu.memory_space<vmem_shared>>
      tpu.enqueue_dma source(%dma_start3A_203 : memref<624x128xf32, #tpu.memory_space<vmem_shared>>) target(%dma_start3A_201 : memref<624x128xf32, #tpu.memory_space<hbm>>) target_semaphore(%run_scoped3A : memref<!tpu.dma_semaphore, #tpu.memory_space<semaphore_mem>>)
      %dma_wait3A_204 = tpu.memref_slice %arg6[%mul3A_40, %multiple_of3A] : memref<10000x256xf32, #tpu.memory_space<hbm>> -> memref<624x128xf32, #tpu.memory_space<hbm>>
      %dma_wait3A_205 = arith.constant 0 : i32
      %dma_wait3A_206 = tpu.memref_slice %arg19[%mul3A_40, %dma_wait3A_205] : memref<10000x128xf32, #tpu.memory_space<vmem_shared>> -> memref<624x128xf32, #tpu.memory_space<vmem_shared>>
      tpu.wait_dma2 semaphore(%run_scoped3A : memref<!tpu.dma_semaphore, #tpu.memory_space<semaphore_mem>>) src(%dma_wait3A_206 : memref<624x128xf32, #tpu.memory_space<vmem_shared>>) dst(%dma_wait3A_204 : memref<624x128xf32, #tpu.memory_space<hbm>>)
      tpu.yield
    }) : () -> ()
    %eq3A_196 = arith.constant 15 : i32
    %eq3A_197 = arith.cmpi eq, %arg1, %eq3A_196 : i32
    %convert_element_type3A_198 = arith.extui %eq3A_197 : i1 to i32
    %cond3A_199 = arith.constant 0 : i32
    %cond3A_200 = arith.cmpi ne, %convert_element_type3A_198, %cond3A_199 : i32
    scf.if %cond3A_200 {
      "tpu.region"() ({
        %run_scoped3A = tpu.sem_alloc : memref<!tpu.dma_semaphore, #tpu.memory_space<semaphore_mem>>
        %dma_start3A_201 = arith.constant 9984 : i32
        %dma_start3A_202 = tpu.memref_slice %arg6[%dma_start3A_201, %multiple_of3A] : memref<10000x256xf32, #tpu.memory_space<hbm>> -> memref<16x128xf32, #tpu.memory_space<hbm>>
        %dma_start3A_203 = arith.constant 9984 : i32
        %dma_start3A_204 = arith.constant 0 : i32
        %dma_start3A_205 = tpu.memref_slice %arg19[%dma_start3A_203, %dma_start3A_204] : memref<10000x128xf32, #tpu.memory_space<vmem_shared>> -> memref<16x128xf32, #tpu.memory_space<vmem_shared>>
        tpu.enqueue_dma source(%dma_start3A_205 : memref<16x128xf32, #tpu.memory_space<vmem_shared>>) target(%dma_start3A_202 : memref<16x128xf32, #tpu.memory_space<hbm>>) target_semaphore(%run_scoped3A : memref<!tpu.dma_semaphore, #tpu.memory_space<semaphore_mem>>)
        %dma_wait3A_206 = arith.constant 9984 : i32
        %dma_wait3A_207 = tpu.memref_slice %arg6[%dma_wait3A_206, %multiple_of3A] : memref<10000x256xf32, #tpu.memory_space<hbm>> -> memref<16x128xf32, #tpu.memory_space<hbm>>
        %dma_wait3A_208 = arith.constant 9984 : i32
        %dma_wait3A_209 = arith.constant 0 : i32
        %dma_wait3A_210 = tpu.memref_slice %arg19[%dma_wait3A_208, %dma_wait3A_209] : memref<10000x128xf32, #tpu.memory_space<vmem_shared>> -> memref<16x128xf32, #tpu.memory_space<vmem_shared>>
        tpu.wait_dma2 semaphore(%run_scoped3A : memref<!tpu.dma_semaphore, #tpu.memory_space<semaphore_mem>>) src(%dma_wait3A_210 : memref<16x128xf32, #tpu.memory_space<vmem_shared>>) dst(%dma_wait3A_207 : memref<16x128xf32, #tpu.memory_space<hbm>>)
        tpu.yield
      }) : () -> ()
    } else {
    }
    return
  }
}

</mosaic_0001>

<sc_bundles>
// kernel: kernel.3.cloned.1.call-start
scs
__scs_entry_jumppad:
0x0: {  	(pc) =	sbr.rel $0x88, $3  }
0x1: {  	(tag) =	ssettag $0x0;
	lr =	simm.s32 $0x1  }
0x2: {  	[smem:$0x3F9E] =	sst lr;
	_ =	strace $0xD0000000  }
0x3: {  	_ = 	snop  }
0x4: {  	_ = 	snop  }
0x5: {  	_ = 	snop  }
0x6: {  	_ = 	snop  }
0x7: {  	_ = 	snop  }
__scs_overlays_trampoline_lowered:
0x8: {  	[smem:$0x3FAD] =	sst s0  }
0x9: {  	[smem:$0x3FAE] =	sst s1  }
0xa: {  	[smem:$0x3FAF] =	sst s2  }
0xb: {  	[smem:$0x3FB0] =	sst s3  }
0xc: {  	[smem:$0x3FB1] =	sst s4  }
0xd: {  	[smem:$0x3FB2] =	sst s5  }
0xe: {  	[smem:$0x3FB3] =	sst s6  }
0xf: {  	[smem:$0x3FB4] =	sst s7  }
0x10: {  	[smem:$0x3FB5] =	sst s8  }
0x11: {  	[smem:$0x3FB6] =	sst s9;
	s0 =	simm.s32 @!p0 $0x0  }
0x12: {  	s1 =	sld [smem:$0x3F9C];
	s0 =	simm.s32 @p0 $0x1  }
0x13: {  	[smem:$0x3FB7] =	sst s0;
	s0 =	simm.s32 @!p1 $0x0  }
0x14: {  	s2 =	sld [smem:$0x3F9B];
	s0 =	simm.s32 @p1 $0x1  }
0x15: {  	[smem:$0x3FB8] =	sst s0;
	s0 =	simm.s32 @!p2 $0x0  }
0x16: {  	s3 =	sld [smem:$0x3FDB];
	s0 =	simm.s32 @p2 $0x1  }
0x17: {  	s4 =	simm.s32 $0x1BF5;
	[smem:$0x3FBA] =	sst s0  }
0x18: {  	s0 =	sld [smem:$0x3F9D];
	_ =	swait.ge [sflag:s4], $0x0  }
0x19: {  	s7 =	sld [smem:$0x3F9E]  }
0x1a: {  	s8 =	sadd.s32 $0xFFFFE003, lr  }
0x1b: {  	s9 =	sadd.s32 $0xFFFFFEF7, lr;
	s5 =	simm.s32 $0xFFFFFFFF;
	p2 =	slt.u32 s8, $0xFFFFF086  }
0x1c: {  	p1 =	slt.u32 s9, $0xF7A;
	s5 =	simm.s32 @!p2 $0x0  }
0x1d: {  	s5 =	simm.s32 @p1 $0x1;
	p0 =	seq.s32 s7, s2  }
0x1e: {  	s7 =	smul.u32 @!p0 $0xF7A, s2;
	p2 =	seq.s32 @!p0 s5, $0x0  }
0x1f: {  	s9 =	smul.u32 $0xF7A, s1;
	s8 =	simm.s32 @!p0 $0x1BF5;
	p2 =	por !p2, p0  }
0x20: {  	[sflag:s8] =	ssyncset.s32 @!p0 $0xFFFFF086;
	s6 =	sadd.s32 @!p0 s3, s7;
	s7 =	simm.s32 @!p0 $0x108  }
0x21: {  	s3 =	sadd.s32 s3, s9;
	s6 =	sadd.s32 @!p0 $0x88, s6;
	s7 =	simm.s32 @p2 $0x1082  }
0x22: {  	[simem:s7], [sflag:s8] =	dma.local @!p0 [hbm:s6], $0xF7A  }
0x23: {  	s9 =	sor.u32 $0xD0000000, s2;
	s6 =	simm.s32 $0x108;
	_ =	swait.ge @!p0 [sflag:s8], $0x0  }
0x24: {  	s3 =	sadd.s32 $0x88, s3;
	s6 =	simm.s32 @!p1 $0x1082;
	[sflag:s4] =	ssyncset.s32 $0xFFFFF086  }
0x25: {  	[simem:s6], [sflag:s4] =	dma.local [hbm:s3], $0xF7A  }
0x26: {  	[smem:$0x3F9E] =	sst s1;
	(tag) =	ssettag s2;
	_ =	strace s9  }
0x27: {  	s1 =	sld [smem:$0x3FAE]  }
0x28: {  	s2 =	sld [smem:$0x3FAF]  }
0x29: {  	s4 =	sld [smem:$0x3FB1]  }
0x2a: {  	p0 =	seq.s32 s5, $0x0;
	s5 =	sld [smem:$0x3FB2]  }
0x2b: {  	s6 =	sld [smem:$0x3FB3]  }
0x2c: {  	s7 =	sld [smem:$0x3FB4]  }
0x2d: {  	s3 =	simm.s32 $0x108;
	s8 =	sld [smem:$0x3FB5]  }
0x2e: {  	s3 =	simm.s32 @!p0 $0x1082;
	s9 =	sld [smem:$0x3FB6]  }
0x2f: {  	lr =	sadd.s32 s0, s3;
	s0 =	sld [smem:$0x3FAD]  }
0x30: {  	s3 =	sld [smem:$0x3FB0]  }
0x31: {  	[smem:$0x3FB9] =	sst s10  }
0x32: {  	s10 =	sld [smem:$0x3FB7];
	_ =	sdelay $0x3  }
0x33: {  	p0 =	seq.s32 s10, $0x1;
	s10 =	sld [smem:$0x3FB9];
	_ =	sdelay $0x3  }
0x34: {  	[smem:$0x3FB9] =	sst s10  }
0x35: {  	s10 =	sld [smem:$0x3FB8];
	_ =	sdelay $0x3  }
0x36: {  	p1 =	seq.s32 s10, $0x1;
	s10 =	sld [smem:$0x3FB9];
	_ =	sdelay $0x3  }
0x37: {  	[smem:$0x3FB9] =	sst s10  }
0x38: {  	s10 =	sld [smem:$0x3FBA]  }
0x39: {  	_ = 	snop;
	(pc) =	sbr.ind lr, $3  }
0x3a: {  	_ = 	snop  }
0x3b: {  	_ = 	snop  }
0x3c: {  	p2 =	seq.s32 s10, $0x1;
	s10 =	sld [smem:$0x3FB9]  }
0x3d: {  	_ =	shalt  }
0x3e: {  	_ =	shalt  }
0x3f: {  	_ =	shalt  }
0x40: {  	_ =	shalt  }
0x41: {  	_ =	shalt  }
0x42: {  	_ =	shalt  }
0x43: {  	_ =	shalt  }
0x44: {  	_ =	shalt  }
0x45: {  	_ =	shalt  }
0x46: {  	_ =	shalt  }
0x47: {  	_ =	shalt  }
0x48: {  	_ =	shalt  }
0x49: {  	_ =	shalt  }
0x4a: {  	_ =	shalt  }
0x4b: {  	_ =	shalt  }
0x4c: {  	_ =	shalt  }
0x4d: {  	_ =	shalt  }
0x4e: {  	_ =	shalt  }
0x4f: {  	_ =	shalt  }
0x50: {  	_ =	shalt  }
0x51: {  	_ =	shalt  }
0x52: {  	_ =	shalt  }
0x53: {  	_ =	shalt  }
0x54: {  	_ =	shalt  }
0x55: {  	_ =	shalt  }
0x56: {  	_ =	shalt  }
0x57: {  	_ =	shalt  }
0x58: {  	_ =	shalt  }
0x59: {  	_ =	shalt  }
0x5a: {  	_ =	shalt  }
0x5b: {  	_ =	shalt  }
0x5c: {  	_ =	shalt  }
0x5d: {  	_ =	shalt  }
0x5e: {  	_ =	shalt  }
0x5f: {  	_ =	shalt  }
0x60: {  	_ =	shalt  }
0x61: {  	_ =	shalt  }
0x62: {  	_ =	shalt  }
0x63: {  	_ =	shalt  }
0x64: {  	_ =	shalt  }
0x65: {  	_ =	shalt  }
0x66: {  	_ =	shalt  }
0x67: {  	_ =	shalt  }
0x68: {  	_ =	shalt  }
0x69: {  	_ =	shalt  }
0x6a: {  	_ =	shalt  }
0x6b: {  	_ =	shalt  }
0x6c: {  	_ =	shalt  }
0x6d: {  	_ =	shalt  }
0x6e: {  	_ =	shalt  }
0x6f: {  	_ =	shalt  }
0x70: {  	_ =	shalt  }
0x71: {  	_ =	shalt  }
0x72: {  	_ =	shalt  }
0x73: {  	_ =	shalt  }
0x74: {  	_ =	shalt  }
0x75: {  	_ =	shalt  }
0x76: {  	_ =	shalt  }
0x77: {  	_ =	shalt  }
0x78: {  	_ =	shalt  }
0x79: {  	_ =	shalt  }
0x7a: {  	_ =	shalt  }
0x7b: {  	_ =	shalt  }
0x7c: {  	_ =	shalt  }
0x7d: {  	_ =	shalt  }
0x7e: {  	_ =	shalt  }
0x7f: {  	_ =	shalt  }
0x80: {  	_ =	shalt  }
0x81: {  	_ =	shalt  }
0x82: {  	_ =	shalt  }
0x83: {  	_ =	shalt  }
0x84: {  	_ =	shalt  }
0x85: {  	_ =	shalt  }
0x86: {  	_ =	shalt  }
0x87: {  	_ =	shalt  }
.Lfunc_end0:
.L_simem_size_0:
called_computation_lowered:
.L_overlay_start_0:
0x88: {  	s2 =	sld [smem:$0x3FD9]  }
0x89: {  	s3 =	sld [smem:$0x3FFE];
	_ =	sdelay $0x1  }
0x8a: {  	s1 =	srdreg.scid  }
0x8b: {  	s0 =	sand.u32 $0x1, s1  }
0x8c: {  	s17 =	sshll.u32 s0, $0xA;
	s2 =	sadd.s32 s3, s2  }
0x8d: {  	s2 =	sadd.s32 s2, s17  }
0x8e: {  	[smem:$0x3FC5] =	sst s2  }
0x8f: {  	_ = 	snop  }
0x90: {  	s2 =	sld [smem:$0x3FC9]  }
0x91: {  	s18 =	sld [smem:$0x3FC7]  }
0x92: {  	s4 =	sld [smem:$0x3FD0];
	(tm) =	ssettm $0x1  }
0x93: {  	s5 =	sld [smem:$0x3FFB];
	_ =	sdelay $0x3  }
0x94: {  	_ =	strace s5  }
0x95: {  	s5 =	sld [smem:$0x3FFC];
	_ =	sdelay $0x3  }
0x96: {  	_ =	strace s5  }
0x97: {  	s5 =	sld [smem:$0x3FFD];
	_ =	sdelay $0x3  }
0x98: {  	_ =	strace s5  }
0x99: {  	_ =	strace $0x8FFFFFFF  }
0x9a: {  	s19 =	sld [smem:$0x3FDB];
	_ =	sdelay $0x1  }
0x9b: {  	s6 =	simm.s32 $_scs_section_size  }
0x9c: {  	s7 =	simm.s32 $_size__tile_overlayer_lowered;
	s8 =	simm.s32 $_tile_overlayer_lowered  }
0x9d: {  	s22 =	simm.s32 $0x1BFF;
	s21 =	sshll.u32 s8, $0x1;
	s5 =	sadd.s32 s6, s19  }
0x9e: {  	s9 =	simm.s32 $0x0;
	s20 =	sshll.u32 s7, $0x1;
	s7 =	sadd.s32 s21, s5  }
0x9f: {  	[timem:s9], [sflag:s22] =	dma.local [hbm:s7], s20  }
0xa0: {  	_ =	swait.ge [sflag:s22], s20  }
0xa1: {  	s6 =	ssub.s32 $0x0, s20;
	[sflag:s22] =	ssyncset.done $0x0  }
0xa2: {  	[sflag:s22] =	ssyncadd.s32 s6;
	_ =	sdelay $0x1  }
0xa3: {  	s23 =	simm.s32 $0x1B8B  }
0xa4: {  	_ =	swait.ge [sflag:s23], $0x1  }
0xa5: {  	[sflag:s23] =	ssyncset.done $0x0  }
0xa6: {  	s25 =	simm.s32 $0x1B8E;
	s24 =	sld [smem:$0x3FFE];
	[sflag:s23] =	ssyncadd.s32 $0xFFFFFFFF  }
0xa7: {  	s26 =	simm.s32 $execute0_lowered;
	[smem:$0x3FD2] =	sst s25  }
0xa8: {  	s7 =	sshll.u32 s26, $0x1;
	_ =	strace $0x80000046;
	[dreg:$0x1] =	wrdreg $0xFFFFFFFF  }
0xa9: {  	s28 =	simm.s32 $_size_execute0_lowered;
	s5 =	sadd.s32 s5, s7;
	[dreg:$0x0] =	wrdreg $0x0  }
0xaa: {  	s7 =	sshll.u32 s28, $0x1;
	[dreg:$0x2] =	wrdreg s5  }
0xab: {  	[dreg:$0x3] =	wrdreg s7  }
0xac: {  	[dreg:$0x4] =	wrdreg $0xC0  }
0xad: {  	_ =	task [dreg:s9], $0x5FFFF  }
0xae: {  	[dreg:$0x1] =	wrdreg $0xFFFFFFFF  }
0xaf: {  	[dreg:$0x0] =	wrdreg $0x60  }
0xb0: {  	[dreg:$0x2] =	wrdreg s2  }
0xb1: {  	[dreg:$0x3] =	wrdreg s24  }
0xb2: {  	[dreg:$0x4] =	wrdreg s18  }
0xb3: {  	[dreg:$0x5] =	wrdreg s4  }
0xb4: {  	[dreg:$0x6] =	wrdreg $0xA3000  }
0xb5: {  	[dreg:$0x7] =	wrdreg $0x9  }
0xb6: {  	_ =	task.clear_ibuf [dreg:s9], $0x8FFFF;
	_ =	strace $0x90000046  }
0xb7: {  	s29 =	simm.s32 $0x9;
	_ =	strace $0x80000048  }
0xb8: {  	_ =	swait.ge [sflag:s29], $0x1  }
0xb9: {  	[sflag:s29] =	ssyncadd.s32 $0xFFFFFFFF  }
0xba: {  	_ =	strace $0x90000048  }
0xbb: {  	_ =	sfence  }
0xbc: {  	s30 =	sld [smem:$0x0];
	_ =	sdelay $0x2  }
0xbd: {  	s31 =	sshll.u32 s1, $0xD;
	s1 =	sshrl.u32 s1, $0x2  }
0xbe: {  	s3 =	sand.u32 $0x4000, s31;
	s1 =	sadd.s32 s1, s30  }
0xbf: {  	s0 =	sor.u32 s3, s0;
	s1 =	sshll.u32 s1, $0x11  }
0xc0: {  	s0 =	sor.u32 s1, s0  }
0xc1: {  	s0 =	sadd.s32 $0x8F2B, s0  }
0xc2: {  	[sflag:s0] =	ssyncadd.remote.s32 $0x1  }
0xc3: {  	_ =	sfence.sel $0xFFFF  }
0xc4: {  	[dreg:$0x0] =	wrdreg $0xFFFFFFFF;
	(pc) =	sbr.abs _section_cstart, $3  }
0xc5: {  	[dreg:$0x1] =	wrdreg $0xFFFFFFFF  }
0xc6: {  	_ =	task.clear_ibuf [dreg:s9], $0x2FFFF;
	_ =	strace $0x9FFFFFFF  }
0xc7: {  	(tm) =	ssettm $0x7FFFFFFF  }
tec
execute0_lowered:
.L_overlay_start_1:
0x0: {  	(tag) =	ssettag $0x1  }
0x1: {  	s0 =	rddreg [dreg:$0x0]  }
0x2: {  	s1 =	rddreg [dreg:$0x1]  }
0x3: {  	s31 =	rddreg [dreg:$0x2]  }
0x4: {  	s2 =	rddreg [dreg:$0x3]  }
0x5: {  	s3 =	rddreg [dreg:$0x4];
	s5 =	simm.s32 $0x0;
	s15 =	stileid.u32  }
0x6: {  	s4 =	srdreg.scid;
	s30 =	simm.s32 $0x80;
	s9 =	smul.u32 $0x271000, s15  }
0x7: {  	s28 =	simm.s32 $0xC;
	s29 =	simm.s32 $0xE;
	s11 =	smul.u32 $0x2710, s15  }
0x8: {  	[smem:$0x7FF] =	sst s5;
	s4 =	sand.u32 $0x1, s4;
	s14 =	smul.u32 $0x27000, s15  }
0x9: {  	s7 =	sadd.s32 $0x5000, s1;
	s26 =	smul.u32 $0x4E000, s15;
	p0 =	sne.s32 s15, $0xF  }
0xa: {  	s15 =	simm.s32 $0x8;
	_ =	strace $0x80000047;
	s8 =	ssub.s32 $0x2, s4  }
0xb: {  	s6 =	sshll.u32 s4, $0xA;
	s4 =	sshll.u32 s4, $0x7;
	s10 =	sshrl.u32 s8, $0x1  }
0xc: {  	s9 =	sor.u32 s6, s9;
	s19 =	sshrl.u32 s11, $0x3;
	s12 =	sadd.s32 $0x28, s11  }
0xd: {  	s21 =	sadd.s32 $0x50, s11;
	s24 =	sadd.s32 $0x78, s11;
	s16 =	sadd.s32 $0x26C0, s11  }
0xe: {  	s18 =	sadd.s32 $0xA0, s11;
	s8 =	ssub.s32 s8, s10;
	s9 =	sshrl.u32 s9, $0x3  }
0xf: {  	s13 =	sadd.s32 s7, s19;
	s20 =	sshrl.u32 s12, $0x3;
	s10 =	sadd.s32 s1, s19  }
0x10: {  	s22 =	sshrl.u32 s21, $0x3;
	s12 =	sadd.s32 s0, s4;
	s25 =	sshrl.u32 s24, $0x3  }
0x11: {  	s17 =	sshll.u32 s16, $0x8;
	[dreg:$0x11] =	wrdreg s18;
	s19 =	sshrl.u32 s16, $0x3  }
0x12: {  	s16 =	simm.s32 $0x280;
	s18 =	simm.s32 $0xB;
	[dreg:$0x6] =	wrdreg s13  }
0x13: {  	s9 =	sadd.s32 s31, s9;
	[dreg:$0x8] =	wrdreg s10;
	s23 =	sadd.s32 s7, s22  }
0x14: {  	s10 =	sadd.s32 s1, s22;
	s22 =	sadd.s32 s7, s19;
	[dreg:$0x7] =	wrdreg s9  }
0x15: {  	s24 =	smax.u32 s8, $0x1;
	s8 =	simm.s32 $0x3;
	[dreg:$0xa] =	wrdreg s23  }
0x16: {  	s13 =	simm.s32 $0xD;
	s9 =	sadd.s32 s1, s20;
	[dreg:$0xc] =	wrdreg s10  }
0x17: {  	s10 =	sor.u32 s6, s14;
	s14 =	sshrl.u32 s26, $0x2;
	[dreg:$0x14] =	wrdreg s22  }
0x18: {  	s20 =	sadd.s32 $0xF0, s11;
	[dreg:$0x18] =	wrdreg s24;
	s26 =	sadd.s32 $0x4E000, s12  }
0x19: {  	s22 =	simm.s32 $0x100;
	[dreg:$0x9] =	wrdreg s9;
	s9 =	sshll.u32 s21, $0x8  }
0x1a: {  	s24 =	simm.s32 $0x28;
	[dreg:$0x13] =	wrdreg s20;
	s9 =	sor.u32 s6, s9  }
0x1b: {  	s21 =	sadd.s32 $0x26E8, s11;
	[dreg:$0x1a] =	wrdreg s26;
	s9 =	sshrl.u32 s9, $0x3  }
0x1c: {  	s26 =	simm.s32 $0x11;
	s11 =	simm.s32 $0x3F00;
	s9 =	sadd.s32 s31, s9  }
0x1d: {  	s20 =	simm.s32 $0xA;
	[dreg:$0xb] =	wrdreg s9;
	s9 =	sadd.s32 s1, s25  }
0x1e: {  	s25 =	sadd.s32 $0x138000, s3;
	[dreg:$0xd] =	wrdreg s9;
	s9 =	sshrl.u32 s10, $0x3  }
0x1f: {  	s10 =	sadd.s32 s14, s3;
	[dreg:$0x19] =	wrdreg s25;
	s25 =	simm.s32 $0x2B00  }
0x20: {  	s14 =	simm.s32 $0x9;
	[dreg:$0xe] =	wrdreg s10;
	s0 =	sadd.s32 s0, s9  }
0x21: {  	v0 =	vimm.s32 $0x7;
	s9 =	sadd.s32 s2, s9;
	s2 =	sadd.s32 s4, s2;
	[dreg:$0xf] =	wrdreg s0  }
0x22: {  	v1 =	vimm.s32 $0x1;
	v2 =	vimm.s32 $0x0;
	v3 =	vlaneseq.u32;
	s4 =	sadd.s32 s1, s19;
	s0 =	sor.u32 s6, s17;
	[dreg:$0x10] =	wrdreg s9  }
0x23: {  	vm0 =	vmmov $0x1;
	v4 =	vimm.s32 $0x2;
	v5 =	vimm.s32 $0x3;
	s19 =	simm.s32 $0x300;
	[dreg:$0x15] =	wrdreg s4;
	s0 =	sshrl.u32 s0, $0x3  }
0x24: {  	v6 =	vimm.s32 $0x4;
	v7 =	vimm.s32 $0x5;
	v8 =	vimm.s32 $0x6;
	s23 =	sadd.s32 $0x4E000, s2;
	s17 =	simm.s32 $0x7;
	s0 =	sadd.s32 s31, s0  }
0x25: {  	v9 =	vimm.s32 $0x8;
	v10 =	vimm.s32 $0x9;
	v11 =	vimm.s32 $0xA;
	s2 =	simm.s32 $0x6;
	[dreg:$0x12] =	wrdreg s0;
	s0 =	sshrl.u32 s21, $0x3  }
0x26: {  	v12 =	vimm.s32 $0xB;
	v13 =	vimm.s32 $0xC;
	v14 =	vimm.s32 $0xD;
	s9 =	simm.s32 $0x0;
	[dreg:$0x17] =	wrdreg s23;
	s0 =	sadd.s32 s1, s0  }
0x27: {  	v15 =	vimm.s32 $0xE;
	v16 =	vimm.s32 $0xF;
	v3 =	vmul.u32 $0x8, v3;
	s23 =	simm.s32 $0x5;
	s21 =	simm.s32 $0x1;
	[dreg:$0x16] =	wrdreg s0  }
.LBB2_1:
0x28: {  	[dreg:$0x1b] =	wrdreg s9  }
0x29: {  	s0 =	rddreg [dreg:$0x6]  }
0x2a: {  	[tilespmem:s5], [sflag:$0x11] =	stream.linear.gather [hbm4b:s0+s5], $0x50, $0x38;
	[tilespmem:$0x1DB80] =	vst v63  }
0x2b: {  	_ =	swait.ge [sflag:s26], $0x50  }
0x2c: {  	s4 =	simm.s32 $0x400;
	s9 =	simm.s32 $0x800;
	[sflag:s26] =	ssyncset.done $0x0  }
0x2d: {  	s10 =	simm.s32 $0x5300;
	s0 =	rddreg [dreg:$0x7];
	[sflag:s26] =	ssyncadd.s32 $0xFFFFFFB0  }
0x2e: {  	[tilespmem:s10], [sflag:$0x5] =	stream.strided.gather [hbm4b:s0+s4], $0x2800, s9, s4, $0x38;
	[tilespmem:$0x1DB80] =	vst v63  }
0x2f: {  	s10 =	rddreg [dreg:$0x8]  }
0x30: {  	[tilespmem:s22], [sflag:$0x7] =	stream.linear.gather [hbm4b:s10+s5], $0x28, $0x38;
	[tilespmem:$0x1DB80] =	vst v63  }
0x31: {  	s0 =	rddreg [dreg:$0x9];
	s10 =	simm.s32 $0x200  }
0x32: {  	[tilespmem:s10], [sflag:$0x9] =	stream.linear.gather [hbm4b:s0+s5], $0x28, $0x38;
	[tilespmem:$0x1DB80] =	vst v63  }
0x33: {  	v17 =	vld [tilespmem:$0x0];
	_ =	sdelay $0x4  }
0x34: {  	v18 =	vshll.u32 v17, $0x1  }
0x35: {  	v17 =	vand.u32 $0x7, v17;
	v18 =	vand.u32 $0xFFFFFFF0, v18  }
0x36: {  	v17 =	vor.u32 v17, v18  }
0x37: {  	v18 =	vperm.xlane v17, v2;
	_ =	sdelay $0x1  }
0x38: {  	v19 =	vperm.xlane v17, v1;
	v18 =	vadd.s32 v3, v18;
	_ =	sdelay $0x1  }
0x39: {  	v20 =	vperm.xlane v17, v4;
	v19 =	vadd.s32 v3, v19;
	_ =	sdelay $0x1  }
0x3a: {  	v21 =	vperm.xlane v17, v5;
	v20 =	vadd.s32 v3, v20  }
0x3b: {  	[tilespmem:s19], [sflag:$0x1] =	stream.indirect_vreg.gather [hbm4b:s12+s5], $0x80, v18, vm0, $0xb8;
	[tilespmem:$0x1DB80] =	vst v63  }
0x3c: {  	s10 =	simm.s32 $0x380;
	v26 =	vperm.xlane v17, v6;
	v18 =	vadd.s32 v3, v21  }
0x3d: {  	[tilespmem:s10], [sflag:$0x1] =	stream.indirect_vreg.gather [hbm4b:s12+s5], $0x80, v19, vm0, $0xb8;
	[tilespmem:$0x1DB80] =	vst v63  }
0x3e: {  	v27 =	vperm.xlane v17, v7;
	v19 =	vadd.s32 v3, v26  }
0x3f: {  	[tilespmem:s4], [sflag:$0x1] =	stream.indirect_vreg.gather [hbm4b:s12+s5], $0x80, v20, vm0, $0xb8;
	[tilespmem:$0x1DB80] =	vst v63  }
0x40: {  	v29 =	vperm.xlane v17, v8;
	v28 =	vadd.s32 v3, v27;
	s10 =	simm.s32 $0x480  }
0x41: {  	[tilespmem:s10], [sflag:$0x1] =	stream.indirect_vreg.gather [hbm4b:s12+s5], $0x80, v18, vm0, $0xb8;
	[tilespmem:$0x1DB80] =	vst v63  }
0x42: {  	v30 =	vperm.xlane v17, v0;
	v18 =	vadd.s32 v3, v29;
	s10 =	simm.s32 $0x500  }
0x43: {  	[tilespmem:s10], [sflag:$0x1] =	stream.indirect_vreg.gather [hbm4b:s12+s5], $0x80, v19, vm0, $0xb8;
	[tilespmem:$0x1DB80] =	vst v63  }
0x44: {  	v31 =	vperm.xlane v17, v9;
	v19 =	vadd.s32 v3, v30;
	s10 =	simm.s32 $0x580  }
0x45: {  	[tilespmem:s10], [sflag:$0x1] =	stream.indirect_vreg.gather [hbm4b:s12+s5], $0x80, v28, vm0, $0xb8;
	[tilespmem:$0x1DB80] =	vst v63  }
0x46: {  	v33 =	vperm.xlane v17, v10;
	v32 =	vadd.s32 v3, v31;
	s10 =	simm.s32 $0x600  }
0x47: {  	[tilespmem:s10], [sflag:$0x1] =	stream.indirect_vreg.gather [hbm4b:s12+s5], $0x80, v18, vm0, $0xb8;
	[tilespmem:$0x1DB80] =	vst v63  }
0x48: {  	v34 =	vperm.xlane v17, v11;
	v18 =	vadd.s32 v3, v33;
	s10 =	simm.s32 $0x680  }
0x49: {  	[tilespmem:s10], [sflag:$0x1] =	stream.indirect_vreg.gather [hbm4b:s12+s5], $0x80, v19, vm0, $0xb8;
	[tilespmem:$0x1DB80] =	vst v63  }
0x4a: {  	v35 =	vperm.xlane v17, v12;
	v19 =	vadd.s32 v3, v34;
	s10 =	simm.s32 $0x700  }
0x4b: {  	[tilespmem:s10], [sflag:$0x1] =	stream.indirect_vreg.gather [hbm4b:s12+s5], $0x80, v32, vm0, $0xb8;
	[tilespmem:$0x1DB80] =	vst v63  }
0x4c: {  	v37 =	vperm.xlane v17, v13;
	v36 =	vadd.s32 v3, v35;
	s10 =	simm.s32 $0x780  }
0x4d: {  	[tilespmem:s10], [sflag:$0x1] =	stream.indirect_vreg.gather [hbm4b:s12+s5], $0x80, v18, vm0, $0xb8;
	[tilespmem:$0x1DB80] =	vst v63  }
0x4e: {  	v38 =	vperm.xlane v17, v14;
	v18 =	vadd.s32 v3, v37  }
0x4f: {  	[tilespmem:s9], [sflag:$0x1] =	stream.indirect_vreg.gather [hbm4b:s12+s5], $0x80, v19, vm0, $0xb8;
	[tilespmem:$0x1DB80] =	vst v63  }
0x50: {  	v39 =	vperm.xlane v17, v15;
	s10 =	simm.s32 $0x880;
	v19 =	vadd.s32 v3, v38  }
0x51: {  	[tilespmem:s10], [sflag:$0x1] =	stream.indirect_vreg.gather [hbm4b:s12+s5], $0x80, v36, vm0, $0xb8;
	[tilespmem:$0x1DB80] =	vst v63  }
0x52: {  	v17 =	vperm.xlane v17, v16;
	v40 =	vadd.s32 v3, v39;
	s10 =	simm.s32 $0x900  }
0x53: {  	[tilespmem:s10], [sflag:$0x1] =	stream.indirect_vreg.gather [hbm4b:s12+s5], $0x80, v18, vm0, $0xb8;
	[tilespmem:$0x1DB80] =	vst v63  }
0x54: {  	v17 =	vadd.s32 v3, v17;
	s10 =	simm.s32 $0x980  }
0x55: {  	[tilespmem:s10], [sflag:$0x1] =	stream.indirect_vreg.gather [hbm4b:s12+s5], $0x80, v19, vm0, $0xb8;
	[tilespmem:$0x1DB80] =	vst v63  }
0x56: {  	s10 =	simm.s32 $0xA00  }
0x57: {  	[tilespmem:s10], [sflag:$0x1] =	stream.indirect_vreg.gather [hbm4b:s12+s5], $0x80, v40, vm0, $0xb8;
	[tilespmem:$0x1DB80] =	vst v63  }
0x58: {  	s10 =	simm.s32 $0xA80  }
0x59: {  	[tilespmem:s10], [sflag:$0x1] =	stream.indirect_vreg.gather [hbm4b:s12+s5], $0x80, v17, vm0, $0xb8;
	[tilespmem:$0x1DB80] =	vst v63  }
0x5a: {  	v17 =	vld [tilespmem:$0x10];
	_ =	sdelay $0x4  }
0x5b: {  	v18 =	vshll.u32 v17, $0x1  }
0x5c: {  	v17 =	vand.u32 $0x7, v17;
	v18 =	vand.u32 $0xFFFFFFF0, v18  }
0x5d: {  	v17 =	vor.u32 v17, v18  }
0x5e: {  	v18 =	vperm.xlane v17, v2;
	_ =	sdelay $0x1  }
0x5f: {  	v19 =	vperm.xlane v17, v1;
	v18 =	vadd.s32 v3, v18;
	_ =	sdelay $0x1  }
0x60: {  	v41 =	vperm.xlane v17, v4;
	v19 =	vadd.s32 v3, v19;
	_ =	sdelay $0x1  }
0x61: {  	s10 =	simm.s32 $0xB00;
	v42 =	vperm.xlane v17, v5;
	v20 =	vadd.s32 v3, v41  }
0x62: {  	[tilespmem:s10], [sflag:$0x1] =	stream.indirect_vreg.gather [hbm4b:s12+s5], $0x80, v18, vm0, $0xb8;
	[tilespmem:$0x1DB80] =	vst v63  }
0x63: {  	v43 =	vperm.xlane v17, v6;
	v18 =	vadd.s32 v3, v42;
	s10 =	simm.s32 $0xB80  }
0x64: {  	[tilespmem:s10], [sflag:$0x1] =	stream.indirect_vreg.gather [hbm4b:s12+s5], $0x80, v19, vm0, $0xb8;
	[tilespmem:$0x1DB80] =	vst v63  }
0x65: {  	v44 =	vperm.xlane v17, v7;
	v19 =	vadd.s32 v3, v43;
	s10 =	simm.s32 $0xC00  }
0x66: {  	[tilespmem:s10], [sflag:$0x1] =	stream.indirect_vreg.gather [hbm4b:s12+s5], $0x80, v20, vm0, $0xb8;
	[tilespmem:$0x1DB80] =	vst v63  }
0x67: {  	v46 =	vperm.xlane v17, v8;
	v45 =	vadd.s32 v3, v44;
	s10 =	simm.s32 $0xC80  }
0x68: {  	[tilespmem:s10], [sflag:$0x1] =	stream.indirect_vreg.gather [hbm4b:s12+s5], $0x80, v18, vm0, $0xb8;
	[tilespmem:$0x1DB80] =	vst v63  }
0x69: {  	v47 =	vperm.xlane v17, v0;
	v18 =	vadd.s32 v3, v46;
	s10 =	simm.s32 $0xD00  }
0x6a: {  	[tilespmem:s10], [sflag:$0x1] =	stream.indirect_vreg.gather [hbm4b:s12+s5], $0x80, v19, vm0, $0xb8;
	[tilespmem:$0x1DB80] =	vst v63  }
0x6b: {  	v48 =	vperm.xlane v17, v9;
	v19 =	vadd.s32 v3, v47;
	s10 =	simm.s32 $0xD80  }
0x6c: {  	[tilespmem:s10], [sflag:$0x1] =	stream.indirect_vreg.gather [hbm4b:s12+s5], $0x80, v45, vm0, $0xb8;
	[tilespmem:$0x1DB80] =	vst v63  }
0x6d: {  	v50 =	vperm.xlane v17, v10;
	v49 =	vadd.s32 v3, v48;
	s10 =	simm.s32 $0xE00  }
0x6e: {  	[tilespmem:s10], [sflag:$0x1] =	stream.indirect_vreg.gather [hbm4b:s12+s5], $0x80, v18, vm0, $0xb8;
	[tilespmem:$0x1DB80] =	vst v63  }
0x6f: {  	v51 =	vperm.xlane v17, v11;
	v18 =	vadd.s32 v3, v50;
	s10 =	simm.s32 $0xE80  }
0x70: {  	[tilespmem:s10], [sflag:$0x1] =	stream.indirect_vreg.gather [hbm4b:s12+s5], $0x80, v19, vm0, $0xb8;
	[tilespmem:$0x1DB80] =	vst v63  }
0x71: {  	v52 =	vperm.xlane v17, v12;
	v19 =	vadd.s32 v3, v51;
	s10 =	simm.s32 $0xF00  }
0x72: {  	[tilespmem:s10], [sflag:$0x1] =	stream.indirect_vreg.gather [hbm4b:s12+s5], $0x80, v49, vm0, $0xb8;
	[tilespmem:$0x1DB80] =	vst v63  }
0x73: {  	v54 =	vperm.xlane v17, v13;
	v53 =	vadd.s32 v3, v52;
	s10 =	simm.s32 $0xF80  }
0x74: {  	[tilespmem:s10], [sflag:$0x1] =	stream.indirect_vreg.gather [hbm4b:s12+s5], $0x80, v18, vm0, $0xb8;
	[tilespmem:$0x1DB80] =	vst v63  }
0x75: {  	v55 =	vperm.xlane v17, v14;
	v18 =	vadd.s32 v3, v54;
	s10 =	simm.s32 $0x1000  }
0x76: {  	[tilespmem:s10], [sflag:$0x1] =	stream.indirect_vreg.gather [hbm4b:s12+s5], $0x80, v19, vm0, $0xb8;
	[tilespmem:$0x1DB80] =	vst v63  }
0x77: {  	v56 =	vperm.xlane v17, v15;
	v19 =	vadd.s32 v3, v55;
	s10 =	simm.s32 $0x1080  }
0x78: {  	[tilespmem:s10], [sflag:$0x1] =	stream.indirect_vreg.gather [hbm4b:s12+s5], $0x80, v53, vm0, $0xb8;
	[tilespmem:$0x1DB80] =	vst v63  }
0x79: {  	v17 =	vperm.xlane v17, v16;
	v57 =	vadd.s32 v3, v56;
	s10 =	simm.s32 $0x1100  }
0x7a: {  	[tilespmem:s10], [sflag:$0x1] =	stream.indirect_vreg.gather [hbm4b:s12+s5], $0x80, v18, vm0, $0xb8;
	[tilespmem:$0x1DB80] =	vst v63  }
0x7b: {  	v17 =	vadd.s32 v3, v17;
	s10 =	simm.s32 $0x1180  }
0x7c: {  	[tilespmem:s10], [sflag:$0x1] =	stream.indirect_vreg.gather [hbm4b:s12+s5], $0x80, v19, vm0, $0xb8;
	[tilespmem:$0x1DB80] =	vst v63  }
0x7d: {  	s10 =	simm.s32 $0x1200  }
0x7e: {  	[tilespmem:s10], [sflag:$0x1] =	stream.indirect_vreg.gather [hbm4b:s12+s5], $0x80, v57, vm0, $0xb8;
	[tilespmem:$0x1DB80] =	vst v63  }
0x7f: {  	s10 =	simm.s32 $0x1280  }
0x80: {  	[tilespmem:s10], [sflag:$0x1] =	stream.indirect_vreg.gather [hbm4b:s12+s5], $0x80, v17, vm0, $0xb8;
	[tilespmem:$0x1DB80] =	vst v63  }
0x81: {  	v17 =	vld.msk [tilespmem:$0x20], $0xff;
	_ =	sdelay $0x4  }
0x82: {  	v18 =	vshll.u32 v17, $0x1  }
0x83: {  	v17 =	vand.u32 $0x7, v17;
	v18 =	vand.u32 $0xFFFFFFF0, v18  }
0x84: {  	v17 =	vor.u32 v17, v18  }
0x85: {  	v18 =	vperm.xlane v17, v2;
	_ =	sdelay $0x1  }
0x86: {  	v19 =	vperm.xlane v17, v1;
	v18 =	vadd.s32 v3, v18;
	_ =	sdelay $0x1  }
0x87: {  	v58 =	vperm.xlane v17, v4;
	v19 =	vadd.s32 v3, v19;
	_ =	sdelay $0x1  }
0x88: {  	s10 =	simm.s32 $0x1300;
	v59 =	vperm.xlane v17, v5;
	v20 =	vadd.s32 v3, v58  }
0x89: {  	[tilespmem:s10], [sflag:$0x1] =	stream.indirect_vreg.gather [hbm4b:s12+s5], $0x80, v18, vm0, $0xb8;
	[tilespmem:$0x1DB80] =	vst v63  }
0x8a: {  	v60 =	vperm.xlane v17, v6;
	v18 =	vadd.s32 v3, v59;
	s10 =	simm.s32 $0x1380  }
0x8b: {  	[tilespmem:s10], [sflag:$0x1] =	stream.indirect_vreg.gather [hbm4b:s12+s5], $0x80, v19, vm0, $0xb8;
	[tilespmem:$0x1DB80] =	vst v63  }
0x8c: {  	v61 =	vperm.xlane v17, v7;
	v19 =	vadd.s32 v3, v60;
	s10 =	simm.s32 $0x1400  }
0x8d: {  	[tilespmem:s10], [sflag:$0x1] =	stream.indirect_vreg.gather [hbm4b:s12+s5], $0x80, v20, vm0, $0xb8;
	[tilespmem:$0x1DB80] =	vst v63  }
0x8e: {  	v63 =	vperm.xlane v17, v8;
	v62 =	vadd.s32 v3, v61;
	s10 =	simm.s32 $0x1480  }
0x8f: {  	[tilespmem:s10], [sflag:$0x1] =	stream.indirect_vreg.gather [hbm4b:s12+s5], $0x80, v18, vm0, $0xb8;
	[tilespmem:$0x1DB80] =	vst v63  }
0x90: {  	v17 =	vperm.xlane v17, v0;
	v18 =	vadd.s32 v3, v63;
	s10 =	simm.s32 $0x1500  }
0x91: {  	[tilespmem:s10], [sflag:$0x1] =	stream.indirect_vreg.gather [hbm4b:s12+s5], $0x80, v19, vm0, $0xb8;
	[tilespmem:$0x1DB80] =	vst v63  }
0x92: {  	v17 =	vadd.s32 v3, v17;
	s10 =	simm.s32 $0x1580  }
0x93: {  	[tilespmem:s10], [sflag:$0x1] =	stream.indirect_vreg.gather [hbm4b:s12+s5], $0x80, v62, vm0, $0xb8;
	[tilespmem:$0x1DB80] =	vst v63  }
0x94: {  	s10 =	simm.s32 $0x1600  }
0x95: {  	[tilespmem:s10], [sflag:$0x1] =	stream.indirect_vreg.gather [hbm4b:s12+s5], $0x80, v18, vm0, $0xb8;
	[tilespmem:$0x1DB80] =	vst v63  }
0x96: {  	s10 =	simm.s32 $0x1680  }
0x97: {  	[tilespmem:s10], [sflag:$0x1] =	stream.indirect_vreg.gather [hbm4b:s12+s5], $0x80, v17, vm0, $0xb8;
	[tilespmem:$0x1DB80] =	vst v63  }
0x98: {  	v17 =	vld [tilespmem:$0x28];
	_ =	sdelay $0x4  }
0x99: {  	v18 =	vshll.u32 v17, $0x1  }
0x9a: {  	v17 =	vand.u32 $0x7, v17;
	v18 =	vand.u32 $0xFFFFFFF0, v18  }
0x9b: {  	v17 =	vor.u32 v17, v18  }
0x9c: {  	v18 =	vperm.xlane v17, v2;
	_ =	sdelay $0x1  }
0x9d: {  	v19 =	vperm.xlane v17, v1;
	v18 =	vadd.s32 v3, v18;
	_ =	sdelay $0x1  }
0x9e: {  	v24 =	vperm.xlane v17, v4;
	v19 =	vadd.s32 v3, v19;
	_ =	sdelay $0x1  }
0x9f: {  	v25 =	vperm.xlane v17, v5;
	v20 =	vadd.s32 v3, v24  }
0xa0: {  	[tilespmem:s25], [sflag:$0x3] =	stream.indirect_vreg.gather [hbm4b:s12+s5], $0x80, v18, vm0, $0xb8;
	[tilespmem:$0x1DB80] =	vst v63  }
0xa1: {  	s10 =	simm.s32 $0x2B80;
	v26 =	vperm.xlane v17, v6;
	v18 =	vadd.s32 v3, v25  }
0xa2: {  	[tilespmem:s10], [sflag:$0x3] =	stream.indirect_vreg.gather [hbm4b:s12+s5], $0x80, v19, vm0, $0xb8;
	[tilespmem:$0x1DB80] =	vst v63  }
0xa3: {  	v27 =	vperm.xlane v17, v7;
	v19 =	vadd.s32 v3, v26;
	s10 =	simm.s32 $0x2C00  }
0xa4: {  	[tilespmem:s10], [sflag:$0x3] =	stream.indirect_vreg.gather [hbm4b:s12+s5], $0x80, v20, vm0, $0xb8;
	[tilespmem:$0x1DB80] =	vst v63  }
0xa5: {  	v29 =	vperm.xlane v17, v8;
	v28 =	vadd.s32 v3, v27;
	s10 =	simm.s32 $0x2C80  }
0xa6: {  	[tilespmem:s10], [sflag:$0x3] =	stream.indirect_vreg.gather [hbm4b:s12+s5], $0x80, v18, vm0, $0xb8;
	[tilespmem:$0x1DB80] =	vst v63  }
0xa7: {  	v30 =	vperm.xlane v17, v0;
	v18 =	vadd.s32 v3, v29;
	s10 =	simm.s32 $0x2D00  }
0xa8: {  	[tilespmem:s10], [sflag:$0x3] =	stream.indirect_vreg.gather [hbm4b:s12+s5], $0x80, v19, vm0, $0xb8;
	[tilespmem:$0x1DB80] =	vst v63  }
0xa9: {  	v31 =	vperm.xlane v17, v9;
	v19 =	vadd.s32 v3, v30;
	s10 =	simm.s32 $0x2D80  }
0xaa: {  	[tilespmem:s10], [sflag:$0x3] =	stream.indirect_vreg.gather [hbm4b:s12+s5], $0x80, v28, vm0, $0xb8;
	[tilespmem:$0x1DB80] =	vst v63  }
0xab: {  	v33 =	vperm.xlane v17, v10;
	v32 =	vadd.s32 v3, v31;
	s10 =	simm.s32 $0x2E00  }
0xac: {  	[tilespmem:s10], [sflag:$0x3] =	stream.indirect_vreg.gather [hbm4b:s12+s5], $0x80, v18, vm0, $0xb8;
	[tilespmem:$0x1DB80] =	vst v63  }
0xad: {  	v34 =	vperm.xlane v17, v11;
	v18 =	vadd.s32 v3, v33;
	s10 =	simm.s32 $0x2E80  }
0xae: {  	[tilespmem:s10], [sflag:$0x3] =	stream.indirect_vreg.gather [hbm4b:s12+s5], $0x80, v19, vm0, $0xb8;
	[tilespmem:$0x1DB80] =	vst v63  }
0xaf: {  	v35 =	vperm.xlane v17, v12;
	v19 =	vadd.s32 v3, v34;
	s10 =	simm.s32 $0x2F00  }
0xb0: {  	[tilespmem:s10], [sflag:$0x3] =	stream.indirect_vreg.gather [hbm4b:s12+s5], $0x80, v32, vm0, $0xb8;
	[tilespmem:$0x1DB80] =	vst v63  }
0xb1: {  	v37 =	vperm.xlane v17, v13;
	v36 =	vadd.s32 v3, v35;
	s10 =	simm.s32 $0x2F80  }
0xb2: {  	[tilespmem:s10], [sflag:$0x3] =	stream.indirect_vreg.gather [hbm4b:s12+s5], $0x80, v18, vm0, $0xb8;
	[tilespmem:$0x1DB80] =	vst v63  }
0xb3: {  	v38 =	vperm.xlane v17, v14;
	v18 =	vadd.s32 v3, v37;
	s10 =	simm.s32 $0x3000  }
0xb4: {  	[tilespmem:s10], [sflag:$0x3] =	stream.indirect_vreg.gather [hbm4b:s12+s5], $0x80, v19, vm0, $0xb8;
	[tilespmem:$0x1DB80] =	vst v63  }
0xb5: {  	v39 =	vperm.xlane v17, v15;
	v19 =	vadd.s32 v3, v38;
	s10 =	simm.s32 $0x3080  }
0xb6: {  	[tilespmem:s10], [sflag:$0x3] =	stream.indirect_vreg.gather [hbm4b:s12+s5], $0x80, v36, vm0, $0xb8;
	[tilespmem:$0x1DB80] =	vst v63  }
0xb7: {  	v17 =	vperm.xlane v17, v16;
	v40 =	vadd.s32 v3, v39;
	s10 =	simm.s32 $0x3100  }
0xb8: {  	[tilespmem:s10], [sflag:$0x3] =	stream.indirect_vreg.gather [hbm4b:s12+s5], $0x80, v18, vm0, $0xb8;
	[tilespmem:$0x1DB80] =	vst v63  }
0xb9: {  	v17 =	vadd.s32 v3, v17;
	s10 =	simm.s32 $0x3180  }
0xba: {  	[tilespmem:s10], [sflag:$0x3] =	stream.indirect_vreg.gather [hbm4b:s12+s5], $0x80, v19, vm0, $0xb8;
	[tilespmem:$0x1DB80] =	vst v63  }
0xbb: {  	s10 =	simm.s32 $0x3200  }
0xbc: {  	[tilespmem:s10], [sflag:$0x3] =	stream.indirect_vreg.gather [hbm4b:s12+s5], $0x80, v40, vm0, $0xb8;
	[tilespmem:$0x1DB80] =	vst v63  }
0xbd: {  	s10 =	simm.s32 $0x3280  }
0xbe: {  	[tilespmem:s10], [sflag:$0x3] =	stream.indirect_vreg.gather [hbm4b:s12+s5], $0x80, v17, vm0, $0xb8;
	[tilespmem:$0x1DB80] =	vst v63  }
0xbf: {  	v17 =	vld [tilespmem:$0x38];
	_ =	sdelay $0x4  }
0xc0: {  	v18 =	vshll.u32 v17, $0x1  }
0xc1: {  	v17 =	vand.u32 $0x7, v17;
	v18 =	vand.u32 $0xFFFFFFF0, v18  }
0xc2: {  	v17 =	vor.u32 v17, v18  }
0xc3: {  	v18 =	vperm.xlane v17, v2;
	_ =	sdelay $0x1  }
0xc4: {  	v19 =	vperm.xlane v17, v1;
	v18 =	vadd.s32 v3, v18;
	_ =	sdelay $0x1  }
0xc5: {  	v41 =	vperm.xlane v17, v4;
	v19 =	vadd.s32 v3, v19;
	_ =	sdelay $0x1  }
0xc6: {  	s10 =	simm.s32 $0x3300;
	v42 =	vperm.xlane v17, v5;
	v20 =	vadd.s32 v3, v41  }
0xc7: {  	[tilespmem:s10], [sflag:$0x3] =	stream.indirect_vreg.gather [hbm4b:s12+s5], $0x80, v18, vm0, $0xb8;
	[tilespmem:$0x1DB80] =	vst v63  }
0xc8: {  	v43 =	vperm.xlane v17, v6;
	v18 =	vadd.s32 v3, v42;
	s10 =	simm.s32 $0x3380  }
0xc9: {  	[tilespmem:s10], [sflag:$0x3] =	stream.indirect_vreg.gather [hbm4b:s12+s5], $0x80, v19, vm0, $0xb8;
	[tilespmem:$0x1DB80] =	vst v63  }
0xca: {  	v44 =	vperm.xlane v17, v7;
	v19 =	vadd.s32 v3, v43;
	s10 =	simm.s32 $0x3400  }
0xcb: {  	[tilespmem:s10], [sflag:$0x3] =	stream.indirect_vreg.gather [hbm4b:s12+s5], $0x80, v20, vm0, $0xb8;
	[tilespmem:$0x1DB80] =	vst v63  }
0xcc: {  	v46 =	vperm.xlane v17, v8;
	v45 =	vadd.s32 v3, v44;
	s10 =	simm.s32 $0x3480  }
0xcd: {  	[tilespmem:s10], [sflag:$0x3] =	stream.indirect_vreg.gather [hbm4b:s12+s5], $0x80, v18, vm0, $0xb8;
	[tilespmem:$0x1DB80] =	vst v63  }
0xce: {  	v47 =	vperm.xlane v17, v0;
	v18 =	vadd.s32 v3, v46;
	s10 =	simm.s32 $0x3500  }
0xcf: {  	[tilespmem:s10], [sflag:$0x3] =	stream.indirect_vreg.gather [hbm4b:s12+s5], $0x80, v19, vm0, $0xb8;
	[tilespmem:$0x1DB80] =	vst v63  }
0xd0: {  	v48 =	vperm.xlane v17, v9;
	v19 =	vadd.s32 v3, v47;
	s10 =	simm.s32 $0x3580  }
0xd1: {  	[tilespmem:s10], [sflag:$0x3] =	stream.indirect_vreg.gather [hbm4b:s12+s5], $0x80, v45, vm0, $0xb8;
	[tilespmem:$0x1DB80] =	vst v63  }
0xd2: {  	v50 =	vperm.xlane v17, v10;
	v49 =	vadd.s32 v3, v48;
	s10 =	simm.s32 $0x3600  }
0xd3: {  	[tilespmem:s10], [sflag:$0x3] =	stream.indirect_vreg.gather [hbm4b:s12+s5], $0x80, v18, vm0, $0xb8;
	[tilespmem:$0x1DB80] =	vst v63  }
0xd4: {  	v51 =	vperm.xlane v17, v11;
	v18 =	vadd.s32 v3, v50;
	s10 =	simm.s32 $0x3680  }
0xd5: {  	[tilespmem:s10], [sflag:$0x3] =	stream.indirect_vreg.gather [hbm4b:s12+s5], $0x80, v19, vm0, $0xb8;
	[tilespmem:$0x1DB80] =	vst v63  }
0xd6: {  	v52 =	vperm.xlane v17, v12;
	v19 =	vadd.s32 v3, v51;
	s10 =	simm.s32 $0x3700  }
0xd7: {  	[tilespmem:s10], [sflag:$0x3] =	stream.indirect_vreg.gather [hbm4b:s12+s5], $0x80, v49, vm0, $0xb8;
	[tilespmem:$0x1DB80] =	vst v63  }
0xd8: {  	v54 =	vperm.xlane v17, v13;
	v53 =	vadd.s32 v3, v52;
	s10 =	simm.s32 $0x3780  }
0xd9: {  	[tilespmem:s10], [sflag:$0x3] =	stream.indirect_vreg.gather [hbm4b:s12+s5], $0x80, v18, vm0, $0xb8;
	[tilespmem:$0x1DB80] =	vst v63  }
0xda: {  	v55 =	vperm.xlane v17, v14;
	v18 =	vadd.s32 v3, v54;
	s10 =	simm.s32 $0x3800  }
0xdb: {  	[tilespmem:s10], [sflag:$0x3] =	stream.indirect_vreg.gather [hbm4b:s12+s5], $0x80, v19, vm0, $0xb8;
	[tilespmem:$0x1DB80] =	vst v63  }
0xdc: {  	v56 =	vperm.xlane v17, v15;
	v19 =	vadd.s32 v3, v55;
	s10 =	simm.s32 $0x3880  }
0xdd: {  	[tilespmem:s10], [sflag:$0x3] =	stream.indirect_vreg.gather [hbm4b:s12+s5], $0x80, v53, vm0, $0xb8;
	[tilespmem:$0x1DB80] =	vst v63  }
0xde: {  	v17 =	vperm.xlane v17, v16;
	v57 =	vadd.s32 v3, v56;
	s10 =	simm.s32 $0x3900  }
0xdf: {  	[tilespmem:s10], [sflag:$0x3] =	stream.indirect_vreg.gather [hbm4b:s12+s5], $0x80, v18, vm0, $0xb8;
	[tilespmem:$0x1DB80] =	vst v63  }
0xe0: {  	v17 =	vadd.s32 v3, v17;
	s10 =	simm.s32 $0x3980  }
0xe1: {  	[tilespmem:s10], [sflag:$0x3] =	stream.indirect_vreg.gather [hbm4b:s12+s5], $0x80, v19, vm0, $0xb8;
	[tilespmem:$0x1DB80] =	vst v63  }
0xe2: {  	s10 =	simm.s32 $0x3A00  }
0xe3: {  	[tilespmem:s10], [sflag:$0x3] =	stream.indirect_vreg.gather [hbm4b:s12+s5], $0x80, v57, vm0, $0xb8;
	[tilespmem:$0x1DB80] =	vst v63  }
0xe4: {  	s10 =	simm.s32 $0x3A80  }
0xe5: {  	[tilespmem:s10], [sflag:$0x3] =	stream.indirect_vreg.gather [hbm4b:s12+s5], $0x80, v17, vm0, $0xb8;
	[tilespmem:$0x1DB80] =	vst v63  }
0xe6: {  	v17 =	vld.msk [tilespmem:$0x48], $0xff;
	_ =	sdelay $0x4  }
0xe7: {  	v18 =	vshll.u32 v17, $0x1  }
0xe8: {  	v17 =	vand.u32 $0x7, v17;
	v18 =	vand.u32 $0xFFFFFFF0, v18  }
0xe9: {  	v17 =	vor.u32 v17, v18  }
0xea: {  	v18 =	vperm.xlane v17, v2;
	_ =	sdelay $0x1  }
0xeb: {  	v19 =	vperm.xlane v17, v1;
	v18 =	vadd.s32 v3, v18;
	_ =	sdelay $0x1  }
0xec: {  	v58 =	vperm.xlane v17, v4;
	v19 =	vadd.s32 v3, v19;
	_ =	sdelay $0x1  }
0xed: {  	s10 =	simm.s32 $0x3B00;
	v59 =	vperm.xlane v17, v5;
	v20 =	vadd.s32 v3, v58  }
0xee: {  	[tilespmem:s10], [sflag:$0x3] =	stream.indirect_vreg.gather [hbm4b:s12+s5], $0x80, v18, vm0, $0xb8;
	[tilespmem:$0x1DB80] =	vst v63  }
0xef: {  	v60 =	vperm.xlane v17, v6;
	v18 =	vadd.s32 v3, v59;
	s10 =	simm.s32 $0x3B80  }
0xf0: {  	[tilespmem:s10], [sflag:$0x3] =	stream.indirect_vreg.gather [hbm4b:s12+s5], $0x80, v19, vm0, $0xb8;
	[tilespmem:$0x1DB80] =	vst v63  }
0xf1: {  	v61 =	vperm.xlane v17, v7;
	v19 =	vadd.s32 v3, v60;
	s10 =	simm.s32 $0x3C00  }
0xf2: {  	[tilespmem:s10], [sflag:$0x3] =	stream.indirect_vreg.gather [hbm4b:s12+s5], $0x80, v20, vm0, $0xb8;
	[tilespmem:$0x1DB80] =	vst v63  }
0xf3: {  	v63 =	vperm.xlane v17, v8;
	v62 =	vadd.s32 v3, v61;
	s10 =	simm.s32 $0x3C80  }
0xf4: {  	[tilespmem:s10], [sflag:$0x3] =	stream.indirect_vreg.gather [hbm4b:s12+s5], $0x80, v18, vm0, $0xb8;
	[tilespmem:$0x1DB80] =	vst v63  }
0xf5: {  	v17 =	vperm.xlane v17, v0;
	v18 =	vadd.s32 v3, v63;
	s10 =	simm.s32 $0x3D00  }
0xf6: {  	[tilespmem:s10], [sflag:$0x3] =	stream.indirect_vreg.gather [hbm4b:s12+s5], $0x80, v19, vm0, $0xb8;
	[tilespmem:$0x1DB80] =	vst v63  }
0xf7: {  	v17 =	vadd.s32 v3, v17;
	s10 =	simm.s32 $0x3D80  }
0xf8: {  	[tilespmem:s10], [sflag:$0x3] =	stream.indirect_vreg.gather [hbm4b:s12+s5], $0x80, v62, vm0, $0xb8;
	[tilespmem:$0x1DB80] =	vst v63  }
0xf9: {  	s10 =	simm.s32 $0x3E00  }
0xfa: {  	[tilespmem:s10], [sflag:$0x3] =	stream.indirect_vreg.gather [hbm4b:s12+s5], $0x80, v18, vm0, $0xb8;
	[tilespmem:$0x1DB80] =	vst v63  }
0xfb: {  	s10 =	simm.s32 $0x3E80  }
0xfc: {  	[tilespmem:s10], [sflag:$0x3] =	stream.indirect_vreg.gather [hbm4b:s12+s5], $0x80, v17, vm0, $0xb8;
	[tilespmem:$0x1DB80] =	vst v63  }
0xfd: {  	s10 =	rddreg [dreg:$0xa]  }
0xfe: {  	[tilespmem:s30], [sflag:$0x11] =	stream.linear.gather [hbm4b:s10+s5], $0x50, $0x38;
	[tilespmem:$0x1DB80] =	vst v63  }
0xff: {  	_ =	swait.ge [sflag:s26], $0x50  }
0x100: {  	[sflag:s26] =	ssyncset.done $0x0  }
0x101: {  	s10 =	simm.s32 $0x7B00;
	s0 =	rddreg [dreg:$0xb];
	[sflag:s26] =	ssyncadd.s32 $0xFFFFFFB0  }
0x102: {  	[tilespmem:s10], [sflag:$0x6] =	stream.strided.gather [hbm4b:s0+s4], $0x2800, s9, s4, $0x38;
	[tilespmem:$0x1DB80] =	vst v63  }
0x103: {  	s4 =	rddreg [dreg:$0xc];
	s9 =	simm.s32 $0x180  }
0x104: {  	[tilespmem:s9], [sflag:$0x8] =	stream.linear.gather [hbm4b:s4+s5], $0x28, $0x38;
	[tilespmem:$0x1DB80] =	vst v63  }
0x105: {  	s10 =	rddreg [dreg:$0xd]  }
0x106: {  	[tilespmem:s16], [sflag:$0xA] =	stream.linear.gather [hbm4b:s10+s5], $0x28, $0x38;
	[tilespmem:$0x1DB80] =	vst v63  }
0x107: {  	v17 =	vld [tilespmem:$0x80];
	_ =	sdelay $0x4  }
0x108: {  	v18 =	vshll.u32 v17, $0x1  }
0x109: {  	v17 =	vand.u32 $0x7, v17;
	v18 =	vand.u32 $0xFFFFFFF0, v18  }
0x10a: {  	v17 =	vor.u32 v17, v18  }
0x10b: {  	v18 =	vperm.xlane v17, v2;
	_ =	sdelay $0x1  }
0x10c: {  	v19 =	vperm.xlane v17, v1;
	v18 =	vadd.s32 v3, v18;
	_ =	sdelay $0x1  }
0x10d: {  	v24 =	vperm.xlane v17, v4;
	v19 =	vadd.s32 v3, v19;
	_ =	sdelay $0x1  }
0x10e: {  	s4 =	simm.s32 $0x1700;
	v25 =	vperm.xlane v17, v5;
	v20 =	vadd.s32 v3, v24  }
0x10f: {  	[tilespmem:s4], [sflag:$0x2] =	stream.indirect_vreg.gather [hbm4b:s12+s5], $0x80, v18, vm0, $0xb8;
	[tilespmem:$0x1DB80] =	vst v63  }
0x110: {  	s9 =	simm.s32 $0x1780;
	v26 =	vperm.xlane v17, v6;
	v18 =	vadd.s32 v3, v25  }
0x111: {  	[tilespmem:s9], [sflag:$0x2] =	stream.indirect_vreg.gather [hbm4b:s12+s5], $0x80, v19, vm0, $0xb8;
	[tilespmem:$0x1DB80] =	vst v63  }
0x112: {  	s10 =	simm.s32 $0x1800;
	v27 =	vperm.xlane v17, v7;
	v19 =	vadd.s32 v3, v26  }
0x113: {  	[tilespmem:s10], [sflag:$0x2] =	stream.indirect_vreg.gather [hbm4b:s12+s5], $0x80, v20, vm0, $0xb8;
	[tilespmem:$0x1DB80] =	vst v63  }
0x114: {  	s16 =	simm.s32 $0x1880;
	v29 =	vperm.xlane v17, v8;
	v28 =	vadd.s32 v3, v27  }
0x115: {  	[tilespmem:s16], [sflag:$0x2] =	stream.indirect_vreg.gather [hbm4b:s12+s5], $0x80, v18, vm0, $0xb8;
	[tilespmem:$0x1DB80] =	vst v63  }
0x116: {  	v30 =	vperm.xlane v17, v0;
	s4 =	simm.s32 $0x1900;
	v18 =	vadd.s32 v3, v29  }
0x117: {  	[tilespmem:s4], [sflag:$0x2] =	stream.indirect_vreg.gather [hbm4b:s12+s5], $0x80, v19, vm0, $0xb8;
	[tilespmem:$0x1DB80] =	vst v63  }
0x118: {  	v31 =	vperm.xlane v17, v9;
	s9 =	simm.s32 $0x1980;
	v19 =	vadd.s32 v3, v30  }
0x119: {  	[tilespmem:s9], [sflag:$0x2] =	stream.indirect_vreg.gather [hbm4b:s12+s5], $0x80, v28, vm0, $0xb8;
	[tilespmem:$0x1DB80] =	vst v63  }
0x11a: {  	v33 =	vperm.xlane v17, v10;
	v32 =	vadd.s32 v3, v31;
	s10 =	simm.s32 $0x1A00  }
0x11b: {  	[tilespmem:s10], [sflag:$0x2] =	stream.indirect_vreg.gather [hbm4b:s12+s5], $0x80, v18, vm0, $0xb8;
	[tilespmem:$0x1DB80] =	vst v63  }
0x11c: {  	v34 =	vperm.xlane v17, v11;
	s16 =	simm.s32 $0x1A80;
	v18 =	vadd.s32 v3, v33  }
0x11d: {  	[tilespmem:s16], [sflag:$0x2] =	stream.indirect_vreg.gather [hbm4b:s12+s5], $0x80, v19, vm0, $0xb8;
	[tilespmem:$0x1DB80] =	vst v63  }
0x11e: {  	v35 =	vperm.xlane v17, v12;
	s4 =	simm.s32 $0x1B00;
	v19 =	vadd.s32 v3, v34  }
0x11f: {  	[tilespmem:s4], [sflag:$0x2] =	stream.indirect_vreg.gather [hbm4b:s12+s5], $0x80, v32, vm0, $0xb8;
	[tilespmem:$0x1DB80] =	vst v63  }
0x120: {  	v37 =	vperm.xlane v17, v13;
	v36 =	vadd.s32 v3, v35;
	s9 =	simm.s32 $0x1B80  }
0x121: {  	[tilespmem:s9], [sflag:$0x2] =	stream.indirect_vreg.gather [hbm4b:s12+s5], $0x80, v18, vm0, $0xb8;
	[tilespmem:$0x1DB80] =	vst v63  }
0x122: {  	v38 =	vperm.xlane v17, v14;
	s10 =	simm.s32 $0x1C00;
	v18 =	vadd.s32 v3, v37  }
0x123: {  	[tilespmem:s10], [sflag:$0x2] =	stream.indirect_vreg.gather [hbm4b:s12+s5], $0x80, v19, vm0, $0xb8;
	[tilespmem:$0x1DB80] =	vst v63  }
0x124: {  	v39 =	vperm.xlane v17, v15;
	s16 =	simm.s32 $0x1C80;
	v19 =	vadd.s32 v3, v38  }
0x125: {  	[tilespmem:s16], [sflag:$0x2] =	stream.indirect_vreg.gather [hbm4b:s12+s5], $0x80, v36, vm0, $0xb8;
	[tilespmem:$0x1DB80] =	vst v63  }
0x126: {  	v17 =	vperm.xlane v17, v16;
	v40 =	vadd.s32 v3, v39;
	s4 =	simm.s32 $0x1D00  }
0x127: {  	[tilespmem:s4], [sflag:$0x2] =	stream.indirect_vreg.gather [hbm4b:s12+s5], $0x80, v18, vm0, $0xb8;
	[tilespmem:$0x1DB80] =	vst v63  }
0x128: {  	v17 =	vadd.s32 v3, v17;
	s9 =	simm.s32 $0x1D80  }
0x129: {  	[tilespmem:s9], [sflag:$0x2] =	stream.indirect_vreg.gather [hbm4b:s12+s5], $0x80, v19, vm0, $0xb8;
	[tilespmem:$0x1DB80] =	vst v63  }
0x12a: {  	s10 =	simm.s32 $0x1E00  }
0x12b: {  	[tilespmem:s10], [sflag:$0x2] =	stream.indirect_vreg.gather [hbm4b:s12+s5], $0x80, v40, vm0, $0xb8;
	[tilespmem:$0x1DB80] =	vst v63  }
0x12c: {  	s16 =	simm.s32 $0x1E80  }
0x12d: {  	[tilespmem:s16], [sflag:$0x2] =	stream.indirect_vreg.gather [hbm4b:s12+s5], $0x80, v17, vm0, $0xb8;
	[tilespmem:$0x1DB80] =	vst v63  }
0x12e: {  	v17 =	vld [tilespmem:$0x90];
	_ =	sdelay $0x4  }
0x12f: {  	v18 =	vshll.u32 v17, $0x1  }
0x130: {  	v17 =	vand.u32 $0x7, v17;
	v18 =	vand.u32 $0xFFFFFFF0, v18  }
0x131: {  	v17 =	vor.u32 v17, v18  }
0x132: {  	v18 =	vperm.xlane v17, v2;
	_ =	sdelay $0x1  }
0x133: {  	v19 =	vperm.xlane v17, v1;
	v18 =	vadd.s32 v3, v18;
	_ =	sdelay $0x1  }
0x134: {  	v41 =	vperm.xlane v17, v4;
	v19 =	vadd.s32 v3, v19;
	_ =	sdelay $0x1  }
0x135: {  	s4 =	simm.s32 $0x1F00;
	v42 =	vperm.xlane v17, v5;
	v20 =	vadd.s32 v3, v41  }
0x136: {  	[tilespmem:s4], [sflag:$0x2] =	stream.indirect_vreg.gather [hbm4b:s12+s5], $0x80, v18, vm0, $0xb8;
	[tilespmem:$0x1DB80] =	vst v63  }
0x137: {  	s9 =	simm.s32 $0x1F80;
	v43 =	vperm.xlane v17, v6;
	v18 =	vadd.s32 v3, v42  }
0x138: {  	[tilespmem:s9], [sflag:$0x2] =	stream.indirect_vreg.gather [hbm4b:s12+s5], $0x80, v19, vm0, $0xb8;
	[tilespmem:$0x1DB80] =	vst v63  }
0x139: {  	s10 =	simm.s32 $0x2000;
	v44 =	vperm.xlane v17, v7;
	v19 =	vadd.s32 v3, v43  }
0x13a: {  	[tilespmem:s10], [sflag:$0x2] =	stream.indirect_vreg.gather [hbm4b:s12+s5], $0x80, v20, vm0, $0xb8;
	[tilespmem:$0x1DB80] =	vst v63  }
0x13b: {  	s16 =	simm.s32 $0x2080;
	v46 =	vperm.xlane v17, v8;
	v45 =	vadd.s32 v3, v44  }
0x13c: {  	[tilespmem:s16], [sflag:$0x2] =	stream.indirect_vreg.gather [hbm4b:s12+s5], $0x80, v18, vm0, $0xb8;
	[tilespmem:$0x1DB80] =	vst v63  }
0x13d: {  	v47 =	vperm.xlane v17, v0;
	s4 =	simm.s32 $0x2100;
	v18 =	vadd.s32 v3, v46  }
0x13e: {  	[tilespmem:s4], [sflag:$0x2] =	stream.indirect_vreg.gather [hbm4b:s12+s5], $0x80, v19, vm0, $0xb8;
	[tilespmem:$0x1DB80] =	vst v63  }
0x13f: {  	v48 =	vperm.xlane v17, v9;
	s9 =	simm.s32 $0x2180;
	v19 =	vadd.s32 v3, v47  }
0x140: {  	[tilespmem:s9], [sflag:$0x2] =	stream.indirect_vreg.gather [hbm4b:s12+s5], $0x80, v45, vm0, $0xb8;
	[tilespmem:$0x1DB80] =	vst v63  }
0x141: {  	v50 =	vperm.xlane v17, v10;
	v49 =	vadd.s32 v3, v48;
	s10 =	simm.s32 $0x2200  }
0x142: {  	[tilespmem:s10], [sflag:$0x2] =	stream.indirect_vreg.gather [hbm4b:s12+s5], $0x80, v18, vm0, $0xb8;
	[tilespmem:$0x1DB80] =	vst v63  }
0x143: {  	v51 =	vperm.xlane v17, v11;
	s16 =	simm.s32 $0x2280;
	v18 =	vadd.s32 v3, v50  }
0x144: {  	[tilespmem:s16], [sflag:$0x2] =	stream.indirect_vreg.gather [hbm4b:s12+s5], $0x80, v19, vm0, $0xb8;
	[tilespmem:$0x1DB80] =	vst v63  }
0x145: {  	v52 =	vperm.xlane v17, v12;
	s4 =	simm.s32 $0x2300;
	v19 =	vadd.s32 v3, v51  }
0x146: {  	[tilespmem:s4], [sflag:$0x2] =	stream.indirect_vreg.gather [hbm4b:s12+s5], $0x80, v49, vm0, $0xb8;
	[tilespmem:$0x1DB80] =	vst v63  }
0x147: {  	v54 =	vperm.xlane v17, v13;
	v53 =	vadd.s32 v3, v52;
	s9 =	simm.s32 $0x2380  }
0x148: {  	[tilespmem:s9], [sflag:$0x2] =	stream.indirect_vreg.gather [hbm4b:s12+s5], $0x80, v18, vm0, $0xb8;
	[tilespmem:$0x1DB80] =	vst v63  }
0x149: {  	v55 =	vperm.xlane v17, v14;
	s10 =	simm.s32 $0x2400;
	v18 =	vadd.s32 v3, v54  }
0x14a: {  	[tilespmem:s10], [sflag:$0x2] =	stream.indirect_vreg.gather [hbm4b:s12+s5], $0x80, v19, vm0, $0xb8;
	[tilespmem:$0x1DB80] =	vst v63  }
0x14b: {  	v56 =	vperm.xlane v17, v15;
	s16 =	simm.s32 $0x2480;
	v19 =	vadd.s32 v3, v55  }
0x14c: {  	[tilespmem:s16], [sflag:$0x2] =	stream.indirect_vreg.gather [hbm4b:s12+s5], $0x80, v53, vm0, $0xb8;
	[tilespmem:$0x1DB80] =	vst v63  }
0x14d: {  	v17 =	vperm.xlane v17, v16;
	v57 =	vadd.s32 v3, v56;
	s4 =	simm.s32 $0x2500  }
0x14e: {  	[tilespmem:s4], [sflag:$0x2] =	stream.indirect_vreg.gather [hbm4b:s12+s5], $0x80, v18, vm0, $0xb8;
	[tilespmem:$0x1DB80] =	vst v63  }
0x14f: {  	v17 =	vadd.s32 v3, v17;
	s9 =	simm.s32 $0x2580  }
0x150: {  	[tilespmem:s9], [sflag:$0x2] =	stream.indirect_vreg.gather [hbm4b:s12+s5], $0x80, v19, vm0, $0xb8;
	[tilespmem:$0x1DB80] =	vst v63  }
0x151: {  	s10 =	simm.s32 $0x2600  }
0x152: {  	[tilespmem:s10], [sflag:$0x2] =	stream.indirect_vreg.gather [hbm4b:s12+s5], $0x80, v57, vm0, $0xb8;
	[tilespmem:$0x1DB80] =	vst v63  }
0x153: {  	s16 =	simm.s32 $0x2680  }
0x154: {  	[tilespmem:s16], [sflag:$0x2] =	stream.indirect_vreg.gather [hbm4b:s12+s5], $0x80, v17, vm0, $0xb8;
	[tilespmem:$0x1DB80] =	vst v63  }
0x155: {  	v17 =	vld.msk [tilespmem:$0xA0], $0xff;
	_ =	sdelay $0x4  }
0x156: {  	v18 =	vshll.u32 v17, $0x1  }
0x157: {  	v17 =	vand.u32 $0x7, v17;
	v18 =	vand.u32 $0xFFFFFFF0, v18  }
0x158: {  	v17 =	vor.u32 v17, v18  }
0x159: {  	v18 =	vperm.xlane v17, v2;
	_ =	sdelay $0x1  }
0x15a: {  	v19 =	vperm.xlane v17, v1;
	v18 =	vadd.s32 v3, v18;
	_ =	sdelay $0x1  }
0x15b: {  	v58 =	vperm.xlane v17, v4;
	v19 =	vadd.s32 v3, v19;
	_ =	sdelay $0x1  }
0x15c: {  	s4 =	simm.s32 $0x2700;
	v59 =	vperm.xlane v17, v5;
	v20 =	vadd.s32 v3, v58  }
0x15d: {  	[tilespmem:s4], [sflag:$0x2] =	stream.indirect_vreg.gather [hbm4b:s12+s5], $0x80, v18, vm0, $0xb8;
	[tilespmem:$0x1DB80] =	vst v63  }
0x15e: {  	s9 =	simm.s32 $0x2780;
	v60 =	vperm.xlane v17, v6;
	v18 =	vadd.s32 v3, v59  }
0x15f: {  	[tilespmem:s9], [sflag:$0x2] =	stream.indirect_vreg.gather [hbm4b:s12+s5], $0x80, v19, vm0, $0xb8;
	[tilespmem:$0x1DB80] =	vst v63  }
0x160: {  	s10 =	simm.s32 $0x2800;
	v61 =	vperm.xlane v17, v7;
	v19 =	vadd.s32 v3, v60  }
0x161: {  	[tilespmem:s10], [sflag:$0x2] =	stream.indirect_vreg.gather [hbm4b:s12+s5], $0x80, v20, vm0, $0xb8;
	[tilespmem:$0x1DB80] =	vst v63  }
0x162: {  	s16 =	simm.s32 $0x2880;
	v63 =	vperm.xlane v17, v8;
	v62 =	vadd.s32 v3, v61  }
0x163: {  	[tilespmem:s16], [sflag:$0x2] =	stream.indirect_vreg.gather [hbm4b:s12+s5], $0x80, v18, vm0, $0xb8;
	[tilespmem:$0x1DB80] =	vst v63  }
0x164: {  	v17 =	vperm.xlane v17, v0;
	s4 =	simm.s32 $0x2900;
	v18 =	vadd.s32 v3, v63  }
0x165: {  	[tilespmem:s4], [sflag:$0x2] =	stream.indirect_vreg.gather [hbm4b:s12+s5], $0x80, v19, vm0, $0xb8;
	[tilespmem:$0x1DB80] =	vst v63  }
0x166: {  	v17 =	vadd.s32 v3, v17;
	s9 =	simm.s32 $0x2980  }
0x167: {  	[tilespmem:s9], [sflag:$0x2] =	stream.indirect_vreg.gather [hbm4b:s12+s5], $0x80, v62, vm0, $0xb8;
	[tilespmem:$0x1DB80] =	vst v63  }
0x168: {  	s10 =	simm.s32 $0x2A00  }
0x169: {  	[tilespmem:s10], [sflag:$0x2] =	stream.indirect_vreg.gather [hbm4b:s12+s5], $0x80, v18, vm0, $0xb8;
	[tilespmem:$0x1DB80] =	vst v63  }
0x16a: {  	s16 =	simm.s32 $0x2A80  }
0x16b: {  	[tilespmem:s16], [sflag:$0x2] =	stream.indirect_vreg.gather [hbm4b:s12+s5], $0x80, v17, vm0, $0xb8;
	[tilespmem:$0x1DB80] =	vst v63  }
0x16c: {  	v17 =	vld [tilespmem:$0xA8];
	_ =	sdelay $0x4  }
0x16d: {  	v18 =	vshll.u32 v17, $0x1  }
0x16e: {  	v17 =	vand.u32 $0x7, v17;
	v18 =	vand.u32 $0xFFFFFFF0, v18  }
0x16f: {  	v17 =	vor.u32 v17, v18  }
0x170: {  	v18 =	vperm.xlane v17, v2;
	_ =	sdelay $0x1  }
0x171: {  	v19 =	vperm.xlane v17, v1;
	v18 =	vadd.s32 v3, v18;
	_ =	sdelay $0x1  }
0x172: {  	v24 =	vperm.xlane v17, v4;
	v19 =	vadd.s32 v3, v19;
	_ =	sdelay $0x1  }
0x173: {  	v25 =	vperm.xlane v17, v5;
	v20 =	vadd.s32 v3, v24  }
0x174: {  	[tilespmem:s11], [sflag:$0x4] =	stream.indirect_vreg.gather [hbm4b:s12+s5], $0x80, v18, vm0, $0xb8;
	[tilespmem:$0x1DB80] =	vst v63  }
0x175: {  	s4 =	simm.s32 $0x3F80;
	v26 =	vperm.xlane v17, v6;
	v18 =	vadd.s32 v3, v25  }
0x176: {  	[tilespmem:s4], [sflag:$0x4] =	stream.indirect_vreg.gather [hbm4b:s12+s5], $0x80, v19, vm0, $0xb8;
	[tilespmem:$0x1DB80] =	vst v63  }
0x177: {  	s9 =	simm.s32 $0x4000;
	v27 =	vperm.xlane v17, v7;
	v19 =	vadd.s32 v3, v26  }
0x178: {  	[tilespmem:s9], [sflag:$0x4] =	stream.indirect_vreg.gather [hbm4b:s12+s5], $0x80, v20, vm0, $0xb8;
	[tilespmem:$0x1DB80] =	vst v63  }
0x179: {  	s10 =	simm.s32 $0x4080;
	v29 =	vperm.xlane v17, v8;
	v28 =	vadd.s32 v3, v27  }
0x17a: {  	[tilespmem:s10], [sflag:$0x4] =	stream.indirect_vreg.gather [hbm4b:s12+s5], $0x80, v18, vm0, $0xb8;
	[tilespmem:$0x1DB80] =	vst v63  }
0x17b: {  	v30 =	vperm.xlane v17, v0;
	s11 =	simm.s32 $0x4100;
	v18 =	vadd.s32 v3, v29  }
0x17c: {  	[tilespmem:s11], [sflag:$0x4] =	stream.indirect_vreg.gather [hbm4b:s12+s5], $0x80, v19, vm0, $0xb8;
	[tilespmem:$0x1DB80] =	vst v63  }
0x17d: {  	s16 =	simm.s32 $0x4180;
	v31 =	vperm.xlane v17, v9;
	v19 =	vadd.s32 v3, v30  }
0x17e: {  	[tilespmem:s16], [sflag:$0x4] =	stream.indirect_vreg.gather [hbm4b:s12+s5], $0x80, v28, vm0, $0xb8;
	[tilespmem:$0x1DB80] =	vst v63  }
0x17f: {  	v33 =	vperm.xlane v17, v10;
	v32 =	vadd.s32 v3, v31;
	s4 =	simm.s32 $0x4200  }
0x180: {  	[tilespmem:s4], [sflag:$0x4] =	stream.indirect_vreg.gather [hbm4b:s12+s5], $0x80, v18, vm0, $0xb8;
	[tilespmem:$0x1DB80] =	vst v63  }
0x181: {  	v34 =	vperm.xlane v17, v11;
	s9 =	simm.s32 $0x4280;
	v18 =	vadd.s32 v3, v33  }
0x182: {  	[tilespmem:s9], [sflag:$0x4] =	stream.indirect_vreg.gather [hbm4b:s12+s5], $0x80, v19, vm0, $0xb8;
	[tilespmem:$0x1DB80] =	vst v63  }
0x183: {  	v35 =	vperm.xlane v17, v12;
	s10 =	simm.s32 $0x4300;
	v19 =	vadd.s32 v3, v34  }
0x184: {  	[tilespmem:s10], [sflag:$0x4] =	stream.indirect_vreg.gather [hbm4b:s12+s5], $0x80, v32, vm0, $0xb8;
	[tilespmem:$0x1DB80] =	vst v63  }
0x185: {  	v37 =	vperm.xlane v17, v13;
	v36 =	vadd.s32 v3, v35;
	s11 =	simm.s32 $0x4380  }
0x186: {  	[tilespmem:s11], [sflag:$0x4] =	stream.indirect_vreg.gather [hbm4b:s12+s5], $0x80, v18, vm0, $0xb8;
	[tilespmem:$0x1DB80] =	vst v63  }
0x187: {  	v38 =	vperm.xlane v17, v14;
	s16 =	simm.s32 $0x4400;
	v18 =	vadd.s32 v3, v37  }
0x188: {  	[tilespmem:s16], [sflag:$0x4] =	stream.indirect_vreg.gather [hbm4b:s12+s5], $0x80, v19, vm0, $0xb8;
	[tilespmem:$0x1DB80] =	vst v63  }
0x189: {  	v39 =	vperm.xlane v17, v15;
	s4 =	simm.s32 $0x4480;
	v19 =	vadd.s32 v3, v38  }
0x18a: {  	[tilespmem:s4], [sflag:$0x4] =	stream.indirect_vreg.gather [hbm4b:s12+s5], $0x80, v36, vm0, $0xb8;
	[tilespmem:$0x1DB80] =	vst v63  }
0x18b: {  	v17 =	vperm.xlane v17, v16;
	v40 =	vadd.s32 v3, v39;
	s9 =	simm.s32 $0x4500  }
0x18c: {  	[tilespmem:s9], [sflag:$0x4] =	stream.indirect_vreg.gather [hbm4b:s12+s5], $0x80, v18, vm0, $0xb8;
	[tilespmem:$0x1DB80] =	vst v63  }
0x18d: {  	v17 =	vadd.s32 v3, v17;
	s10 =	simm.s32 $0x4580  }
0x18e: {  	[tilespmem:s10], [sflag:$0x4] =	stream.indirect_vreg.gather [hbm4b:s12+s5], $0x80, v19, vm0, $0xb8;
	[tilespmem:$0x1DB80] =	vst v63  }
0x18f: {  	s11 =	simm.s32 $0x4600  }
0x190: {  	[tilespmem:s11], [sflag:$0x4] =	stream.indirect_vreg.gather [hbm4b:s12+s5], $0x80, v40, vm0, $0xb8;
	[tilespmem:$0x1DB80] =	vst v63  }
0x191: {  	s16 =	simm.s32 $0x4680  }
0x192: {  	[tilespmem:s16], [sflag:$0x4] =	stream.indirect_vreg.gather [hbm4b:s12+s5], $0x80, v17, vm0, $0xb8;
	[tilespmem:$0x1DB80] =	vst v63  }
0x193: {  	v17 =	vld [tilespmem:$0xB8];
	_ =	sdelay $0x4  }
0x194: {  	v18 =	vshll.u32 v17, $0x1  }
0x195: {  	v17 =	vand.u32 $0x7, v17;
	v18 =	vand.u32 $0xFFFFFFF0, v18  }
0x196: {  	v17 =	vor.u32 v17, v18  }
0x197: {  	v18 =	vperm.xlane v17, v2;
	_ =	sdelay $0x1  }
0x198: {  	v19 =	vperm.xlane v17, v1;
	v18 =	vadd.s32 v3, v18;
	_ =	sdelay $0x1  }
0x199: {  	v41 =	vperm.xlane v17, v4;
	v19 =	vadd.s32 v3, v19;
	_ =	sdelay $0x1  }
0x19a: {  	s4 =	simm.s32 $0x4700;
	v42 =	vperm.xlane v17, v5;
	v20 =	vadd.s32 v3, v41  }
0x19b: {  	[tilespmem:s4], [sflag:$0x4] =	stream.indirect_vreg.gather [hbm4b:s12+s5], $0x80, v18, vm0, $0xb8;
	[tilespmem:$0x1DB80] =	vst v63  }
0x19c: {  	s9 =	simm.s32 $0x4780;
	v43 =	vperm.xlane v17, v6;
	v18 =	vadd.s32 v3, v42  }
0x19d: {  	[tilespmem:s9], [sflag:$0x4] =	stream.indirect_vreg.gather [hbm4b:s12+s5], $0x80, v19, vm0, $0xb8;
	[tilespmem:$0x1DB80] =	vst v63  }
0x19e: {  	s10 =	simm.s32 $0x4800;
	v44 =	vperm.xlane v17, v7;
	v19 =	vadd.s32 v3, v43  }
0x19f: {  	[tilespmem:s10], [sflag:$0x4] =	stream.indirect_vreg.gather [hbm4b:s12+s5], $0x80, v20, vm0, $0xb8;
	[tilespmem:$0x1DB80] =	vst v63  }
0x1a0: {  	s11 =	simm.s32 $0x4880;
	v46 =	vperm.xlane v17, v8;
	v45 =	vadd.s32 v3, v44  }
0x1a1: {  	[tilespmem:s11], [sflag:$0x4] =	stream.indirect_vreg.gather [hbm4b:s12+s5], $0x80, v18, vm0, $0xb8;
	[tilespmem:$0x1DB80] =	vst v63  }
0x1a2: {  	s16 =	simm.s32 $0x4900;
	v47 =	vperm.xlane v17, v0;
	v18 =	vadd.s32 v3, v46  }
0x1a3: {  	[tilespmem:s16], [sflag:$0x4] =	stream.indirect_vreg.gather [hbm4b:s12+s5], $0x80, v19, vm0, $0xb8;
	[tilespmem:$0x1DB80] =	vst v63  }
0x1a4: {  	v48 =	vperm.xlane v17, v9;
	s4 =	simm.s32 $0x4980;
	v19 =	vadd.s32 v3, v47  }
0x1a5: {  	[tilespmem:s4], [sflag:$0x4] =	stream.indirect_vreg.gather [hbm4b:s12+s5], $0x80, v45, vm0, $0xb8;
	[tilespmem:$0x1DB80] =	vst v63  }
0x1a6: {  	v50 =	vperm.xlane v17, v10;
	v49 =	vadd.s32 v3, v48;
	s9 =	simm.s32 $0x4A00  }
0x1a7: {  	[tilespmem:s9], [sflag:$0x4] =	stream.indirect_vreg.gather [hbm4b:s12+s5], $0x80, v18, vm0, $0xb8;
	[tilespmem:$0x1DB80] =	vst v63  }
0x1a8: {  	v51 =	vperm.xlane v17, v11;
	s10 =	simm.s32 $0x4A80;
	v18 =	vadd.s32 v3, v50  }
0x1a9: {  	[tilespmem:s10], [sflag:$0x4] =	stream.indirect_vreg.gather [hbm4b:s12+s5], $0x80, v19, vm0, $0xb8;
	[tilespmem:$0x1DB80] =	vst v63  }
0x1aa: {  	v52 =	vperm.xlane v17, v12;
	s11 =	simm.s32 $0x4B00;
	v19 =	vadd.s32 v3, v51  }
0x1ab: {  	[tilespmem:s11], [sflag:$0x4] =	stream.indirect_vreg.gather [hbm4b:s12+s5], $0x80, v49, vm0, $0xb8;
	[tilespmem:$0x1DB80] =	vst v63  }
0x1ac: {  	v54 =	vperm.xlane v17, v13;
	v53 =	vadd.s32 v3, v52;
	s16 =	simm.s32 $0x4B80  }
0x1ad: {  	[tilespmem:s16], [sflag:$0x4] =	stream.indirect_vreg.gather [hbm4b:s12+s5], $0x80, v18, vm0, $0xb8;
	[tilespmem:$0x1DB80] =	vst v63  }
0x1ae: {  	v55 =	vperm.xlane v17, v14;
	s4 =	simm.s32 $0x4C00;
	v18 =	vadd.s32 v3, v54  }
0x1af: {  	[tilespmem:s4], [sflag:$0x4] =	stream.indirect_vreg.gather [hbm4b:s12+s5], $0x80, v19, vm0, $0xb8;
	[tilespmem:$0x1DB80] =	vst v63  }
0x1b0: {  	v56 =	vperm.xlane v17, v15;
	s9 =	simm.s32 $0x4C80;
	v19 =	vadd.s32 v3, v55  }
0x1b1: {  	[tilespmem:s9], [sflag:$0x4] =	stream.indirect_vreg.gather [hbm4b:s12+s5], $0x80, v53, vm0, $0xb8;
	[tilespmem:$0x1DB80] =	vst v63  }
0x1b2: {  	v17 =	vperm.xlane v17, v16;
	v57 =	vadd.s32 v3, v56;
	s10 =	simm.s32 $0x4D00  }
0x1b3: {  	[tilespmem:s10], [sflag:$0x4] =	stream.indirect_vreg.gather [hbm4b:s12+s5], $0x80, v18, vm0, $0xb8;
	[tilespmem:$0x1DB80] =	vst v63  }
0x1b4: {  	v17 =	vadd.s32 v3, v17;
	s11 =	simm.s32 $0x4D80  }
0x1b5: {  	[tilespmem:s11], [sflag:$0x4] =	stream.indirect_vreg.gather [hbm4b:s12+s5], $0x80, v19, vm0, $0xb8;
	[tilespmem:$0x1DB80] =	vst v63  }
0x1b6: {  	s16 =	simm.s32 $0x4E00  }
0x1b7: {  	[tilespmem:s16], [sflag:$0x4] =	stream.indirect_vreg.gather [hbm4b:s12+s5], $0x80, v57, vm0, $0xb8;
	[tilespmem:$0x1DB80] =	vst v63  }
0x1b8: {  	s4 =	simm.s32 $0x4E80  }
0x1b9: {  	[tilespmem:s4], [sflag:$0x4] =	stream.indirect_vreg.gather [hbm4b:s12+s5], $0x80, v17, vm0, $0xb8;
	[tilespmem:$0x1DB80] =	vst v63  }
0x1ba: {  	v17 =	vld.msk [tilespmem:$0xC8], $0xff;
	_ =	sdelay $0x4  }
0x1bb: {  	v18 =	vshll.u32 v17, $0x1  }
0x1bc: {  	v17 =	vand.u32 $0x7, v17;
	v18 =	vand.u32 $0xFFFFFFF0, v18  }
0x1bd: {  	v17 =	vor.u32 v17, v18  }
0x1be: {  	v18 =	vperm.xlane v17, v2;
	_ =	sdelay $0x1  }
0x1bf: {  	v19 =	vperm.xlane v17, v1;
	v18 =	vadd.s32 v3, v18;
	_ =	sdelay $0x1  }
0x1c0: {  	v58 =	vperm.xlane v17, v4;
	v19 =	vadd.s32 v3, v19;
	_ =	sdelay $0x1  }
0x1c1: {  	s9 =	simm.s32 $0x4F00;
	v59 =	vperm.xlane v17, v5;
	v20 =	vadd.s32 v3, v58  }
0x1c2: {  	[tilespmem:s9], [sflag:$0x4] =	stream.indirect_vreg.gather [hbm4b:s12+s5], $0x80, v18, vm0, $0xb8;
	[tilespmem:$0x1DB80] =	vst v63  }
0x1c3: {  	s10 =	simm.s32 $0x4F80;
	v60 =	vperm.xlane v17, v6;
	v18 =	vadd.s32 v3, v59  }
0x1c4: {  	[tilespmem:s10], [sflag:$0x4] =	stream.indirect_vreg.gather [hbm4b:s12+s5], $0x80, v19, vm0, $0xb8;
	[tilespmem:$0x1DB80] =	vst v63  }
0x1c5: {  	s11 =	simm.s32 $0x5000;
	v61 =	vperm.xlane v17, v7;
	v19 =	vadd.s32 v3, v60  }
0x1c6: {  	[tilespmem:s11], [sflag:$0x4] =	stream.indirect_vreg.gather [hbm4b:s12+s5], $0x80, v20, vm0, $0xb8;
	[tilespmem:$0x1DB80] =	vst v63  }
0x1c7: {  	s16 =	simm.s32 $0x5080;
	v63 =	vperm.xlane v17, v8;
	v62 =	vadd.s32 v3, v61  }
0x1c8: {  	[tilespmem:s16], [sflag:$0x4] =	stream.indirect_vreg.gather [hbm4b:s12+s5], $0x80, v18, vm0, $0xb8;
	[tilespmem:$0x1DB80] =	vst v63  }
0x1c9: {  	s4 =	simm.s32 $0x5100;
	v17 =	vperm.xlane v17, v0;
	v18 =	vadd.s32 v3, v63  }
0x1ca: {  	[tilespmem:s4], [sflag:$0x4] =	stream.indirect_vreg.gather [hbm4b:s12+s5], $0x80, v19, vm0, $0xb8;
	[tilespmem:$0x1DB80] =	vst v63  }
0x1cb: {  	v17 =	vadd.s32 v3, v17;
	s9 =	simm.s32 $0x5180  }
0x1cc: {  	[tilespmem:s9], [sflag:$0x4] =	stream.indirect_vreg.gather [hbm4b:s12+s5], $0x80, v62, vm0, $0xb8;
	[tilespmem:$0x1DB80] =	vst v63  }
0x1cd: {  	s10 =	simm.s32 $0x5200  }
0x1ce: {  	[tilespmem:s10], [sflag:$0x4] =	stream.indirect_vreg.gather [hbm4b:s12+s5], $0x80, v18, vm0, $0xb8;
	[tilespmem:$0x1DB80] =	vst v63  }
0x1cf: {  	s11 =	simm.s32 $0x5280;
	s16 =	stileid.u32;
	s10 =	rddreg [dreg:$0xe]  }
0x1d0: {  	[tilespmem:s11], [sflag:$0x4] =	stream.indirect_vreg.gather [hbm4b:s12+s5], $0x80, v17, vm0, $0xb8;
	[tilespmem:$0x1DB80] =	vst v63  }
0x1d1: {  	s4 =	sshll.u32 s16, $0x6;
	s16 =	rddreg [dreg:$0xf];
	s11 =	sshrl.u32 s10, $0x3  }
0x1d2: {  	s4 =	sor.u32 $0x1C11, s4;
	[dreg:$0x1e] =	wrdreg s11  }
0x1d3: {  	[spmem:s11@s30], [sflag:s4] =	dma.strided [hbm:s16@s22], $0x2700, s15, $0x10   }
0x1d4: {  	_ =	swait.ge [sflag:s26], $0x2700;
	[dreg:$0x1c] =	wrdreg s4  }
0x1d5: {  	s9 =	simm.s32 @!p0 $0x8;
	s10 =	simm.s32 @!p0 $0x80;
	s0 =	rddreg [dreg:$0x19]  }
0x1d6: {  	[sflag:s26] =	ssyncset.done $0x0;
	s16 =	sshrl.u32 @!p0 s0, $0x3;
	s0 =	rddreg [dreg:$0x1a]  }
0x1d7: {  	s11 =	simm.s32 @!p0 $0x100;
	[sflag:s26] =	ssyncadd.s32 $0xFFFFD900;
	[dreg:$0x1d] =	wrdreg s16  }
0x1d8: {  	[spmem:s16@s10], [sflag:s4] =	dma.strided @!p0 [hbm:s0@s11], $0x100, s9, $0x10   }
0x1d9: {  	s9 =	simm.s32 @!p0 $0x11  }
0x1da: {  	_ =	swait.ge @!p0 [sflag:s9], $0x100  }
0x1db: {  	[sflag:s9] =	ssyncset.done @!p0 $0x0  }
0x1dc: {  	[sflag:s9] =	ssyncadd.s32 @!p0 $0xFFFFFF00  }
0x1dd: {  	s30 =	simm.s32 $0x0;
	[bflag:$0x0] =	sbarrier.arrive $0xFFFF  }
.LBB2_2:
0x1de: {  	_ =	swait.ge [sflag:s21], $0x1400  }
0x1df: {  	[sflag:s21] =	ssyncset.done $0x0  }
0x1e0: {  	[sflag:s21] =	ssyncadd.s32 $0xFFFFEC00  }
0x1e1: {  	s10 =	smul.u32 $0xA0, s30;
	_ =	swait.ge [sflag:s8], $0x1400  }
0x1e2: {  	s0 =	rddreg [dreg:$0x11]  }
0x1e3: {  	s16 =	sadd.s32 s10, s0  }
0x1e4: {  	s4 =	smov.u32 s31;
	[sflag:s8] =	ssyncset.done $0x0;
	s11 =	sshrl.u32 s16, $0x3  }
0x1e5: {  	s31 =	simm.s32 $0x0;
	[sflag:s8] =	ssyncadd.s32 $0xFFFFEC00;
	s9 =	sadd.s32 s7, s11  }
0x1e6: {  	[tilespmem:s31], [sflag:$0xF] =	stream.linear.gather [hbm4b:s9+s31], $0x50, $0x38;
	[tilespmem:$0x1DB80] =	vst v63  }
0x1e7: {  	_ =	swait.ge [sflag:s23], $0x2800  }
0x1e8: {  	[sflag:s23] =	ssyncset.done $0x0  }
0x1e9: {  	s31 =	simm.s32 $0x0;
	[sflag:s23] =	ssyncadd.s32 $0xFFFFD800  }
0x1ea: {  	v23 =	vld [tilespmem:s31+$0x5300]  }
0x1eb: {  	v28 =	vld [tilespmem:s31+$0x5310]  }
0x1ec: {  	v22 =	vld [tilespmem:s31+$0x5320]  }
0x1ed: {  	v21 =	vld [tilespmem:s31+$0x5330]  }
0x1ee: {  	v20 =	vld [tilespmem:s31+$0x5340]  }
0x1ef: {  	v19 =	vld [tilespmem:s31+$0x5350]  }
0x1f0: {  	v18 =	vld [tilespmem:s31+$0x5360]  }
0x1f1: {  	v17 =	vld [tilespmem:s31+$0x5370]  }
0x1f2: {  	v29 =	vld [tilespmem:s31+$0x300]  }
0x1f3: {  	v30 =	vld [tilespmem:s31+$0x310]  }
0x1f4: {  	v27 =	vld [tilespmem:s31+$0x320]  }
0x1f5: {  	v26 =	vld [tilespmem:s31+$0x330]  }
0x1f6: {  	v25 =	vld [tilespmem:s31+$0x340]  }
0x1f7: {  	v24 =	vld [tilespmem:s31+$0x350];
	v29 =	vadd.f32 v23, v29  }
0x1f8: {  	s9 =	simm.s32 $0x200;
	v28 =	vadd.f32 v28, v30;
	v23 =	vld [tilespmem:s31+$0x360]  }
.LBB2_3:
0x1f9: {  	s0 =	sshra.s32 s9, $0x2;
	p1 =	sne.s32 s9, $0x4E00;
	v29 =	vmax.f32 v29, $0.0e+00;
	v22 =	vadd.f32 v22, v27;
	v27 =	vld [tilespmem:s31+$0x370]  }
0x1fa: {  	v30 =	vld [tilespmem:s0+$0x5300];
	[tilespmem:s31+$0x300] =	vst v29;
	v28 =	vmax.f32 v28, $0.0e+00;
	v21 =	vadd.f32 v21, v26  }
0x1fb: {  	v31 =	vld [tilespmem:s0+$0x5310];
	[tilespmem:s31+$0x310] =	vst v28;
	v26 =	vmax.f32 v22, $0.0e+00;
	v20 =	vadd.f32 v20, v25  }
0x1fc: {  	v22 =	vld [tilespmem:s0+$0x5320];
	[tilespmem:s31+$0x320] =	vst v26;
	v25 =	vmax.f32 v21, $0.0e+00;
	v19 =	vadd.f32 v19, v24  }
0x1fd: {  	v21 =	vld [tilespmem:s0+$0x5330];
	[tilespmem:s31+$0x330] =	vst v25;
	v24 =	vmax.f32 v20, $0.0e+00;
	v18 =	vadd.f32 v18, v23  }
0x1fe: {  	v20 =	vld [tilespmem:s0+$0x5340];
	[tilespmem:s31+$0x340] =	vst v24;
	v23 =	vmax.f32 v19, $0.0e+00;
	v17 =	vadd.f32 v17, v27  }
0x1ff: {  	v19 =	vld [tilespmem:s0+$0x5350];
	[tilespmem:s31+$0x350] =	vst v23;
	v23 =	vmax.f32 v18, $0.0e+00  }
0x200: {  	v18 =	vld [tilespmem:s0+$0x5360];
	[tilespmem:s31+$0x360] =	vst v23;
	v23 =	vmax.f32 v17, $0.0e+00  }
0x201: {  	v17 =	vld [tilespmem:s0+$0x5370];
	[tilespmem:s31+$0x370] =	vst v23;
	s31 =	smov.u32 s0  }
0x202: {  	v23 =	vld [tilespmem:s31+$0x300]  }
0x203: {  	v28 =	vld [tilespmem:s31+$0x310]  }
.Ltmp0:
0x204: {  	v27 =	vld [tilespmem:s31+$0x320];
	(pc) =	sbr.rel @p1 .LBB2_3-.Ltmp0, $4  }
0x205: {  	v26 =	vld [tilespmem:s31+$0x330]  }
0x206: {  	v25 =	vld [tilespmem:s31+$0x340]  }
0x207: {  	v29 =	vadd.f32 v30, v23;
	v24 =	vld [tilespmem:s31+$0x350]  }
0x208: {  	s9 =	sadd.s32 $0x200, s9;
	v28 =	vadd.f32 v31, v28;
	v23 =	vld [tilespmem:s31+$0x360]  }
0x209: {  	v29 =	vmax.f32 v29, $0.0e+00;
	v22 =	vadd.f32 v22, v27;
	v27 =	vld [tilespmem:s31+$0x370]  }
0x20a: {  	[tilespmem:s31+$0x300] =	vst v29;
	v28 =	vmax.f32 v28, $0.0e+00;
	v21 =	vadd.f32 v21, v26  }
0x20b: {  	[tilespmem:s31+$0x310] =	vst v28;
	v22 =	vmax.f32 v22, $0.0e+00;
	v20 =	vadd.f32 v20, v25  }
0x20c: {  	[tilespmem:s31+$0x320] =	vst v22;
	v21 =	vmax.f32 v21, $0.0e+00;
	v19 =	vadd.f32 v19, v24  }
0x20d: {  	[tilespmem:s31+$0x330] =	vst v21;
	v20 =	vmax.f32 v20, $0.0e+00;
	v18 =	vadd.f32 v18, v23  }
0x20e: {  	[tilespmem:s31+$0x340] =	vst v20;
	v19 =	vmax.f32 v19, $0.0e+00;
	v17 =	vadd.f32 v17, v27  }
0x20f: {  	[tilespmem:s31+$0x350] =	vst v19;
	v18 =	vmax.f32 v18, $0.0e+00  }
0x210: {  	[tilespmem:s31+$0x360] =	vst v18;
	v17 =	vmax.f32 v17, $0.0e+00  }
0x211: {  	[tilespmem:s31+$0x370] =	vst v17  }
0x212: {  	_ =	swait.ge [sflag:s17], $0x28  }
0x213: {  	[sflag:s17] =	ssyncset.done $0x0  }
0x214: {  	s31 =	simm.s32 $0x0;
	[sflag:s17] =	ssyncadd.s32 $0xFFFFFFD8  }
0x215: {  	[spmem:s3] =	stream.indirect.scatter.add.f32 [tilespmem:s19], [sflag:$0xB], $0x80, s22, s24, $0xb8;
	[tilespmem:$0x1DB80] =	vst v63  }
0x216: {  	v23 =	vld [tilespmem:s31+$0x6700]  }
0x217: {  	v28 =	vld [tilespmem:s31+$0x6710]  }
0x218: {  	v22 =	vld [tilespmem:s31+$0x6720]  }
0x219: {  	v21 =	vld [tilespmem:s31+$0x6730]  }
0x21a: {  	v20 =	vld [tilespmem:s31+$0x6740]  }
0x21b: {  	v19 =	vld [tilespmem:s31+$0x6750]  }
0x21c: {  	v18 =	vld [tilespmem:s31+$0x6760]  }
0x21d: {  	v17 =	vld [tilespmem:s31+$0x6770]  }
0x21e: {  	v29 =	vld [tilespmem:s31+$0x2B00]  }
0x21f: {  	v30 =	vld [tilespmem:s31+$0x2B10]  }
0x220: {  	v27 =	vld [tilespmem:s31+$0x2B20]  }
0x221: {  	v26 =	vld [tilespmem:s31+$0x2B30]  }
0x222: {  	v25 =	vld [tilespmem:s31+$0x2B40]  }
0x223: {  	v24 =	vld [tilespmem:s31+$0x2B50];
	v29 =	vadd.f32 v23, v29  }
0x224: {  	s9 =	simm.s32 $0x200;
	v28 =	vadd.f32 v28, v30;
	v23 =	vld [tilespmem:s31+$0x2B60]  }
.LBB2_5:
0x225: {  	s0 =	sshra.s32 s9, $0x2;
	p1 =	sne.s32 s9, $0x4E00;
	v29 =	vmax.f32 v29, $0.0e+00;
	v22 =	vadd.f32 v22, v27;
	v27 =	vld [tilespmem:s31+$0x2B70]  }
0x226: {  	v30 =	vld [tilespmem:s0+$0x6700];
	[tilespmem:s31+$0x2B00] =	vst v29;
	v28 =	vmax.f32 v28, $0.0e+00;
	v21 =	vadd.f32 v21, v26  }
0x227: {  	v31 =	vld [tilespmem:s0+$0x6710];
	[tilespmem:s31+$0x2B10] =	vst v28;
	v26 =	vmax.f32 v22, $0.0e+00;
	v20 =	vadd.f32 v20, v25  }
0x228: {  	v22 =	vld [tilespmem:s0+$0x6720];
	[tilespmem:s31+$0x2B20] =	vst v26;
	v25 =	vmax.f32 v21, $0.0e+00;
	v19 =	vadd.f32 v19, v24  }
0x229: {  	v21 =	vld [tilespmem:s0+$0x6730];
	[tilespmem:s31+$0x2B30] =	vst v25;
	v24 =	vmax.f32 v20, $0.0e+00;
	v18 =	vadd.f32 v18, v23  }
0x22a: {  	v20 =	vld [tilespmem:s0+$0x6740];
	[tilespmem:s31+$0x2B40] =	vst v24;
	v23 =	vmax.f32 v19, $0.0e+00;
	v17 =	vadd.f32 v17, v27  }
0x22b: {  	v19 =	vld [tilespmem:s0+$0x6750];
	[tilespmem:s31+$0x2B50] =	vst v23;
	v23 =	vmax.f32 v18, $0.0e+00  }
0x22c: {  	v18 =	vld [tilespmem:s0+$0x6760];
	[tilespmem:s31+$0x2B60] =	vst v23;
	v23 =	vmax.f32 v17, $0.0e+00  }
0x22d: {  	v17 =	vld [tilespmem:s0+$0x6770];
	[tilespmem:s31+$0x2B70] =	vst v23;
	s31 =	smov.u32 s0  }
0x22e: {  	v23 =	vld [tilespmem:s31+$0x2B00]  }
0x22f: {  	v28 =	vld [tilespmem:s31+$0x2B10]  }
.Ltmp1:
0x230: {  	v27 =	vld [tilespmem:s31+$0x2B20];
	(pc) =	sbr.rel @p1 .LBB2_5-.Ltmp1, $4  }
0x231: {  	v26 =	vld [tilespmem:s31+$0x2B30]  }
0x232: {  	v25 =	vld [tilespmem:s31+$0x2B40]  }
0x233: {  	v29 =	vadd.f32 v30, v23;
	v24 =	vld [tilespmem:s31+$0x2B50]  }
0x234: {  	s9 =	sadd.s32 $0x200, s9;
	v28 =	vadd.f32 v31, v28;
	v23 =	vld [tilespmem:s31+$0x2B60]  }
0x235: {  	v29 =	vmax.f32 v29, $0.0e+00;
	v22 =	vadd.f32 v22, v27;
	v27 =	vld [tilespmem:s31+$0x2B70]  }
0x236: {  	[tilespmem:s31+$0x2B00] =	vst v29;
	v28 =	vmax.f32 v28, $0.0e+00;
	v21 =	vadd.f32 v21, v26  }
0x237: {  	[tilespmem:s31+$0x2B10] =	vst v28;
	v22 =	vmax.f32 v22, $0.0e+00;
	v20 =	vadd.f32 v20, v25  }
0x238: {  	[tilespmem:s31+$0x2B20] =	vst v22;
	v21 =	vmax.f32 v21, $0.0e+00;
	v19 =	vadd.f32 v19, v24  }
0x239: {  	[tilespmem:s31+$0x2B30] =	vst v21;
	v20 =	vmax.f32 v20, $0.0e+00;
	v18 =	vadd.f32 v18, v23  }
0x23a: {  	[tilespmem:s31+$0x2B40] =	vst v20;
	v19 =	vmax.f32 v19, $0.0e+00;
	v17 =	vadd.f32 v17, v27  }
0x23b: {  	[tilespmem:s31+$0x2B50] =	vst v19;
	v18 =	vmax.f32 v18, $0.0e+00  }
0x23c: {  	[tilespmem:s31+$0x2B60] =	vst v18;
	v17 =	vmax.f32 v17, $0.0e+00  }
0x23d: {  	[tilespmem:s31+$0x2B70] =	vst v17  }
0x23e: {  	_ =	swait.ge [sflag:s14], $0x28  }
0x23f: {  	s19 =	simm.s32 $0x200;
	s0 =	sshll.u32 s16, $0x8;
	[sflag:s14] =	ssyncset.done $0x0  }
0x240: {  	s9 =	simm.s32 $0xF;
	s0 =	sor.u32 s6, s0;
	[sflag:s14] =	ssyncadd.s32 $0xFFFFFFD8  }
0x241: {  	[spmem:s3] =	stream.indirect.scatter.add.f32 [tilespmem:s25], [sflag:$0xD], $0x80, s19, s24, $0xb8;
	[tilespmem:$0x1DB80] =	vst v63  }
0x242: {  	s0 =	sshrl.u32 s0, $0x3;
	_ =	swait.ge [sflag:s9], $0x50  }
0x243: {  	s26 =	simm.s32 $0x5300;
	s0 =	sadd.s32 s4, s0;
	[sflag:s9] =	ssyncset.done $0x0  }
0x244: {  	s25 =	simm.s32 $0x800;
	[sflag:s9] =	ssyncadd.s32 $0xFFFFFFB0;
	s9 =	simm.s32 $0x400  }
0x245: {  	[tilespmem:s26], [sflag:$0x5] =	stream.strided.gather [hbm4b:s0+s9], $0x2800, s25, s9, $0x38;
	[tilespmem:$0x1DB80] =	vst v63  }
0x246: {  	_ =	swait.ge [sflag:s18], $0x1400  }
0x247: {  	[sflag:s18] =	ssyncset.done $0x0  }
0x248: {  	[sflag:s18] =	ssyncadd.s32 $0xFFFFEC00  }
0x249: {  	s31 =	smov.u32 s4;
	_ =	swait.ge [sflag:s13], $0x1400  }
0x24a: {  	s4 =	sadd.s32 s1, s11;
	s26 =	sadd.s32 $0x28, s16;
	[sflag:s13] =	ssyncset.done $0x0  }
0x24b: {  	s11 =	simm.s32 $0x0;
	s0 =	sshrl.u32 s26, $0x3;
	[sflag:s13] =	ssyncadd.s32 $0xFFFFEC00  }
0x24c: {  	[tilespmem:s22], [sflag:$0x7] =	stream.linear.gather [hbm4b:s4+s11], $0x28, $0x38;
	[tilespmem:$0x1DB80] =	vst v63  }
0x24d: {  	s0 =	sadd.s32 s1, s0  }
0x24e: {  	[tilespmem:s19], [sflag:$0x9] =	stream.linear.gather [hbm4b:s0+s11], $0x28, $0x38;
	[tilespmem:$0x1DB80] =	vst v63  }
0x24f: {  	v17 =	vld [tilespmem:$0x0];
	_ =	sdelay $0x4  }
0x250: {  	v18 =	vshll.u32 v17, $0x1  }
0x251: {  	v17 =	vand.u32 $0x7, v17;
	v18 =	vand.u32 $0xFFFFFFF0, v18  }
0x252: {  	v17 =	vor.u32 v17, v18  }
0x253: {  	v18 =	vperm.xlane v17, v2;
	_ =	sdelay $0x1  }
0x254: {  	v19 =	vperm.xlane v17, v1;
	v18 =	vadd.s32 v3, v18;
	_ =	sdelay $0x1  }
0x255: {  	v20 =	vperm.xlane v17, v4;
	v19 =	vadd.s32 v3, v19;
	_ =	sdelay $0x1  }
0x256: {  	s19 =	simm.s32 $0x300;
	v21 =	vperm.xlane v17, v5;
	v20 =	vadd.s32 v3, v20  }
0x257: {  	[tilespmem:s19], [sflag:$0x1] =	stream.indirect_vreg.gather [hbm4b:s12+s11], $0x80, v18, vm0, $0xb8;
	[tilespmem:$0x1DB80] =	vst v63  }
0x258: {  	s4 =	simm.s32 $0x380;
	v18 =	vadd.s32 v3, v21;
	v21 =	vperm.xlane v17, v6  }
0x259: {  	[tilespmem:s4], [sflag:$0x1] =	stream.indirect_vreg.gather [hbm4b:s12+s11], $0x80, v19, vm0, $0xb8;
	[tilespmem:$0x1DB80] =	vst v63  }
0x25a: {  	v19 =	vadd.s32 v3, v21;
	v21 =	vperm.xlane v17, v7  }
0x25b: {  	[tilespmem:s9], [sflag:$0x1] =	stream.indirect_vreg.gather [hbm4b:s12+s11], $0x80, v20, vm0, $0xb8;
	[tilespmem:$0x1DB80] =	vst v63  }
0x25c: {  	v20 =	vadd.s32 v3, v21;
	v21 =	vperm.xlane v17, v8;
	s9 =	simm.s32 $0x480  }
0x25d: {  	[tilespmem:s9], [sflag:$0x1] =	stream.indirect_vreg.gather [hbm4b:s12+s11], $0x80, v18, vm0, $0xb8;
	[tilespmem:$0x1DB80] =	vst v63  }
0x25e: {  	s16 =	simm.s32 $0x500;
	v18 =	vadd.s32 v3, v21;
	v21 =	vperm.xlane v17, v0  }
0x25f: {  	[tilespmem:s16], [sflag:$0x1] =	stream.indirect_vreg.gather [hbm4b:s12+s11], $0x80, v19, vm0, $0xb8;
	[tilespmem:$0x1DB80] =	vst v63  }
0x260: {  	s22 =	simm.s32 $0x580;
	v19 =	vadd.s32 v3, v21;
	v21 =	vperm.xlane v17, v9  }
0x261: {  	[tilespmem:s22], [sflag:$0x1] =	stream.indirect_vreg.gather [hbm4b:s12+s11], $0x80, v20, vm0, $0xb8;
	[tilespmem:$0x1DB80] =	vst v63  }
0x262: {  	s26 =	simm.s32 $0x600;
	v20 =	vadd.s32 v3, v21;
	v21 =	vperm.xlane v17, v10  }
0x263: {  	[tilespmem:s26], [sflag:$0x1] =	stream.indirect_vreg.gather [hbm4b:s12+s11], $0x80, v18, vm0, $0xb8;
	[tilespmem:$0x1DB80] =	vst v63  }
0x264: {  	s9 =	simm.s32 $0x680;
	v18 =	vadd.s32 v3, v21;
	v21 =	vperm.xlane v17, v11  }
0x265: {  	[tilespmem:s9], [sflag:$0x1] =	stream.indirect_vreg.gather [hbm4b:s12+s11], $0x80, v19, vm0, $0xb8;
	[tilespmem:$0x1DB80] =	vst v63  }
0x266: {  	s16 =	simm.s32 $0x700;
	v19 =	vadd.s32 v3, v21;
	v21 =	vperm.xlane v17, v12  }
0x267: {  	[tilespmem:s16], [sflag:$0x1] =	stream.indirect_vreg.gather [hbm4b:s12+s11], $0x80, v20, vm0, $0xb8;
	[tilespmem:$0x1DB80] =	vst v63  }
0x268: {  	s22 =	simm.s32 $0x780;
	v20 =	vadd.s32 v3, v21;
	v21 =	vperm.xlane v17, v13  }
0x269: {  	[tilespmem:s22], [sflag:$0x1] =	stream.indirect_vreg.gather [hbm4b:s12+s11], $0x80, v18, vm0, $0xb8;
	[tilespmem:$0x1DB80] =	vst v63  }
0x26a: {  	v18 =	vadd.s32 v3, v21;
	v21 =	vperm.xlane v17, v14  }
0x26b: {  	[tilespmem:s25], [sflag:$0x1] =	stream.indirect_vreg.gather [hbm4b:s12+s11], $0x80, v19, vm0, $0xb8;
	[tilespmem:$0x1DB80] =	vst v63  }
0x26c: {  	s26 =	simm.s32 $0x880;
	v19 =	vadd.s32 v3, v21;
	v21 =	vperm.xlane v17, v15  }
0x26d: {  	[tilespmem:s26], [sflag:$0x1] =	stream.indirect_vreg.gather [hbm4b:s12+s11], $0x80, v20, vm0, $0xb8;
	[tilespmem:$0x1DB80] =	vst v63  }
0x26e: {  	s9 =	simm.s32 $0x900;
	v17 =	vperm.xlane v17, v16;
	v20 =	vadd.s32 v3, v21  }
0x26f: {  	[tilespmem:s9], [sflag:$0x1] =	stream.indirect_vreg.gather [hbm4b:s12+s11], $0x80, v18, vm0, $0xb8;
	[tilespmem:$0x1DB80] =	vst v63  }
0x270: {  	s16 =	simm.s32 $0x980;
	v17 =	vadd.s32 v3, v17  }
0x271: {  	[tilespmem:s16], [sflag:$0x1] =	stream.indirect_vreg.gather [hbm4b:s12+s11], $0x80, v19, vm0, $0xb8;
	[tilespmem:$0x1DB80] =	vst v63  }
0x272: {  	s26 =	simm.s32 $0xA00  }
0x273: {  	[tilespmem:s26], [sflag:$0x1] =	stream.indirect_vreg.gather [hbm4b:s12+s11], $0x80, v20, vm0, $0xb8;
	[tilespmem:$0x1DB80] =	vst v63  }
0x274: {  	s9 =	simm.s32 $0xA80  }
0x275: {  	[tilespmem:s9], [sflag:$0x1] =	stream.indirect_vreg.gather [hbm4b:s12+s11], $0x80, v17, vm0, $0xb8;
	[tilespmem:$0x1DB80] =	vst v63  }
0x276: {  	v17 =	vld [tilespmem:$0x10];
	_ =	sdelay $0x4  }
0x277: {  	v18 =	vshll.u32 v17, $0x1  }
0x278: {  	v17 =	vand.u32 $0x7, v17;
	v18 =	vand.u32 $0xFFFFFFF0, v18  }
0x279: {  	v17 =	vor.u32 v17, v18  }
0x27a: {  	v18 =	vperm.xlane v17, v2;
	_ =	sdelay $0x1  }
0x27b: {  	v19 =	vperm.xlane v17, v1;
	v18 =	vadd.s32 v3, v18;
	_ =	sdelay $0x1  }
0x27c: {  	v20 =	vperm.xlane v17, v4;
	v19 =	vadd.s32 v3, v19;
	_ =	sdelay $0x1  }
0x27d: {  	s16 =	simm.s32 $0xB00;
	v21 =	vperm.xlane v17, v5;
	v20 =	vadd.s32 v3, v20  }
0x27e: {  	[tilespmem:s16], [sflag:$0x1] =	stream.indirect_vreg.gather [hbm4b:s12+s11], $0x80, v18, vm0, $0xb8;
	[tilespmem:$0x1DB80] =	vst v63  }
0x27f: {  	s26 =	simm.s32 $0xB80;
	v18 =	vadd.s32 v3, v21;
	v21 =	vperm.xlane v17, v6  }
0x280: {  	[tilespmem:s26], [sflag:$0x1] =	stream.indirect_vreg.gather [hbm4b:s12+s11], $0x80, v19, vm0, $0xb8;
	[tilespmem:$0x1DB80] =	vst v63  }
0x281: {  	s9 =	simm.s32 $0xC00;
	v19 =	vadd.s32 v3, v21;
	v21 =	vperm.xlane v17, v7  }
0x282: {  	[tilespmem:s9], [sflag:$0x1] =	stream.indirect_vreg.gather [hbm4b:s12+s11], $0x80, v20, vm0, $0xb8;
	[tilespmem:$0x1DB80] =	vst v63  }
0x283: {  	s16 =	simm.s32 $0xC80;
	v20 =	vadd.s32 v3, v21;
	v21 =	vperm.xlane v17, v8  }
0x284: {  	[tilespmem:s16], [sflag:$0x1] =	stream.indirect_vreg.gather [hbm4b:s12+s11], $0x80, v18, vm0, $0xb8;
	[tilespmem:$0x1DB80] =	vst v63  }
0x285: {  	s26 =	simm.s32 $0xD00;
	v18 =	vadd.s32 v3, v21;
	v21 =	vperm.xlane v17, v0  }
0x286: {  	[tilespmem:s26], [sflag:$0x1] =	stream.indirect_vreg.gather [hbm4b:s12+s11], $0x80, v19, vm0, $0xb8;
	[tilespmem:$0x1DB80] =	vst v63  }
0x287: {  	s9 =	simm.s32 $0xD80;
	v19 =	vadd.s32 v3, v21;
	v21 =	vperm.xlane v17, v9  }
0x288: {  	[tilespmem:s9], [sflag:$0x1] =	stream.indirect_vreg.gather [hbm4b:s12+s11], $0x80, v20, vm0, $0xb8;
	[tilespmem:$0x1DB80] =	vst v63  }
0x289: {  	s16 =	simm.s32 $0xE00;
	v20 =	vadd.s32 v3, v21;
	v21 =	vperm.xlane v17, v10  }
0x28a: {  	[tilespmem:s16], [sflag:$0x1] =	stream.indirect_vreg.gather [hbm4b:s12+s11], $0x80, v18, vm0, $0xb8;
	[tilespmem:$0x1DB80] =	vst v63  }
0x28b: {  	s26 =	simm.s32 $0xE80;
	v18 =	vadd.s32 v3, v21;
	v21 =	vperm.xlane v17, v11  }
0x28c: {  	[tilespmem:s26], [sflag:$0x1] =	stream.indirect_vreg.gather [hbm4b:s12+s11], $0x80, v19, vm0, $0xb8;
	[tilespmem:$0x1DB80] =	vst v63  }
0x28d: {  	s9 =	simm.s32 $0xF00;
	v19 =	vadd.s32 v3, v21;
	v21 =	vperm.xlane v17, v12  }
0x28e: {  	[tilespmem:s9], [sflag:$0x1] =	stream.indirect_vreg.gather [hbm4b:s12+s11], $0x80, v20, vm0, $0xb8;
	[tilespmem:$0x1DB80] =	vst v63  }
0x28f: {  	s16 =	simm.s32 $0xF80;
	v20 =	vadd.s32 v3, v21;
	v21 =	vperm.xlane v17, v13  }
0x290: {  	[tilespmem:s16], [sflag:$0x1] =	stream.indirect_vreg.gather [hbm4b:s12+s11], $0x80, v18, vm0, $0xb8;
	[tilespmem:$0x1DB80] =	vst v63  }
0x291: {  	s26 =	simm.s32 $0x1000;
	v18 =	vadd.s32 v3, v21;
	v21 =	vperm.xlane v17, v14  }
0x292: {  	[tilespmem:s26], [sflag:$0x1] =	stream.indirect_vreg.gather [hbm4b:s12+s11], $0x80, v19, vm0, $0xb8;
	[tilespmem:$0x1DB80] =	vst v63  }
0x293: {  	s9 =	simm.s32 $0x1080;
	v19 =	vadd.s32 v3, v21;
	v21 =	vperm.xlane v17, v15  }
0x294: {  	[tilespmem:s9], [sflag:$0x1] =	stream.indirect_vreg.gather [hbm4b:s12+s11], $0x80, v20, vm0, $0xb8;
	[tilespmem:$0x1DB80] =	vst v63  }
0x295: {  	s16 =	simm.s32 $0x1100;
	v17 =	vperm.xlane v17, v16;
	v20 =	vadd.s32 v3, v21  }
0x296: {  	[tilespmem:s16], [sflag:$0x1] =	stream.indirect_vreg.gather [hbm4b:s12+s11], $0x80, v18, vm0, $0xb8;
	[tilespmem:$0x1DB80] =	vst v63  }
0x297: {  	s26 =	simm.s32 $0x1180;
	v17 =	vadd.s32 v3, v17  }
0x298: {  	[tilespmem:s26], [sflag:$0x1] =	stream.indirect_vreg.gather [hbm4b:s12+s11], $0x80, v19, vm0, $0xb8;
	[tilespmem:$0x1DB80] =	vst v63  }
0x299: {  	s9 =	simm.s32 $0x1200  }
0x29a: {  	[tilespmem:s9], [sflag:$0x1] =	stream.indirect_vreg.gather [hbm4b:s12+s11], $0x80, v20, vm0, $0xb8;
	[tilespmem:$0x1DB80] =	vst v63  }
0x29b: {  	s16 =	simm.s32 $0x1280  }
0x29c: {  	[tilespmem:s16], [sflag:$0x1] =	stream.indirect_vreg.gather [hbm4b:s12+s11], $0x80, v17, vm0, $0xb8;
	[tilespmem:$0x1DB80] =	vst v63  }
0x29d: {  	v17 =	vld.msk [tilespmem:$0x20], $0xff;
	_ =	sdelay $0x4  }
0x29e: {  	v18 =	vshll.u32 v17, $0x1  }
0x29f: {  	v17 =	vand.u32 $0x7, v17;
	v18 =	vand.u32 $0xFFFFFFF0, v18  }
0x2a0: {  	v17 =	vor.u32 v17, v18  }
0x2a1: {  	v18 =	vperm.xlane v17, v2;
	_ =	sdelay $0x1  }
0x2a2: {  	v19 =	vperm.xlane v17, v1;
	v18 =	vadd.s32 v3, v18;
	_ =	sdelay $0x1  }
0x2a3: {  	v20 =	vperm.xlane v17, v4;
	v19 =	vadd.s32 v3, v19;
	_ =	sdelay $0x1  }
0x2a4: {  	s26 =	simm.s32 $0x1300;
	v21 =	vperm.xlane v17, v5;
	v20 =	vadd.s32 v3, v20  }
0x2a5: {  	[tilespmem:s26], [sflag:$0x1] =	stream.indirect_vreg.gather [hbm4b:s12+s11], $0x80, v18, vm0, $0xb8;
	[tilespmem:$0x1DB80] =	vst v63  }
0x2a6: {  	s9 =	simm.s32 $0x1380;
	v18 =	vadd.s32 v3, v21;
	v21 =	vperm.xlane v17, v6  }
0x2a7: {  	[tilespmem:s9], [sflag:$0x1] =	stream.indirect_vreg.gather [hbm4b:s12+s11], $0x80, v19, vm0, $0xb8;
	[tilespmem:$0x1DB80] =	vst v63  }
0x2a8: {  	s16 =	simm.s32 $0x1400;
	v19 =	vadd.s32 v3, v21;
	v21 =	vperm.xlane v17, v7  }
0x2a9: {  	[tilespmem:s16], [sflag:$0x1] =	stream.indirect_vreg.gather [hbm4b:s12+s11], $0x80, v20, vm0, $0xb8;
	[tilespmem:$0x1DB80] =	vst v63  }
0x2aa: {  	s26 =	simm.s32 $0x1480;
	v20 =	vadd.s32 v3, v21;
	v21 =	vperm.xlane v17, v8  }
0x2ab: {  	[tilespmem:s26], [sflag:$0x1] =	stream.indirect_vreg.gather [hbm4b:s12+s11], $0x80, v18, vm0, $0xb8;
	[tilespmem:$0x1DB80] =	vst v63  }
0x2ac: {  	s9 =	simm.s32 $0x1500;
	v17 =	vperm.xlane v17, v0;
	v18 =	vadd.s32 v3, v21  }
0x2ad: {  	[tilespmem:s9], [sflag:$0x1] =	stream.indirect_vreg.gather [hbm4b:s12+s11], $0x80, v19, vm0, $0xb8;
	[tilespmem:$0x1DB80] =	vst v63  }
0x2ae: {  	s16 =	simm.s32 $0x1580;
	v17 =	vadd.s32 v3, v17  }
0x2af: {  	[tilespmem:s16], [sflag:$0x1] =	stream.indirect_vreg.gather [hbm4b:s12+s11], $0x80, v20, vm0, $0xb8;
	[tilespmem:$0x1DB80] =	vst v63  }
0x2b0: {  	s26 =	simm.s32 $0x1600  }
0x2b1: {  	[tilespmem:s26], [sflag:$0x1] =	stream.indirect_vreg.gather [hbm4b:s12+s11], $0x80, v18, vm0, $0xb8;
	[tilespmem:$0x1DB80] =	vst v63  }
0x2b2: {  	s9 =	simm.s32 $0x1680  }
0x2b3: {  	[tilespmem:s9], [sflag:$0x1] =	stream.indirect_vreg.gather [hbm4b:s12+s11], $0x80, v17, vm0, $0xb8;
	[tilespmem:$0x1DB80] =	vst v63  }
0x2b4: {  	v17 =	vld [tilespmem:$0x28];
	_ =	sdelay $0x4  }
0x2b5: {  	v18 =	vshll.u32 v17, $0x1  }
0x2b6: {  	v17 =	vand.u32 $0x7, v17;
	v18 =	vand.u32 $0xFFFFFFF0, v18  }
0x2b7: {  	v17 =	vor.u32 v17, v18  }
0x2b8: {  	v18 =	vperm.xlane v17, v2;
	_ =	sdelay $0x1  }
0x2b9: {  	v19 =	vperm.xlane v17, v1;
	v18 =	vadd.s32 v3, v18;
	_ =	sdelay $0x1  }
0x2ba: {  	v20 =	vperm.xlane v17, v4;
	v19 =	vadd.s32 v3, v19;
	_ =	sdelay $0x1  }
0x2bb: {  	s25 =	simm.s32 $0x2B00;
	v21 =	vperm.xlane v17, v5;
	v20 =	vadd.s32 v3, v20  }
0x2bc: {  	[tilespmem:s25], [sflag:$0x3] =	stream.indirect_vreg.gather [hbm4b:s12+s11], $0x80, v18, vm0, $0xb8;
	[tilespmem:$0x1DB80] =	vst v63  }
0x2bd: {  	s16 =	simm.s32 $0x2B80;
	v18 =	vadd.s32 v3, v21;
	v21 =	vperm.xlane v17, v6  }
0x2be: {  	[tilespmem:s16], [sflag:$0x3] =	stream.indirect_vreg.gather [hbm4b:s12+s11], $0x80, v19, vm0, $0xb8;
	[tilespmem:$0x1DB80] =	vst v63  }
0x2bf: {  	s26 =	simm.s32 $0x2C00;
	v19 =	vadd.s32 v3, v21;
	v21 =	vperm.xlane v17, v7  }
0x2c0: {  	[tilespmem:s26], [sflag:$0x3] =	stream.indirect_vreg.gather [hbm4b:s12+s11], $0x80, v20, vm0, $0xb8;
	[tilespmem:$0x1DB80] =	vst v63  }
0x2c1: {  	s9 =	simm.s32 $0x2C80;
	v20 =	vadd.s32 v3, v21;
	v21 =	vperm.xlane v17, v8  }
0x2c2: {  	[tilespmem:s9], [sflag:$0x3] =	stream.indirect_vreg.gather [hbm4b:s12+s11], $0x80, v18, vm0, $0xb8;
	[tilespmem:$0x1DB80] =	vst v63  }
0x2c3: {  	s16 =	simm.s32 $0x2D00;
	v18 =	vadd.s32 v3, v21;
	v21 =	vperm.xlane v17, v0  }
0x2c4: {  	[tilespmem:s16], [sflag:$0x3] =	stream.indirect_vreg.gather [hbm4b:s12+s11], $0x80, v19, vm0, $0xb8;
	[tilespmem:$0x1DB80] =	vst v63  }
0x2c5: {  	s26 =	simm.s32 $0x2D80;
	v19 =	vadd.s32 v3, v21;
	v21 =	vperm.xlane v17, v9  }
0x2c6: {  	[tilespmem:s26], [sflag:$0x3] =	stream.indirect_vreg.gather [hbm4b:s12+s11], $0x80, v20, vm0, $0xb8;
	[tilespmem:$0x1DB80] =	vst v63  }
0x2c7: {  	s9 =	simm.s32 $0x2E00;
	v20 =	vadd.s32 v3, v21;
	v21 =	vperm.xlane v17, v10  }
0x2c8: {  	[tilespmem:s9], [sflag:$0x3] =	stream.indirect_vreg.gather [hbm4b:s12+s11], $0x80, v18, vm0, $0xb8;
	[tilespmem:$0x1DB80] =	vst v63  }
0x2c9: {  	s16 =	simm.s32 $0x2E80;
	v18 =	vadd.s32 v3, v21;
	v21 =	vperm.xlane v17, v11  }
0x2ca: {  	[tilespmem:s16], [sflag:$0x3] =	stream.indirect_vreg.gather [hbm4b:s12+s11], $0x80, v19, vm0, $0xb8;
	[tilespmem:$0x1DB80] =	vst v63  }
0x2cb: {  	s26 =	simm.s32 $0x2F00;
	v19 =	vadd.s32 v3, v21;
	v21 =	vperm.xlane v17, v12  }
0x2cc: {  	[tilespmem:s26], [sflag:$0x3] =	stream.indirect_vreg.gather [hbm4b:s12+s11], $0x80, v20, vm0, $0xb8;
	[tilespmem:$0x1DB80] =	vst v63  }
0x2cd: {  	s9 =	simm.s32 $0x2F80;
	v20 =	vadd.s32 v3, v21;
	v21 =	vperm.xlane v17, v13  }
0x2ce: {  	[tilespmem:s9], [sflag:$0x3] =	stream.indirect_vreg.gather [hbm4b:s12+s11], $0x80, v18, vm0, $0xb8;
	[tilespmem:$0x1DB80] =	vst v63  }
0x2cf: {  	s16 =	simm.s32 $0x3000;
	v18 =	vadd.s32 v3, v21;
	v21 =	vperm.xlane v17, v14  }
0x2d0: {  	[tilespmem:s16], [sflag:$0x3] =	stream.indirect_vreg.gather [hbm4b:s12+s11], $0x80, v19, vm0, $0xb8;
	[tilespmem:$0x1DB80] =	vst v63  }
0x2d1: {  	s26 =	simm.s32 $0x3080;
	v19 =	vadd.s32 v3, v21;
	v21 =	vperm.xlane v17, v15  }
0x2d2: {  	[tilespmem:s26], [sflag:$0x3] =	stream.indirect_vreg.gather [hbm4b:s12+s11], $0x80, v20, vm0, $0xb8;
	[tilespmem:$0x1DB80] =	vst v63  }
0x2d3: {  	s9 =	simm.s32 $0x3100;
	v17 =	vperm.xlane v17, v16;
	v20 =	vadd.s32 v3, v21  }
0x2d4: {  	[tilespmem:s9], [sflag:$0x3] =	stream.indirect_vreg.gather [hbm4b:s12+s11], $0x80, v18, vm0, $0xb8;
	[tilespmem:$0x1DB80] =	vst v63  }
0x2d5: {  	s16 =	simm.s32 $0x3180;
	v17 =	vadd.s32 v3, v17  }
0x2d6: {  	[tilespmem:s16], [sflag:$0x3] =	stream.indirect_vreg.gather [hbm4b:s12+s11], $0x80, v19, vm0, $0xb8;
	[tilespmem:$0x1DB80] =	vst v63  }
0x2d7: {  	s26 =	simm.s32 $0x3200  }
0x2d8: {  	[tilespmem:s26], [sflag:$0x3] =	stream.indirect_vreg.gather [hbm4b:s12+s11], $0x80, v20, vm0, $0xb8;
	[tilespmem:$0x1DB80] =	vst v63  }
0x2d9: {  	s9 =	simm.s32 $0x3280  }
0x2da: {  	[tilespmem:s9], [sflag:$0x3] =	stream.indirect_vreg.gather [hbm4b:s12+s11], $0x80, v17, vm0, $0xb8;
	[tilespmem:$0x1DB80] =	vst v63  }
0x2db: {  	v17 =	vld [tilespmem:$0x38];
	_ =	sdelay $0x4  }
0x2dc: {  	v18 =	vshll.u32 v17, $0x1  }
0x2dd: {  	v17 =	vand.u32 $0x7, v17;
	v18 =	vand.u32 $0xFFFFFFF0, v18  }
0x2de: {  	v17 =	vor.u32 v17, v18  }
0x2df: {  	v18 =	vperm.xlane v17, v2;
	_ =	sdelay $0x1  }
0x2e0: {  	v19 =	vperm.xlane v17, v1;
	v18 =	vadd.s32 v3, v18;
	_ =	sdelay $0x1  }
0x2e1: {  	v20 =	vperm.xlane v17, v4;
	v19 =	vadd.s32 v3, v19;
	_ =	sdelay $0x1  }
0x2e2: {  	s16 =	simm.s32 $0x3300;
	v21 =	vperm.xlane v17, v5;
	v20 =	vadd.s32 v3, v20  }
0x2e3: {  	[tilespmem:s16], [sflag:$0x3] =	stream.indirect_vreg.gather [hbm4b:s12+s11], $0x80, v18, vm0, $0xb8;
	[tilespmem:$0x1DB80] =	vst v63  }
0x2e4: {  	s26 =	simm.s32 $0x3380;
	v18 =	vadd.s32 v3, v21;
	v21 =	vperm.xlane v17, v6  }
0x2e5: {  	[tilespmem:s26], [sflag:$0x3] =	stream.indirect_vreg.gather [hbm4b:s12+s11], $0x80, v19, vm0, $0xb8;
	[tilespmem:$0x1DB80] =	vst v63  }
0x2e6: {  	s9 =	simm.s32 $0x3400;
	v19 =	vadd.s32 v3, v21;
	v21 =	vperm.xlane v17, v7  }
0x2e7: {  	[tilespmem:s9], [sflag:$0x3] =	stream.indirect_vreg.gather [hbm4b:s12+s11], $0x80, v20, vm0, $0xb8;
	[tilespmem:$0x1DB80] =	vst v63  }
0x2e8: {  	s16 =	simm.s32 $0x3480;
	v20 =	vadd.s32 v3, v21;
	v21 =	vperm.xlane v17, v8  }
0x2e9: {  	[tilespmem:s16], [sflag:$0x3] =	stream.indirect_vreg.gather [hbm4b:s12+s11], $0x80, v18, vm0, $0xb8;
	[tilespmem:$0x1DB80] =	vst v63  }
0x2ea: {  	s26 =	simm.s32 $0x3500;
	v18 =	vadd.s32 v3, v21;
	v21 =	vperm.xlane v17, v0  }
0x2eb: {  	[tilespmem:s26], [sflag:$0x3] =	stream.indirect_vreg.gather [hbm4b:s12+s11], $0x80, v19, vm0, $0xb8;
	[tilespmem:$0x1DB80] =	vst v63  }
0x2ec: {  	s9 =	simm.s32 $0x3580;
	v19 =	vadd.s32 v3, v21;
	v21 =	vperm.xlane v17, v9  }
0x2ed: {  	[tilespmem:s9], [sflag:$0x3] =	stream.indirect_vreg.gather [hbm4b:s12+s11], $0x80, v20, vm0, $0xb8;
	[tilespmem:$0x1DB80] =	vst v63  }
0x2ee: {  	s16 =	simm.s32 $0x3600;
	v20 =	vadd.s32 v3, v21;
	v21 =	vperm.xlane v17, v10  }
0x2ef: {  	[tilespmem:s16], [sflag:$0x3] =	stream.indirect_vreg.gather [hbm4b:s12+s11], $0x80, v18, vm0, $0xb8;
	[tilespmem:$0x1DB80] =	vst v63  }
0x2f0: {  	s26 =	simm.s32 $0x3680;
	v18 =	vadd.s32 v3, v21;
	v21 =	vperm.xlane v17, v11  }
0x2f1: {  	[tilespmem:s26], [sflag:$0x3] =	stream.indirect_vreg.gather [hbm4b:s12+s11], $0x80, v19, vm0, $0xb8;
	[tilespmem:$0x1DB80] =	vst v63  }
0x2f2: {  	s9 =	simm.s32 $0x3700;
	v19 =	vadd.s32 v3, v21;
	v21 =	vperm.xlane v17, v12  }
0x2f3: {  	[tilespmem:s9], [sflag:$0x3] =	stream.indirect_vreg.gather [hbm4b:s12+s11], $0x80, v20, vm0, $0xb8;
	[tilespmem:$0x1DB80] =	vst v63  }
0x2f4: {  	s16 =	simm.s32 $0x3780;
	v20 =	vadd.s32 v3, v21;
	v21 =	vperm.xlane v17, v13  }
0x2f5: {  	[tilespmem:s16], [sflag:$0x3] =	stream.indirect_vreg.gather [hbm4b:s12+s11], $0x80, v18, vm0, $0xb8;
	[tilespmem:$0x1DB80] =	vst v63  }
0x2f6: {  	s26 =	simm.s32 $0x3800;
	v18 =	vadd.s32 v3, v21;
	v21 =	vperm.xlane v17, v14  }
0x2f7: {  	[tilespmem:s26], [sflag:$0x3] =	stream.indirect_vreg.gather [hbm4b:s12+s11], $0x80, v19, vm0, $0xb8;
	[tilespmem:$0x1DB80] =	vst v63  }
0x2f8: {  	s9 =	simm.s32 $0x3880;
	v19 =	vadd.s32 v3, v21;
	v21 =	vperm.xlane v17, v15  }
0x2f9: {  	[tilespmem:s9], [sflag:$0x3] =	stream.indirect_vreg.gather [hbm4b:s12+s11], $0x80, v20, vm0, $0xb8;
	[tilespmem:$0x1DB80] =	vst v63  }
0x2fa: {  	s16 =	simm.s32 $0x3900;
	v17 =	vperm.xlane v17, v16;
	v20 =	vadd.s32 v3, v21  }
0x2fb: {  	[tilespmem:s16], [sflag:$0x3] =	stream.indirect_vreg.gather [hbm4b:s12+s11], $0x80, v18, vm0, $0xb8;
	[tilespmem:$0x1DB80] =	vst v63  }
0x2fc: {  	s26 =	simm.s32 $0x3980;
	v17 =	vadd.s32 v3, v17  }
0x2fd: {  	[tilespmem:s26], [sflag:$0x3] =	stream.indirect_vreg.gather [hbm4b:s12+s11], $0x80, v19, vm0, $0xb8;
	[tilespmem:$0x1DB80] =	vst v63  }
0x2fe: {  	s9 =	simm.s32 $0x3A00  }
0x2ff: {  	[tilespmem:s9], [sflag:$0x3] =	stream.indirect_vreg.gather [hbm4b:s12+s11], $0x80, v20, vm0, $0xb8;
	[tilespmem:$0x1DB80] =	vst v63  }
0x300: {  	s16 =	simm.s32 $0x3A80  }
0x301: {  	[tilespmem:s16], [sflag:$0x3] =	stream.indirect_vreg.gather [hbm4b:s12+s11], $0x80, v17, vm0, $0xb8;
	[tilespmem:$0x1DB80] =	vst v63  }
0x302: {  	v17 =	vld.msk [tilespmem:$0x48], $0xff;
	_ =	sdelay $0x4  }
0x303: {  	v18 =	vshll.u32 v17, $0x1  }
0x304: {  	v17 =	vand.u32 $0x7, v17;
	v18 =	vand.u32 $0xFFFFFFF0, v18  }
0x305: {  	v17 =	vor.u32 v17, v18  }
0x306: {  	v18 =	vperm.xlane v17, v2;
	_ =	sdelay $0x1  }
0x307: {  	v19 =	vperm.xlane v17, v1;
	v18 =	vadd.s32 v3, v18;
	_ =	sdelay $0x1  }
0x308: {  	v20 =	vperm.xlane v17, v4;
	v19 =	vadd.s32 v3, v19;
	_ =	sdelay $0x1  }
0x309: {  	s26 =	simm.s32 $0x3B00;
	v21 =	vperm.xlane v17, v5;
	v20 =	vadd.s32 v3, v20  }
0x30a: {  	[tilespmem:s26], [sflag:$0x3] =	stream.indirect_vreg.gather [hbm4b:s12+s11], $0x80, v18, vm0, $0xb8;
	[tilespmem:$0x1DB80] =	vst v63  }
0x30b: {  	s9 =	simm.s32 $0x3B80;
	v18 =	vadd.s32 v3, v21;
	v21 =	vperm.xlane v17, v6  }
0x30c: {  	[tilespmem:s9], [sflag:$0x3] =	stream.indirect_vreg.gather [hbm4b:s12+s11], $0x80, v19, vm0, $0xb8;
	[tilespmem:$0x1DB80] =	vst v63  }
0x30d: {  	s16 =	simm.s32 $0x3C00;
	v19 =	vadd.s32 v3, v21;
	v21 =	vperm.xlane v17, v7  }
0x30e: {  	[tilespmem:s16], [sflag:$0x3] =	stream.indirect_vreg.gather [hbm4b:s12+s11], $0x80, v20, vm0, $0xb8;
	[tilespmem:$0x1DB80] =	vst v63  }
0x30f: {  	s26 =	simm.s32 $0x3C80;
	v20 =	vadd.s32 v3, v21;
	v21 =	vperm.xlane v17, v8  }
0x310: {  	[tilespmem:s26], [sflag:$0x3] =	stream.indirect_vreg.gather [hbm4b:s12+s11], $0x80, v18, vm0, $0xb8;
	[tilespmem:$0x1DB80] =	vst v63  }
0x311: {  	s9 =	simm.s32 $0x3D00;
	v17 =	vperm.xlane v17, v0;
	v18 =	vadd.s32 v3, v21  }
0x312: {  	[tilespmem:s9], [sflag:$0x3] =	stream.indirect_vreg.gather [hbm4b:s12+s11], $0x80, v19, vm0, $0xb8;
	[tilespmem:$0x1DB80] =	vst v63  }
0x313: {  	s16 =	simm.s32 $0x3D80;
	v17 =	vadd.s32 v3, v17  }
0x314: {  	[tilespmem:s16], [sflag:$0x3] =	stream.indirect_vreg.gather [hbm4b:s12+s11], $0x80, v20, vm0, $0xb8;
	[tilespmem:$0x1DB80] =	vst v63  }
0x315: {  	s26 =	simm.s32 $0x3E00  }
0x316: {  	[tilespmem:s26], [sflag:$0x3] =	stream.indirect_vreg.gather [hbm4b:s12+s11], $0x80, v18, vm0, $0xb8;
	[tilespmem:$0x1DB80] =	vst v63  }
0x317: {  	s9 =	simm.s32 $0x3E80;
	s16 =	simm.s32 $0x2  }
0x318: {  	[tilespmem:s9], [sflag:$0x3] =	stream.indirect_vreg.gather [hbm4b:s12+s11], $0x80, v17, vm0, $0xb8;
	[tilespmem:$0x1DB80] =	vst v63  }
0x319: {  	_ =	swait.ge [sflag:s16], $0x1400  }
0x31a: {  	[sflag:s16] =	ssyncset.done $0x0  }
0x31b: {  	s9 =	simm.s32 $0x4;
	[sflag:s16] =	ssyncadd.s32 $0xFFFFEC00  }
0x31c: {  	_ =	swait.ge [sflag:s9], $0x1400  }
0x31d: {  	s26 =	rddreg [dreg:$0x13]  }
0x31e: {  	s10 =	sadd.s32 s10, s26  }
0x31f: {  	[sflag:s9] =	ssyncset.done $0x0;
	s16 =	sshrl.u32 s10, $0x3  }
0x320: {  	[sflag:s9] =	ssyncadd.s32 $0xFFFFEC00;
	s26 =	simm.s32 $0x80;
	s9 =	sadd.s32 s7, s16  }
0x321: {  	[tilespmem:s26], [sflag:$0x10] =	stream.linear.gather [hbm4b:s9+s11], $0x50, $0x38;
	[tilespmem:$0x1DB80] =	vst v63  }
0x322: {  	_ =	swait.ge [sflag:s2], $0x2800  }
0x323: {  	[sflag:s2] =	ssyncset.done $0x0  }
0x324: {  	s11 =	simm.s32 $0x0;
	[sflag:s2] =	ssyncadd.s32 $0xFFFFD800  }
0x325: {  	v23 =	vld [tilespmem:s11+$0x7B00]  }
0x326: {  	v28 =	vld [tilespmem:s11+$0x7B10]  }
0x327: {  	v22 =	vld [tilespmem:s11+$0x7B20]  }
0x328: {  	v21 =	vld [tilespmem:s11+$0x7B30]  }
0x329: {  	v20 =	vld [tilespmem:s11+$0x7B40]  }
0x32a: {  	v19 =	vld [tilespmem:s11+$0x7B50]  }
0x32b: {  	v18 =	vld [tilespmem:s11+$0x7B60]  }
0x32c: {  	v17 =	vld [tilespmem:s11+$0x7B70]  }
0x32d: {  	v29 =	vld [tilespmem:s11+$0x1700]  }
0x32e: {  	v30 =	vld [tilespmem:s11+$0x1710]  }
0x32f: {  	v27 =	vld [tilespmem:s11+$0x1720]  }
0x330: {  	v26 =	vld [tilespmem:s11+$0x1730]  }
0x331: {  	v25 =	vld [tilespmem:s11+$0x1740]  }
0x332: {  	v24 =	vld [tilespmem:s11+$0x1750];
	v29 =	vadd.f32 v23, v29  }
0x333: {  	s4 =	simm.s32 $0x400;
	s22 =	simm.s32 $0x800;
	s9 =	simm.s32 $0x200;
	v28 =	vadd.f32 v28, v30;
	v23 =	vld [tilespmem:s11+$0x1760]  }
.LBB2_7:
0x334: {  	s0 =	sshra.s32 s9, $0x2;
	p1 =	sne.s32 s9, $0x4E00;
	v29 =	vmax.f32 v29, $0.0e+00;
	v22 =	vadd.f32 v22, v27;
	v27 =	vld [tilespmem:s11+$0x1770]  }
0x335: {  	v30 =	vld [tilespmem:s0+$0x7B00];
	[tilespmem:s11+$0x1700] =	vst v29;
	v28 =	vmax.f32 v28, $0.0e+00;
	v21 =	vadd.f32 v21, v26  }
0x336: {  	v31 =	vld [tilespmem:s0+$0x7B10];
	[tilespmem:s11+$0x1710] =	vst v28;
	v26 =	vmax.f32 v22, $0.0e+00;
	v20 =	vadd.f32 v20, v25  }
0x337: {  	v22 =	vld [tilespmem:s0+$0x7B20];
	[tilespmem:s11+$0x1720] =	vst v26;
	v25 =	vmax.f32 v21, $0.0e+00;
	v19 =	vadd.f32 v19, v24  }
0x338: {  	v21 =	vld [tilespmem:s0+$0x7B30];
	[tilespmem:s11+$0x1730] =	vst v25;
	v24 =	vmax.f32 v20, $0.0e+00;
	v18 =	vadd.f32 v18, v23  }
0x339: {  	v20 =	vld [tilespmem:s0+$0x7B40];
	[tilespmem:s11+$0x1740] =	vst v24;
	v23 =	vmax.f32 v19, $0.0e+00;
	v17 =	vadd.f32 v17, v27  }
0x33a: {  	v19 =	vld [tilespmem:s0+$0x7B50];
	[tilespmem:s11+$0x1750] =	vst v23;
	v23 =	vmax.f32 v18, $0.0e+00  }
0x33b: {  	v18 =	vld [tilespmem:s0+$0x7B60];
	[tilespmem:s11+$0x1760] =	vst v23;
	v23 =	vmax.f32 v17, $0.0e+00  }
0x33c: {  	v17 =	vld [tilespmem:s0+$0x7B70];
	[tilespmem:s11+$0x1770] =	vst v23;
	s11 =	smov.u32 s0  }
0x33d: {  	v23 =	vld [tilespmem:s11+$0x1700]  }
0x33e: {  	v28 =	vld [tilespmem:s11+$0x1710]  }
.Ltmp2:
0x33f: {  	v27 =	vld [tilespmem:s11+$0x1720];
	(pc) =	sbr.rel @p1 .LBB2_7-.Ltmp2, $4  }
0x340: {  	v26 =	vld [tilespmem:s11+$0x1730]  }
0x341: {  	v25 =	vld [tilespmem:s11+$0x1740]  }
0x342: {  	v29 =	vadd.f32 v30, v23;
	v24 =	vld [tilespmem:s11+$0x1750]  }
0x343: {  	s9 =	sadd.s32 $0x200, s9;
	v28 =	vadd.f32 v31, v28;
	v23 =	vld [tilespmem:s11+$0x1760]  }
0x344: {  	v29 =	vmax.f32 v29, $0.0e+00;
	v22 =	vadd.f32 v22, v27;
	v27 =	vld [tilespmem:s11+$0x1770]  }
0x345: {  	[tilespmem:s11+$0x1700] =	vst v29;
	v28 =	vmax.f32 v28, $0.0e+00;
	v21 =	vadd.f32 v21, v26  }
0x346: {  	[tilespmem:s11+$0x1710] =	vst v28;
	v22 =	vmax.f32 v22, $0.0e+00;
	v20 =	vadd.f32 v20, v25  }
0x347: {  	[tilespmem:s11+$0x1720] =	vst v22;
	v21 =	vmax.f32 v21, $0.0e+00;
	v19 =	vadd.f32 v19, v24  }
0x348: {  	[tilespmem:s11+$0x1730] =	vst v21;
	v20 =	vmax.f32 v20, $0.0e+00;
	v18 =	vadd.f32 v18, v23  }
0x349: {  	[tilespmem:s11+$0x1740] =	vst v20;
	v19 =	vmax.f32 v19, $0.0e+00;
	v17 =	vadd.f32 v17, v27  }
0x34a: {  	[tilespmem:s11+$0x1750] =	vst v19;
	v18 =	vmax.f32 v18, $0.0e+00  }
0x34b: {  	[tilespmem:s11+$0x1760] =	vst v18;
	v17 =	vmax.f32 v17, $0.0e+00  }
0x34c: {  	[tilespmem:s11+$0x1770] =	vst v17  }
0x34d: {  	_ =	swait.ge [sflag:s15], $0x28  }
0x34e: {  	s0 =	simm.s32 $0x180;
	[sflag:s15] =	ssyncset.done $0x0  }
0x34f: {  	s9 =	simm.s32 $0x1700;
	s11 =	simm.s32 $0x0;
	[sflag:s15] =	ssyncadd.s32 $0xFFFFFFD8  }
0x350: {  	[spmem:s3] =	stream.indirect.scatter.add.f32 [tilespmem:s9], [sflag:$0xC], $0x80, s0, s24, $0xb8;
	[tilespmem:$0x1DB80] =	vst v63  }
0x351: {  	v23 =	vld [tilespmem:s11+$0x8F00]  }
0x352: {  	v28 =	vld [tilespmem:s11+$0x8F10]  }
0x353: {  	v22 =	vld [tilespmem:s11+$0x8F20]  }
0x354: {  	v21 =	vld [tilespmem:s11+$0x8F30]  }
0x355: {  	v20 =	vld [tilespmem:s11+$0x8F40]  }
0x356: {  	v19 =	vld [tilespmem:s11+$0x8F50]  }
0x357: {  	v18 =	vld [tilespmem:s11+$0x8F60]  }
0x358: {  	v17 =	vld [tilespmem:s11+$0x8F70]  }
0x359: {  	v29 =	vld [tilespmem:s11+$0x3F00]  }
0x35a: {  	v30 =	vld [tilespmem:s11+$0x3F10]  }
0x35b: {  	v27 =	vld [tilespmem:s11+$0x3F20]  }
0x35c: {  	v26 =	vld [tilespmem:s11+$0x3F30]  }
0x35d: {  	v25 =	vld [tilespmem:s11+$0x3F40]  }
0x35e: {  	v24 =	vld [tilespmem:s11+$0x3F50];
	v29 =	vadd.f32 v23, v29  }
0x35f: {  	s9 =	simm.s32 $0x200;
	v28 =	vadd.f32 v28, v30;
	v23 =	vld [tilespmem:s11+$0x3F60]  }
.LBB2_9:
0x360: {  	s0 =	sshra.s32 s9, $0x2;
	p1 =	sne.s32 s9, $0x4E00;
	v29 =	vmax.f32 v29, $0.0e+00;
	v22 =	vadd.f32 v22, v27;
	v27 =	vld [tilespmem:s11+$0x3F70]  }
0x361: {  	v30 =	vld [tilespmem:s0+$0x8F00];
	[tilespmem:s11+$0x3F00] =	vst v29;
	v28 =	vmax.f32 v28, $0.0e+00;
	v21 =	vadd.f32 v21, v26  }
0x362: {  	v31 =	vld [tilespmem:s0+$0x8F10];
	[tilespmem:s11+$0x3F10] =	vst v28;
	v26 =	vmax.f32 v22, $0.0e+00;
	v20 =	vadd.f32 v20, v25  }
0x363: {  	v22 =	vld [tilespmem:s0+$0x8F20];
	[tilespmem:s11+$0x3F20] =	vst v26;
	v25 =	vmax.f32 v21, $0.0e+00;
	v19 =	vadd.f32 v19, v24  }
0x364: {  	v21 =	vld [tilespmem:s0+$0x8F30];
	[tilespmem:s11+$0x3F30] =	vst v25;
	v24 =	vmax.f32 v20, $0.0e+00;
	v18 =	vadd.f32 v18, v23  }
0x365: {  	v20 =	vld [tilespmem:s0+$0x8F40];
	[tilespmem:s11+$0x3F40] =	vst v24;
	v23 =	vmax.f32 v19, $0.0e+00;
	v17 =	vadd.f32 v17, v27  }
0x366: {  	v19 =	vld [tilespmem:s0+$0x8F50];
	[tilespmem:s11+$0x3F50] =	vst v23;
	v23 =	vmax.f32 v18, $0.0e+00  }
0x367: {  	v18 =	vld [tilespmem:s0+$0x8F60];
	[tilespmem:s11+$0x3F60] =	vst v23;
	v23 =	vmax.f32 v17, $0.0e+00  }
0x368: {  	v17 =	vld [tilespmem:s0+$0x8F70];
	[tilespmem:s11+$0x3F70] =	vst v23;
	s11 =	smov.u32 s0  }
0x369: {  	v23 =	vld [tilespmem:s11+$0x3F00]  }
0x36a: {  	v28 =	vld [tilespmem:s11+$0x3F10]  }
.Ltmp3:
0x36b: {  	v27 =	vld [tilespmem:s11+$0x3F20];
	(pc) =	sbr.rel @p1 .LBB2_9-.Ltmp3, $4  }
0x36c: {  	v26 =	vld [tilespmem:s11+$0x3F30]  }
0x36d: {  	v25 =	vld [tilespmem:s11+$0x3F40]  }
0x36e: {  	v29 =	vadd.f32 v30, v23;
	v24 =	vld [tilespmem:s11+$0x3F50]  }
0x36f: {  	s9 =	sadd.s32 $0x200, s9;
	v28 =	vadd.f32 v31, v28;
	v23 =	vld [tilespmem:s11+$0x3F60]  }
0x370: {  	v29 =	vmax.f32 v29, $0.0e+00;
	v22 =	vadd.f32 v22, v27;
	v63 =	vld [tilespmem:s11+$0x3F70]  }
0x371: {  	[tilespmem:s11+$0x3F00] =	vst v29;
	v28 =	vmax.f32 v28, $0.0e+00;
	v21 =	vadd.f32 v21, v26  }
0x372: {  	[tilespmem:s11+$0x3F10] =	vst v28;
	v22 =	vmax.f32 v22, $0.0e+00;
	v20 =	vadd.f32 v20, v25  }
0x373: {  	[tilespmem:s11+$0x3F20] =	vst v22;
	v21 =	vmax.f32 v21, $0.0e+00;
	v19 =	vadd.f32 v19, v24  }
0x374: {  	[tilespmem:s11+$0x3F30] =	vst v21;
	v20 =	vmax.f32 v20, $0.0e+00;
	v18 =	vadd.f32 v18, v23  }
0x375: {  	[tilespmem:s11+$0x3F40] =	vst v20;
	v19 =	vmax.f32 v19, $0.0e+00;
	v17 =	vadd.f32 v17, v63  }
0x376: {  	[tilespmem:s11+$0x3F50] =	vst v19;
	v18 =	vmax.f32 v18, $0.0e+00  }
0x377: {  	[tilespmem:s11+$0x3F60] =	vst v18;
	v17 =	vmax.f32 v17, $0.0e+00  }
0x378: {  	[tilespmem:s11+$0x3F70] =	vst v17  }
0x379: {  	_ =	swait.ge [sflag:s20], $0x28  }
0x37a: {  	s26 =	simm.s32 $0x3F00;
	s0 =	sshll.u32 s10, $0x8;
	[sflag:s20] =	ssyncset.done $0x0  }
0x37b: {  	s9 =	simm.s32 $0x10;
	s11 =	simm.s32 $0x280;
	[sflag:s20] =	ssyncadd.s32 $0xFFFFFFD8  }
0x37c: {  	[spmem:s3] =	stream.indirect.scatter.add.f32 [tilespmem:s26], [sflag:$0xE], $0x80, s11, s24, $0xb8;
	[tilespmem:$0x1DB80] =	vst v63  }
0x37d: {  	s0 =	sor.u32 s6, s0;
	_ =	swait.ge [sflag:s9], $0x50  }
0x37e: {  	s0 =	sshrl.u32 s0, $0x3;
	[sflag:s9] =	ssyncset.done $0x0  }
0x37f: {  	s0 =	sadd.s32 s31, s0;
	[sflag:s9] =	ssyncadd.s32 $0xFFFFFFB0;
	s9 =	simm.s32 $0x7B00  }
0x380: {  	[tilespmem:s9], [sflag:$0x6] =	stream.strided.gather [hbm4b:s0+s4], $0x2800, s22, s4, $0x38;
	[tilespmem:$0x1DB80] =	vst v63  }
0x381: {  	_ =	swait.ge [sflag:s28], $0x1400  }
0x382: {  	[sflag:s28] =	ssyncset.done $0x0  }
0x383: {  	[sflag:s28] =	ssyncadd.s32 $0xFFFFEC00  }
0x384: {  	_ =	swait.ge [sflag:s29], $0x1400  }
0x385: {  	s16 =	sadd.s32 s1, s16;
	s4 =	sadd.s32 $0x28, s10;
	[sflag:s29] =	ssyncset.done $0x0  }
0x386: {  	s22 =	simm.s32 $0x180;
	s0 =	sshrl.u32 s4, $0x3;
	[sflag:s29] =	ssyncadd.s32 $0xFFFFEC00  }
0x387: {  	[tilespmem:s22], [sflag:$0x8] =	stream.linear.gather [hbm4b:s16+s5], $0x28, $0x38;
	[tilespmem:$0x1DB80] =	vst v63  }
0x388: {  	s0 =	sadd.s32 s1, s0  }
0x389: {  	[tilespmem:s11], [sflag:$0xA] =	stream.linear.gather [hbm4b:s0+s5], $0x28, $0x38;
	[tilespmem:$0x1DB80] =	vst v63  }
0x38a: {  	v17 =	vld [tilespmem:$0x80];
	_ =	sdelay $0x4  }
0x38b: {  	v18 =	vshll.u32 v17, $0x1  }
0x38c: {  	v17 =	vand.u32 $0x7, v17;
	v18 =	vand.u32 $0xFFFFFFF0, v18  }
0x38d: {  	v17 =	vor.u32 v17, v18  }
0x38e: {  	v18 =	vperm.xlane v17, v2;
	_ =	sdelay $0x1  }
0x38f: {  	v19 =	vperm.xlane v17, v1;
	v18 =	vadd.s32 v3, v18;
	_ =	sdelay $0x1  }
0x390: {  	v24 =	vperm.xlane v17, v4;
	v19 =	vadd.s32 v3, v19;
	_ =	sdelay $0x1  }
0x391: {  	s9 =	simm.s32 $0x1700;
	v25 =	vperm.xlane v17, v5;
	v20 =	vadd.s32 v3, v24  }
0x392: {  	[tilespmem:s9], [sflag:$0x2] =	stream.indirect_vreg.gather [hbm4b:s12+s5], $0x80, v18, vm0, $0xb8;
	[tilespmem:$0x1DB80] =	vst v63  }
0x393: {  	s10 =	simm.s32 $0x1780;
	v26 =	vperm.xlane v17, v6;
	v18 =	vadd.s32 v3, v25  }
0x394: {  	[tilespmem:s10], [sflag:$0x2] =	stream.indirect_vreg.gather [hbm4b:s12+s5], $0x80, v19, vm0, $0xb8;
	[tilespmem:$0x1DB80] =	vst v63  }
0x395: {  	s11 =	simm.s32 $0x1800;
	v27 =	vperm.xlane v17, v7;
	v19 =	vadd.s32 v3, v26  }
0x396: {  	[tilespmem:s11], [sflag:$0x2] =	stream.indirect_vreg.gather [hbm4b:s12+s5], $0x80, v20, vm0, $0xb8;
	[tilespmem:$0x1DB80] =	vst v63  }
0x397: {  	s22 =	simm.s32 $0x1880;
	v29 =	vperm.xlane v17, v8;
	v28 =	vadd.s32 v3, v27  }
0x398: {  	[tilespmem:s22], [sflag:$0x2] =	stream.indirect_vreg.gather [hbm4b:s12+s5], $0x80, v18, vm0, $0xb8;
	[tilespmem:$0x1DB80] =	vst v63  }
0x399: {  	s4 =	simm.s32 $0x1900;
	v30 =	vperm.xlane v17, v0;
	v18 =	vadd.s32 v3, v29  }
0x39a: {  	[tilespmem:s4], [sflag:$0x2] =	stream.indirect_vreg.gather [hbm4b:s12+s5], $0x80, v19, vm0, $0xb8;
	[tilespmem:$0x1DB80] =	vst v63  }
0x39b: {  	v31 =	vperm.xlane v17, v9;
	s9 =	simm.s32 $0x1980;
	v19 =	vadd.s32 v3, v30  }
0x39c: {  	[tilespmem:s9], [sflag:$0x2] =	stream.indirect_vreg.gather [hbm4b:s12+s5], $0x80, v28, vm0, $0xb8;
	[tilespmem:$0x1DB80] =	vst v63  }
0x39d: {  	v33 =	vperm.xlane v17, v10;
	v32 =	vadd.s32 v3, v31;
	s10 =	simm.s32 $0x1A00  }
0x39e: {  	[tilespmem:s10], [sflag:$0x2] =	stream.indirect_vreg.gather [hbm4b:s12+s5], $0x80, v18, vm0, $0xb8;
	[tilespmem:$0x1DB80] =	vst v63  }
0x39f: {  	v34 =	vperm.xlane v17, v11;
	s11 =	simm.s32 $0x1A80;
	v18 =	vadd.s32 v3, v33  }
0x3a0: {  	[tilespmem:s11], [sflag:$0x2] =	stream.indirect_vreg.gather [hbm4b:s12+s5], $0x80, v19, vm0, $0xb8;
	[tilespmem:$0x1DB80] =	vst v63  }
0x3a1: {  	v35 =	vperm.xlane v17, v12;
	s22 =	simm.s32 $0x1B00;
	v19 =	vadd.s32 v3, v34  }
0x3a2: {  	[tilespmem:s22], [sflag:$0x2] =	stream.indirect_vreg.gather [hbm4b:s12+s5], $0x80, v32, vm0, $0xb8;
	[tilespmem:$0x1DB80] =	vst v63  }
0x3a3: {  	v37 =	vperm.xlane v17, v13;
	v36 =	vadd.s32 v3, v35;
	s4 =	simm.s32 $0x1B80  }
0x3a4: {  	[tilespmem:s4], [sflag:$0x2] =	stream.indirect_vreg.gather [hbm4b:s12+s5], $0x80, v18, vm0, $0xb8;
	[tilespmem:$0x1DB80] =	vst v63  }
0x3a5: {  	v38 =	vperm.xlane v17, v14;
	s9 =	simm.s32 $0x1C00;
	v18 =	vadd.s32 v3, v37  }
0x3a6: {  	[tilespmem:s9], [sflag:$0x2] =	stream.indirect_vreg.gather [hbm4b:s12+s5], $0x80, v19, vm0, $0xb8;
	[tilespmem:$0x1DB80] =	vst v63  }
0x3a7: {  	v39 =	vperm.xlane v17, v15;
	s10 =	simm.s32 $0x1C80;
	v19 =	vadd.s32 v3, v38  }
0x3a8: {  	[tilespmem:s10], [sflag:$0x2] =	stream.indirect_vreg.gather [hbm4b:s12+s5], $0x80, v36, vm0, $0xb8;
	[tilespmem:$0x1DB80] =	vst v63  }
0x3a9: {  	v17 =	vperm.xlane v17, v16;
	v40 =	vadd.s32 v3, v39;
	s11 =	simm.s32 $0x1D00  }
0x3aa: {  	[tilespmem:s11], [sflag:$0x2] =	stream.indirect_vreg.gather [hbm4b:s12+s5], $0x80, v18, vm0, $0xb8;
	[tilespmem:$0x1DB80] =	vst v63  }
0x3ab: {  	v17 =	vadd.s32 v3, v17;
	s22 =	simm.s32 $0x1D80  }
0x3ac: {  	[tilespmem:s22], [sflag:$0x2] =	stream.indirect_vreg.gather [hbm4b:s12+s5], $0x80, v19, vm0, $0xb8;
	[tilespmem:$0x1DB80] =	vst v63  }
0x3ad: {  	s4 =	simm.s32 $0x1E00  }
0x3ae: {  	[tilespmem:s4], [sflag:$0x2] =	stream.indirect_vreg.gather [hbm4b:s12+s5], $0x80, v40, vm0, $0xb8;
	[tilespmem:$0x1DB80] =	vst v63  }
0x3af: {  	s9 =	simm.s32 $0x1E80  }
0x3b0: {  	[tilespmem:s9], [sflag:$0x2] =	stream.indirect_vreg.gather [hbm4b:s12+s5], $0x80, v17, vm0, $0xb8;
	[tilespmem:$0x1DB80] =	vst v63  }
0x3b1: {  	v17 =	vld [tilespmem:$0x90];
	_ =	sdelay $0x4  }
0x3b2: {  	v18 =	vshll.u32 v17, $0x1  }
0x3b3: {  	v17 =	vand.u32 $0x7, v17;
	v18 =	vand.u32 $0xFFFFFFF0, v18  }
0x3b4: {  	v17 =	vor.u32 v17, v18  }
0x3b5: {  	v18 =	vperm.xlane v17, v2;
	_ =	sdelay $0x1  }
0x3b6: {  	v19 =	vperm.xlane v17, v1;
	v18 =	vadd.s32 v3, v18;
	_ =	sdelay $0x1  }
0x3b7: {  	v41 =	vperm.xlane v17, v4;
	v19 =	vadd.s32 v3, v19;
	_ =	sdelay $0x1  }
0x3b8: {  	s10 =	simm.s32 $0x1F00;
	v42 =	vperm.xlane v17, v5;
	v20 =	vadd.s32 v3, v41  }
0x3b9: {  	[tilespmem:s10], [sflag:$0x2] =	stream.indirect_vreg.gather [hbm4b:s12+s5], $0x80, v18, vm0, $0xb8;
	[tilespmem:$0x1DB80] =	vst v63  }
0x3ba: {  	s11 =	simm.s32 $0x1F80;
	v43 =	vperm.xlane v17, v6;
	v18 =	vadd.s32 v3, v42  }
0x3bb: {  	[tilespmem:s11], [sflag:$0x2] =	stream.indirect_vreg.gather [hbm4b:s12+s5], $0x80, v19, vm0, $0xb8;
	[tilespmem:$0x1DB80] =	vst v63  }
0x3bc: {  	s22 =	simm.s32 $0x2000;
	v44 =	vperm.xlane v17, v7;
	v19 =	vadd.s32 v3, v43  }
0x3bd: {  	[tilespmem:s22], [sflag:$0x2] =	stream.indirect_vreg.gather [hbm4b:s12+s5], $0x80, v20, vm0, $0xb8;
	[tilespmem:$0x1DB80] =	vst v63  }
0x3be: {  	s4 =	simm.s32 $0x2080;
	v46 =	vperm.xlane v17, v8;
	v45 =	vadd.s32 v3, v44  }
0x3bf: {  	[tilespmem:s4], [sflag:$0x2] =	stream.indirect_vreg.gather [hbm4b:s12+s5], $0x80, v18, vm0, $0xb8;
	[tilespmem:$0x1DB80] =	vst v63  }
0x3c0: {  	s9 =	simm.s32 $0x2100;
	v47 =	vperm.xlane v17, v0;
	v18 =	vadd.s32 v3, v46  }
0x3c1: {  	[tilespmem:s9], [sflag:$0x2] =	stream.indirect_vreg.gather [hbm4b:s12+s5], $0x80, v19, vm0, $0xb8;
	[tilespmem:$0x1DB80] =	vst v63  }
0x3c2: {  	v48 =	vperm.xlane v17, v9;
	s10 =	simm.s32 $0x2180;
	v19 =	vadd.s32 v3, v47  }
0x3c3: {  	[tilespmem:s10], [sflag:$0x2] =	stream.indirect_vreg.gather [hbm4b:s12+s5], $0x80, v45, vm0, $0xb8;
	[tilespmem:$0x1DB80] =	vst v63  }
0x3c4: {  	v50 =	vperm.xlane v17, v10;
	v49 =	vadd.s32 v3, v48;
	s11 =	simm.s32 $0x2200  }
0x3c5: {  	[tilespmem:s11], [sflag:$0x2] =	stream.indirect_vreg.gather [hbm4b:s12+s5], $0x80, v18, vm0, $0xb8;
	[tilespmem:$0x1DB80] =	vst v63  }
0x3c6: {  	v51 =	vperm.xlane v17, v11;
	s22 =	simm.s32 $0x2280;
	v18 =	vadd.s32 v3, v50  }
0x3c7: {  	[tilespmem:s22], [sflag:$0x2] =	stream.indirect_vreg.gather [hbm4b:s12+s5], $0x80, v19, vm0, $0xb8;
	[tilespmem:$0x1DB80] =	vst v63  }
0x3c8: {  	v52 =	vperm.xlane v17, v12;
	s4 =	simm.s32 $0x2300;
	v19 =	vadd.s32 v3, v51  }
0x3c9: {  	[tilespmem:s4], [sflag:$0x2] =	stream.indirect_vreg.gather [hbm4b:s12+s5], $0x80, v49, vm0, $0xb8;
	[tilespmem:$0x1DB80] =	vst v63  }
0x3ca: {  	v54 =	vperm.xlane v17, v13;
	v53 =	vadd.s32 v3, v52;
	s9 =	simm.s32 $0x2380  }
0x3cb: {  	[tilespmem:s9], [sflag:$0x2] =	stream.indirect_vreg.gather [hbm4b:s12+s5], $0x80, v18, vm0, $0xb8;
	[tilespmem:$0x1DB80] =	vst v63  }
0x3cc: {  	v55 =	vperm.xlane v17, v14;
	s10 =	simm.s32 $0x2400;
	v18 =	vadd.s32 v3, v54  }
0x3cd: {  	[tilespmem:s10], [sflag:$0x2] =	stream.indirect_vreg.gather [hbm4b:s12+s5], $0x80, v19, vm0, $0xb8;
	[tilespmem:$0x1DB80] =	vst v63  }
0x3ce: {  	v56 =	vperm.xlane v17, v15;
	s11 =	simm.s32 $0x2480;
	v19 =	vadd.s32 v3, v55  }
0x3cf: {  	[tilespmem:s11], [sflag:$0x2] =	stream.indirect_vreg.gather [hbm4b:s12+s5], $0x80, v53, vm0, $0xb8;
	[tilespmem:$0x1DB80] =	vst v63  }
0x3d0: {  	v17 =	vperm.xlane v17, v16;
	v57 =	vadd.s32 v3, v56;
	s22 =	simm.s32 $0x2500  }
0x3d1: {  	[tilespmem:s22], [sflag:$0x2] =	stream.indirect_vreg.gather [hbm4b:s12+s5], $0x80, v18, vm0, $0xb8;
	[tilespmem:$0x1DB80] =	vst v63  }
0x3d2: {  	v17 =	vadd.s32 v3, v17;
	s4 =	simm.s32 $0x2580  }
0x3d3: {  	[tilespmem:s4], [sflag:$0x2] =	stream.indirect_vreg.gather [hbm4b:s12+s5], $0x80, v19, vm0, $0xb8;
	[tilespmem:$0x1DB80] =	vst v63  }
0x3d4: {  	s9 =	simm.s32 $0x2600  }
0x3d5: {  	[tilespmem:s9], [sflag:$0x2] =	stream.indirect_vreg.gather [hbm4b:s12+s5], $0x80, v57, vm0, $0xb8;
	[tilespmem:$0x1DB80] =	vst v63  }
0x3d6: {  	s10 =	simm.s32 $0x2680  }
0x3d7: {  	[tilespmem:s10], [sflag:$0x2] =	stream.indirect_vreg.gather [hbm4b:s12+s5], $0x80, v17, vm0, $0xb8;
	[tilespmem:$0x1DB80] =	vst v63  }
0x3d8: {  	v17 =	vld.msk [tilespmem:$0xA0], $0xff;
	_ =	sdelay $0x4  }
0x3d9: {  	v18 =	vshll.u32 v17, $0x1  }
0x3da: {  	v17 =	vand.u32 $0x7, v17;
	v18 =	vand.u32 $0xFFFFFFF0, v18  }
0x3db: {  	v17 =	vor.u32 v17, v18  }
0x3dc: {  	v18 =	vperm.xlane v17, v2;
	_ =	sdelay $0x1  }
0x3dd: {  	v19 =	vperm.xlane v17, v1;
	v18 =	vadd.s32 v3, v18;
	_ =	sdelay $0x1  }
0x3de: {  	v58 =	vperm.xlane v17, v4;
	v19 =	vadd.s32 v3, v19;
	_ =	sdelay $0x1  }
0x3df: {  	s11 =	simm.s32 $0x2700;
	v59 =	vperm.xlane v17, v5;
	v20 =	vadd.s32 v3, v58  }
0x3e0: {  	[tilespmem:s11], [sflag:$0x2] =	stream.indirect_vreg.gather [hbm4b:s12+s5], $0x80, v18, vm0, $0xb8;
	[tilespmem:$0x1DB80] =	vst v63  }
0x3e1: {  	s22 =	simm.s32 $0x2780;
	v60 =	vperm.xlane v17, v6;
	v18 =	vadd.s32 v3, v59  }
0x3e2: {  	[tilespmem:s22], [sflag:$0x2] =	stream.indirect_vreg.gather [hbm4b:s12+s5], $0x80, v19, vm0, $0xb8;
	[tilespmem:$0x1DB80] =	vst v63  }
0x3e3: {  	s4 =	simm.s32 $0x2800;
	v61 =	vperm.xlane v17, v7;
	v19 =	vadd.s32 v3, v60  }
0x3e4: {  	[tilespmem:s4], [sflag:$0x2] =	stream.indirect_vreg.gather [hbm4b:s12+s5], $0x80, v20, vm0, $0xb8;
	[tilespmem:$0x1DB80] =	vst v63  }
0x3e5: {  	s9 =	simm.s32 $0x2880;
	v63 =	vperm.xlane v17, v8;
	v62 =	vadd.s32 v3, v61  }
0x3e6: {  	[tilespmem:s9], [sflag:$0x2] =	stream.indirect_vreg.gather [hbm4b:s12+s5], $0x80, v18, vm0, $0xb8;
	[tilespmem:$0x1DB80] =	vst v63  }
0x3e7: {  	s10 =	simm.s32 $0x2900;
	v17 =	vperm.xlane v17, v0;
	v18 =	vadd.s32 v3, v63  }
0x3e8: {  	[tilespmem:s10], [sflag:$0x2] =	stream.indirect_vreg.gather [hbm4b:s12+s5], $0x80, v19, vm0, $0xb8;
	[tilespmem:$0x1DB80] =	vst v63  }
0x3e9: {  	v17 =	vadd.s32 v3, v17;
	s11 =	simm.s32 $0x2980  }
0x3ea: {  	[tilespmem:s11], [sflag:$0x2] =	stream.indirect_vreg.gather [hbm4b:s12+s5], $0x80, v62, vm0, $0xb8;
	[tilespmem:$0x1DB80] =	vst v63  }
0x3eb: {  	s22 =	simm.s32 $0x2A00  }
0x3ec: {  	[tilespmem:s22], [sflag:$0x2] =	stream.indirect_vreg.gather [hbm4b:s12+s5], $0x80, v18, vm0, $0xb8;
	[tilespmem:$0x1DB80] =	vst v63  }
0x3ed: {  	s4 =	simm.s32 $0x2A80  }
0x3ee: {  	[tilespmem:s4], [sflag:$0x2] =	stream.indirect_vreg.gather [hbm4b:s12+s5], $0x80, v17, vm0, $0xb8;
	[tilespmem:$0x1DB80] =	vst v63  }
0x3ef: {  	v17 =	vld [tilespmem:$0xA8];
	_ =	sdelay $0x4  }
0x3f0: {  	v18 =	vshll.u32 v17, $0x1  }
0x3f1: {  	v17 =	vand.u32 $0x7, v17;
	v18 =	vand.u32 $0xFFFFFFF0, v18  }
0x3f2: {  	v17 =	vor.u32 v17, v18  }
0x3f3: {  	v18 =	vperm.xlane v17, v2;
	_ =	sdelay $0x1  }
0x3f4: {  	v19 =	vperm.xlane v17, v1;
	v18 =	vadd.s32 v3, v18;
	_ =	sdelay $0x1  }
0x3f5: {  	v24 =	vperm.xlane v17, v4;
	v19 =	vadd.s32 v3, v19;
	_ =	sdelay $0x1  }
0x3f6: {  	v25 =	vperm.xlane v17, v5;
	v20 =	vadd.s32 v3, v24  }
0x3f7: {  	[tilespmem:s26], [sflag:$0x4] =	stream.indirect_vreg.gather [hbm4b:s12+s5], $0x80, v18, vm0, $0xb8;
	[tilespmem:$0x1DB80] =	vst v63  }
0x3f8: {  	s9 =	simm.s32 $0x3F80;
	v26 =	vperm.xlane v17, v6;
	v18 =	vadd.s32 v3, v25  }
0x3f9: {  	[tilespmem:s9], [sflag:$0x4] =	stream.indirect_vreg.gather [hbm4b:s12+s5], $0x80, v19, vm0, $0xb8;
	[tilespmem:$0x1DB80] =	vst v63  }
0x3fa: {  	s10 =	simm.s32 $0x4000;
	v27 =	vperm.xlane v17, v7;
	v19 =	vadd.s32 v3, v26  }
0x3fb: {  	[tilespmem:s10], [sflag:$0x4] =	stream.indirect_vreg.gather [hbm4b:s12+s5], $0x80, v20, vm0, $0xb8;
	[tilespmem:$0x1DB80] =	vst v63  }
0x3fc: {  	s22 =	simm.s32 $0x4080;
	v29 =	vperm.xlane v17, v8;
	v28 =	vadd.s32 v3, v27  }
0x3fd: {  	[tilespmem:s22], [sflag:$0x4] =	stream.indirect_vreg.gather [hbm4b:s12+s5], $0x80, v18, vm0, $0xb8;
	[tilespmem:$0x1DB80] =	vst v63  }
0x3fe: {  	v30 =	vperm.xlane v17, v0;
	s26 =	simm.s32 $0x4100;
	v18 =	vadd.s32 v3, v29  }
0x3ff: {  	[tilespmem:s26], [sflag:$0x4] =	stream.indirect_vreg.gather [hbm4b:s12+s5], $0x80, v19, vm0, $0xb8;
	[tilespmem:$0x1DB80] =	vst v63  }
0x400: {  	s4 =	simm.s32 $0x4180;
	v31 =	vperm.xlane v17, v9;
	v19 =	vadd.s32 v3, v30  }
0x401: {  	[tilespmem:s4], [sflag:$0x4] =	stream.indirect_vreg.gather [hbm4b:s12+s5], $0x80, v28, vm0, $0xb8;
	[tilespmem:$0x1DB80] =	vst v63  }
0x402: {  	v33 =	vperm.xlane v17, v10;
	v32 =	vadd.s32 v3, v31;
	s9 =	simm.s32 $0x4200  }
0x403: {  	[tilespmem:s9], [sflag:$0x4] =	stream.indirect_vreg.gather [hbm4b:s12+s5], $0x80, v18, vm0, $0xb8;
	[tilespmem:$0x1DB80] =	vst v63  }
0x404: {  	v34 =	vperm.xlane v17, v11;
	s10 =	simm.s32 $0x4280;
	v18 =	vadd.s32 v3, v33  }
0x405: {  	[tilespmem:s10], [sflag:$0x4] =	stream.indirect_vreg.gather [hbm4b:s12+s5], $0x80, v19, vm0, $0xb8;
	[tilespmem:$0x1DB80] =	vst v63  }
0x406: {  	v35 =	vperm.xlane v17, v12;
	s22 =	simm.s32 $0x4300;
	v19 =	vadd.s32 v3, v34  }
0x407: {  	[tilespmem:s22], [sflag:$0x4] =	stream.indirect_vreg.gather [hbm4b:s12+s5], $0x80, v32, vm0, $0xb8;
	[tilespmem:$0x1DB80] =	vst v63  }
0x408: {  	v37 =	vperm.xlane v17, v13;
	v36 =	vadd.s32 v3, v35;
	s26 =	simm.s32 $0x4380  }
0x409: {  	[tilespmem:s26], [sflag:$0x4] =	stream.indirect_vreg.gather [hbm4b:s12+s5], $0x80, v18, vm0, $0xb8;
	[tilespmem:$0x1DB80] =	vst v63  }
0x40a: {  	v38 =	vperm.xlane v17, v14;
	s4 =	simm.s32 $0x4400;
	v18 =	vadd.s32 v3, v37  }
0x40b: {  	[tilespmem:s4], [sflag:$0x4] =	stream.indirect_vreg.gather [hbm4b:s12+s5], $0x80, v19, vm0, $0xb8;
	[tilespmem:$0x1DB80] =	vst v63  }
0x40c: {  	v39 =	vperm.xlane v17, v15;
	s9 =	simm.s32 $0x4480;
	v19 =	vadd.s32 v3, v38  }
0x40d: {  	[tilespmem:s9], [sflag:$0x4] =	stream.indirect_vreg.gather [hbm4b:s12+s5], $0x80, v36, vm0, $0xb8;
	[tilespmem:$0x1DB80] =	vst v63  }
0x40e: {  	v17 =	vperm.xlane v17, v16;
	v40 =	vadd.s32 v3, v39;
	s10 =	simm.s32 $0x4500  }
0x40f: {  	[tilespmem:s10], [sflag:$0x4] =	stream.indirect_vreg.gather [hbm4b:s12+s5], $0x80, v18, vm0, $0xb8;
	[tilespmem:$0x1DB80] =	vst v63  }
0x410: {  	v17 =	vadd.s32 v3, v17;
	s22 =	simm.s32 $0x4580  }
0x411: {  	[tilespmem:s22], [sflag:$0x4] =	stream.indirect_vreg.gather [hbm4b:s12+s5], $0x80, v19, vm0, $0xb8;
	[tilespmem:$0x1DB80] =	vst v63  }
0x412: {  	s26 =	simm.s32 $0x4600  }
0x413: {  	[tilespmem:s26], [sflag:$0x4] =	stream.indirect_vreg.gather [hbm4b:s12+s5], $0x80, v40, vm0, $0xb8;
	[tilespmem:$0x1DB80] =	vst v63  }
0x414: {  	s4 =	simm.s32 $0x4680  }
0x415: {  	[tilespmem:s4], [sflag:$0x4] =	stream.indirect_vreg.gather [hbm4b:s12+s5], $0x80, v17, vm0, $0xb8;
	[tilespmem:$0x1DB80] =	vst v63  }
0x416: {  	v17 =	vld [tilespmem:$0xB8];
	_ =	sdelay $0x4  }
0x417: {  	v18 =	vshll.u32 v17, $0x1  }
0x418: {  	v17 =	vand.u32 $0x7, v17;
	v18 =	vand.u32 $0xFFFFFFF0, v18  }
0x419: {  	v17 =	vor.u32 v17, v18  }
0x41a: {  	v18 =	vperm.xlane v17, v2;
	_ =	sdelay $0x1  }
0x41b: {  	v19 =	vperm.xlane v17, v1;
	v18 =	vadd.s32 v3, v18;
	_ =	sdelay $0x1  }
0x41c: {  	v41 =	vperm.xlane v17, v4;
	v19 =	vadd.s32 v3, v19;
	_ =	sdelay $0x1  }
0x41d: {  	s9 =	simm.s32 $0x4700;
	v42 =	vperm.xlane v17, v5;
	v20 =	vadd.s32 v3, v41  }
0x41e: {  	[tilespmem:s9], [sflag:$0x4] =	stream.indirect_vreg.gather [hbm4b:s12+s5], $0x80, v18, vm0, $0xb8;
	[tilespmem:$0x1DB80] =	vst v63  }
0x41f: {  	s10 =	simm.s32 $0x4780;
	v43 =	vperm.xlane v17, v6;
	v18 =	vadd.s32 v3, v42  }
0x420: {  	[tilespmem:s10], [sflag:$0x4] =	stream.indirect_vreg.gather [hbm4b:s12+s5], $0x80, v19, vm0, $0xb8;
	[tilespmem:$0x1DB80] =	vst v63  }
0x421: {  	s22 =	simm.s32 $0x4800;
	v44 =	vperm.xlane v17, v7;
	v19 =	vadd.s32 v3, v43  }
0x422: {  	[tilespmem:s22], [sflag:$0x4] =	stream.indirect_vreg.gather [hbm4b:s12+s5], $0x80, v20, vm0, $0xb8;
	[tilespmem:$0x1DB80] =	vst v63  }
0x423: {  	s26 =	simm.s32 $0x4880;
	v46 =	vperm.xlane v17, v8;
	v45 =	vadd.s32 v3, v44  }
0x424: {  	[tilespmem:s26], [sflag:$0x4] =	stream.indirect_vreg.gather [hbm4b:s12+s5], $0x80, v18, vm0, $0xb8;
	[tilespmem:$0x1DB80] =	vst v63  }
0x425: {  	s4 =	simm.s32 $0x4900;
	v47 =	vperm.xlane v17, v0;
	v18 =	vadd.s32 v3, v46  }
0x426: {  	[tilespmem:s4], [sflag:$0x4] =	stream.indirect_vreg.gather [hbm4b:s12+s5], $0x80, v19, vm0, $0xb8;
	[tilespmem:$0x1DB80] =	vst v63  }
0x427: {  	v48 =	vperm.xlane v17, v9;
	s9 =	simm.s32 $0x4980;
	v19 =	vadd.s32 v3, v47  }
0x428: {  	[tilespmem:s9], [sflag:$0x4] =	stream.indirect_vreg.gather [hbm4b:s12+s5], $0x80, v45, vm0, $0xb8;
	[tilespmem:$0x1DB80] =	vst v63  }
0x429: {  	v50 =	vperm.xlane v17, v10;
	v49 =	vadd.s32 v3, v48;
	s10 =	simm.s32 $0x4A00  }
0x42a: {  	[tilespmem:s10], [sflag:$0x4] =	stream.indirect_vreg.gather [hbm4b:s12+s5], $0x80, v18, vm0, $0xb8;
	[tilespmem:$0x1DB80] =	vst v63  }
0x42b: {  	v51 =	vperm.xlane v17, v11;
	s22 =	simm.s32 $0x4A80;
	v18 =	vadd.s32 v3, v50  }
0x42c: {  	[tilespmem:s22], [sflag:$0x4] =	stream.indirect_vreg.gather [hbm4b:s12+s5], $0x80, v19, vm0, $0xb8;
	[tilespmem:$0x1DB80] =	vst v63  }
0x42d: {  	v52 =	vperm.xlane v17, v12;
	s26 =	simm.s32 $0x4B00;
	v19 =	vadd.s32 v3, v51  }
0x42e: {  	[tilespmem:s26], [sflag:$0x4] =	stream.indirect_vreg.gather [hbm4b:s12+s5], $0x80, v49, vm0, $0xb8;
	[tilespmem:$0x1DB80] =	vst v63  }
0x42f: {  	v54 =	vperm.xlane v17, v13;
	v53 =	vadd.s32 v3, v52;
	s4 =	simm.s32 $0x4B80  }
0x430: {  	[tilespmem:s4], [sflag:$0x4] =	stream.indirect_vreg.gather [hbm4b:s12+s5], $0x80, v18, vm0, $0xb8;
	[tilespmem:$0x1DB80] =	vst v63  }
0x431: {  	v55 =	vperm.xlane v17, v14;
	s9 =	simm.s32 $0x4C00;
	v18 =	vadd.s32 v3, v54  }
0x432: {  	[tilespmem:s9], [sflag:$0x4] =	stream.indirect_vreg.gather [hbm4b:s12+s5], $0x80, v19, vm0, $0xb8;
	[tilespmem:$0x1DB80] =	vst v63  }
0x433: {  	v56 =	vperm.xlane v17, v15;
	s10 =	simm.s32 $0x4C80;
	v19 =	vadd.s32 v3, v55  }
0x434: {  	[tilespmem:s10], [sflag:$0x4] =	stream.indirect_vreg.gather [hbm4b:s12+s5], $0x80, v53, vm0, $0xb8;
	[tilespmem:$0x1DB80] =	vst v63  }
0x435: {  	v17 =	vperm.xlane v17, v16;
	v57 =	vadd.s32 v3, v56;
	s22 =	simm.s32 $0x4D00  }
0x436: {  	[tilespmem:s22], [sflag:$0x4] =	stream.indirect_vreg.gather [hbm4b:s12+s5], $0x80, v18, vm0, $0xb8;
	[tilespmem:$0x1DB80] =	vst v63  }
0x437: {  	v17 =	vadd.s32 v3, v17;
	s26 =	simm.s32 $0x4D80  }
0x438: {  	[tilespmem:s26], [sflag:$0x4] =	stream.indirect_vreg.gather [hbm4b:s12+s5], $0x80, v19, vm0, $0xb8;
	[tilespmem:$0x1DB80] =	vst v63  }
0x439: {  	s4 =	simm.s32 $0x4E00  }
0x43a: {  	[tilespmem:s4], [sflag:$0x4] =	stream.indirect_vreg.gather [hbm4b:s12+s5], $0x80, v57, vm0, $0xb8;
	[tilespmem:$0x1DB80] =	vst v63  }
0x43b: {  	s9 =	simm.s32 $0x4E80  }
0x43c: {  	[tilespmem:s9], [sflag:$0x4] =	stream.indirect_vreg.gather [hbm4b:s12+s5], $0x80, v17, vm0, $0xb8;
	[tilespmem:$0x1DB80] =	vst v63  }
0x43d: {  	v17 =	vld.msk [tilespmem:$0xC8], $0xff;
	_ =	sdelay $0x4  }
0x43e: {  	v18 =	vshll.u32 v17, $0x1  }
0x43f: {  	v17 =	vand.u32 $0x7, v17;
	v18 =	vand.u32 $0xFFFFFFF0, v18  }
0x440: {  	v17 =	vor.u32 v17, v18  }
0x441: {  	v18 =	vperm.xlane v17, v2;
	_ =	sdelay $0x1  }
0x442: {  	v19 =	vperm.xlane v17, v1;
	v18 =	vadd.s32 v3, v18;
	_ =	sdelay $0x1  }
0x443: {  	v58 =	vperm.xlane v17, v4;
	v19 =	vadd.s32 v3, v19;
	_ =	sdelay $0x1  }
0x444: {  	s10 =	simm.s32 $0x4F00;
	v59 =	vperm.xlane v17, v5;
	v20 =	vadd.s32 v3, v58  }
0x445: {  	[tilespmem:s10], [sflag:$0x4] =	stream.indirect_vreg.gather [hbm4b:s12+s5], $0x80, v18, vm0, $0xb8;
	[tilespmem:$0x1DB80] =	vst v63  }
0x446: {  	s22 =	simm.s32 $0x4F80;
	v60 =	vperm.xlane v17, v6;
	v18 =	vadd.s32 v3, v59  }
0x447: {  	[tilespmem:s22], [sflag:$0x4] =	stream.indirect_vreg.gather [hbm4b:s12+s5], $0x80, v19, vm0, $0xb8;
	[tilespmem:$0x1DB80] =	vst v63  }
0x448: {  	s26 =	simm.s32 $0x5000;
	v61 =	vperm.xlane v17, v7;
	v19 =	vadd.s32 v3, v60  }
0x449: {  	[tilespmem:s26], [sflag:$0x4] =	stream.indirect_vreg.gather [hbm4b:s12+s5], $0x80, v20, vm0, $0xb8;
	[tilespmem:$0x1DB80] =	vst v63  }
0x44a: {  	s4 =	simm.s32 $0x5080;
	v62 =	vadd.s32 v3, v61  }
0x44b: {  	v63 =	vperm.xlane v17, v8;
	[tilespmem:s4], [sflag:$0x4] =	stream.indirect_vreg.gather [hbm4b:s12+s5], $0x80, v18, vm0, $0xb8;
	[tilespmem:$0x1DB80] =	vst v63  }
0x44c: {  	s30 =	sadd.s32 $0x1, s30;
	s9 =	simm.s32 $0x5100  }
0x44d: {  	v17 =	vperm.xlane v17, v0;
	v18 =	vadd.s32 v3, v63;
	[tilespmem:s9], [sflag:$0x4] =	stream.indirect_vreg.gather [hbm4b:s12+s5], $0x80, v19, vm0, $0xb8;
	[tilespmem:$0x1DB80] =	vst v63  }
0x44e: {  	p1 =	sne.s32 s30, $0x3D;
	s10 =	simm.s32 $0x5180  }
0x44f: {  	v17 =	vadd.s32 v3, v17;
	[tilespmem:s10], [sflag:$0x4] =	stream.indirect_vreg.gather [hbm4b:s12+s5], $0x80, v62, vm0, $0xb8;
	[tilespmem:$0x1DB80] =	vst v63  }
.Ltmp4:
0x450: {  	_ = 	snop;
	(pc) =	sbr.rel @p1 .LBB2_2-.Ltmp4, $4  }
0x451: {  	s16 =	simm.s32 $0x280;
	s22 =	simm.s32 $0x5200  }
0x452: {  	[tilespmem:s22], [sflag:$0x4] =	stream.indirect_vreg.gather [hbm4b:s12+s5], $0x80, v18, vm0, $0xb8;
	[tilespmem:$0x1DB80] =	vst v63  }
0x453: {  	s11 =	simm.s32 $0x3F00;
	s26 =	simm.s32 $0x5280;
	s22 =	simm.s32 $0x100  }
0x454: {  	[tilespmem:s26], [sflag:$0x4] =	stream.indirect_vreg.gather [hbm4b:s12+s5], $0x80, v17, vm0, $0xb8;
	[tilespmem:$0x1DB80] =	vst v63  }
0x455: {  	_ =	swait.ge [sflag:s21], $0x1400  }
0x456: {  	[sflag:s21] =	ssyncset.done $0x0  }
0x457: {  	[sflag:s21] =	ssyncadd.s32 $0xFFFFEC00  }
0x458: {  	_ =	swait.ge [sflag:s8], $0x1400  }
0x459: {  	[sflag:s8] =	ssyncset.done $0x0  }
0x45a: {  	s0 =	simm.s32 $0x0;
	s4 =	rddreg [dreg:$0x14];
	[sflag:s8] =	ssyncadd.s32 $0xFFFFEC00  }
0x45b: {  	[tilespmem:s0], [sflag:$0xF] =	stream.linear.gather [hbm4b:s4+s0], $0x50, $0x38;
	[tilespmem:$0x1DB80] =	vst v63  }
0x45c: {  	_ =	swait.ge [sflag:s23], $0x2800  }
0x45d: {  	[sflag:s23] =	ssyncset.done $0x0  }
0x45e: {  	s10 =	simm.s32 $0x0;
	[sflag:s23] =	ssyncadd.s32 $0xFFFFD800  }
0x45f: {  	v23 =	vld [tilespmem:s10+$0x5300]  }
0x460: {  	v28 =	vld [tilespmem:s10+$0x5310]  }
0x461: {  	v22 =	vld [tilespmem:s10+$0x5320]  }
0x462: {  	v21 =	vld [tilespmem:s10+$0x5330]  }
0x463: {  	v20 =	vld [tilespmem:s10+$0x5340]  }
0x464: {  	v19 =	vld [tilespmem:s10+$0x5350]  }
0x465: {  	v18 =	vld [tilespmem:s10+$0x5360]  }
0x466: {  	v17 =	vld [tilespmem:s10+$0x5370]  }
0x467: {  	v29 =	vld [tilespmem:s10+$0x300]  }
0x468: {  	v30 =	vld [tilespmem:s10+$0x310]  }
0x469: {  	v27 =	vld [tilespmem:s10+$0x320]  }
0x46a: {  	v26 =	vld [tilespmem:s10+$0x330]  }
0x46b: {  	v25 =	vld [tilespmem:s10+$0x340]  }
0x46c: {  	v24 =	vld [tilespmem:s10+$0x350];
	v29 =	vadd.f32 v23, v29  }
0x46d: {  	s9 =	simm.s32 $0x200;
	v28 =	vadd.f32 v28, v30;
	v23 =	vld [tilespmem:s10+$0x360]  }
.LBB2_12:
0x46e: {  	s0 =	sshra.s32 s9, $0x2;
	p1 =	sne.s32 s9, $0x4E00;
	v29 =	vmax.f32 v29, $0.0e+00;
	v22 =	vadd.f32 v22, v27;
	v27 =	vld [tilespmem:s10+$0x370]  }
0x46f: {  	v30 =	vld [tilespmem:s0+$0x5300];
	[tilespmem:s10+$0x300] =	vst v29;
	v28 =	vmax.f32 v28, $0.0e+00;
	v21 =	vadd.f32 v21, v26  }
0x470: {  	v31 =	vld [tilespmem:s0+$0x5310];
	[tilespmem:s10+$0x310] =	vst v28;
	v26 =	vmax.f32 v22, $0.0e+00;
	v20 =	vadd.f32 v20, v25  }
0x471: {  	v22 =	vld [tilespmem:s0+$0x5320];
	[tilespmem:s10+$0x320] =	vst v26;
	v25 =	vmax.f32 v21, $0.0e+00;
	v19 =	vadd.f32 v19, v24  }
0x472: {  	v21 =	vld [tilespmem:s0+$0x5330];
	[tilespmem:s10+$0x330] =	vst v25;
	v24 =	vmax.f32 v20, $0.0e+00;
	v18 =	vadd.f32 v18, v23  }
0x473: {  	v20 =	vld [tilespmem:s0+$0x5340];
	[tilespmem:s10+$0x340] =	vst v24;
	v23 =	vmax.f32 v19, $0.0e+00;
	v17 =	vadd.f32 v17, v27  }
0x474: {  	v19 =	vld [tilespmem:s0+$0x5350];
	[tilespmem:s10+$0x350] =	vst v23;
	v23 =	vmax.f32 v18, $0.0e+00  }
0x475: {  	v18 =	vld [tilespmem:s0+$0x5360];
	[tilespmem:s10+$0x360] =	vst v23;
	v23 =	vmax.f32 v17, $0.0e+00  }
0x476: {  	v17 =	vld [tilespmem:s0+$0x5370];
	[tilespmem:s10+$0x370] =	vst v23;
	s10 =	smov.u32 s0  }
0x477: {  	v23 =	vld [tilespmem:s10+$0x300]  }
0x478: {  	v28 =	vld [tilespmem:s10+$0x310]  }
.Ltmp5:
0x479: {  	v27 =	vld [tilespmem:s10+$0x320];
	(pc) =	sbr.rel @p1 .LBB2_12-.Ltmp5, $4  }
0x47a: {  	v26 =	vld [tilespmem:s10+$0x330]  }
0x47b: {  	v25 =	vld [tilespmem:s10+$0x340]  }
0x47c: {  	v29 =	vadd.f32 v30, v23;
	v24 =	vld [tilespmem:s10+$0x350]  }
0x47d: {  	s9 =	sadd.s32 $0x200, s9;
	v28 =	vadd.f32 v31, v28;
	v23 =	vld [tilespmem:s10+$0x360]  }
0x47e: {  	v29 =	vmax.f32 v29, $0.0e+00;
	v22 =	vadd.f32 v22, v27;
	v27 =	vld [tilespmem:s10+$0x370]  }
0x47f: {  	[tilespmem:s10+$0x300] =	vst v29;
	v28 =	vmax.f32 v28, $0.0e+00;
	v21 =	vadd.f32 v21, v26  }
0x480: {  	[tilespmem:s10+$0x310] =	vst v28;
	v22 =	vmax.f32 v22, $0.0e+00;
	v20 =	vadd.f32 v20, v25  }
0x481: {  	[tilespmem:s10+$0x320] =	vst v22;
	v21 =	vmax.f32 v21, $0.0e+00;
	v19 =	vadd.f32 v19, v24  }
0x482: {  	[tilespmem:s10+$0x330] =	vst v21;
	v20 =	vmax.f32 v20, $0.0e+00;
	v18 =	vadd.f32 v18, v23  }
0x483: {  	[tilespmem:s10+$0x340] =	vst v20;
	v19 =	vmax.f32 v19, $0.0e+00;
	v17 =	vadd.f32 v17, v27  }
0x484: {  	[tilespmem:s10+$0x350] =	vst v19;
	v18 =	vmax.f32 v18, $0.0e+00  }
0x485: {  	[tilespmem:s10+$0x360] =	vst v18;
	v17 =	vmax.f32 v17, $0.0e+00  }
0x486: {  	[tilespmem:s10+$0x370] =	vst v17  }
0x487: {  	_ =	swait.ge [sflag:s17], $0x28  }
0x488: {  	[sflag:s17] =	ssyncset.done $0x0  }
0x489: {  	s10 =	simm.s32 $0x0;
	[sflag:s17] =	ssyncadd.s32 $0xFFFFFFD8  }
0x48a: {  	[spmem:s3] =	stream.indirect.scatter.add.f32 [tilespmem:s19], [sflag:$0xB], $0x80, s22, s24, $0xb8;
	[tilespmem:$0x1DB80] =	vst v63  }
0x48b: {  	v23 =	vld [tilespmem:s10+$0x6700]  }
0x48c: {  	v28 =	vld [tilespmem:s10+$0x6710]  }
0x48d: {  	v22 =	vld [tilespmem:s10+$0x6720]  }
0x48e: {  	v21 =	vld [tilespmem:s10+$0x6730]  }
0x48f: {  	v20 =	vld [tilespmem:s10+$0x6740]  }
0x490: {  	v19 =	vld [tilespmem:s10+$0x6750]  }
0x491: {  	v18 =	vld [tilespmem:s10+$0x6760]  }
0x492: {  	v17 =	vld [tilespmem:s10+$0x6770]  }
0x493: {  	v29 =	vld [tilespmem:s10+$0x2B00]  }
0x494: {  	v30 =	vld [tilespmem:s10+$0x2B10]  }
0x495: {  	v27 =	vld [tilespmem:s10+$0x2B20]  }
0x496: {  	v26 =	vld [tilespmem:s10+$0x2B30]  }
0x497: {  	v25 =	vld [tilespmem:s10+$0x2B40]  }
0x498: {  	v24 =	vld [tilespmem:s10+$0x2B50];
	v29 =	vadd.f32 v23, v29  }
0x499: {  	s9 =	simm.s32 $0x200;
	s30 =	simm.s32 $0x11;
	s26 =	simm.s32 $0x200;
	v28 =	vadd.f32 v28, v30;
	v23 =	vld [tilespmem:s10+$0x2B60]  }
.LBB2_14:
0x49a: {  	s0 =	sshra.s32 s9, $0x2;
	p1 =	sne.s32 s9, $0x4E00;
	v29 =	vmax.f32 v29, $0.0e+00;
	v22 =	vadd.f32 v22, v27;
	v27 =	vld [tilespmem:s10+$0x2B70]  }
0x49b: {  	v30 =	vld [tilespmem:s0+$0x6700];
	[tilespmem:s10+$0x2B00] =	vst v29;
	v28 =	vmax.f32 v28, $0.0e+00;
	v21 =	vadd.f32 v21, v26  }
0x49c: {  	v31 =	vld [tilespmem:s0+$0x6710];
	[tilespmem:s10+$0x2B10] =	vst v28;
	v26 =	vmax.f32 v22, $0.0e+00;
	v20 =	vadd.f32 v20, v25  }
0x49d: {  	v22 =	vld [tilespmem:s0+$0x6720];
	[tilespmem:s10+$0x2B20] =	vst v26;
	v25 =	vmax.f32 v21, $0.0e+00;
	v19 =	vadd.f32 v19, v24  }
0x49e: {  	v21 =	vld [tilespmem:s0+$0x6730];
	[tilespmem:s10+$0x2B30] =	vst v25;
	v24 =	vmax.f32 v20, $0.0e+00;
	v18 =	vadd.f32 v18, v23  }
0x49f: {  	v20 =	vld [tilespmem:s0+$0x6740];
	[tilespmem:s10+$0x2B40] =	vst v24;
	v23 =	vmax.f32 v19, $0.0e+00;
	v17 =	vadd.f32 v17, v27  }
0x4a0: {  	v19 =	vld [tilespmem:s0+$0x6750];
	[tilespmem:s10+$0x2B50] =	vst v23;
	v23 =	vmax.f32 v18, $0.0e+00  }
0x4a1: {  	v18 =	vld [tilespmem:s0+$0x6760];
	[tilespmem:s10+$0x2B60] =	vst v23;
	v23 =	vmax.f32 v17, $0.0e+00  }
0x4a2: {  	v17 =	vld [tilespmem:s0+$0x6770];
	[tilespmem:s10+$0x2B70] =	vst v23;
	s10 =	smov.u32 s0  }
0x4a3: {  	v23 =	vld [tilespmem:s10+$0x2B00]  }
0x4a4: {  	v28 =	vld [tilespmem:s10+$0x2B10]  }
.Ltmp6:
0x4a5: {  	v27 =	vld [tilespmem:s10+$0x2B20];
	(pc) =	sbr.rel @p1 .LBB2_14-.Ltmp6, $4  }
0x4a6: {  	v26 =	vld [tilespmem:s10+$0x2B30]  }
0x4a7: {  	v25 =	vld [tilespmem:s10+$0x2B40]  }
0x4a8: {  	v29 =	vadd.f32 v30, v23;
	v24 =	vld [tilespmem:s10+$0x2B50]  }
0x4a9: {  	s9 =	sadd.s32 $0x200, s9;
	v28 =	vadd.f32 v31, v28;
	v23 =	vld [tilespmem:s10+$0x2B60]  }
0x4aa: {  	v29 =	vmax.f32 v29, $0.0e+00;
	v22 =	vadd.f32 v22, v27;
	v27 =	vld [tilespmem:s10+$0x2B70]  }
0x4ab: {  	[tilespmem:s10+$0x2B00] =	vst v29;
	v28 =	vmax.f32 v28, $0.0e+00;
	v21 =	vadd.f32 v21, v26  }
0x4ac: {  	[tilespmem:s10+$0x2B10] =	vst v28;
	v22 =	vmax.f32 v22, $0.0e+00;
	v20 =	vadd.f32 v20, v25  }
0x4ad: {  	[tilespmem:s10+$0x2B20] =	vst v22;
	v21 =	vmax.f32 v21, $0.0e+00;
	v19 =	vadd.f32 v19, v24  }
0x4ae: {  	[tilespmem:s10+$0x2B30] =	vst v21;
	v20 =	vmax.f32 v20, $0.0e+00;
	v18 =	vadd.f32 v18, v23  }
0x4af: {  	[tilespmem:s10+$0x2B40] =	vst v20;
	v19 =	vmax.f32 v19, $0.0e+00;
	v17 =	vadd.f32 v17, v27  }
0x4b0: {  	[tilespmem:s10+$0x2B50] =	vst v19;
	v18 =	vmax.f32 v18, $0.0e+00  }
0x4b1: {  	[tilespmem:s10+$0x2B60] =	vst v18;
	v17 =	vmax.f32 v17, $0.0e+00  }
0x4b2: {  	[tilespmem:s10+$0x2B70] =	vst v17  }
0x4b3: {  	_ =	swait.ge [sflag:s14], $0x28  }
0x4b4: {  	[sflag:s14] =	ssyncset.done $0x0  }
0x4b5: {  	s0 =	simm.s32 $0xF;
	[sflag:s14] =	ssyncadd.s32 $0xFFFFFFD8  }
0x4b6: {  	[spmem:s3] =	stream.indirect.scatter.add.f32 [tilespmem:s25], [sflag:$0xD], $0x80, s26, s24, $0xb8;
	[tilespmem:$0x1DB80] =	vst v63  }
0x4b7: {  	_ =	swait.ge [sflag:s0], $0x50  }
0x4b8: {  	s4 =	simm.s32 $0x400;
	s9 =	simm.s32 $0x800;
	[sflag:s0] =	ssyncset.done $0x0  }
0x4b9: {  	s10 =	simm.s32 $0x5300;
	[sflag:s0] =	ssyncadd.s32 $0xFFFFFFB0;
	s0 =	rddreg [dreg:$0x12]  }
0x4ba: {  	[tilespmem:s10], [sflag:$0x5] =	stream.strided.gather [hbm4b:s0+s4], $0x2800, s9, s4, $0x38;
	[tilespmem:$0x1DB80] =	vst v63  }
0x4bb: {  	_ =	swait.ge [sflag:s18], $0x1400  }
0x4bc: {  	[sflag:s18] =	ssyncset.done $0x0  }
0x4bd: {  	[sflag:s18] =	ssyncadd.s32 $0xFFFFEC00  }
0x4be: {  	_ =	swait.ge [sflag:s13], $0x1400  }
0x4bf: {  	[sflag:s13] =	ssyncset.done $0x0  }
0x4c0: {  	s10 =	simm.s32 $0x0;
	s0 =	rddreg [dreg:$0x15];
	[sflag:s13] =	ssyncadd.s32 $0xFFFFEC00  }
0x4c1: {  	[tilespmem:s22], [sflag:$0x7] =	stream.linear.gather [hbm4b:s0+s10], $0x28, $0x38;
	[tilespmem:$0x1DB80] =	vst v63  }
0x4c2: {  	s0 =	rddreg [dreg:$0x16]  }
0x4c3: {  	[tilespmem:s26], [sflag:$0x9] =	stream.linear.gather [hbm4b:s0+s10], $0x28, $0x38;
	[tilespmem:$0x1DB80] =	vst v63  }
0x4c4: {  	v17 =	vld [tilespmem:$0x0];
	_ =	sdelay $0x4  }
0x4c5: {  	v18 =	vshll.u32 v17, $0x1  }
0x4c6: {  	v17 =	vand.u32 $0x7, v17;
	v18 =	vand.u32 $0xFFFFFFF0, v18  }
0x4c7: {  	v17 =	vor.u32 v17, v18  }
0x4c8: {  	v18 =	vperm.xlane v17, v2;
	_ =	sdelay $0x1  }
0x4c9: {  	v19 =	vperm.xlane v17, v1;
	v18 =	vadd.s32 v3, v18;
	_ =	sdelay $0x1  }
0x4ca: {  	v20 =	vperm.xlane v17, v4;
	v19 =	vadd.s32 v3, v19;
	_ =	sdelay $0x1  }
0x4cb: {  	v21 =	vperm.xlane v17, v5;
	v20 =	vadd.s32 v3, v20  }
0x4cc: {  	[tilespmem:s19], [sflag:$0x1] =	stream.indirect_vreg.gather [hbm4b:s12+s10], $0x80, v18, vm0, $0xb8;
	[tilespmem:$0x1DB80] =	vst v63  }
0x4cd: {  	s0 =	simm.s32 $0x380;
	v18 =	vadd.s32 v3, v21;
	v21 =	vperm.xlane v17, v6  }
0x4ce: {  	[tilespmem:s0], [sflag:$0x1] =	stream.indirect_vreg.gather [hbm4b:s12+s10], $0x80, v19, vm0, $0xb8;
	[tilespmem:$0x1DB80] =	vst v63  }
0x4cf: {  	v19 =	vadd.s32 v3, v21;
	v21 =	vperm.xlane v17, v7  }
0x4d0: {  	[tilespmem:s4], [sflag:$0x1] =	stream.indirect_vreg.gather [hbm4b:s12+s10], $0x80, v20, vm0, $0xb8;
	[tilespmem:$0x1DB80] =	vst v63  }
0x4d1: {  	v20 =	vadd.s32 v3, v21;
	v21 =	vperm.xlane v17, v8;
	s4 =	simm.s32 $0x480  }
0x4d2: {  	[tilespmem:s4], [sflag:$0x1] =	stream.indirect_vreg.gather [hbm4b:s12+s10], $0x80, v18, vm0, $0xb8;
	[tilespmem:$0x1DB80] =	vst v63  }
0x4d3: {  	v18 =	vadd.s32 v3, v21;
	v21 =	vperm.xlane v17, v0;
	s4 =	simm.s32 $0x500  }
0x4d4: {  	[tilespmem:s4], [sflag:$0x1] =	stream.indirect_vreg.gather [hbm4b:s12+s10], $0x80, v19, vm0, $0xb8;
	[tilespmem:$0x1DB80] =	vst v63  }
0x4d5: {  	v19 =	vadd.s32 v3, v21;
	v21 =	vperm.xlane v17, v9;
	s4 =	simm.s32 $0x580  }
0x4d6: {  	[tilespmem:s4], [sflag:$0x1] =	stream.indirect_vreg.gather [hbm4b:s12+s10], $0x80, v20, vm0, $0xb8;
	[tilespmem:$0x1DB80] =	vst v63  }
0x4d7: {  	v20 =	vadd.s32 v3, v21;
	v21 =	vperm.xlane v17, v10;
	s4 =	simm.s32 $0x600  }
0x4d8: {  	[tilespmem:s4], [sflag:$0x1] =	stream.indirect_vreg.gather [hbm4b:s12+s10], $0x80, v18, vm0, $0xb8;
	[tilespmem:$0x1DB80] =	vst v63  }
0x4d9: {  	v18 =	vadd.s32 v3, v21;
	v21 =	vperm.xlane v17, v11;
	s4 =	simm.s32 $0x680  }
0x4da: {  	[tilespmem:s4], [sflag:$0x1] =	stream.indirect_vreg.gather [hbm4b:s12+s10], $0x80, v19, vm0, $0xb8;
	[tilespmem:$0x1DB80] =	vst v63  }
0x4db: {  	v19 =	vadd.s32 v3, v21;
	v21 =	vperm.xlane v17, v12;
	s4 =	simm.s32 $0x700  }
0x4dc: {  	[tilespmem:s4], [sflag:$0x1] =	stream.indirect_vreg.gather [hbm4b:s12+s10], $0x80, v20, vm0, $0xb8;
	[tilespmem:$0x1DB80] =	vst v63  }
0x4dd: {  	v20 =	vadd.s32 v3, v21;
	v21 =	vperm.xlane v17, v13;
	s4 =	simm.s32 $0x780  }
0x4de: {  	[tilespmem:s4], [sflag:$0x1] =	stream.indirect_vreg.gather [hbm4b:s12+s10], $0x80, v18, vm0, $0xb8;
	[tilespmem:$0x1DB80] =	vst v63  }
0x4df: {  	v18 =	vadd.s32 v3, v21;
	v21 =	vperm.xlane v17, v14  }
0x4e0: {  	[tilespmem:s9], [sflag:$0x1] =	stream.indirect_vreg.gather [hbm4b:s12+s10], $0x80, v19, vm0, $0xb8;
	[tilespmem:$0x1DB80] =	vst v63  }
0x4e1: {  	v19 =	vadd.s32 v3, v21;
	v21 =	vperm.xlane v17, v15;
	s9 =	simm.s32 $0x880  }
0x4e2: {  	[tilespmem:s9], [sflag:$0x1] =	stream.indirect_vreg.gather [hbm4b:s12+s10], $0x80, v20, vm0, $0xb8;
	[tilespmem:$0x1DB80] =	vst v63  }
0x4e3: {  	s4 =	simm.s32 $0x900;
	v17 =	vperm.xlane v17, v16;
	v20 =	vadd.s32 v3, v21  }
0x4e4: {  	[tilespmem:s4], [sflag:$0x1] =	stream.indirect_vreg.gather [hbm4b:s12+s10], $0x80, v18, vm0, $0xb8;
	[tilespmem:$0x1DB80] =	vst v63  }
0x4e5: {  	v17 =	vadd.s32 v3, v17;
	s9 =	simm.s32 $0x980  }
0x4e6: {  	[tilespmem:s9], [sflag:$0x1] =	stream.indirect_vreg.gather [hbm4b:s12+s10], $0x80, v19, vm0, $0xb8;
	[tilespmem:$0x1DB80] =	vst v63  }
0x4e7: {  	s4 =	simm.s32 $0xA00  }
0x4e8: {  	[tilespmem:s4], [sflag:$0x1] =	stream.indirect_vreg.gather [hbm4b:s12+s10], $0x80, v20, vm0, $0xb8;
	[tilespmem:$0x1DB80] =	vst v63  }
0x4e9: {  	s9 =	simm.s32 $0xA80  }
0x4ea: {  	[tilespmem:s9], [sflag:$0x1] =	stream.indirect_vreg.gather [hbm4b:s12+s10], $0x80, v17, vm0, $0xb8;
	[tilespmem:$0x1DB80] =	vst v63  }
0x4eb: {  	v17 =	vld [tilespmem:$0x10];
	_ =	sdelay $0x4  }
0x4ec: {  	v18 =	vshll.u32 v17, $0x1  }
0x4ed: {  	v17 =	vand.u32 $0x7, v17;
	v18 =	vand.u32 $0xFFFFFFF0, v18  }
0x4ee: {  	v17 =	vor.u32 v17, v18  }
0x4ef: {  	v18 =	vperm.xlane v17, v2;
	_ =	sdelay $0x1  }
0x4f0: {  	v19 =	vperm.xlane v17, v1;
	v18 =	vadd.s32 v3, v18;
	_ =	sdelay $0x1  }
0x4f1: {  	v20 =	vperm.xlane v17, v4;
	v19 =	vadd.s32 v3, v19;
	_ =	sdelay $0x1  }
0x4f2: {  	s4 =	simm.s32 $0xB00;
	v21 =	vperm.xlane v17, v5;
	v20 =	vadd.s32 v3, v20  }
0x4f3: {  	[tilespmem:s4], [sflag:$0x1] =	stream.indirect_vreg.gather [hbm4b:s12+s10], $0x80, v18, vm0, $0xb8;
	[tilespmem:$0x1DB80] =	vst v63  }
0x4f4: {  	s9 =	simm.s32 $0xB80;
	v18 =	vadd.s32 v3, v21;
	v21 =	vperm.xlane v17, v6  }
0x4f5: {  	[tilespmem:s9], [sflag:$0x1] =	stream.indirect_vreg.gather [hbm4b:s12+s10], $0x80, v19, vm0, $0xb8;
	[tilespmem:$0x1DB80] =	vst v63  }
0x4f6: {  	s4 =	simm.s32 $0xC00;
	v19 =	vadd.s32 v3, v21;
	v21 =	vperm.xlane v17, v7  }
0x4f7: {  	[tilespmem:s4], [sflag:$0x1] =	stream.indirect_vreg.gather [hbm4b:s12+s10], $0x80, v20, vm0, $0xb8;
	[tilespmem:$0x1DB80] =	vst v63  }
0x4f8: {  	s9 =	simm.s32 $0xC80;
	v20 =	vadd.s32 v3, v21;
	v21 =	vperm.xlane v17, v8  }
0x4f9: {  	[tilespmem:s9], [sflag:$0x1] =	stream.indirect_vreg.gather [hbm4b:s12+s10], $0x80, v18, vm0, $0xb8;
	[tilespmem:$0x1DB80] =	vst v63  }
0x4fa: {  	s4 =	simm.s32 $0xD00;
	v18 =	vadd.s32 v3, v21;
	v21 =	vperm.xlane v17, v0  }
0x4fb: {  	[tilespmem:s4], [sflag:$0x1] =	stream.indirect_vreg.gather [hbm4b:s12+s10], $0x80, v19, vm0, $0xb8;
	[tilespmem:$0x1DB80] =	vst v63  }
0x4fc: {  	s9 =	simm.s32 $0xD80;
	v19 =	vadd.s32 v3, v21;
	v21 =	vperm.xlane v17, v9  }
0x4fd: {  	[tilespmem:s9], [sflag:$0x1] =	stream.indirect_vreg.gather [hbm4b:s12+s10], $0x80, v20, vm0, $0xb8;
	[tilespmem:$0x1DB80] =	vst v63  }
0x4fe: {  	s4 =	simm.s32 $0xE00;
	v20 =	vadd.s32 v3, v21;
	v21 =	vperm.xlane v17, v10  }
0x4ff: {  	[tilespmem:s4], [sflag:$0x1] =	stream.indirect_vreg.gather [hbm4b:s12+s10], $0x80, v18, vm0, $0xb8;
	[tilespmem:$0x1DB80] =	vst v63  }
0x500: {  	s9 =	simm.s32 $0xE80;
	v18 =	vadd.s32 v3, v21;
	v21 =	vperm.xlane v17, v11  }
0x501: {  	[tilespmem:s9], [sflag:$0x1] =	stream.indirect_vreg.gather [hbm4b:s12+s10], $0x80, v19, vm0, $0xb8;
	[tilespmem:$0x1DB80] =	vst v63  }
0x502: {  	s4 =	simm.s32 $0xF00;
	v19 =	vadd.s32 v3, v21;
	v21 =	vperm.xlane v17, v12  }
0x503: {  	[tilespmem:s4], [sflag:$0x1] =	stream.indirect_vreg.gather [hbm4b:s12+s10], $0x80, v20, vm0, $0xb8;
	[tilespmem:$0x1DB80] =	vst v63  }
0x504: {  	s9 =	simm.s32 $0xF80;
	v20 =	vadd.s32 v3, v21;
	v21 =	vperm.xlane v17, v13  }
0x505: {  	[tilespmem:s9], [sflag:$0x1] =	stream.indirect_vreg.gather [hbm4b:s12+s10], $0x80, v18, vm0, $0xb8;
	[tilespmem:$0x1DB80] =	vst v63  }
0x506: {  	s4 =	simm.s32 $0x1000;
	v18 =	vadd.s32 v3, v21;
	v21 =	vperm.xlane v17, v14  }
0x507: {  	[tilespmem:s4], [sflag:$0x1] =	stream.indirect_vreg.gather [hbm4b:s12+s10], $0x80, v19, vm0, $0xb8;
	[tilespmem:$0x1DB80] =	vst v63  }
0x508: {  	s9 =	simm.s32 $0x1080;
	v19 =	vadd.s32 v3, v21;
	v21 =	vperm.xlane v17, v15  }
0x509: {  	[tilespmem:s9], [sflag:$0x1] =	stream.indirect_vreg.gather [hbm4b:s12+s10], $0x80, v20, vm0, $0xb8;
	[tilespmem:$0x1DB80] =	vst v63  }
0x50a: {  	v17 =	vperm.xlane v17, v16;
	s4 =	simm.s32 $0x1100;
	v20 =	vadd.s32 v3, v21  }
0x50b: {  	[tilespmem:s4], [sflag:$0x1] =	stream.indirect_vreg.gather [hbm4b:s12+s10], $0x80, v18, vm0, $0xb8;
	[tilespmem:$0x1DB80] =	vst v63  }
0x50c: {  	v17 =	vadd.s32 v3, v17;
	s9 =	simm.s32 $0x1180  }
0x50d: {  	[tilespmem:s9], [sflag:$0x1] =	stream.indirect_vreg.gather [hbm4b:s12+s10], $0x80, v19, vm0, $0xb8;
	[tilespmem:$0x1DB80] =	vst v63  }
0x50e: {  	s4 =	simm.s32 $0x1200  }
0x50f: {  	[tilespmem:s4], [sflag:$0x1] =	stream.indirect_vreg.gather [hbm4b:s12+s10], $0x80, v20, vm0, $0xb8;
	[tilespmem:$0x1DB80] =	vst v63  }
0x510: {  	s9 =	simm.s32 $0x1280  }
0x511: {  	[tilespmem:s9], [sflag:$0x1] =	stream.indirect_vreg.gather [hbm4b:s12+s10], $0x80, v17, vm0, $0xb8;
	[tilespmem:$0x1DB80] =	vst v63  }
0x512: {  	v17 =	vld.msk [tilespmem:$0x20], $0xff;
	_ =	sdelay $0x4  }
0x513: {  	v18 =	vshll.u32 v17, $0x1  }
0x514: {  	v17 =	vand.u32 $0x7, v17;
	v18 =	vand.u32 $0xFFFFFFF0, v18  }
0x515: {  	v17 =	vor.u32 v17, v18  }
0x516: {  	v18 =	vperm.xlane v17, v2;
	_ =	sdelay $0x1  }
0x517: {  	v19 =	vperm.xlane v17, v1;
	v18 =	vadd.s32 v3, v18;
	_ =	sdelay $0x1  }
0x518: {  	v20 =	vperm.xlane v17, v4;
	v19 =	vadd.s32 v3, v19;
	_ =	sdelay $0x1  }
0x519: {  	s4 =	simm.s32 $0x1300;
	v21 =	vperm.xlane v17, v5;
	v20 =	vadd.s32 v3, v20  }
0x51a: {  	[tilespmem:s4], [sflag:$0x1] =	stream.indirect_vreg.gather [hbm4b:s12+s10], $0x80, v18, vm0, $0xb8;
	[tilespmem:$0x1DB80] =	vst v63  }
0x51b: {  	s9 =	simm.s32 $0x1380;
	v18 =	vadd.s32 v3, v21;
	v21 =	vperm.xlane v17, v6  }
0x51c: {  	[tilespmem:s9], [sflag:$0x1] =	stream.indirect_vreg.gather [hbm4b:s12+s10], $0x80, v19, vm0, $0xb8;
	[tilespmem:$0x1DB80] =	vst v63  }
0x51d: {  	s4 =	simm.s32 $0x1400;
	v19 =	vadd.s32 v3, v21;
	v21 =	vperm.xlane v17, v7  }
0x51e: {  	[tilespmem:s4], [sflag:$0x1] =	stream.indirect_vreg.gather [hbm4b:s12+s10], $0x80, v20, vm0, $0xb8;
	[tilespmem:$0x1DB80] =	vst v63  }
0x51f: {  	s9 =	simm.s32 $0x1480;
	v20 =	vadd.s32 v3, v21;
	v21 =	vperm.xlane v17, v8  }
0x520: {  	[tilespmem:s9], [sflag:$0x1] =	stream.indirect_vreg.gather [hbm4b:s12+s10], $0x80, v18, vm0, $0xb8;
	[tilespmem:$0x1DB80] =	vst v63  }
0x521: {  	v17 =	vperm.xlane v17, v0;
	s4 =	simm.s32 $0x1500;
	v18 =	vadd.s32 v3, v21  }
0x522: {  	[tilespmem:s4], [sflag:$0x1] =	stream.indirect_vreg.gather [hbm4b:s12+s10], $0x80, v19, vm0, $0xb8;
	[tilespmem:$0x1DB80] =	vst v63  }
0x523: {  	v17 =	vadd.s32 v3, v17;
	s9 =	simm.s32 $0x1580  }
0x524: {  	[tilespmem:s9], [sflag:$0x1] =	stream.indirect_vreg.gather [hbm4b:s12+s10], $0x80, v20, vm0, $0xb8;
	[tilespmem:$0x1DB80] =	vst v63  }
0x525: {  	s4 =	simm.s32 $0x1600  }
0x526: {  	[tilespmem:s4], [sflag:$0x1] =	stream.indirect_vreg.gather [hbm4b:s12+s10], $0x80, v18, vm0, $0xb8;
	[tilespmem:$0x1DB80] =	vst v63  }
0x527: {  	s9 =	simm.s32 $0x1680  }
0x528: {  	[tilespmem:s9], [sflag:$0x1] =	stream.indirect_vreg.gather [hbm4b:s12+s10], $0x80, v17, vm0, $0xb8;
	[tilespmem:$0x1DB80] =	vst v63  }
0x529: {  	v17 =	vld [tilespmem:$0x28];
	_ =	sdelay $0x4  }
0x52a: {  	v18 =	vshll.u32 v17, $0x1  }
0x52b: {  	v17 =	vand.u32 $0x7, v17;
	v18 =	vand.u32 $0xFFFFFFF0, v18  }
0x52c: {  	v17 =	vor.u32 v17, v18  }
0x52d: {  	v18 =	vperm.xlane v17, v2;
	_ =	sdelay $0x1  }
0x52e: {  	v19 =	vperm.xlane v17, v1;
	v18 =	vadd.s32 v3, v18;
	_ =	sdelay $0x1  }
0x52f: {  	v20 =	vperm.xlane v17, v4;
	v19 =	vadd.s32 v3, v19;
	_ =	sdelay $0x1  }
0x530: {  	v21 =	vperm.xlane v17, v5;
	v20 =	vadd.s32 v3, v20  }
0x531: {  	[tilespmem:s25], [sflag:$0x3] =	stream.indirect_vreg.gather [hbm4b:s12+s10], $0x80, v18, vm0, $0xb8;
	[tilespmem:$0x1DB80] =	vst v63  }
0x532: {  	s4 =	simm.s32 $0x2B80;
	v18 =	vadd.s32 v3, v21;
	v21 =	vperm.xlane v17, v6  }
0x533: {  	[tilespmem:s4], [sflag:$0x3] =	stream.indirect_vreg.gather [hbm4b:s12+s10], $0x80, v19, vm0, $0xb8;
	[tilespmem:$0x1DB80] =	vst v63  }
0x534: {  	s9 =	simm.s32 $0x2C00;
	v19 =	vadd.s32 v3, v21;
	v21 =	vperm.xlane v17, v7  }
0x535: {  	[tilespmem:s9], [sflag:$0x3] =	stream.indirect_vreg.gather [hbm4b:s12+s10], $0x80, v20, vm0, $0xb8;
	[tilespmem:$0x1DB80] =	vst v63  }
0x536: {  	s4 =	simm.s32 $0x2C80;
	v20 =	vadd.s32 v3, v21;
	v21 =	vperm.xlane v17, v8  }
0x537: {  	[tilespmem:s4], [sflag:$0x3] =	stream.indirect_vreg.gather [hbm4b:s12+s10], $0x80, v18, vm0, $0xb8;
	[tilespmem:$0x1DB80] =	vst v63  }
0x538: {  	s9 =	simm.s32 $0x2D00;
	v18 =	vadd.s32 v3, v21;
	v21 =	vperm.xlane v17, v0  }
0x539: {  	[tilespmem:s9], [sflag:$0x3] =	stream.indirect_vreg.gather [hbm4b:s12+s10], $0x80, v19, vm0, $0xb8;
	[tilespmem:$0x1DB80] =	vst v63  }
0x53a: {  	s4 =	simm.s32 $0x2D80;
	v19 =	vadd.s32 v3, v21;
	v21 =	vperm.xlane v17, v9  }
0x53b: {  	[tilespmem:s4], [sflag:$0x3] =	stream.indirect_vreg.gather [hbm4b:s12+s10], $0x80, v20, vm0, $0xb8;
	[tilespmem:$0x1DB80] =	vst v63  }
0x53c: {  	s9 =	simm.s32 $0x2E00;
	v20 =	vadd.s32 v3, v21;
	v21 =	vperm.xlane v17, v10  }
0x53d: {  	[tilespmem:s9], [sflag:$0x3] =	stream.indirect_vreg.gather [hbm4b:s12+s10], $0x80, v18, vm0, $0xb8;
	[tilespmem:$0x1DB80] =	vst v63  }
0x53e: {  	s4 =	simm.s32 $0x2E80;
	v18 =	vadd.s32 v3, v21;
	v21 =	vperm.xlane v17, v11  }
0x53f: {  	[tilespmem:s4], [sflag:$0x3] =	stream.indirect_vreg.gather [hbm4b:s12+s10], $0x80, v19, vm0, $0xb8;
	[tilespmem:$0x1DB80] =	vst v63  }
0x540: {  	s9 =	simm.s32 $0x2F00;
	v19 =	vadd.s32 v3, v21;
	v21 =	vperm.xlane v17, v12  }
0x541: {  	[tilespmem:s9], [sflag:$0x3] =	stream.indirect_vreg.gather [hbm4b:s12+s10], $0x80, v20, vm0, $0xb8;
	[tilespmem:$0x1DB80] =	vst v63  }
0x542: {  	s4 =	simm.s32 $0x2F80;
	v20 =	vadd.s32 v3, v21;
	v21 =	vperm.xlane v17, v13  }
0x543: {  	[tilespmem:s4], [sflag:$0x3] =	stream.indirect_vreg.gather [hbm4b:s12+s10], $0x80, v18, vm0, $0xb8;
	[tilespmem:$0x1DB80] =	vst v63  }
0x544: {  	s9 =	simm.s32 $0x3000;
	v18 =	vadd.s32 v3, v21;
	v21 =	vperm.xlane v17, v14  }
0x545: {  	[tilespmem:s9], [sflag:$0x3] =	stream.indirect_vreg.gather [hbm4b:s12+s10], $0x80, v19, vm0, $0xb8;
	[tilespmem:$0x1DB80] =	vst v63  }
0x546: {  	s4 =	simm.s32 $0x3080;
	v19 =	vadd.s32 v3, v21;
	v21 =	vperm.xlane v17, v15  }
0x547: {  	[tilespmem:s4], [sflag:$0x3] =	stream.indirect_vreg.gather [hbm4b:s12+s10], $0x80, v20, vm0, $0xb8;
	[tilespmem:$0x1DB80] =	vst v63  }
0x548: {  	v17 =	vperm.xlane v17, v16;
	s9 =	simm.s32 $0x3100;
	v20 =	vadd.s32 v3, v21  }
0x549: {  	[tilespmem:s9], [sflag:$0x3] =	stream.indirect_vreg.gather [hbm4b:s12+s10], $0x80, v18, vm0, $0xb8;
	[tilespmem:$0x1DB80] =	vst v63  }
0x54a: {  	v17 =	vadd.s32 v3, v17;
	s4 =	simm.s32 $0x3180  }
0x54b: {  	[tilespmem:s4], [sflag:$0x3] =	stream.indirect_vreg.gather [hbm4b:s12+s10], $0x80, v19, vm0, $0xb8;
	[tilespmem:$0x1DB80] =	vst v63  }
0x54c: {  	s9 =	simm.s32 $0x3200  }
0x54d: {  	[tilespmem:s9], [sflag:$0x3] =	stream.indirect_vreg.gather [hbm4b:s12+s10], $0x80, v20, vm0, $0xb8;
	[tilespmem:$0x1DB80] =	vst v63  }
0x54e: {  	s4 =	simm.s32 $0x3280  }
0x54f: {  	[tilespmem:s4], [sflag:$0x3] =	stream.indirect_vreg.gather [hbm4b:s12+s10], $0x80, v17, vm0, $0xb8;
	[tilespmem:$0x1DB80] =	vst v63  }
0x550: {  	v17 =	vld [tilespmem:$0x38];
	_ =	sdelay $0x4  }
0x551: {  	v18 =	vshll.u32 v17, $0x1  }
0x552: {  	v17 =	vand.u32 $0x7, v17;
	v18 =	vand.u32 $0xFFFFFFF0, v18  }
0x553: {  	v17 =	vor.u32 v17, v18  }
0x554: {  	v18 =	vperm.xlane v17, v2;
	_ =	sdelay $0x1  }
0x555: {  	v19 =	vperm.xlane v17, v1;
	v18 =	vadd.s32 v3, v18;
	_ =	sdelay $0x1  }
0x556: {  	v20 =	vperm.xlane v17, v4;
	v19 =	vadd.s32 v3, v19;
	_ =	sdelay $0x1  }
0x557: {  	s9 =	simm.s32 $0x3300;
	v21 =	vperm.xlane v17, v5;
	v20 =	vadd.s32 v3, v20  }
0x558: {  	[tilespmem:s9], [sflag:$0x3] =	stream.indirect_vreg.gather [hbm4b:s12+s10], $0x80, v18, vm0, $0xb8;
	[tilespmem:$0x1DB80] =	vst v63  }
0x559: {  	s4 =	simm.s32 $0x3380;
	v18 =	vadd.s32 v3, v21;
	v21 =	vperm.xlane v17, v6  }
0x55a: {  	[tilespmem:s4], [sflag:$0x3] =	stream.indirect_vreg.gather [hbm4b:s12+s10], $0x80, v19, vm0, $0xb8;
	[tilespmem:$0x1DB80] =	vst v63  }
0x55b: {  	s9 =	simm.s32 $0x3400;
	v19 =	vadd.s32 v3, v21;
	v21 =	vperm.xlane v17, v7  }
0x55c: {  	[tilespmem:s9], [sflag:$0x3] =	stream.indirect_vreg.gather [hbm4b:s12+s10], $0x80, v20, vm0, $0xb8;
	[tilespmem:$0x1DB80] =	vst v63  }
0x55d: {  	s4 =	simm.s32 $0x3480;
	v20 =	vadd.s32 v3, v21;
	v21 =	vperm.xlane v17, v8  }
0x55e: {  	[tilespmem:s4], [sflag:$0x3] =	stream.indirect_vreg.gather [hbm4b:s12+s10], $0x80, v18, vm0, $0xb8;
	[tilespmem:$0x1DB80] =	vst v63  }
0x55f: {  	s9 =	simm.s32 $0x3500;
	v18 =	vadd.s32 v3, v21;
	v21 =	vperm.xlane v17, v0  }
0x560: {  	[tilespmem:s9], [sflag:$0x3] =	stream.indirect_vreg.gather [hbm4b:s12+s10], $0x80, v19, vm0, $0xb8;
	[tilespmem:$0x1DB80] =	vst v63  }
0x561: {  	s4 =	simm.s32 $0x3580;
	v19 =	vadd.s32 v3, v21;
	v21 =	vperm.xlane v17, v9  }
0x562: {  	[tilespmem:s4], [sflag:$0x3] =	stream.indirect_vreg.gather [hbm4b:s12+s10], $0x80, v20, vm0, $0xb8;
	[tilespmem:$0x1DB80] =	vst v63  }
0x563: {  	s9 =	simm.s32 $0x3600;
	v20 =	vadd.s32 v3, v21;
	v21 =	vperm.xlane v17, v10  }
0x564: {  	[tilespmem:s9], [sflag:$0x3] =	stream.indirect_vreg.gather [hbm4b:s12+s10], $0x80, v18, vm0, $0xb8;
	[tilespmem:$0x1DB80] =	vst v63  }
0x565: {  	s4 =	simm.s32 $0x3680;
	v18 =	vadd.s32 v3, v21;
	v21 =	vperm.xlane v17, v11  }
0x566: {  	[tilespmem:s4], [sflag:$0x3] =	stream.indirect_vreg.gather [hbm4b:s12+s10], $0x80, v19, vm0, $0xb8;
	[tilespmem:$0x1DB80] =	vst v63  }
0x567: {  	s9 =	simm.s32 $0x3700;
	v19 =	vadd.s32 v3, v21;
	v21 =	vperm.xlane v17, v12  }
0x568: {  	[tilespmem:s9], [sflag:$0x3] =	stream.indirect_vreg.gather [hbm4b:s12+s10], $0x80, v20, vm0, $0xb8;
	[tilespmem:$0x1DB80] =	vst v63  }
0x569: {  	s4 =	simm.s32 $0x3780;
	v20 =	vadd.s32 v3, v21;
	v21 =	vperm.xlane v17, v13  }
0x56a: {  	[tilespmem:s4], [sflag:$0x3] =	stream.indirect_vreg.gather [hbm4b:s12+s10], $0x80, v18, vm0, $0xb8;
	[tilespmem:$0x1DB80] =	vst v63  }
0x56b: {  	s9 =	simm.s32 $0x3800;
	v18 =	vadd.s32 v3, v21;
	v21 =	vperm.xlane v17, v14  }
0x56c: {  	[tilespmem:s9], [sflag:$0x3] =	stream.indirect_vreg.gather [hbm4b:s12+s10], $0x80, v19, vm0, $0xb8;
	[tilespmem:$0x1DB80] =	vst v63  }
0x56d: {  	s4 =	simm.s32 $0x3880;
	v19 =	vadd.s32 v3, v21;
	v21 =	vperm.xlane v17, v15  }
0x56e: {  	[tilespmem:s4], [sflag:$0x3] =	stream.indirect_vreg.gather [hbm4b:s12+s10], $0x80, v20, vm0, $0xb8;
	[tilespmem:$0x1DB80] =	vst v63  }
0x56f: {  	v17 =	vperm.xlane v17, v16;
	s9 =	simm.s32 $0x3900;
	v20 =	vadd.s32 v3, v21  }
0x570: {  	[tilespmem:s9], [sflag:$0x3] =	stream.indirect_vreg.gather [hbm4b:s12+s10], $0x80, v18, vm0, $0xb8;
	[tilespmem:$0x1DB80] =	vst v63  }
0x571: {  	v17 =	vadd.s32 v3, v17;
	s4 =	simm.s32 $0x3980  }
0x572: {  	[tilespmem:s4], [sflag:$0x3] =	stream.indirect_vreg.gather [hbm4b:s12+s10], $0x80, v19, vm0, $0xb8;
	[tilespmem:$0x1DB80] =	vst v63  }
0x573: {  	s9 =	simm.s32 $0x3A00  }
0x574: {  	[tilespmem:s9], [sflag:$0x3] =	stream.indirect_vreg.gather [hbm4b:s12+s10], $0x80, v20, vm0, $0xb8;
	[tilespmem:$0x1DB80] =	vst v63  }
0x575: {  	s4 =	simm.s32 $0x3A80  }
0x576: {  	[tilespmem:s4], [sflag:$0x3] =	stream.indirect_vreg.gather [hbm4b:s12+s10], $0x80, v17, vm0, $0xb8;
	[tilespmem:$0x1DB80] =	vst v63  }
0x577: {  	v17 =	vld.msk [tilespmem:$0x48], $0xff;
	_ =	sdelay $0x4  }
0x578: {  	v18 =	vshll.u32 v17, $0x1  }
0x579: {  	v17 =	vand.u32 $0x7, v17;
	v18 =	vand.u32 $0xFFFFFFF0, v18  }
0x57a: {  	v17 =	vor.u32 v17, v18  }
0x57b: {  	v18 =	vperm.xlane v17, v2;
	_ =	sdelay $0x1  }
0x57c: {  	v19 =	vperm.xlane v17, v1;
	v18 =	vadd.s32 v3, v18;
	_ =	sdelay $0x1  }
0x57d: {  	v20 =	vperm.xlane v17, v4;
	v19 =	vadd.s32 v3, v19;
	_ =	sdelay $0x1  }
0x57e: {  	s9 =	simm.s32 $0x3B00;
	v21 =	vperm.xlane v17, v5;
	v20 =	vadd.s32 v3, v20  }
0x57f: {  	[tilespmem:s9], [sflag:$0x3] =	stream.indirect_vreg.gather [hbm4b:s12+s10], $0x80, v18, vm0, $0xb8;
	[tilespmem:$0x1DB80] =	vst v63  }
0x580: {  	s4 =	simm.s32 $0x3B80;
	v18 =	vadd.s32 v3, v21;
	v21 =	vperm.xlane v17, v6  }
0x581: {  	[tilespmem:s4], [sflag:$0x3] =	stream.indirect_vreg.gather [hbm4b:s12+s10], $0x80, v19, vm0, $0xb8;
	[tilespmem:$0x1DB80] =	vst v63  }
0x582: {  	s9 =	simm.s32 $0x3C00;
	v19 =	vadd.s32 v3, v21;
	v21 =	vperm.xlane v17, v7  }
0x583: {  	[tilespmem:s9], [sflag:$0x3] =	stream.indirect_vreg.gather [hbm4b:s12+s10], $0x80, v20, vm0, $0xb8;
	[tilespmem:$0x1DB80] =	vst v63  }
0x584: {  	s4 =	simm.s32 $0x3C80;
	v20 =	vadd.s32 v3, v21;
	v21 =	vperm.xlane v17, v8  }
0x585: {  	[tilespmem:s4], [sflag:$0x3] =	stream.indirect_vreg.gather [hbm4b:s12+s10], $0x80, v18, vm0, $0xb8;
	[tilespmem:$0x1DB80] =	vst v63  }
0x586: {  	v17 =	vperm.xlane v17, v0;
	s9 =	simm.s32 $0x3D00;
	v18 =	vadd.s32 v3, v21  }
0x587: {  	[tilespmem:s9], [sflag:$0x3] =	stream.indirect_vreg.gather [hbm4b:s12+s10], $0x80, v19, vm0, $0xb8;
	[tilespmem:$0x1DB80] =	vst v63  }
0x588: {  	v17 =	vadd.s32 v3, v17;
	s4 =	simm.s32 $0x3D80  }
0x589: {  	[tilespmem:s4], [sflag:$0x3] =	stream.indirect_vreg.gather [hbm4b:s12+s10], $0x80, v20, vm0, $0xb8;
	[tilespmem:$0x1DB80] =	vst v63  }
0x58a: {  	s9 =	simm.s32 $0x3E00  }
0x58b: {  	[tilespmem:s9], [sflag:$0x3] =	stream.indirect_vreg.gather [hbm4b:s12+s10], $0x80, v18, vm0, $0xb8;
	[tilespmem:$0x1DB80] =	vst v63  }
0x58c: {  	s4 =	simm.s32 $0x3E80;
	s9 =	simm.s32 $0x2  }
0x58d: {  	[tilespmem:s4], [sflag:$0x3] =	stream.indirect_vreg.gather [hbm4b:s12+s10], $0x80, v17, vm0, $0xb8;
	[tilespmem:$0x1DB80] =	vst v63  }
0x58e: {  	_ =	swait.ge [sflag:s9], $0x1400  }
0x58f: {  	[sflag:s9] =	ssyncset.done $0x0  }
0x590: {  	s10 =	simm.s32 $0x4;
	[sflag:s9] =	ssyncadd.s32 $0xFFFFEC00  }
0x591: {  	_ =	swait.ge [sflag:s10], $0x1400  }
0x592: {  	[sflag:s10] =	ssyncset.done $0x0  }
0x593: {  	[sflag:s10] =	ssyncadd.s32 $0xFFFFEC00  }
0x594: {  	_ =	swait.ge [sflag:s2], $0x2800  }
0x595: {  	[sflag:s2] =	ssyncset.done $0x0  }
0x596: {  	s10 =	simm.s32 $0x0;
	[sflag:s2] =	ssyncadd.s32 $0xFFFFD800  }
0x597: {  	v23 =	vld [tilespmem:s10+$0x7B00]  }
0x598: {  	v28 =	vld [tilespmem:s10+$0x7B10]  }
0x599: {  	v22 =	vld [tilespmem:s10+$0x7B20]  }
0x59a: {  	v21 =	vld [tilespmem:s10+$0x7B30]  }
0x59b: {  	v20 =	vld [tilespmem:s10+$0x7B40]  }
0x59c: {  	v19 =	vld [tilespmem:s10+$0x7B50]  }
0x59d: {  	v18 =	vld [tilespmem:s10+$0x7B60]  }
0x59e: {  	v17 =	vld [tilespmem:s10+$0x7B70]  }
0x59f: {  	v29 =	vld [tilespmem:s10+$0x1700]  }
0x5a0: {  	v30 =	vld [tilespmem:s10+$0x1710]  }
0x5a1: {  	v27 =	vld [tilespmem:s10+$0x1720]  }
0x5a2: {  	v26 =	vld [tilespmem:s10+$0x1730]  }
0x5a3: {  	v25 =	vld [tilespmem:s10+$0x1740]  }
0x5a4: {  	v24 =	vld [tilespmem:s10+$0x1750];
	v29 =	vadd.f32 v23, v29  }
0x5a5: {  	s9 =	simm.s32 $0x200;
	v28 =	vadd.f32 v28, v30;
	v23 =	vld [tilespmem:s10+$0x1760]  }
.LBB2_16:
0x5a6: {  	s0 =	sshra.s32 s9, $0x2;
	p1 =	sne.s32 s9, $0x4E00;
	v29 =	vmax.f32 v29, $0.0e+00;
	v22 =	vadd.f32 v22, v27;
	v27 =	vld [tilespmem:s10+$0x1770]  }
0x5a7: {  	v30 =	vld [tilespmem:s0+$0x7B00];
	[tilespmem:s10+$0x1700] =	vst v29;
	v28 =	vmax.f32 v28, $0.0e+00;
	v21 =	vadd.f32 v21, v26  }
0x5a8: {  	v31 =	vld [tilespmem:s0+$0x7B10];
	[tilespmem:s10+$0x1710] =	vst v28;
	v26 =	vmax.f32 v22, $0.0e+00;
	v20 =	vadd.f32 v20, v25  }
0x5a9: {  	v22 =	vld [tilespmem:s0+$0x7B20];
	[tilespmem:s10+$0x1720] =	vst v26;
	v25 =	vmax.f32 v21, $0.0e+00;
	v19 =	vadd.f32 v19, v24  }
0x5aa: {  	v21 =	vld [tilespmem:s0+$0x7B30];
	[tilespmem:s10+$0x1730] =	vst v25;
	v24 =	vmax.f32 v20, $0.0e+00;
	v18 =	vadd.f32 v18, v23  }
0x5ab: {  	v20 =	vld [tilespmem:s0+$0x7B40];
	[tilespmem:s10+$0x1740] =	vst v24;
	v23 =	vmax.f32 v19, $0.0e+00;
	v17 =	vadd.f32 v17, v27  }
0x5ac: {  	v19 =	vld [tilespmem:s0+$0x7B50];
	[tilespmem:s10+$0x1750] =	vst v23;
	v23 =	vmax.f32 v18, $0.0e+00  }
0x5ad: {  	v18 =	vld [tilespmem:s0+$0x7B60];
	[tilespmem:s10+$0x1760] =	vst v23;
	v23 =	vmax.f32 v17, $0.0e+00  }
0x5ae: {  	v17 =	vld [tilespmem:s0+$0x7B70];
	[tilespmem:s10+$0x1770] =	vst v23;
	s10 =	smov.u32 s0  }
0x5af: {  	v23 =	vld [tilespmem:s10+$0x1700]  }
0x5b0: {  	v28 =	vld [tilespmem:s10+$0x1710]  }
.Ltmp7:
0x5b1: {  	v27 =	vld [tilespmem:s10+$0x1720];
	(pc) =	sbr.rel @p1 .LBB2_16-.Ltmp7, $4  }
0x5b2: {  	v26 =	vld [tilespmem:s10+$0x1730]  }
0x5b3: {  	v25 =	vld [tilespmem:s10+$0x1740]  }
0x5b4: {  	v29 =	vadd.f32 v30, v23;
	v24 =	vld [tilespmem:s10+$0x1750]  }
0x5b5: {  	s9 =	sadd.s32 $0x200, s9;
	v28 =	vadd.f32 v31, v28;
	v23 =	vld [tilespmem:s10+$0x1760]  }
0x5b6: {  	v29 =	vmax.f32 v29, $0.0e+00;
	v22 =	vadd.f32 v22, v27;
	v27 =	vld [tilespmem:s10+$0x1770]  }
0x5b7: {  	[tilespmem:s10+$0x1700] =	vst v29;
	v28 =	vmax.f32 v28, $0.0e+00;
	v21 =	vadd.f32 v21, v26  }
0x5b8: {  	[tilespmem:s10+$0x1710] =	vst v28;
	v22 =	vmax.f32 v22, $0.0e+00;
	v20 =	vadd.f32 v20, v25  }
0x5b9: {  	[tilespmem:s10+$0x1720] =	vst v22;
	v21 =	vmax.f32 v21, $0.0e+00;
	v19 =	vadd.f32 v19, v24  }
0x5ba: {  	[tilespmem:s10+$0x1730] =	vst v21;
	v20 =	vmax.f32 v20, $0.0e+00;
	v18 =	vadd.f32 v18, v23  }
0x5bb: {  	[tilespmem:s10+$0x1740] =	vst v20;
	v19 =	vmax.f32 v19, $0.0e+00;
	v17 =	vadd.f32 v17, v27  }
0x5bc: {  	[tilespmem:s10+$0x1750] =	vst v19;
	v18 =	vmax.f32 v18, $0.0e+00  }
0x5bd: {  	[tilespmem:s10+$0x1760] =	vst v18;
	v17 =	vmax.f32 v17, $0.0e+00  }
0x5be: {  	[tilespmem:s10+$0x1770] =	vst v17  }
0x5bf: {  	_ =	swait.ge [sflag:s15], $0x28  }
0x5c0: {  	s0 =	simm.s32 $0x180;
	[sflag:s15] =	ssyncset.done $0x0  }
0x5c1: {  	s4 =	simm.s32 $0x1700;
	s10 =	simm.s32 $0x0;
	[sflag:s15] =	ssyncadd.s32 $0xFFFFFFD8  }
0x5c2: {  	[spmem:s3] =	stream.indirect.scatter.add.f32 [tilespmem:s4], [sflag:$0xC], $0x80, s0, s24, $0xb8;
	[tilespmem:$0x1DB80] =	vst v63  }
0x5c3: {  	v23 =	vld [tilespmem:s10+$0x8F00]  }
0x5c4: {  	v28 =	vld [tilespmem:s10+$0x8F10]  }
0x5c5: {  	v22 =	vld [tilespmem:s10+$0x8F20]  }
0x5c6: {  	v21 =	vld [tilespmem:s10+$0x8F30]  }
0x5c7: {  	v20 =	vld [tilespmem:s10+$0x8F40]  }
0x5c8: {  	v19 =	vld [tilespmem:s10+$0x8F50]  }
0x5c9: {  	v18 =	vld [tilespmem:s10+$0x8F60]  }
0x5ca: {  	v17 =	vld [tilespmem:s10+$0x8F70]  }
0x5cb: {  	v29 =	vld [tilespmem:s10+$0x3F00]  }
0x5cc: {  	v30 =	vld [tilespmem:s10+$0x3F10]  }
0x5cd: {  	v27 =	vld [tilespmem:s10+$0x3F20]  }
0x5ce: {  	v26 =	vld [tilespmem:s10+$0x3F30]  }
0x5cf: {  	v25 =	vld [tilespmem:s10+$0x3F40]  }
0x5d0: {  	v24 =	vld [tilespmem:s10+$0x3F50];
	v29 =	vadd.f32 v23, v29  }
0x5d1: {  	s9 =	simm.s32 $0x200;
	v28 =	vadd.f32 v28, v30;
	v23 =	vld [tilespmem:s10+$0x3F60]  }
.LBB2_18:
0x5d2: {  	s0 =	sshra.s32 s9, $0x2;
	p1 =	sne.s32 s9, $0x4E00;
	v29 =	vmax.f32 v29, $0.0e+00;
	v22 =	vadd.f32 v22, v27;
	v27 =	vld [tilespmem:s10+$0x3F70]  }
0x5d3: {  	v30 =	vld [tilespmem:s0+$0x8F00];
	[tilespmem:s10+$0x3F00] =	vst v29;
	v28 =	vmax.f32 v28, $0.0e+00;
	v21 =	vadd.f32 v21, v26  }
0x5d4: {  	v31 =	vld [tilespmem:s0+$0x8F10];
	[tilespmem:s10+$0x3F10] =	vst v28;
	v26 =	vmax.f32 v22, $0.0e+00;
	v20 =	vadd.f32 v20, v25  }
0x5d5: {  	v22 =	vld [tilespmem:s0+$0x8F20];
	[tilespmem:s10+$0x3F20] =	vst v26;
	v25 =	vmax.f32 v21, $0.0e+00;
	v19 =	vadd.f32 v19, v24  }
0x5d6: {  	v21 =	vld [tilespmem:s0+$0x8F30];
	[tilespmem:s10+$0x3F30] =	vst v25;
	v24 =	vmax.f32 v20, $0.0e+00;
	v18 =	vadd.f32 v18, v23  }
0x5d7: {  	v20 =	vld [tilespmem:s0+$0x8F40];
	[tilespmem:s10+$0x3F40] =	vst v24;
	v23 =	vmax.f32 v19, $0.0e+00;
	v17 =	vadd.f32 v17, v27  }
0x5d8: {  	v19 =	vld [tilespmem:s0+$0x8F50];
	[tilespmem:s10+$0x3F50] =	vst v23;
	v23 =	vmax.f32 v18, $0.0e+00  }
0x5d9: {  	v18 =	vld [tilespmem:s0+$0x8F60];
	[tilespmem:s10+$0x3F60] =	vst v23;
	v23 =	vmax.f32 v17, $0.0e+00  }
0x5da: {  	v17 =	vld [tilespmem:s0+$0x8F70];
	[tilespmem:s10+$0x3F70] =	vst v23;
	s10 =	smov.u32 s0  }
0x5db: {  	v23 =	vld [tilespmem:s10+$0x3F00]  }
0x5dc: {  	v28 =	vld [tilespmem:s10+$0x3F10]  }
.Ltmp8:
0x5dd: {  	v27 =	vld [tilespmem:s10+$0x3F20];
	(pc) =	sbr.rel @p1 .LBB2_18-.Ltmp8, $4  }
0x5de: {  	v26 =	vld [tilespmem:s10+$0x3F30]  }
0x5df: {  	v25 =	vld [tilespmem:s10+$0x3F40]  }
0x5e0: {  	v29 =	vadd.f32 v30, v23;
	v24 =	vld [tilespmem:s10+$0x3F50]  }
0x5e1: {  	s9 =	sadd.s32 $0x200, s9;
	v28 =	vadd.f32 v31, v28;
	v23 =	vld [tilespmem:s10+$0x3F60]  }
0x5e2: {  	v29 =	vmax.f32 v29, $0.0e+00;
	v22 =	vadd.f32 v22, v27;
	v27 =	vld [tilespmem:s10+$0x3F70]  }
0x5e3: {  	[tilespmem:s10+$0x3F00] =	vst v29;
	v28 =	vmax.f32 v28, $0.0e+00;
	v21 =	vadd.f32 v21, v26  }
0x5e4: {  	[tilespmem:s10+$0x3F10] =	vst v28;
	v22 =	vmax.f32 v22, $0.0e+00;
	v20 =	vadd.f32 v20, v25  }
0x5e5: {  	[tilespmem:s10+$0x3F20] =	vst v22;
	v21 =	vmax.f32 v21, $0.0e+00;
	v19 =	vadd.f32 v19, v24  }
0x5e6: {  	[tilespmem:s10+$0x3F30] =	vst v21;
	v20 =	vmax.f32 v20, $0.0e+00;
	v18 =	vadd.f32 v18, v23  }
0x5e7: {  	[tilespmem:s10+$0x3F40] =	vst v20;
	v19 =	vmax.f32 v19, $0.0e+00;
	v17 =	vadd.f32 v17, v27  }
0x5e8: {  	[tilespmem:s10+$0x3F50] =	vst v19;
	v18 =	vmax.f32 v18, $0.0e+00  }
0x5e9: {  	[tilespmem:s10+$0x3F60] =	vst v18;
	v17 =	vmax.f32 v17, $0.0e+00  }
0x5ea: {  	[tilespmem:s10+$0x3F70] =	vst v17  }
0x5eb: {  	_ =	swait.ge [sflag:s20], $0x28  }
0x5ec: {  	[sflag:s20] =	ssyncset.done $0x0  }
0x5ed: {  	[sflag:s20] =	ssyncadd.s32 $0xFFFFFFD8  }
0x5ee: {  	[spmem:s3] =	stream.indirect.scatter.add.f32 [tilespmem:s11], [sflag:$0xE], $0x80, s16, s24, $0xb8;
	[tilespmem:$0x1DB80] =	vst v63  }
0x5ef: {  	_ =	swait.ge [sflag:s21], $0x1400  }
0x5f0: {  	[sflag:s21] =	ssyncset.done $0x0  }
0x5f1: {  	[sflag:s21] =	ssyncadd.s32 $0xFFFFEC00  }
0x5f2: {  	_ =	swait.ge [sflag:s8], $0x1400  }
0x5f3: {  	[sflag:s8] =	ssyncset.done $0x0  }
0x5f4: {  	[sflag:s8] =	ssyncadd.s32 $0xFFFFEC00  }
0x5f5: {  	_ =	swait.ge [sflag:s23], $0x2800  }
0x5f6: {  	[sflag:s23] =	ssyncset.done $0x0  }
0x5f7: {  	s10 =	simm.s32 $0x0;
	[sflag:s23] =	ssyncadd.s32 $0xFFFFD800  }
0x5f8: {  	v23 =	vld [tilespmem:s10+$0x5300]  }
0x5f9: {  	v28 =	vld [tilespmem:s10+$0x5310]  }
0x5fa: {  	v22 =	vld [tilespmem:s10+$0x5320]  }
0x5fb: {  	v21 =	vld [tilespmem:s10+$0x5330]  }
0x5fc: {  	v20 =	vld [tilespmem:s10+$0x5340]  }
0x5fd: {  	v19 =	vld [tilespmem:s10+$0x5350]  }
0x5fe: {  	v18 =	vld [tilespmem:s10+$0x5360]  }
0x5ff: {  	v17 =	vld [tilespmem:s10+$0x5370]  }
0x600: {  	v29 =	vld [tilespmem:s10+$0x300]  }
0x601: {  	v30 =	vld [tilespmem:s10+$0x310]  }
0x602: {  	v27 =	vld [tilespmem:s10+$0x320]  }
0x603: {  	v26 =	vld [tilespmem:s10+$0x330]  }
0x604: {  	v25 =	vld [tilespmem:s10+$0x340]  }
0x605: {  	v24 =	vld [tilespmem:s10+$0x350];
	v29 =	vadd.f32 v23, v29  }
0x606: {  	s9 =	simm.s32 $0x200;
	v28 =	vadd.f32 v28, v30;
	v23 =	vld [tilespmem:s10+$0x360]  }
.LBB2_20:
0x607: {  	s0 =	sshra.s32 s9, $0x2;
	p1 =	sne.s32 s9, $0x4E00;
	v29 =	vmax.f32 v29, $0.0e+00;
	v22 =	vadd.f32 v22, v27;
	v27 =	vld [tilespmem:s10+$0x370]  }
0x608: {  	v30 =	vld [tilespmem:s0+$0x5300];
	[tilespmem:s10+$0x300] =	vst v29;
	v28 =	vmax.f32 v28, $0.0e+00;
	v21 =	vadd.f32 v21, v26  }
0x609: {  	v31 =	vld [tilespmem:s0+$0x5310];
	[tilespmem:s10+$0x310] =	vst v28;
	v26 =	vmax.f32 v22, $0.0e+00;
	v20 =	vadd.f32 v20, v25  }
0x60a: {  	v22 =	vld [tilespmem:s0+$0x5320];
	[tilespmem:s10+$0x320] =	vst v26;
	v25 =	vmax.f32 v21, $0.0e+00;
	v19 =	vadd.f32 v19, v24  }
0x60b: {  	v21 =	vld [tilespmem:s0+$0x5330];
	[tilespmem:s10+$0x330] =	vst v25;
	v24 =	vmax.f32 v20, $0.0e+00;
	v18 =	vadd.f32 v18, v23  }
0x60c: {  	v20 =	vld [tilespmem:s0+$0x5340];
	[tilespmem:s10+$0x340] =	vst v24;
	v23 =	vmax.f32 v19, $0.0e+00;
	v17 =	vadd.f32 v17, v27  }
0x60d: {  	v19 =	vld [tilespmem:s0+$0x5350];
	[tilespmem:s10+$0x350] =	vst v23;
	v23 =	vmax.f32 v18, $0.0e+00  }
0x60e: {  	v18 =	vld [tilespmem:s0+$0x5360];
	[tilespmem:s10+$0x360] =	vst v23;
	v23 =	vmax.f32 v17, $0.0e+00  }
0x60f: {  	v17 =	vld [tilespmem:s0+$0x5370];
	[tilespmem:s10+$0x370] =	vst v23;
	s10 =	smov.u32 s0  }
0x610: {  	v23 =	vld [tilespmem:s10+$0x300]  }
0x611: {  	v28 =	vld [tilespmem:s10+$0x310]  }
.Ltmp9:
0x612: {  	v27 =	vld [tilespmem:s10+$0x320];
	(pc) =	sbr.rel @p1 .LBB2_20-.Ltmp9, $4  }
0x613: {  	v26 =	vld [tilespmem:s10+$0x330]  }
0x614: {  	v25 =	vld [tilespmem:s10+$0x340]  }
0x615: {  	v29 =	vadd.f32 v30, v23;
	v24 =	vld [tilespmem:s10+$0x350]  }
0x616: {  	s9 =	sadd.s32 $0x200, s9;
	v28 =	vadd.f32 v31, v28;
	v23 =	vld [tilespmem:s10+$0x360]  }
0x617: {  	v29 =	vmax.f32 v29, $0.0e+00;
	v22 =	vadd.f32 v22, v27;
	v27 =	vld [tilespmem:s10+$0x370]  }
0x618: {  	[tilespmem:s10+$0x300] =	vst v29;
	v28 =	vmax.f32 v28, $0.0e+00;
	v21 =	vadd.f32 v21, v26  }
0x619: {  	[tilespmem:s10+$0x310] =	vst v28;
	v22 =	vmax.f32 v22, $0.0e+00;
	v20 =	vadd.f32 v20, v25  }
0x61a: {  	[tilespmem:s10+$0x320] =	vst v22;
	v21 =	vmax.f32 v21, $0.0e+00;
	v19 =	vadd.f32 v19, v24  }
0x61b: {  	[tilespmem:s10+$0x330] =	vst v21;
	v20 =	vmax.f32 v20, $0.0e+00;
	v18 =	vadd.f32 v18, v23  }
0x61c: {  	[tilespmem:s10+$0x340] =	vst v20;
	v19 =	vmax.f32 v19, $0.0e+00;
	v17 =	vadd.f32 v17, v27  }
0x61d: {  	[tilespmem:s10+$0x350] =	vst v19;
	v18 =	vmax.f32 v18, $0.0e+00  }
0x61e: {  	[tilespmem:s10+$0x360] =	vst v18;
	v17 =	vmax.f32 v17, $0.0e+00  }
0x61f: {  	[tilespmem:s10+$0x370] =	vst v17  }
0x620: {  	_ =	swait.ge [sflag:s17], $0x28  }
0x621: {  	[sflag:s17] =	ssyncset.done $0x0  }
0x622: {  	s10 =	simm.s32 $0x0;
	[sflag:s17] =	ssyncadd.s32 $0xFFFFFFD8  }
0x623: {  	[spmem:s3] =	stream.indirect.scatter.add.f32 [tilespmem:s19], [sflag:$0xB], $0x80, s22, s24, $0xb8;
	[tilespmem:$0x1DB80] =	vst v63  }
0x624: {  	v23 =	vld [tilespmem:s10+$0x6700]  }
0x625: {  	v28 =	vld [tilespmem:s10+$0x6710]  }
0x626: {  	v22 =	vld [tilespmem:s10+$0x6720]  }
0x627: {  	v21 =	vld [tilespmem:s10+$0x6730]  }
0x628: {  	v20 =	vld [tilespmem:s10+$0x6740]  }
0x629: {  	v19 =	vld [tilespmem:s10+$0x6750]  }
0x62a: {  	v18 =	vld [tilespmem:s10+$0x6760]  }
0x62b: {  	v17 =	vld [tilespmem:s10+$0x6770]  }
0x62c: {  	v29 =	vld [tilespmem:s10+$0x2B00]  }
0x62d: {  	v30 =	vld [tilespmem:s10+$0x2B10]  }
0x62e: {  	v27 =	vld [tilespmem:s10+$0x2B20]  }
0x62f: {  	v26 =	vld [tilespmem:s10+$0x2B30]  }
0x630: {  	v25 =	vld [tilespmem:s10+$0x2B40]  }
0x631: {  	v24 =	vld [tilespmem:s10+$0x2B50];
	v29 =	vadd.f32 v23, v29  }
0x632: {  	s9 =	simm.s32 $0x200;
	v28 =	vadd.f32 v28, v30;
	v23 =	vld [tilespmem:s10+$0x2B60]  }
.LBB2_22:
0x633: {  	s0 =	sshra.s32 s9, $0x2;
	p1 =	sne.s32 s9, $0x4E00;
	v29 =	vmax.f32 v29, $0.0e+00;
	v22 =	vadd.f32 v22, v27;
	v27 =	vld [tilespmem:s10+$0x2B70]  }
0x634: {  	v30 =	vld [tilespmem:s0+$0x6700];
	[tilespmem:s10+$0x2B00] =	vst v29;
	v28 =	vmax.f32 v28, $0.0e+00;
	v21 =	vadd.f32 v21, v26  }
0x635: {  	v31 =	vld [tilespmem:s0+$0x6710];
	[tilespmem:s10+$0x2B10] =	vst v28;
	v26 =	vmax.f32 v22, $0.0e+00;
	v20 =	vadd.f32 v20, v25  }
0x636: {  	v22 =	vld [tilespmem:s0+$0x6720];
	[tilespmem:s10+$0x2B20] =	vst v26;
	v25 =	vmax.f32 v21, $0.0e+00;
	v19 =	vadd.f32 v19, v24  }
0x637: {  	v21 =	vld [tilespmem:s0+$0x6730];
	[tilespmem:s10+$0x2B30] =	vst v25;
	v24 =	vmax.f32 v20, $0.0e+00;
	v18 =	vadd.f32 v18, v23  }
0x638: {  	v20 =	vld [tilespmem:s0+$0x6740];
	[tilespmem:s10+$0x2B40] =	vst v24;
	v23 =	vmax.f32 v19, $0.0e+00;
	v17 =	vadd.f32 v17, v27  }
0x639: {  	v19 =	vld [tilespmem:s0+$0x6750];
	[tilespmem:s10+$0x2B50] =	vst v23;
	v23 =	vmax.f32 v18, $0.0e+00  }
0x63a: {  	v18 =	vld [tilespmem:s0+$0x6760];
	[tilespmem:s10+$0x2B60] =	vst v23;
	v23 =	vmax.f32 v17, $0.0e+00  }
0x63b: {  	v17 =	vld [tilespmem:s0+$0x6770];
	[tilespmem:s10+$0x2B70] =	vst v23;
	s10 =	smov.u32 s0  }
0x63c: {  	v23 =	vld [tilespmem:s10+$0x2B00]  }
0x63d: {  	v28 =	vld [tilespmem:s10+$0x2B10]  }
.Ltmp10:
0x63e: {  	v27 =	vld [tilespmem:s10+$0x2B20];
	(pc) =	sbr.rel @p1 .LBB2_22-.Ltmp10, $4  }
0x63f: {  	v26 =	vld [tilespmem:s10+$0x2B30]  }
0x640: {  	v25 =	vld [tilespmem:s10+$0x2B40]  }
0x641: {  	v29 =	vadd.f32 v30, v23;
	v24 =	vld [tilespmem:s10+$0x2B50]  }
0x642: {  	s9 =	sadd.s32 $0x200, s9;
	v28 =	vadd.f32 v31, v28;
	v23 =	vld [tilespmem:s10+$0x2B60]  }
0x643: {  	v29 =	vmax.f32 v29, $0.0e+00;
	v22 =	vadd.f32 v22, v27;
	v63 =	vld [tilespmem:s10+$0x2B70]  }
0x644: {  	[tilespmem:s10+$0x2B00] =	vst v29;
	v28 =	vmax.f32 v28, $0.0e+00;
	v21 =	vadd.f32 v21, v26  }
0x645: {  	[tilespmem:s10+$0x2B10] =	vst v28;
	v22 =	vmax.f32 v22, $0.0e+00;
	v20 =	vadd.f32 v20, v25  }
0x646: {  	[tilespmem:s10+$0x2B20] =	vst v22;
	v21 =	vmax.f32 v21, $0.0e+00;
	v19 =	vadd.f32 v19, v24  }
0x647: {  	[tilespmem:s10+$0x2B30] =	vst v21;
	v20 =	vmax.f32 v20, $0.0e+00;
	v18 =	vadd.f32 v18, v23  }
0x648: {  	[tilespmem:s10+$0x2B40] =	vst v20;
	v19 =	vmax.f32 v19, $0.0e+00;
	v17 =	vadd.f32 v17, v63  }
0x649: {  	[tilespmem:s10+$0x2B50] =	vst v19;
	v18 =	vmax.f32 v18, $0.0e+00  }
0x64a: {  	[tilespmem:s10+$0x2B60] =	vst v18;
	v17 =	vmax.f32 v17, $0.0e+00  }
0x64b: {  	[tilespmem:s10+$0x2B70] =	vst v17  }
0x64c: {  	_ =	swait.ge [sflag:s14], $0x28  }
0x64d: {  	[sflag:s14] =	ssyncset.done $0x0  }
0x64e: {  	[sflag:s14] =	ssyncadd.s32 $0xFFFFFFD8  }
0x64f: {  	[spmem:s3] =	stream.indirect.scatter.add.f32 [tilespmem:s25], [sflag:$0xD], $0x80, s26, s24, $0xb8;
	[tilespmem:$0x1DB80] =	vst v63  }
0x650: {  	_ =	swait.ge [sflag:s18], $0x1400  }
0x651: {  	[sflag:s18] =	ssyncset.done $0x0  }
0x652: {  	[sflag:s18] =	ssyncadd.s32 $0xFFFFEC00  }
0x653: {  	_ =	swait.ge [sflag:s13], $0x1400  }
0x654: {  	[sflag:s13] =	ssyncset.done $0x0  }
0x655: {  	[sflag:s13] =	ssyncadd.s32 $0xFFFFEC00  }
0x656: {  	_ =	swait.ge [sflag:s28], $0x1400  }
0x657: {  	[sflag:s28] =	ssyncset.done $0x0  }
0x658: {  	[sflag:s28] =	ssyncadd.s32 $0xFFFFEC00  }
0x659: {  	_ =	swait.ge [sflag:s29], $0x1400  }
0x65a: {  	[sflag:s29] =	ssyncset.done $0x0  }
0x65b: {  	[sflag:s29] =	ssyncadd.s32 $0xFFFFEC00  }
0x65c: {  	[bflag:$0x0] =	sbarrier.arrive $0xFFFF  }
0x65d: {  	s0 =	rddreg [dreg:$0x10]  }
0x65e: {  	s26 =	rddreg [dreg:$0x1c]  }
0x65f: {  	s9 =	simm.s32 $0x80;
	s4 =	rddreg [dreg:$0x1e]  }
0x660: {  	[hbm:s0@s22], [sflag:s26] =	dma.strided [spmem:s4@s9], $0x2700, s15, $0x10   }
0x661: {  	s10 =	simm.s32 @!p0 $0x80;
	_ =	swait.ge [sflag:s30], $0x2700  }
0x662: {  	s0 =	simm.s32 @!p0 $0x8;
	[sflag:s30] =	ssyncset.done $0x0;
	s4 =	rddreg [dreg:$0x17]  }
0x663: {  	s9 =	simm.s32 @!p0 $0x100;
	[sflag:s30] =	ssyncadd.s32 $0xFFFFD900;
	s30 =	rddreg [dreg:$0x1d]  }
0x664: {  	[hbm:s4@s9], [sflag:s26] =	dma.strided @!p0 [spmem:s30@s10], $0x100, s0, $0x10   }
0x665: {  	s0 =	simm.s32 @!p0 $0x11  }
0x666: {  	_ =	swait.ge @!p0 [sflag:s0], $0x100  }
0x667: {  	s4 =	rddreg [dreg:$0x1b]  }
0x668: {  	s10 =	rddreg [dreg:$0x18];
	s9 =	sadd.s32 $0x1, s4  }
0x669: {  	p1 =	sne.s32 s9, s10  }
.Ltmp11:
0x66a: {  	_ = 	snop;
	(pc) =	sbr.rel @p1 .LBB2_1-.Ltmp11, $3  }
0x66b: {  	_ =	sdelay $0x1  }
0x66c: {  	[sflag:s0] =	ssyncset.done @!p0 $0x0  }
0x66d: {  	s30 =	simm.s32 $0x80;
	s26 =	simm.s32 $0x11;
	[sflag:s0] =	ssyncadd.s32 @!p0 $0xFFFFFF00  }
0x66e: {  	_ =	sfence.sel $0x180000  }
0x66f: {  	[bflag:$0x0] =	sbarrier.arrive $0xFFFF  }
0x670: {  	_ =	strace $0x90000047  }
0x671: {  	s0 =	stileid.u32;
	[bflag:$0x2] =	sbarrier.arrive $0xFFFF  }
0x672: {  	p0 =	sne.s32 s0, $0x0;
	s0 =	rddreg [dreg:$0x5]  }
0x673: {  	s0 =	sadd.s32 @!p0 $0x100000, s0  }
0x674: {  	[sflag:s0] =	ssyncadd.tile.s32 @!p0 $0x1;
	_ =	shalt  }
.Lfunc_end2:
_tile_overlayer_lowered:
.L_overlay_start_2:
0x675: {  	(tag) =	ssettag $0x2  }
0x676: {  	s0 =	rddreg [dreg:$0x0];
	s2 =	stileid.u32  }
0x677: {  	s1 =	rddreg [dreg:$0x1];
	p0 =	sne.s32 s2, $0x0  }
0x678: {  	s3 =	rddreg [dreg:$0x2];
	[bflag:$0x3] =	sbarrier.arrive $0xFFFF;
	s2 =	simm.s32 @!p0 $0x1C11  }
0x679: {  	[timem:s3], [sflag:s2] =	dma.local @!p0 [hbm:s0], s1  }
0x67a: {  	s0 =	simm.s32 @!p0 $0x11  }
0x67b: {  	_ =	swait.ge @!p0 [sflag:s0], s1  }
0x67c: {  	s1 =	ssub.s32 @!p0 $0x0, s1;
	[sflag:s0] =	ssyncset.done @!p0 $0x0  }
0x67d: {  	[sflag:s0] =	ssyncadd.s32 @!p0 s1  }
0x67e: {  	[bflag:$0x3] =	sbarrier.arrive $0xFFFF  }
0x67f: {  	_ =	shalt  }

</sc_bundles>
